<compile_context>
chip_gen: v7x
topology: tpu7x:2x2x1
jax: 0.10.2.dev20260603
libtpu: 0.0.44.dev20260713+nightly
codegen_flags: <defaults>
</compile_context>

<pallas_src>
import functools

import jax
import jax.numpy as jnp
from jax import lax
from jax.experimental import pallas as pl
from jax.experimental.pallas import tpu as pltpu
from jax.experimental.pallas import tpu_sc as plsc

NC = 2
NS = 16
NW = NC * NS
CHUNK = 80
NBUF = 4
GC = 8


def _matmul(x, w):
    n, d = x.shape

    def body(x_ref, w_ref, y_ref):
        y_ref[...] = jnp.dot(x_ref[...], w_ref[...], preferred_element_type=jnp.float32)

    return pl.pallas_call(
        body, out_shape=jax.ShapeDtypeStruct((n, d), jnp.float32)
    )(x, w)


def _matmul_bias(x, w, b):
    n, d = x.shape

    def body(x_ref, w_ref, b_ref, z_ref):
        z_ref[...] = (
            jnp.dot(x_ref[...], w_ref[...], preferred_element_type=jnp.float32)
            + b_ref[...]
        )

    return pl.pallas_call(
        body, out_shape=jax.ShapeDtypeStruct((n, d), jnp.float32)
    )(x, w, b)


def _dense_mid(p0, p1, z1, w_l):
    n, d = p0.shape

    def body(p0_ref, p1_ref, z1_ref, wl_ref, h_ref, y_ref):
        h = jnp.maximum(p0_ref[...] + p1_ref[...] + z1_ref[...], 0.0)
        h_ref[...] = h
        y_ref[...] = jnp.dot(h, wl_ref[...], preferred_element_type=jnp.float32)

    sds = jax.ShapeDtypeStruct((n, d), jnp.float32)
    return pl.pallas_call(body, out_shape=(sds, sds))(p0, p1, z1, w_l)


def _dense_post(q0, q1, z2):
    n, d = q0.shape

    def body(q0_ref, q1_ref, z2_ref, o_ref):
        o_ref[...] = q0_ref[...] + q1_ref[...] + z2_ref[...]

    return pl.pallas_call(
        body, out_shape=jax.ShapeDtypeStruct((n, d), jnp.float32)
    )(q0, q1, z2)


def _edge_aggregate(y, src3, dst3, zeros, n_chunks):
    n, d = y.shape
    n_rows = src3.shape[1]
    rows_main = (n // NS) // 8 * 8
    tail = n - NS * rows_main
    tail_off = NS * rows_main

    mesh = plsc.VectorSubcoreMesh(
        core_axis_name="c", subcore_axis_name="s", num_cores=NC, num_subcores=NS
    )
    sds = jax.ShapeDtypeStruct((n, d), jnp.float32)

    nbuf = NBUF
    gfull = n_chunks // GC
    rem = n_chunks - gfull * GC
    assert n_rows == gfull * GC + GC
    assert gfull % 3 == 0 and rem > nbuf - 1 and GC % nbuf == 0

    @functools.partial(
        pl.kernel,
        out_type=(sds, sds),
        mesh=mesh,
        scratch_types=[pltpu.VMEM((GC, CHUNK), jnp.int32) for _ in range(6)]
        + [pltpu.VMEM((CHUNK, d), jnp.float32) for _ in range(nbuf)]
        + [pltpu.VMEM_SHARED((n, d), jnp.float32)]
        + [pltpu.SemaphoreType.DMA for _ in range(3 + nbuf)],
    )
    def k(y_hbm, src_hbm, dst_hbm, z_hbm, out0, out1,
          sg0, sg1, sg2, dg0, dg1, dg2, r0v, r1v, r2v, r3v, acc,
          gs0, gs1, gs2, bs0, bs1, bs2, bs3):
        sgs = (sg0, sg1, sg2)
        dgs = (dg0, dg1, dg2)
        rbufs = (r0v, r1v, r2v, r3v)
        semg = (gs0, gs1, gs2)
        semr = (bs0, bs1, bs2, bs3)
        c = lax.axis_index("c")
        s = lax.axis_index("s")
        wid = c * NS + s

        def fetch_group(g, p):
            off = pl.multiple_of(g * GC, GC)
            pltpu.async_copy(src_hbm.at[wid, pl.ds(off, GC)], sgs[p], semg[p])
            pltpu.async_copy(dst_hbm.at[wid, pl.ds(off, GC)], dgs[p], semg[p])

        def wait_group(g, p):
            off = pl.multiple_of(g * GC, GC)
            pltpu.make_async_copy(src_hbm.at[wid, pl.ds(off, GC)], sgs[p], semg[p]).wait()
            pltpu.make_async_copy(dst_hbm.at[wid, pl.ds(off, GC)], dgs[p], semg[p]).wait()

        def fire_gather(p, j, b):
            pltpu.async_copy(y_hbm.at[sgs[p].at[j]], rbufs[b], semr[b])

        def wait_gather(p, j, b):
            pltpu.make_async_copy(y_hbm.at[sgs[p].at[j]], rbufs[b], semr[b]).wait()

        r0 = s * rows_main
        pltpu.sync_copy(z_hbm.at[pl.ds(0, rows_main)], acc.at[pl.ds(r0, rows_main)])
        if tail:
            @pl.when(s == NS - 1)
            def _():
                pltpu.sync_copy(z_hbm.at[pl.ds(0, tail)], acc.at[pl.ds(tail_off, tail)])
        plsc.subcore_barrier()

        fetch_group(0, 0)
        fetch_group(1, 1)
        wait_group(0, 0)
        for j in range(nbuf):
            fire_gather(0, j, j)

        def triple(t, carry):
            for gk in range(3):
                g = t * 3 + gk
                p = gk
                pn = (gk + 1) % 3
                pf = (gk + 2) % 3
                wait_group(g + 1, pn)

                @pl.when(g + 2 < gfull + 1)
                def _(g=g, pf=pf):
                    fetch_group(g + 2, pf)

                for j in range(GC):
                    i = g * GC + j
                    b = j % nbuf
                    wait_gather(p, j, b)
                    pltpu.sync_copy(rbufs[b], acc.at[dgs[p].at[j]], add=True)
                    jn = j + nbuf
                    if jn < GC:
                        fire_gather(p, jn, b)
                    else:
                        fire_gather(pn, jn - GC, b)
            return carry

        lax.fori_loop(0, gfull // 3, triple, 0)

        for j in range(rem):
            b = j % nbuf
            wait_gather(0, j, b)
            pltpu.sync_copy(rbufs[b], acc.at[dgs[0].at[j]], add=True)
            jn = j + nbuf
            if jn < rem:
                fire_gather(0, jn, b)
        plsc.subcore_barrier()

        @pl.when(c == 0)
        def _():
            pltpu.sync_copy(acc.at[pl.ds(r0, rows_main)], out0.at[pl.ds(r0, rows_main)])
            if tail:
                @pl.when(s == NS - 1)
                def _():
                    pltpu.sync_copy(acc.at[pl.ds(tail_off, tail)], out0.at[pl.ds(tail_off, tail)])

        @pl.when(c == 1)
        def _():
            pltpu.sync_copy(acc.at[pl.ds(r0, rows_main)], out1.at[pl.ds(r0, rows_main)])
            if tail:
                @pl.when(s == NS - 1)
                def _():
                    pltpu.sync_copy(acc.at[pl.ds(tail_off, tail)], out1.at[pl.ds(tail_off, tail)])

    return k(y, src3, dst3, zeros)


def kernel(x, edge_index, W1_l, b1, W1_r, W2_l, b2, W2_r):
    n, d = x.shape
    e = edge_index.shape[1]
    assert e % (NW * CHUNK) == 0 and n % NS == 0
    n_chunks = e // (NW * CHUNK)
    pad_rows = GC - n_chunks % GC

    src3 = edge_index[0].reshape(NW, n_chunks, CHUNK)
    dst3 = edge_index[1].reshape(NW, n_chunks, CHUNK)
    idx_pad = jnp.zeros((NW, pad_rows, CHUNK), jnp.int32)
    src3 = jnp.concatenate([src3, idx_pad], axis=1)
    dst3 = jnp.concatenate([dst3, idx_pad], axis=1)
    zeros = jnp.zeros((n // NS, d), jnp.float32)
    b1r = b1.reshape(1, d)
    b2r = b2.reshape(1, d)

    y1 = _matmul(x, W1_l)
    p0, p1 = _edge_aggregate(y1, src3, dst3, zeros, n_chunks)
    z1 = _matmul_bias(x, W1_r, b1r)
    h, y2 = _dense_mid(p0, p1, z1, W2_l)
    q0, q1 = _edge_aggregate(y2, src3, dst3, zeros, n_chunks)
    z2 = _matmul_bias(h, W2_r, b2r)
    return _dense_post(q0, q1, z2)

# --- scband reference (transcript-rebuilt; emitter-appended) ---
"""Pipeline reference for scband-graph-sageencoder-23210003268198 (READ-ONLY COPY).

The authoritative reference and input builder live on the scoring server;
editing this copy changes nothing except your own understanding.
"""

import jax, jax.numpy as jnp
import numpy as np

N = 10000
E = 320000
D = 128


def setup_inputs(seed: int = 0) -> dict:
    key = jax.random.key(seed)
    ks = jax.random.split(key, 10)
    x = jax.random.normal(ks[0], (N, D), dtype=jnp.float32)
    edge_index = jax.random.randint(ks[1], (2, E), 0, N, dtype=jnp.int32)
    s = 1.0 / np.sqrt(D)
    W1_l = jax.random.uniform(ks[2], (D, D), dtype=jnp.float32, minval=-s, maxval=s)
    b1 = jax.random.uniform(ks[3], (D,), dtype=jnp.float32, minval=-s, maxval=s)
    W1_r = jax.random.uniform(ks[4], (D, D), dtype=jnp.float32, minval=-s, maxval=s)
    W2_l = jax.random.uniform(ks[5], (D, D), dtype=jnp.float32, minval=-s, maxval=s)
    b2 = jax.random.uniform(ks[6], (D,), dtype=jnp.float32, minval=-s, maxval=s)
    W2_r = jax.random.uniform(ks[7], (D, D), dtype=jnp.float32, minval=-s, maxval=s)
    return {"x": x, "edge_index": edge_index, "W1_l": W1_l, "b1": b1, "W1_r": W1_r,
            "W2_l": W2_l, "b2": b2, "W2_r": W2_r}


def _sage_conv(x, edge_index, W_l, b_l, W_r):
    # PyG SAGEConv with aggr='sum': out = lin_l(sum_{j in N(i)} x_j) + lin_r(x_i)
    src = edge_index[0]
    dst = edge_index[1]
    msgs = jnp.take(x, src, axis=0)                      # gather source node features [E, D]
    agg = jax.ops.segment_sum(msgs, dst, num_segments=x.shape[0])  # scatter-add to dst [N, D]
    return agg @ W_l + b_l + x @ W_r


def reference(x, edge_index, W1_l, b1, W1_r, W2_l, b2, W2_r):
    # num_layers=2: conv1 -> relu -> (dropout, eval mode = identity) -> conv2
    h = _sage_conv(x, edge_index, W1_l, b1, W1_r)
    h = jax.nn.relu(h)
    out = _sage_conv(h, edge_index, W2_l, b2, W2_r)
    return out

if __name__ == "__main__":
    import jax
    _d = setup_inputs()
    print(jax.jit(kernel)(*tuple(_d.values())))

</pallas_src>

<mosaic_0001>
#map = affine_map<(d0, d1) -> (0, 0)>
#map1 = affine_map<(d0, d1) -> (0, 0, 0)>
module attributes {stable_mosaic.version = 14 : i64} {
  func.func @k(%arg0: i32, %arg1: i32, %arg2: memref<10000x128xf32, #tpu.memory_space<hbm>>, %arg3: memref<32x128x80xi32, #tpu.memory_space<hbm>>, %arg4: memref<32x128x80xi32, #tpu.memory_space<hbm>>, %arg5: memref<625x128xf32, #tpu.memory_space<hbm>>, %arg6: memref<10000x128xf32, #tpu.memory_space<hbm>>, %arg7: memref<10000x128xf32, #tpu.memory_space<hbm>>, %arg8: memref<8x80xi32, #tpu.memory_space<vmem>>, %arg9: memref<8x80xi32, #tpu.memory_space<vmem>>, %arg10: memref<8x80xi32, #tpu.memory_space<vmem>>, %arg11: memref<8x80xi32, #tpu.memory_space<vmem>>, %arg12: memref<8x80xi32, #tpu.memory_space<vmem>>, %arg13: memref<8x80xi32, #tpu.memory_space<vmem>>, %arg14: memref<80x128xf32, #tpu.memory_space<vmem>>, %arg15: memref<80x128xf32, #tpu.memory_space<vmem>>, %arg16: memref<80x128xf32, #tpu.memory_space<vmem>>, %arg17: memref<80x128xf32, #tpu.memory_space<vmem>>, %arg18: memref<10000x128xf32, #tpu.memory_space<vmem_shared>>, %arg19: memref<!tpu.dma_semaphore, #tpu.memory_space<semaphore_mem>>, %arg20: memref<!tpu.dma_semaphore, #tpu.memory_space<semaphore_mem>>, %arg21: memref<!tpu.dma_semaphore, #tpu.memory_space<semaphore_mem>>, %arg22: memref<!tpu.dma_semaphore, #tpu.memory_space<semaphore_mem>>, %arg23: memref<!tpu.dma_semaphore, #tpu.memory_space<semaphore_mem>>, %arg24: memref<!tpu.dma_semaphore, #tpu.memory_space<semaphore_mem>>, %arg25: memref<!tpu.dma_semaphore, #tpu.memory_space<semaphore_mem>>) attributes {dimension_semantics = [#tpu.dimension_semantics<core_parallel>, #tpu.dimension_semantics<subcore_parallel>], iteration_bounds = array<i64: 2, 16>, scalar_prefetch = 0 : i64, scratch_operands = 18 : i64, tpu.core_type = #tpu.core_type<sc_vector_subcore>, window_params = [{transform_indices = #map}, {transform_indices = #map1}, {transform_indices = #map1}, {transform_indices = #map}, {transform_indices = #map}, {transform_indices = #map}]} {
    %mul3A = arith.constant 16 : i32
    %mul3A_0 = arith.muli %arg0, %mul3A : i32
    %add3A = arith.addi %mul3A_0, %arg1 : i32
    %mul3A_1 = arith.constant 624 : i32
    %mul3A_2 = arith.muli %arg1, %mul3A_1 : i32
    "tpu.region"() ({
      %run_scoped3A_134 = tpu.sem_alloc : memref<!tpu.dma_semaphore, #tpu.memory_space<semaphore_mem>>
      %dma_start3A_135 = arith.constant 0 : i32
      %dma_start3A_136 = tpu.memref_slice %arg18[%mul3A_2, %dma_start3A_135] : memref<10000x128xf32, #tpu.memory_space<vmem_shared>> -> memref<624x128xf32, #tpu.memory_space<vmem_shared>>
      %dma_start3A_137 = arith.constant 0 : i32
      %dma_start3A_138 = arith.constant 0 : i32
      %dma_start3A_139 = tpu.memref_slice %arg5[%dma_start3A_137, %dma_start3A_138] : memref<625x128xf32, #tpu.memory_space<hbm>> -> memref<624x128xf32, #tpu.memory_space<hbm>>
      tpu.enqueue_dma source(%dma_start3A_139 : memref<624x128xf32, #tpu.memory_space<hbm>>) target(%dma_start3A_136 : memref<624x128xf32, #tpu.memory_space<vmem_shared>>) target_semaphore(%run_scoped3A_134 : memref<!tpu.dma_semaphore, #tpu.memory_space<semaphore_mem>>)
      %dma_wait3A_140 = arith.constant 0 : i32
      %dma_wait3A_141 = tpu.memref_slice %arg18[%mul3A_2, %dma_wait3A_140] : memref<10000x128xf32, #tpu.memory_space<vmem_shared>> -> memref<624x128xf32, #tpu.memory_space<vmem_shared>>
      %dma_wait3A_142 = arith.constant 0 : i32
      %dma_wait3A_143 = arith.constant 0 : i32
      %dma_wait3A_144 = tpu.memref_slice %arg5[%dma_wait3A_142, %dma_wait3A_143] : memref<625x128xf32, #tpu.memory_space<hbm>> -> memref<624x128xf32, #tpu.memory_space<hbm>>
      tpu.wait_dma2 semaphore(%run_scoped3A_134 : memref<!tpu.dma_semaphore, #tpu.memory_space<semaphore_mem>>) src(%dma_wait3A_144 : memref<624x128xf32, #tpu.memory_space<hbm>>) dst(%dma_wait3A_141 : memref<624x128xf32, #tpu.memory_space<vmem_shared>>)
      tpu.yield
    }) : () -> ()
    %eq3A = arith.constant 15 : i32
    %eq3A_3 = arith.cmpi eq, %arg1, %eq3A : i32
    %convert_element_type3A = arith.extui %eq3A_3 : i1 to i32
    %cond3A = arith.constant 0 : i32
    %cond3A_4 = arith.cmpi ne, %convert_element_type3A, %cond3A : i32
    scf.if %cond3A_4 {
      "tpu.region"() ({
        %run_scoped3A_134 = tpu.sem_alloc : memref<!tpu.dma_semaphore, #tpu.memory_space<semaphore_mem>>
        %dma_start3A_135 = arith.constant 9984 : i32
        %dma_start3A_136 = arith.constant 0 : i32
        %dma_start3A_137 = tpu.memref_slice %arg18[%dma_start3A_135, %dma_start3A_136] : memref<10000x128xf32, #tpu.memory_space<vmem_shared>> -> memref<16x128xf32, #tpu.memory_space<vmem_shared>>
        %dma_start3A_138 = arith.constant 0 : i32
        %dma_start3A_139 = arith.constant 0 : i32
        %dma_start3A_140 = tpu.memref_slice %arg5[%dma_start3A_138, %dma_start3A_139] : memref<625x128xf32, #tpu.memory_space<hbm>> -> memref<16x128xf32, #tpu.memory_space<hbm>>
        tpu.enqueue_dma source(%dma_start3A_140 : memref<16x128xf32, #tpu.memory_space<hbm>>) target(%dma_start3A_137 : memref<16x128xf32, #tpu.memory_space<vmem_shared>>) target_semaphore(%run_scoped3A_134 : memref<!tpu.dma_semaphore, #tpu.memory_space<semaphore_mem>>)
        %dma_wait3A_141 = arith.constant 9984 : i32
        %dma_wait3A_142 = arith.constant 0 : i32
        %dma_wait3A_143 = tpu.memref_slice %arg18[%dma_wait3A_141, %dma_wait3A_142] : memref<10000x128xf32, #tpu.memory_space<vmem_shared>> -> memref<16x128xf32, #tpu.memory_space<vmem_shared>>
        %dma_wait3A_144 = arith.constant 0 : i32
        %dma_wait3A_145 = arith.constant 0 : i32
        %dma_wait3A_146 = tpu.memref_slice %arg5[%dma_wait3A_144, %dma_wait3A_145] : memref<625x128xf32, #tpu.memory_space<hbm>> -> memref<16x128xf32, #tpu.memory_space<hbm>>
        tpu.wait_dma2 semaphore(%run_scoped3A_134 : memref<!tpu.dma_semaphore, #tpu.memory_space<semaphore_mem>>) src(%dma_wait3A_146 : memref<16x128xf32, #tpu.memory_space<hbm>>) dst(%dma_wait3A_143 : memref<16x128xf32, #tpu.memory_space<vmem_shared>>)
        tpu.yield
      }) : () -> ()
    } else {
    }
    %barrier3A = arith.constant 0 : index
    tpu.barrier barrier_id(%barrier3A)
    %multiple_of3A = arith.constant 0 : i32
    %multiple_of3A_5 = tpu.assume_multiple %multiple_of3A, 8 : i32
    %dma_start3A = arith.constant 0 : i32
    %dma_start3A_6 = tpu.memref_slice %arg3[%add3A, %multiple_of3A_5, %dma_start3A] : memref<32x128x80xi32, #tpu.memory_space<hbm>> -> memref<1x8x80xi32, #tpu.memory_space<hbm>>
    %dma_start3A_7 = tpu.memref_squeeze %dma_start3A_6 : memref<1x8x80xi32, #tpu.memory_space<hbm>> -> memref<8x80xi32, #tpu.memory_space<hbm>>
    %dma_start3A_8 = arith.constant 0 : i32
    %dma_start3A_9 = tpu.memref_slice %arg3[%add3A, %multiple_of3A_5, %dma_start3A_8] : memref<32x128x80xi32, #tpu.memory_space<hbm>> -> memref<1x8x80xi32, #tpu.memory_space<hbm>>
    %dma_start3A_10 = tpu.memref_squeeze %dma_start3A_9 : memref<1x8x80xi32, #tpu.memory_space<hbm>> -> memref<8x80xi32, #tpu.memory_space<hbm>>
    tpu.enqueue_dma source(%dma_start3A_10 : memref<8x80xi32, #tpu.memory_space<hbm>>) target(%arg8 : memref<8x80xi32, #tpu.memory_space<vmem>>) target_semaphore(%arg19 : memref<!tpu.dma_semaphore, #tpu.memory_space<semaphore_mem>>)
    %dma_start3A_11 = arith.constant 0 : i32
    %dma_start3A_12 = tpu.memref_slice %arg4[%add3A, %multiple_of3A_5, %dma_start3A_11] : memref<32x128x80xi32, #tpu.memory_space<hbm>> -> memref<1x8x80xi32, #tpu.memory_space<hbm>>
    %dma_start3A_13 = tpu.memref_squeeze %dma_start3A_12 : memref<1x8x80xi32, #tpu.memory_space<hbm>> -> memref<8x80xi32, #tpu.memory_space<hbm>>
    %dma_start3A_14 = arith.constant 0 : i32
    %dma_start3A_15 = tpu.memref_slice %arg4[%add3A, %multiple_of3A_5, %dma_start3A_14] : memref<32x128x80xi32, #tpu.memory_space<hbm>> -> memref<1x8x80xi32, #tpu.memory_space<hbm>>
    %dma_start3A_16 = tpu.memref_squeeze %dma_start3A_15 : memref<1x8x80xi32, #tpu.memory_space<hbm>> -> memref<8x80xi32, #tpu.memory_space<hbm>>
    tpu.enqueue_dma source(%dma_start3A_16 : memref<8x80xi32, #tpu.memory_space<hbm>>) target(%arg11 : memref<8x80xi32, #tpu.memory_space<vmem>>) target_semaphore(%arg19 : memref<!tpu.dma_semaphore, #tpu.memory_space<semaphore_mem>>)
    %multiple_of3A_17 = arith.constant 8 : i32
    %multiple_of3A_18 = tpu.assume_multiple %multiple_of3A_17, 8 : i32
    %dma_start3A_19 = arith.constant 0 : i32
    %dma_start3A_20 = tpu.memref_slice %arg3[%add3A, %multiple_of3A_18, %dma_start3A_19] : memref<32x128x80xi32, #tpu.memory_space<hbm>> -> memref<1x8x80xi32, #tpu.memory_space<hbm>>
    %dma_start3A_21 = tpu.memref_squeeze %dma_start3A_20 : memref<1x8x80xi32, #tpu.memory_space<hbm>> -> memref<8x80xi32, #tpu.memory_space<hbm>>
    %dma_start3A_22 = arith.constant 0 : i32
    %dma_start3A_23 = tpu.memref_slice %arg3[%add3A, %multiple_of3A_18, %dma_start3A_22] : memref<32x128x80xi32, #tpu.memory_space<hbm>> -> memref<1x8x80xi32, #tpu.memory_space<hbm>>
    %dma_start3A_24 = tpu.memref_squeeze %dma_start3A_23 : memref<1x8x80xi32, #tpu.memory_space<hbm>> -> memref<8x80xi32, #tpu.memory_space<hbm>>
    tpu.enqueue_dma source(%dma_start3A_24 : memref<8x80xi32, #tpu.memory_space<hbm>>) target(%arg9 : memref<8x80xi32, #tpu.memory_space<vmem>>) target_semaphore(%arg20 : memref<!tpu.dma_semaphore, #tpu.memory_space<semaphore_mem>>)
    %dma_start3A_25 = arith.constant 0 : i32
    %dma_start3A_26 = tpu.memref_slice %arg4[%add3A, %multiple_of3A_18, %dma_start3A_25] : memref<32x128x80xi32, #tpu.memory_space<hbm>> -> memref<1x8x80xi32, #tpu.memory_space<hbm>>
    %dma_start3A_27 = tpu.memref_squeeze %dma_start3A_26 : memref<1x8x80xi32, #tpu.memory_space<hbm>> -> memref<8x80xi32, #tpu.memory_space<hbm>>
    %dma_start3A_28 = arith.constant 0 : i32
    %dma_start3A_29 = tpu.memref_slice %arg4[%add3A, %multiple_of3A_18, %dma_start3A_28] : memref<32x128x80xi32, #tpu.memory_space<hbm>> -> memref<1x8x80xi32, #tpu.memory_space<hbm>>
    %dma_start3A_30 = tpu.memref_squeeze %dma_start3A_29 : memref<1x8x80xi32, #tpu.memory_space<hbm>> -> memref<8x80xi32, #tpu.memory_space<hbm>>
    tpu.enqueue_dma source(%dma_start3A_30 : memref<8x80xi32, #tpu.memory_space<hbm>>) target(%arg12 : memref<8x80xi32, #tpu.memory_space<vmem>>) target_semaphore(%arg20 : memref<!tpu.dma_semaphore, #tpu.memory_space<semaphore_mem>>)
    %multiple_of3A_31 = arith.constant 0 : i32
    %multiple_of3A_32 = tpu.assume_multiple %multiple_of3A_31, 8 : i32
    %dma_wait3A = arith.constant 0 : i32
    %dma_wait3A_33 = tpu.memref_slice %arg3[%add3A, %multiple_of3A_32, %dma_wait3A] : memref<32x128x80xi32, #tpu.memory_space<hbm>> -> memref<1x8x80xi32, #tpu.memory_space<hbm>>
    %dma_wait3A_34 = tpu.memref_squeeze %dma_wait3A_33 : memref<1x8x80xi32, #tpu.memory_space<hbm>> -> memref<8x80xi32, #tpu.memory_space<hbm>>
    %dma_wait3A_35 = arith.constant 0 : i32
    %dma_wait3A_36 = tpu.memref_slice %arg3[%add3A, %multiple_of3A_32, %dma_wait3A_35] : memref<32x128x80xi32, #tpu.memory_space<hbm>> -> memref<1x8x80xi32, #tpu.memory_space<hbm>>
    %dma_wait3A_37 = tpu.memref_squeeze %dma_wait3A_36 : memref<1x8x80xi32, #tpu.memory_space<hbm>> -> memref<8x80xi32, #tpu.memory_space<hbm>>
    tpu.wait_dma2 semaphore(%arg19 : memref<!tpu.dma_semaphore, #tpu.memory_space<semaphore_mem>>) src(%dma_wait3A_37 : memref<8x80xi32, #tpu.memory_space<hbm>>) dst(%arg8 : memref<8x80xi32, #tpu.memory_space<vmem>>)
    %dma_wait3A_38 = arith.constant 0 : i32
    %dma_wait3A_39 = tpu.memref_slice %arg4[%add3A, %multiple_of3A_32, %dma_wait3A_38] : memref<32x128x80xi32, #tpu.memory_space<hbm>> -> memref<1x8x80xi32, #tpu.memory_space<hbm>>
    %dma_wait3A_40 = tpu.memref_squeeze %dma_wait3A_39 : memref<1x8x80xi32, #tpu.memory_space<hbm>> -> memref<8x80xi32, #tpu.memory_space<hbm>>
    %dma_wait3A_41 = arith.constant 0 : i32
    %dma_wait3A_42 = tpu.memref_slice %arg4[%add3A, %multiple_of3A_32, %dma_wait3A_41] : memref<32x128x80xi32, #tpu.memory_space<hbm>> -> memref<1x8x80xi32, #tpu.memory_space<hbm>>
    %dma_wait3A_43 = tpu.memref_squeeze %dma_wait3A_42 : memref<1x8x80xi32, #tpu.memory_space<hbm>> -> memref<8x80xi32, #tpu.memory_space<hbm>>
    tpu.wait_dma2 semaphore(%arg19 : memref<!tpu.dma_semaphore, #tpu.memory_space<semaphore_mem>>) src(%dma_wait3A_43 : memref<8x80xi32, #tpu.memory_space<hbm>>) dst(%arg11 : memref<8x80xi32, #tpu.memory_space<vmem>>)
    %dma_start3A_44 = arith.constant 0 : i32
    %dma_start3A_45 = arith.constant 0 : i32
    %dma_start3A_46 = tpu.memref_slice %arg8[%dma_start3A_44, %dma_start3A_45] : memref<8x80xi32, #tpu.memory_space<vmem>> -> memref<1x80xi32, #tpu.memory_space<vmem>>
    %dma_start3A_47 = tpu.memref_squeeze %dma_start3A_46 : memref<1x80xi32, #tpu.memory_space<vmem>> -> memref<80xi32, #tpu.memory_space<vmem>>
    %dma_start3A_48 = arith.constant 0 : i32
    %dma_start3A_49 = arith.constant 0 : i32
    %dma_start3A_50 = tpu.memref_slice %arg2[%dma_start3A_48, %dma_start3A_49] : memref<10000x128xf32, #tpu.memory_space<hbm>> -> memref<10000x128xf32, #tpu.memory_space<hbm>>
    tpu.enqueue_indirect_dma source(%dma_start3A_50 : memref<10000x128xf32, #tpu.memory_space<hbm>>) target(%arg14 : memref<80x128xf32, #tpu.memory_space<vmem>>) offsets(%dma_start3A_47 : memref<80xi32, #tpu.memory_space<vmem>>) semaphore(%arg22 : memref<!tpu.dma_semaphore, #tpu.memory_space<semaphore_mem>>)
    %dma_start3A_51 = arith.constant 1 : i32
    %dma_start3A_52 = arith.constant 0 : i32
    %dma_start3A_53 = tpu.memref_slice %arg8[%dma_start3A_51, %dma_start3A_52] : memref<8x80xi32, #tpu.memory_space<vmem>> -> memref<1x80xi32, #tpu.memory_space<vmem>>
    %dma_start3A_54 = tpu.memref_squeeze %dma_start3A_53 : memref<1x80xi32, #tpu.memory_space<vmem>> -> memref<80xi32, #tpu.memory_space<vmem>>
    %dma_start3A_55 = arith.constant 0 : i32
    %dma_start3A_56 = arith.constant 0 : i32
    %dma_start3A_57 = tpu.memref_slice %arg2[%dma_start3A_55, %dma_start3A_56] : memref<10000x128xf32, #tpu.memory_space<hbm>> -> memref<10000x128xf32, #tpu.memory_space<hbm>>
    tpu.enqueue_indirect_dma source(%dma_start3A_57 : memref<10000x128xf32, #tpu.memory_space<hbm>>) target(%arg15 : memref<80x128xf32, #tpu.memory_space<vmem>>) offsets(%dma_start3A_54 : memref<80xi32, #tpu.memory_space<vmem>>) semaphore(%arg23 : memref<!tpu.dma_semaphore, #tpu.memory_space<semaphore_mem>>)
    %dma_start3A_58 = arith.constant 2 : i32
    %dma_start3A_59 = arith.constant 0 : i32
    %dma_start3A_60 = tpu.memref_slice %arg8[%dma_start3A_58, %dma_start3A_59] : memref<8x80xi32, #tpu.memory_space<vmem>> -> memref<1x80xi32, #tpu.memory_space<vmem>>
    %dma_start3A_61 = tpu.memref_squeeze %dma_start3A_60 : memref<1x80xi32, #tpu.memory_space<vmem>> -> memref<80xi32, #tpu.memory_space<vmem>>
    %dma_start3A_62 = arith.constant 0 : i32
    %dma_start3A_63 = arith.constant 0 : i32
    %dma_start3A_64 = tpu.memref_slice %arg2[%dma_start3A_62, %dma_start3A_63] : memref<10000x128xf32, #tpu.memory_space<hbm>> -> memref<10000x128xf32, #tpu.memory_space<hbm>>
    tpu.enqueue_indirect_dma source(%dma_start3A_64 : memref<10000x128xf32, #tpu.memory_space<hbm>>) target(%arg16 : memref<80x128xf32, #tpu.memory_space<vmem>>) offsets(%dma_start3A_61 : memref<80xi32, #tpu.memory_space<vmem>>) semaphore(%arg24 : memref<!tpu.dma_semaphore, #tpu.memory_space<semaphore_mem>>)
    %dma_start3A_65 = arith.constant 3 : i32
    %dma_start3A_66 = arith.constant 0 : i32
    %dma_start3A_67 = tpu.memref_slice %arg8[%dma_start3A_65, %dma_start3A_66] : memref<8x80xi32, #tpu.memory_space<vmem>> -> memref<1x80xi32, #tpu.memory_space<vmem>>
    %dma_start3A_68 = tpu.memref_squeeze %dma_start3A_67 : memref<1x80xi32, #tpu.memory_space<vmem>> -> memref<80xi32, #tpu.memory_space<vmem>>
    %dma_start3A_69 = arith.constant 0 : i32
    %dma_start3A_70 = arith.constant 0 : i32
    %dma_start3A_71 = tpu.memref_slice %arg2[%dma_start3A_69, %dma_start3A_70] : memref<10000x128xf32, #tpu.memory_space<hbm>> -> memref<10000x128xf32, #tpu.memory_space<hbm>>
    tpu.enqueue_indirect_dma source(%dma_start3A_71 : memref<10000x128xf32, #tpu.memory_space<hbm>>) target(%arg17 : memref<80x128xf32, #tpu.memory_space<vmem>>) offsets(%dma_start3A_68 : memref<80xi32, #tpu.memory_space<vmem>>) semaphore(%arg25 : memref<!tpu.dma_semaphore, #tpu.memory_space<semaphore_mem>>)
    %scan3A = arith.constant 0 : i32
    %scan3A_72 = arith.constant 0 : i32
    %scan3A_73 = arith.constant 5 : i32
    %scan3A_74 = arith.addi %scan3A_72, %scan3A_73 : i32
    %scan3A_75 = arith.constant 1 : i32
    scf.for %scan3A_134 = %scan3A_72 to %scan3A_74 step %scan3A_75  : i32 {
      %mul3A_135 = arith.constant 3 : i32
      %mul3A_136 = arith.muli %scan3A_134, %mul3A_135 : i32
      %add3A_137 = arith.constant 0 : i32
      %add3A_138 = arith.addi %mul3A_136, %add3A_137 : i32
      %add3A_139 = arith.constant 1 : i32
      %add3A_140 = arith.addi %add3A_138, %add3A_139 : i32
      %mul3A_141 = arith.constant 8 : i32
      %mul3A_142 = arith.muli %add3A_140, %mul3A_141 : i32
      %multiple_of3A_143 = tpu.assume_multiple %mul3A_142, 8 : i32
      %dma_wait3A_144 = arith.constant 0 : i32
      %dma_wait3A_145 = tpu.memref_slice %arg3[%add3A, %multiple_of3A_143, %dma_wait3A_144] : memref<32x128x80xi32, #tpu.memory_space<hbm>> -> memref<1x8x80xi32, #tpu.memory_space<hbm>>
      %dma_wait3A_146 = tpu.memref_squeeze %dma_wait3A_145 : memref<1x8x80xi32, #tpu.memory_space<hbm>> -> memref<8x80xi32, #tpu.memory_space<hbm>>
      %dma_wait3A_147 = arith.constant 0 : i32
      %dma_wait3A_148 = tpu.memref_slice %arg3[%add3A, %multiple_of3A_143, %dma_wait3A_147] : memref<32x128x80xi32, #tpu.memory_space<hbm>> -> memref<1x8x80xi32, #tpu.memory_space<hbm>>
      %dma_wait3A_149 = tpu.memref_squeeze %dma_wait3A_148 : memref<1x8x80xi32, #tpu.memory_space<hbm>> -> memref<8x80xi32, #tpu.memory_space<hbm>>
      tpu.wait_dma2 semaphore(%arg20 : memref<!tpu.dma_semaphore, #tpu.memory_space<semaphore_mem>>) src(%dma_wait3A_149 : memref<8x80xi32, #tpu.memory_space<hbm>>) dst(%arg9 : memref<8x80xi32, #tpu.memory_space<vmem>>)
      %dma_wait3A_150 = arith.constant 0 : i32
      %dma_wait3A_151 = tpu.memref_slice %arg4[%add3A, %multiple_of3A_143, %dma_wait3A_150] : memref<32x128x80xi32, #tpu.memory_space<hbm>> -> memref<1x8x80xi32, #tpu.memory_space<hbm>>
      %dma_wait3A_152 = tpu.memref_squeeze %dma_wait3A_151 : memref<1x8x80xi32, #tpu.memory_space<hbm>> -> memref<8x80xi32, #tpu.memory_space<hbm>>
      %dma_wait3A_153 = arith.constant 0 : i32
      %dma_wait3A_154 = tpu.memref_slice %arg4[%add3A, %multiple_of3A_143, %dma_wait3A_153] : memref<32x128x80xi32, #tpu.memory_space<hbm>> -> memref<1x8x80xi32, #tpu.memory_space<hbm>>
      %dma_wait3A_155 = tpu.memref_squeeze %dma_wait3A_154 : memref<1x8x80xi32, #tpu.memory_space<hbm>> -> memref<8x80xi32, #tpu.memory_space<hbm>>
      tpu.wait_dma2 semaphore(%arg20 : memref<!tpu.dma_semaphore, #tpu.memory_space<semaphore_mem>>) src(%dma_wait3A_155 : memref<8x80xi32, #tpu.memory_space<hbm>>) dst(%arg12 : memref<8x80xi32, #tpu.memory_space<vmem>>)
      %add3A_156 = arith.constant 2 : i32
      %add3A_157 = arith.addi %add3A_138, %add3A_156 : i32
      %lt3A = arith.constant 16 : i32
      %lt3A_158 = arith.cmpi slt, %add3A_157, %lt3A : i32
      %convert_element_type3A_159 = arith.extui %lt3A_158 : i1 to i32
      %cond3A_160 = arith.constant 0 : i32
      %cond3A_161 = arith.cmpi ne, %convert_element_type3A_159, %cond3A_160 : i32
      scf.if %cond3A_161 {
        %add3A_674 = arith.constant 2 : i32
        %add3A_675 = arith.addi %add3A_138, %add3A_674 : i32
        %mul3A_676 = arith.constant 8 : i32
        %mul3A_677 = arith.muli %add3A_675, %mul3A_676 : i32
        %multiple_of3A_678 = tpu.assume_multiple %mul3A_677, 8 : i32
        %dma_start3A_679 = arith.constant 0 : i32
        %dma_start3A_680 = tpu.memref_slice %arg3[%add3A, %multiple_of3A_678, %dma_start3A_679] : memref<32x128x80xi32, #tpu.memory_space<hbm>> -> memref<1x8x80xi32, #tpu.memory_space<hbm>>
        %dma_start3A_681 = tpu.memref_squeeze %dma_start3A_680 : memref<1x8x80xi32, #tpu.memory_space<hbm>> -> memref<8x80xi32, #tpu.memory_space<hbm>>
        %dma_start3A_682 = arith.constant 0 : i32
        %dma_start3A_683 = tpu.memref_slice %arg3[%add3A, %multiple_of3A_678, %dma_start3A_682] : memref<32x128x80xi32, #tpu.memory_space<hbm>> -> memref<1x8x80xi32, #tpu.memory_space<hbm>>
        %dma_start3A_684 = tpu.memref_squeeze %dma_start3A_683 : memref<1x8x80xi32, #tpu.memory_space<hbm>> -> memref<8x80xi32, #tpu.memory_space<hbm>>
        tpu.enqueue_dma source(%dma_start3A_684 : memref<8x80xi32, #tpu.memory_space<hbm>>) target(%arg10 : memref<8x80xi32, #tpu.memory_space<vmem>>) target_semaphore(%arg21 : memref<!tpu.dma_semaphore, #tpu.memory_space<semaphore_mem>>)
        %dma_start3A_685 = arith.constant 0 : i32
        %dma_start3A_686 = tpu.memref_slice %arg4[%add3A, %multiple_of3A_678, %dma_start3A_685] : memref<32x128x80xi32, #tpu.memory_space<hbm>> -> memref<1x8x80xi32, #tpu.memory_space<hbm>>
        %dma_start3A_687 = tpu.memref_squeeze %dma_start3A_686 : memref<1x8x80xi32, #tpu.memory_space<hbm>> -> memref<8x80xi32, #tpu.memory_space<hbm>>
        %dma_start3A_688 = arith.constant 0 : i32
        %dma_start3A_689 = tpu.memref_slice %arg4[%add3A, %multiple_of3A_678, %dma_start3A_688] : memref<32x128x80xi32, #tpu.memory_space<hbm>> -> memref<1x8x80xi32, #tpu.memory_space<hbm>>
        %dma_start3A_690 = tpu.memref_squeeze %dma_start3A_689 : memref<1x8x80xi32, #tpu.memory_space<hbm>> -> memref<8x80xi32, #tpu.memory_space<hbm>>
        tpu.enqueue_dma source(%dma_start3A_690 : memref<8x80xi32, #tpu.memory_space<hbm>>) target(%arg13 : memref<8x80xi32, #tpu.memory_space<vmem>>) target_semaphore(%arg21 : memref<!tpu.dma_semaphore, #tpu.memory_space<semaphore_mem>>)
      } else {
      }
      %mul3A_162 = arith.constant 8 : i32
      %mul3A_163 = arith.muli %add3A_138, %mul3A_162 : i32
      %add3A_164 = arith.constant 0 : i32
      %add3A_165 = arith.addi %mul3A_163, %add3A_164 : i32
      %dma_wait3A_166 = arith.constant 0 : i32
      %dma_wait3A_167 = arith.constant 0 : i32
      %dma_wait3A_168 = tpu.memref_slice %arg8[%dma_wait3A_166, %dma_wait3A_167] : memref<8x80xi32, #tpu.memory_space<vmem>> -> memref<1x80xi32, #tpu.memory_space<vmem>>
      %dma_wait3A_169 = tpu.memref_squeeze %dma_wait3A_168 : memref<1x80xi32, #tpu.memory_space<vmem>> -> memref<80xi32, #tpu.memory_space<vmem>>
      %dma_wait3A_170 = arith.constant 0 : i32
      %dma_wait3A_171 = arith.constant 0 : i32
      %dma_wait3A_172 = tpu.memref_slice %arg2[%dma_wait3A_170, %dma_wait3A_171] : memref<10000x128xf32, #tpu.memory_space<hbm>> -> memref<10000x128xf32, #tpu.memory_space<hbm>>
      tpu.wait_indirect_dma semaphore(%arg22 : memref<!tpu.dma_semaphore, #tpu.memory_space<semaphore_mem>>) src(%dma_wait3A_172 : memref<10000x128xf32, #tpu.memory_space<hbm>>) dst(%arg14 : memref<80x128xf32, #tpu.memory_space<vmem>>)
      %run_scoped3A_173 = arith.constant 0 : i32
      "tpu.region"() ({
        %run_scoped3A_674 = tpu.sem_alloc : memref<!tpu.dma_semaphore, #tpu.memory_space<semaphore_mem>>
        %dma_start3A_675 = arith.constant 0 : i32
        %dma_start3A_676 = tpu.memref_slice %arg11[%run_scoped3A_173, %dma_start3A_675] : memref<8x80xi32, #tpu.memory_space<vmem>> -> memref<1x80xi32, #tpu.memory_space<vmem>>
        %dma_start3A_677 = tpu.memref_squeeze %dma_start3A_676 : memref<1x80xi32, #tpu.memory_space<vmem>> -> memref<80xi32, #tpu.memory_space<vmem>>
        %dma_start3A_678 = arith.constant 0 : i32
        %dma_start3A_679 = arith.constant 0 : i32
        %dma_start3A_680 = tpu.memref_slice %arg18[%dma_start3A_678, %dma_start3A_679] : memref<10000x128xf32, #tpu.memory_space<vmem_shared>> -> memref<10000x128xf32, #tpu.memory_space<vmem_shared>>
        tpu.enqueue_indirect_dma source(%arg14 : memref<80x128xf32, #tpu.memory_space<vmem>>) target(%dma_start3A_680 : memref<10000x128xf32, #tpu.memory_space<vmem_shared>>) offsets(%dma_start3A_677 : memref<80xi32, #tpu.memory_space<vmem>>) semaphore(%run_scoped3A_674 : memref<!tpu.dma_semaphore, #tpu.memory_space<semaphore_mem>>) {add = true}
        %dma_wait3A_681 = arith.constant 0 : i32
        %dma_wait3A_682 = tpu.memref_slice %arg11[%run_scoped3A_173, %dma_wait3A_681] : memref<8x80xi32, #tpu.memory_space<vmem>> -> memref<1x80xi32, #tpu.memory_space<vmem>>
        %dma_wait3A_683 = tpu.memref_squeeze %dma_wait3A_682 : memref<1x80xi32, #tpu.memory_space<vmem>> -> memref<80xi32, #tpu.memory_space<vmem>>
        %dma_wait3A_684 = arith.constant 0 : i32
        %dma_wait3A_685 = arith.constant 0 : i32
        %dma_wait3A_686 = tpu.memref_slice %arg18[%dma_wait3A_684, %dma_wait3A_685] : memref<10000x128xf32, #tpu.memory_space<vmem_shared>> -> memref<10000x128xf32, #tpu.memory_space<vmem_shared>>
        tpu.wait_indirect_dma semaphore(%run_scoped3A_674 : memref<!tpu.dma_semaphore, #tpu.memory_space<semaphore_mem>>) src(%arg14 : memref<80x128xf32, #tpu.memory_space<vmem>>) dst(%dma_wait3A_686 : memref<10000x128xf32, #tpu.memory_space<vmem_shared>>)
        tpu.yield
      }) : () -> ()
      %dma_start3A_174 = arith.constant 4 : i32
      %dma_start3A_175 = arith.constant 0 : i32
      %dma_start3A_176 = tpu.memref_slice %arg8[%dma_start3A_174, %dma_start3A_175] : memref<8x80xi32, #tpu.memory_space<vmem>> -> memref<1x80xi32, #tpu.memory_space<vmem>>
      %dma_start3A_177 = tpu.memref_squeeze %dma_start3A_176 : memref<1x80xi32, #tpu.memory_space<vmem>> -> memref<80xi32, #tpu.memory_space<vmem>>
      %dma_start3A_178 = arith.constant 0 : i32
      %dma_start3A_179 = arith.constant 0 : i32
      %dma_start3A_180 = tpu.memref_slice %arg2[%dma_start3A_178, %dma_start3A_179] : memref<10000x128xf32, #tpu.memory_space<hbm>> -> memref<10000x128xf32, #tpu.memory_space<hbm>>
      tpu.enqueue_indirect_dma source(%dma_start3A_180 : memref<10000x128xf32, #tpu.memory_space<hbm>>) target(%arg14 : memref<80x128xf32, #tpu.memory_space<vmem>>) offsets(%dma_start3A_177 : memref<80xi32, #tpu.memory_space<vmem>>) semaphore(%arg22 : memref<!tpu.dma_semaphore, #tpu.memory_space<semaphore_mem>>)
      %mul3A_181 = arith.constant 8 : i32
      %mul3A_182 = arith.muli %add3A_138, %mul3A_181 : i32
      %add3A_183 = arith.constant 1 : i32
      %add3A_184 = arith.addi %mul3A_182, %add3A_183 : i32
      %dma_wait3A_185 = arith.constant 1 : i32
      %dma_wait3A_186 = arith.constant 0 : i32
      %dma_wait3A_187 = tpu.memref_slice %arg8[%dma_wait3A_185, %dma_wait3A_186] : memref<8x80xi32, #tpu.memory_space<vmem>> -> memref<1x80xi32, #tpu.memory_space<vmem>>
      %dma_wait3A_188 = tpu.memref_squeeze %dma_wait3A_187 : memref<1x80xi32, #tpu.memory_space<vmem>> -> memref<80xi32, #tpu.memory_space<vmem>>
      %dma_wait3A_189 = arith.constant 0 : i32
      %dma_wait3A_190 = arith.constant 0 : i32
      %dma_wait3A_191 = tpu.memref_slice %arg2[%dma_wait3A_189, %dma_wait3A_190] : memref<10000x128xf32, #tpu.memory_space<hbm>> -> memref<10000x128xf32, #tpu.memory_space<hbm>>
      tpu.wait_indirect_dma semaphore(%arg23 : memref<!tpu.dma_semaphore, #tpu.memory_space<semaphore_mem>>) src(%dma_wait3A_191 : memref<10000x128xf32, #tpu.memory_space<hbm>>) dst(%arg15 : memref<80x128xf32, #tpu.memory_space<vmem>>)
      %run_scoped3A_192 = arith.constant 1 : i32
      "tpu.region"() ({
        %run_scoped3A_674 = tpu.sem_alloc : memref<!tpu.dma_semaphore, #tpu.memory_space<semaphore_mem>>
        %dma_start3A_675 = arith.constant 0 : i32
        %dma_start3A_676 = tpu.memref_slice %arg11[%run_scoped3A_192, %dma_start3A_675] : memref<8x80xi32, #tpu.memory_space<vmem>> -> memref<1x80xi32, #tpu.memory_space<vmem>>
        %dma_start3A_677 = tpu.memref_squeeze %dma_start3A_676 : memref<1x80xi32, #tpu.memory_space<vmem>> -> memref<80xi32, #tpu.memory_space<vmem>>
        %dma_start3A_678 = arith.constant 0 : i32
        %dma_start3A_679 = arith.constant 0 : i32
        %dma_start3A_680 = tpu.memref_slice %arg18[%dma_start3A_678, %dma_start3A_679] : memref<10000x128xf32, #tpu.memory_space<vmem_shared>> -> memref<10000x128xf32, #tpu.memory_space<vmem_shared>>
        tpu.enqueue_indirect_dma source(%arg15 : memref<80x128xf32, #tpu.memory_space<vmem>>) target(%dma_start3A_680 : memref<10000x128xf32, #tpu.memory_space<vmem_shared>>) offsets(%dma_start3A_677 : memref<80xi32, #tpu.memory_space<vmem>>) semaphore(%run_scoped3A_674 : memref<!tpu.dma_semaphore, #tpu.memory_space<semaphore_mem>>) {add = true}
        %dma_wait3A_681 = arith.constant 0 : i32
        %dma_wait3A_682 = tpu.memref_slice %arg11[%run_scoped3A_192, %dma_wait3A_681] : memref<8x80xi32, #tpu.memory_space<vmem>> -> memref<1x80xi32, #tpu.memory_space<vmem>>
        %dma_wait3A_683 = tpu.memref_squeeze %dma_wait3A_682 : memref<1x80xi32, #tpu.memory_space<vmem>> -> memref<80xi32, #tpu.memory_space<vmem>>
        %dma_wait3A_684 = arith.constant 0 : i32
        %dma_wait3A_685 = arith.constant 0 : i32
        %dma_wait3A_686 = tpu.memref_slice %arg18[%dma_wait3A_684, %dma_wait3A_685] : memref<10000x128xf32, #tpu.memory_space<vmem_shared>> -> memref<10000x128xf32, #tpu.memory_space<vmem_shared>>
        tpu.wait_indirect_dma semaphore(%run_scoped3A_674 : memref<!tpu.dma_semaphore, #tpu.memory_space<semaphore_mem>>) src(%arg15 : memref<80x128xf32, #tpu.memory_space<vmem>>) dst(%dma_wait3A_686 : memref<10000x128xf32, #tpu.memory_space<vmem_shared>>)
        tpu.yield
      }) : () -> ()
      %dma_start3A_193 = arith.constant 5 : i32
      %dma_start3A_194 = arith.constant 0 : i32
      %dma_start3A_195 = tpu.memref_slice %arg8[%dma_start3A_193, %dma_start3A_194] : memref<8x80xi32, #tpu.memory_space<vmem>> -> memref<1x80xi32, #tpu.memory_space<vmem>>
      %dma_start3A_196 = tpu.memref_squeeze %dma_start3A_195 : memref<1x80xi32, #tpu.memory_space<vmem>> -> memref<80xi32, #tpu.memory_space<vmem>>
      %dma_start3A_197 = arith.constant 0 : i32
      %dma_start3A_198 = arith.constant 0 : i32
      %dma_start3A_199 = tpu.memref_slice %arg2[%dma_start3A_197, %dma_start3A_198] : memref<10000x128xf32, #tpu.memory_space<hbm>> -> memref<10000x128xf32, #tpu.memory_space<hbm>>
      tpu.enqueue_indirect_dma source(%dma_start3A_199 : memref<10000x128xf32, #tpu.memory_space<hbm>>) target(%arg15 : memref<80x128xf32, #tpu.memory_space<vmem>>) offsets(%dma_start3A_196 : memref<80xi32, #tpu.memory_space<vmem>>) semaphore(%arg23 : memref<!tpu.dma_semaphore, #tpu.memory_space<semaphore_mem>>)
      %mul3A_200 = arith.constant 8 : i32
      %mul3A_201 = arith.muli %add3A_138, %mul3A_200 : i32
      %add3A_202 = arith.constant 2 : i32
      %add3A_203 = arith.addi %mul3A_201, %add3A_202 : i32
      %dma_wait3A_204 = arith.constant 2 : i32
      %dma_wait3A_205 = arith.constant 0 : i32
      %dma_wait3A_206 = tpu.memref_slice %arg8[%dma_wait3A_204, %dma_wait3A_205] : memref<8x80xi32, #tpu.memory_space<vmem>> -> memref<1x80xi32, #tpu.memory_space<vmem>>
      %dma_wait3A_207 = tpu.memref_squeeze %dma_wait3A_206 : memref<1x80xi32, #tpu.memory_space<vmem>> -> memref<80xi32, #tpu.memory_space<vmem>>
      %dma_wait3A_208 = arith.constant 0 : i32
      %dma_wait3A_209 = arith.constant 0 : i32
      %dma_wait3A_210 = tpu.memref_slice %arg2[%dma_wait3A_208, %dma_wait3A_209] : memref<10000x128xf32, #tpu.memory_space<hbm>> -> memref<10000x128xf32, #tpu.memory_space<hbm>>
      tpu.wait_indirect_dma semaphore(%arg24 : memref<!tpu.dma_semaphore, #tpu.memory_space<semaphore_mem>>) src(%dma_wait3A_210 : memref<10000x128xf32, #tpu.memory_space<hbm>>) dst(%arg16 : memref<80x128xf32, #tpu.memory_space<vmem>>)
      %run_scoped3A_211 = arith.constant 2 : i32
      "tpu.region"() ({
        %run_scoped3A_674 = tpu.sem_alloc : memref<!tpu.dma_semaphore, #tpu.memory_space<semaphore_mem>>
        %dma_start3A_675 = arith.constant 0 : i32
        %dma_start3A_676 = tpu.memref_slice %arg11[%run_scoped3A_211, %dma_start3A_675] : memref<8x80xi32, #tpu.memory_space<vmem>> -> memref<1x80xi32, #tpu.memory_space<vmem>>
        %dma_start3A_677 = tpu.memref_squeeze %dma_start3A_676 : memref<1x80xi32, #tpu.memory_space<vmem>> -> memref<80xi32, #tpu.memory_space<vmem>>
        %dma_start3A_678 = arith.constant 0 : i32
        %dma_start3A_679 = arith.constant 0 : i32
        %dma_start3A_680 = tpu.memref_slice %arg18[%dma_start3A_678, %dma_start3A_679] : memref<10000x128xf32, #tpu.memory_space<vmem_shared>> -> memref<10000x128xf32, #tpu.memory_space<vmem_shared>>
        tpu.enqueue_indirect_dma source(%arg16 : memref<80x128xf32, #tpu.memory_space<vmem>>) target(%dma_start3A_680 : memref<10000x128xf32, #tpu.memory_space<vmem_shared>>) offsets(%dma_start3A_677 : memref<80xi32, #tpu.memory_space<vmem>>) semaphore(%run_scoped3A_674 : memref<!tpu.dma_semaphore, #tpu.memory_space<semaphore_mem>>) {add = true}
        %dma_wait3A_681 = arith.constant 0 : i32
        %dma_wait3A_682 = tpu.memref_slice %arg11[%run_scoped3A_211, %dma_wait3A_681] : memref<8x80xi32, #tpu.memory_space<vmem>> -> memref<1x80xi32, #tpu.memory_space<vmem>>
        %dma_wait3A_683 = tpu.memref_squeeze %dma_wait3A_682 : memref<1x80xi32, #tpu.memory_space<vmem>> -> memref<80xi32, #tpu.memory_space<vmem>>
        %dma_wait3A_684 = arith.constant 0 : i32
        %dma_wait3A_685 = arith.constant 0 : i32
        %dma_wait3A_686 = tpu.memref_slice %arg18[%dma_wait3A_684, %dma_wait3A_685] : memref<10000x128xf32, #tpu.memory_space<vmem_shared>> -> memref<10000x128xf32, #tpu.memory_space<vmem_shared>>
        tpu.wait_indirect_dma semaphore(%run_scoped3A_674 : memref<!tpu.dma_semaphore, #tpu.memory_space<semaphore_mem>>) src(%arg16 : memref<80x128xf32, #tpu.memory_space<vmem>>) dst(%dma_wait3A_686 : memref<10000x128xf32, #tpu.memory_space<vmem_shared>>)
        tpu.yield
      }) : () -> ()
      %dma_start3A_212 = arith.constant 6 : i32
      %dma_start3A_213 = arith.constant 0 : i32
      %dma_start3A_214 = tpu.memref_slice %arg8[%dma_start3A_212, %dma_start3A_213] : memref<8x80xi32, #tpu.memory_space<vmem>> -> memref<1x80xi32, #tpu.memory_space<vmem>>
      %dma_start3A_215 = tpu.memref_squeeze %dma_start3A_214 : memref<1x80xi32, #tpu.memory_space<vmem>> -> memref<80xi32, #tpu.memory_space<vmem>>
      %dma_start3A_216 = arith.constant 0 : i32
      %dma_start3A_217 = arith.constant 0 : i32
      %dma_start3A_218 = tpu.memref_slice %arg2[%dma_start3A_216, %dma_start3A_217] : memref<10000x128xf32, #tpu.memory_space<hbm>> -> memref<10000x128xf32, #tpu.memory_space<hbm>>
      tpu.enqueue_indirect_dma source(%dma_start3A_218 : memref<10000x128xf32, #tpu.memory_space<hbm>>) target(%arg16 : memref<80x128xf32, #tpu.memory_space<vmem>>) offsets(%dma_start3A_215 : memref<80xi32, #tpu.memory_space<vmem>>) semaphore(%arg24 : memref<!tpu.dma_semaphore, #tpu.memory_space<semaphore_mem>>)
      %mul3A_219 = arith.constant 8 : i32
      %mul3A_220 = arith.muli %add3A_138, %mul3A_219 : i32
      %add3A_221 = arith.constant 3 : i32
      %add3A_222 = arith.addi %mul3A_220, %add3A_221 : i32
      %dma_wait3A_223 = arith.constant 3 : i32
      %dma_wait3A_224 = arith.constant 0 : i32
      %dma_wait3A_225 = tpu.memref_slice %arg8[%dma_wait3A_223, %dma_wait3A_224] : memref<8x80xi32, #tpu.memory_space<vmem>> -> memref<1x80xi32, #tpu.memory_space<vmem>>
      %dma_wait3A_226 = tpu.memref_squeeze %dma_wait3A_225 : memref<1x80xi32, #tpu.memory_space<vmem>> -> memref<80xi32, #tpu.memory_space<vmem>>
      %dma_wait3A_227 = arith.constant 0 : i32
      %dma_wait3A_228 = arith.constant 0 : i32
      %dma_wait3A_229 = tpu.memref_slice %arg2[%dma_wait3A_227, %dma_wait3A_228] : memref<10000x128xf32, #tpu.memory_space<hbm>> -> memref<10000x128xf32, #tpu.memory_space<hbm>>
      tpu.wait_indirect_dma semaphore(%arg25 : memref<!tpu.dma_semaphore, #tpu.memory_space<semaphore_mem>>) src(%dma_wait3A_229 : memref<10000x128xf32, #tpu.memory_space<hbm>>) dst(%arg17 : memref<80x128xf32, #tpu.memory_space<vmem>>)
      %run_scoped3A_230 = arith.constant 3 : i32
      "tpu.region"() ({
        %run_scoped3A_674 = tpu.sem_alloc : memref<!tpu.dma_semaphore, #tpu.memory_space<semaphore_mem>>
        %dma_start3A_675 = arith.constant 0 : i32
        %dma_start3A_676 = tpu.memref_slice %arg11[%run_scoped3A_230, %dma_start3A_675] : memref<8x80xi32, #tpu.memory_space<vmem>> -> memref<1x80xi32, #tpu.memory_space<vmem>>
        %dma_start3A_677 = tpu.memref_squeeze %dma_start3A_676 : memref<1x80xi32, #tpu.memory_space<vmem>> -> memref<80xi32, #tpu.memory_space<vmem>>
        %dma_start3A_678 = arith.constant 0 : i32
        %dma_start3A_679 = arith.constant 0 : i32
        %dma_start3A_680 = tpu.memref_slice %arg18[%dma_start3A_678, %dma_start3A_679] : memref<10000x128xf32, #tpu.memory_space<vmem_shared>> -> memref<10000x128xf32, #tpu.memory_space<vmem_shared>>
        tpu.enqueue_indirect_dma source(%arg17 : memref<80x128xf32, #tpu.memory_space<vmem>>) target(%dma_start3A_680 : memref<10000x128xf32, #tpu.memory_space<vmem_shared>>) offsets(%dma_start3A_677 : memref<80xi32, #tpu.memory_space<vmem>>) semaphore(%run_scoped3A_674 : memref<!tpu.dma_semaphore, #tpu.memory_space<semaphore_mem>>) {add = true}
        %dma_wait3A_681 = arith.constant 0 : i32
        %dma_wait3A_682 = tpu.memref_slice %arg11[%run_scoped3A_230, %dma_wait3A_681] : memref<8x80xi32, #tpu.memory_space<vmem>> -> memref<1x80xi32, #tpu.memory_space<vmem>>
        %dma_wait3A_683 = tpu.memref_squeeze %dma_wait3A_682 : memref<1x80xi32, #tpu.memory_space<vmem>> -> memref<80xi32, #tpu.memory_space<vmem>>
        %dma_wait3A_684 = arith.constant 0 : i32
        %dma_wait3A_685 = arith.constant 0 : i32
        %dma_wait3A_686 = tpu.memref_slice %arg18[%dma_wait3A_684, %dma_wait3A_685] : memref<10000x128xf32, #tpu.memory_space<vmem_shared>> -> memref<10000x128xf32, #tpu.memory_space<vmem_shared>>
        tpu.wait_indirect_dma semaphore(%run_scoped3A_674 : memref<!tpu.dma_semaphore, #tpu.memory_space<semaphore_mem>>) src(%arg17 : memref<80x128xf32, #tpu.memory_space<vmem>>) dst(%dma_wait3A_686 : memref<10000x128xf32, #tpu.memory_space<vmem_shared>>)
        tpu.yield
      }) : () -> ()
      %dma_start3A_231 = arith.constant 7 : i32
      %dma_start3A_232 = arith.constant 0 : i32
      %dma_start3A_233 = tpu.memref_slice %arg8[%dma_start3A_231, %dma_start3A_232] : memref<8x80xi32, #tpu.memory_space<vmem>> -> memref<1x80xi32, #tpu.memory_space<vmem>>
      %dma_start3A_234 = tpu.memref_squeeze %dma_start3A_233 : memref<1x80xi32, #tpu.memory_space<vmem>> -> memref<80xi32, #tpu.memory_space<vmem>>
      %dma_start3A_235 = arith.constant 0 : i32
      %dma_start3A_236 = arith.constant 0 : i32
      %dma_start3A_237 = tpu.memref_slice %arg2[%dma_start3A_235, %dma_start3A_236] : memref<10000x128xf32, #tpu.memory_space<hbm>> -> memref<10000x128xf32, #tpu.memory_space<hbm>>
      tpu.enqueue_indirect_dma source(%dma_start3A_237 : memref<10000x128xf32, #tpu.memory_space<hbm>>) target(%arg17 : memref<80x128xf32, #tpu.memory_space<vmem>>) offsets(%dma_start3A_234 : memref<80xi32, #tpu.memory_space<vmem>>) semaphore(%arg25 : memref<!tpu.dma_semaphore, #tpu.memory_space<semaphore_mem>>)
      %mul3A_238 = arith.constant 8 : i32
      %mul3A_239 = arith.muli %add3A_138, %mul3A_238 : i32
      %add3A_240 = arith.constant 4 : i32
      %add3A_241 = arith.addi %mul3A_239, %add3A_240 : i32
      %dma_wait3A_242 = arith.constant 4 : i32
      %dma_wait3A_243 = arith.constant 0 : i32
      %dma_wait3A_244 = tpu.memref_slice %arg8[%dma_wait3A_242, %dma_wait3A_243] : memref<8x80xi32, #tpu.memory_space<vmem>> -> memref<1x80xi32, #tpu.memory_space<vmem>>
      %dma_wait3A_245 = tpu.memref_squeeze %dma_wait3A_244 : memref<1x80xi32, #tpu.memory_space<vmem>> -> memref<80xi32, #tpu.memory_space<vmem>>
      %dma_wait3A_246 = arith.constant 0 : i32
      %dma_wait3A_247 = arith.constant 0 : i32
      %dma_wait3A_248 = tpu.memref_slice %arg2[%dma_wait3A_246, %dma_wait3A_247] : memref<10000x128xf32, #tpu.memory_space<hbm>> -> memref<10000x128xf32, #tpu.memory_space<hbm>>
      tpu.wait_indirect_dma semaphore(%arg22 : memref<!tpu.dma_semaphore, #tpu.memory_space<semaphore_mem>>) src(%dma_wait3A_248 : memref<10000x128xf32, #tpu.memory_space<hbm>>) dst(%arg14 : memref<80x128xf32, #tpu.memory_space<vmem>>)
      %run_scoped3A_249 = arith.constant 4 : i32
      "tpu.region"() ({
        %run_scoped3A_674 = tpu.sem_alloc : memref<!tpu.dma_semaphore, #tpu.memory_space<semaphore_mem>>
        %dma_start3A_675 = arith.constant 0 : i32
        %dma_start3A_676 = tpu.memref_slice %arg11[%run_scoped3A_249, %dma_start3A_675] : memref<8x80xi32, #tpu.memory_space<vmem>> -> memref<1x80xi32, #tpu.memory_space<vmem>>
        %dma_start3A_677 = tpu.memref_squeeze %dma_start3A_676 : memref<1x80xi32, #tpu.memory_space<vmem>> -> memref<80xi32, #tpu.memory_space<vmem>>
        %dma_start3A_678 = arith.constant 0 : i32
        %dma_start3A_679 = arith.constant 0 : i32
        %dma_start3A_680 = tpu.memref_slice %arg18[%dma_start3A_678, %dma_start3A_679] : memref<10000x128xf32, #tpu.memory_space<vmem_shared>> -> memref<10000x128xf32, #tpu.memory_space<vmem_shared>>
        tpu.enqueue_indirect_dma source(%arg14 : memref<80x128xf32, #tpu.memory_space<vmem>>) target(%dma_start3A_680 : memref<10000x128xf32, #tpu.memory_space<vmem_shared>>) offsets(%dma_start3A_677 : memref<80xi32, #tpu.memory_space<vmem>>) semaphore(%run_scoped3A_674 : memref<!tpu.dma_semaphore, #tpu.memory_space<semaphore_mem>>) {add = true}
        %dma_wait3A_681 = arith.constant 0 : i32
        %dma_wait3A_682 = tpu.memref_slice %arg11[%run_scoped3A_249, %dma_wait3A_681] : memref<8x80xi32, #tpu.memory_space<vmem>> -> memref<1x80xi32, #tpu.memory_space<vmem>>
        %dma_wait3A_683 = tpu.memref_squeeze %dma_wait3A_682 : memref<1x80xi32, #tpu.memory_space<vmem>> -> memref<80xi32, #tpu.memory_space<vmem>>
        %dma_wait3A_684 = arith.constant 0 : i32
        %dma_wait3A_685 = arith.constant 0 : i32
        %dma_wait3A_686 = tpu.memref_slice %arg18[%dma_wait3A_684, %dma_wait3A_685] : memref<10000x128xf32, #tpu.memory_space<vmem_shared>> -> memref<10000x128xf32, #tpu.memory_space<vmem_shared>>
        tpu.wait_indirect_dma semaphore(%run_scoped3A_674 : memref<!tpu.dma_semaphore, #tpu.memory_space<semaphore_mem>>) src(%arg14 : memref<80x128xf32, #tpu.memory_space<vmem>>) dst(%dma_wait3A_686 : memref<10000x128xf32, #tpu.memory_space<vmem_shared>>)
        tpu.yield
      }) : () -> ()
      %dma_start3A_250 = arith.constant 0 : i32
      %dma_start3A_251 = arith.constant 0 : i32
      %dma_start3A_252 = tpu.memref_slice %arg9[%dma_start3A_250, %dma_start3A_251] : memref<8x80xi32, #tpu.memory_space<vmem>> -> memref<1x80xi32, #tpu.memory_space<vmem>>
      %dma_start3A_253 = tpu.memref_squeeze %dma_start3A_252 : memref<1x80xi32, #tpu.memory_space<vmem>> -> memref<80xi32, #tpu.memory_space<vmem>>
      %dma_start3A_254 = arith.constant 0 : i32
      %dma_start3A_255 = arith.constant 0 : i32
      %dma_start3A_256 = tpu.memref_slice %arg2[%dma_start3A_254, %dma_start3A_255] : memref<10000x128xf32, #tpu.memory_space<hbm>> -> memref<10000x128xf32, #tpu.memory_space<hbm>>
      tpu.enqueue_indirect_dma source(%dma_start3A_256 : memref<10000x128xf32, #tpu.memory_space<hbm>>) target(%arg14 : memref<80x128xf32, #tpu.memory_space<vmem>>) offsets(%dma_start3A_253 : memref<80xi32, #tpu.memory_space<vmem>>) semaphore(%arg22 : memref<!tpu.dma_semaphore, #tpu.memory_space<semaphore_mem>>)
      %mul3A_257 = arith.constant 8 : i32
      %mul3A_258 = arith.muli %add3A_138, %mul3A_257 : i32
      %add3A_259 = arith.constant 5 : i32
      %add3A_260 = arith.addi %mul3A_258, %add3A_259 : i32
      %dma_wait3A_261 = arith.constant 5 : i32
      %dma_wait3A_262 = arith.constant 0 : i32
      %dma_wait3A_263 = tpu.memref_slice %arg8[%dma_wait3A_261, %dma_wait3A_262] : memref<8x80xi32, #tpu.memory_space<vmem>> -> memref<1x80xi32, #tpu.memory_space<vmem>>
      %dma_wait3A_264 = tpu.memref_squeeze %dma_wait3A_263 : memref<1x80xi32, #tpu.memory_space<vmem>> -> memref<80xi32, #tpu.memory_space<vmem>>
      %dma_wait3A_265 = arith.constant 0 : i32
      %dma_wait3A_266 = arith.constant 0 : i32
      %dma_wait3A_267 = tpu.memref_slice %arg2[%dma_wait3A_265, %dma_wait3A_266] : memref<10000x128xf32, #tpu.memory_space<hbm>> -> memref<10000x128xf32, #tpu.memory_space<hbm>>
      tpu.wait_indirect_dma semaphore(%arg23 : memref<!tpu.dma_semaphore, #tpu.memory_space<semaphore_mem>>) src(%dma_wait3A_267 : memref<10000x128xf32, #tpu.memory_space<hbm>>) dst(%arg15 : memref<80x128xf32, #tpu.memory_space<vmem>>)
      %run_scoped3A_268 = arith.constant 5 : i32
      "tpu.region"() ({
        %run_scoped3A_674 = tpu.sem_alloc : memref<!tpu.dma_semaphore, #tpu.memory_space<semaphore_mem>>
        %dma_start3A_675 = arith.constant 0 : i32
        %dma_start3A_676 = tpu.memref_slice %arg11[%run_scoped3A_268, %dma_start3A_675] : memref<8x80xi32, #tpu.memory_space<vmem>> -> memref<1x80xi32, #tpu.memory_space<vmem>>
        %dma_start3A_677 = tpu.memref_squeeze %dma_start3A_676 : memref<1x80xi32, #tpu.memory_space<vmem>> -> memref<80xi32, #tpu.memory_space<vmem>>
        %dma_start3A_678 = arith.constant 0 : i32
        %dma_start3A_679 = arith.constant 0 : i32
        %dma_start3A_680 = tpu.memref_slice %arg18[%dma_start3A_678, %dma_start3A_679] : memref<10000x128xf32, #tpu.memory_space<vmem_shared>> -> memref<10000x128xf32, #tpu.memory_space<vmem_shared>>
        tpu.enqueue_indirect_dma source(%arg15 : memref<80x128xf32, #tpu.memory_space<vmem>>) target(%dma_start3A_680 : memref<10000x128xf32, #tpu.memory_space<vmem_shared>>) offsets(%dma_start3A_677 : memref<80xi32, #tpu.memory_space<vmem>>) semaphore(%run_scoped3A_674 : memref<!tpu.dma_semaphore, #tpu.memory_space<semaphore_mem>>) {add = true}
        %dma_wait3A_681 = arith.constant 0 : i32
        %dma_wait3A_682 = tpu.memref_slice %arg11[%run_scoped3A_268, %dma_wait3A_681] : memref<8x80xi32, #tpu.memory_space<vmem>> -> memref<1x80xi32, #tpu.memory_space<vmem>>
        %dma_wait3A_683 = tpu.memref_squeeze %dma_wait3A_682 : memref<1x80xi32, #tpu.memory_space<vmem>> -> memref<80xi32, #tpu.memory_space<vmem>>
        %dma_wait3A_684 = arith.constant 0 : i32
        %dma_wait3A_685 = arith.constant 0 : i32
        %dma_wait3A_686 = tpu.memref_slice %arg18[%dma_wait3A_684, %dma_wait3A_685] : memref<10000x128xf32, #tpu.memory_space<vmem_shared>> -> memref<10000x128xf32, #tpu.memory_space<vmem_shared>>
        tpu.wait_indirect_dma semaphore(%run_scoped3A_674 : memref<!tpu.dma_semaphore, #tpu.memory_space<semaphore_mem>>) src(%arg15 : memref<80x128xf32, #tpu.memory_space<vmem>>) dst(%dma_wait3A_686 : memref<10000x128xf32, #tpu.memory_space<vmem_shared>>)
        tpu.yield
      }) : () -> ()
      %dma_start3A_269 = arith.constant 1 : i32
      %dma_start3A_270 = arith.constant 0 : i32
      %dma_start3A_271 = tpu.memref_slice %arg9[%dma_start3A_269, %dma_start3A_270] : memref<8x80xi32, #tpu.memory_space<vmem>> -> memref<1x80xi32, #tpu.memory_space<vmem>>
      %dma_start3A_272 = tpu.memref_squeeze %dma_start3A_271 : memref<1x80xi32, #tpu.memory_space<vmem>> -> memref<80xi32, #tpu.memory_space<vmem>>
      %dma_start3A_273 = arith.constant 0 : i32
      %dma_start3A_274 = arith.constant 0 : i32
      %dma_start3A_275 = tpu.memref_slice %arg2[%dma_start3A_273, %dma_start3A_274] : memref<10000x128xf32, #tpu.memory_space<hbm>> -> memref<10000x128xf32, #tpu.memory_space<hbm>>
      tpu.enqueue_indirect_dma source(%dma_start3A_275 : memref<10000x128xf32, #tpu.memory_space<hbm>>) target(%arg15 : memref<80x128xf32, #tpu.memory_space<vmem>>) offsets(%dma_start3A_272 : memref<80xi32, #tpu.memory_space<vmem>>) semaphore(%arg23 : memref<!tpu.dma_semaphore, #tpu.memory_space<semaphore_mem>>)
      %mul3A_276 = arith.constant 8 : i32
      %mul3A_277 = arith.muli %add3A_138, %mul3A_276 : i32
      %add3A_278 = arith.constant 6 : i32
      %add3A_279 = arith.addi %mul3A_277, %add3A_278 : i32
      %dma_wait3A_280 = arith.constant 6 : i32
      %dma_wait3A_281 = arith.constant 0 : i32
      %dma_wait3A_282 = tpu.memref_slice %arg8[%dma_wait3A_280, %dma_wait3A_281] : memref<8x80xi32, #tpu.memory_space<vmem>> -> memref<1x80xi32, #tpu.memory_space<vmem>>
      %dma_wait3A_283 = tpu.memref_squeeze %dma_wait3A_282 : memref<1x80xi32, #tpu.memory_space<vmem>> -> memref<80xi32, #tpu.memory_space<vmem>>
      %dma_wait3A_284 = arith.constant 0 : i32
      %dma_wait3A_285 = arith.constant 0 : i32
      %dma_wait3A_286 = tpu.memref_slice %arg2[%dma_wait3A_284, %dma_wait3A_285] : memref<10000x128xf32, #tpu.memory_space<hbm>> -> memref<10000x128xf32, #tpu.memory_space<hbm>>
      tpu.wait_indirect_dma semaphore(%arg24 : memref<!tpu.dma_semaphore, #tpu.memory_space<semaphore_mem>>) src(%dma_wait3A_286 : memref<10000x128xf32, #tpu.memory_space<hbm>>) dst(%arg16 : memref<80x128xf32, #tpu.memory_space<vmem>>)
      %run_scoped3A_287 = arith.constant 6 : i32
      "tpu.region"() ({
        %run_scoped3A_674 = tpu.sem_alloc : memref<!tpu.dma_semaphore, #tpu.memory_space<semaphore_mem>>
        %dma_start3A_675 = arith.constant 0 : i32
        %dma_start3A_676 = tpu.memref_slice %arg11[%run_scoped3A_287, %dma_start3A_675] : memref<8x80xi32, #tpu.memory_space<vmem>> -> memref<1x80xi32, #tpu.memory_space<vmem>>
        %dma_start3A_677 = tpu.memref_squeeze %dma_start3A_676 : memref<1x80xi32, #tpu.memory_space<vmem>> -> memref<80xi32, #tpu.memory_space<vmem>>
        %dma_start3A_678 = arith.constant 0 : i32
        %dma_start3A_679 = arith.constant 0 : i32
        %dma_start3A_680 = tpu.memref_slice %arg18[%dma_start3A_678, %dma_start3A_679] : memref<10000x128xf32, #tpu.memory_space<vmem_shared>> -> memref<10000x128xf32, #tpu.memory_space<vmem_shared>>
        tpu.enqueue_indirect_dma source(%arg16 : memref<80x128xf32, #tpu.memory_space<vmem>>) target(%dma_start3A_680 : memref<10000x128xf32, #tpu.memory_space<vmem_shared>>) offsets(%dma_start3A_677 : memref<80xi32, #tpu.memory_space<vmem>>) semaphore(%run_scoped3A_674 : memref<!tpu.dma_semaphore, #tpu.memory_space<semaphore_mem>>) {add = true}
        %dma_wait3A_681 = arith.constant 0 : i32
        %dma_wait3A_682 = tpu.memref_slice %arg11[%run_scoped3A_287, %dma_wait3A_681] : memref<8x80xi32, #tpu.memory_space<vmem>> -> memref<1x80xi32, #tpu.memory_space<vmem>>
        %dma_wait3A_683 = tpu.memref_squeeze %dma_wait3A_682 : memref<1x80xi32, #tpu.memory_space<vmem>> -> memref<80xi32, #tpu.memory_space<vmem>>
        %dma_wait3A_684 = arith.constant 0 : i32
        %dma_wait3A_685 = arith.constant 0 : i32
        %dma_wait3A_686 = tpu.memref_slice %arg18[%dma_wait3A_684, %dma_wait3A_685] : memref<10000x128xf32, #tpu.memory_space<vmem_shared>> -> memref<10000x128xf32, #tpu.memory_space<vmem_shared>>
        tpu.wait_indirect_dma semaphore(%run_scoped3A_674 : memref<!tpu.dma_semaphore, #tpu.memory_space<semaphore_mem>>) src(%arg16 : memref<80x128xf32, #tpu.memory_space<vmem>>) dst(%dma_wait3A_686 : memref<10000x128xf32, #tpu.memory_space<vmem_shared>>)
        tpu.yield
      }) : () -> ()
      %dma_start3A_288 = arith.constant 2 : i32
      %dma_start3A_289 = arith.constant 0 : i32
      %dma_start3A_290 = tpu.memref_slice %arg9[%dma_start3A_288, %dma_start3A_289] : memref<8x80xi32, #tpu.memory_space<vmem>> -> memref<1x80xi32, #tpu.memory_space<vmem>>
      %dma_start3A_291 = tpu.memref_squeeze %dma_start3A_290 : memref<1x80xi32, #tpu.memory_space<vmem>> -> memref<80xi32, #tpu.memory_space<vmem>>
      %dma_start3A_292 = arith.constant 0 : i32
      %dma_start3A_293 = arith.constant 0 : i32
      %dma_start3A_294 = tpu.memref_slice %arg2[%dma_start3A_292, %dma_start3A_293] : memref<10000x128xf32, #tpu.memory_space<hbm>> -> memref<10000x128xf32, #tpu.memory_space<hbm>>
      tpu.enqueue_indirect_dma source(%dma_start3A_294 : memref<10000x128xf32, #tpu.memory_space<hbm>>) target(%arg16 : memref<80x128xf32, #tpu.memory_space<vmem>>) offsets(%dma_start3A_291 : memref<80xi32, #tpu.memory_space<vmem>>) semaphore(%arg24 : memref<!tpu.dma_semaphore, #tpu.memory_space<semaphore_mem>>)
      %mul3A_295 = arith.constant 8 : i32
      %mul3A_296 = arith.muli %add3A_138, %mul3A_295 : i32
      %add3A_297 = arith.constant 7 : i32
      %add3A_298 = arith.addi %mul3A_296, %add3A_297 : i32
      %dma_wait3A_299 = arith.constant 7 : i32
      %dma_wait3A_300 = arith.constant 0 : i32
      %dma_wait3A_301 = tpu.memref_slice %arg8[%dma_wait3A_299, %dma_wait3A_300] : memref<8x80xi32, #tpu.memory_space<vmem>> -> memref<1x80xi32, #tpu.memory_space<vmem>>
      %dma_wait3A_302 = tpu.memref_squeeze %dma_wait3A_301 : memref<1x80xi32, #tpu.memory_space<vmem>> -> memref<80xi32, #tpu.memory_space<vmem>>
      %dma_wait3A_303 = arith.constant 0 : i32
      %dma_wait3A_304 = arith.constant 0 : i32
      %dma_wait3A_305 = tpu.memref_slice %arg2[%dma_wait3A_303, %dma_wait3A_304] : memref<10000x128xf32, #tpu.memory_space<hbm>> -> memref<10000x128xf32, #tpu.memory_space<hbm>>
      tpu.wait_indirect_dma semaphore(%arg25 : memref<!tpu.dma_semaphore, #tpu.memory_space<semaphore_mem>>) src(%dma_wait3A_305 : memref<10000x128xf32, #tpu.memory_space<hbm>>) dst(%arg17 : memref<80x128xf32, #tpu.memory_space<vmem>>)
      %run_scoped3A_306 = arith.constant 7 : i32
      "tpu.region"() ({
        %run_scoped3A_674 = tpu.sem_alloc : memref<!tpu.dma_semaphore, #tpu.memory_space<semaphore_mem>>
        %dma_start3A_675 = arith.constant 0 : i32
        %dma_start3A_676 = tpu.memref_slice %arg11[%run_scoped3A_306, %dma_start3A_675] : memref<8x80xi32, #tpu.memory_space<vmem>> -> memref<1x80xi32, #tpu.memory_space<vmem>>
        %dma_start3A_677 = tpu.memref_squeeze %dma_start3A_676 : memref<1x80xi32, #tpu.memory_space<vmem>> -> memref<80xi32, #tpu.memory_space<vmem>>
        %dma_start3A_678 = arith.constant 0 : i32
        %dma_start3A_679 = arith.constant 0 : i32
        %dma_start3A_680 = tpu.memref_slice %arg18[%dma_start3A_678, %dma_start3A_679] : memref<10000x128xf32, #tpu.memory_space<vmem_shared>> -> memref<10000x128xf32, #tpu.memory_space<vmem_shared>>
        tpu.enqueue_indirect_dma source(%arg17 : memref<80x128xf32, #tpu.memory_space<vmem>>) target(%dma_start3A_680 : memref<10000x128xf32, #tpu.memory_space<vmem_shared>>) offsets(%dma_start3A_677 : memref<80xi32, #tpu.memory_space<vmem>>) semaphore(%run_scoped3A_674 : memref<!tpu.dma_semaphore, #tpu.memory_space<semaphore_mem>>) {add = true}
        %dma_wait3A_681 = arith.constant 0 : i32
        %dma_wait3A_682 = tpu.memref_slice %arg11[%run_scoped3A_306, %dma_wait3A_681] : memref<8x80xi32, #tpu.memory_space<vmem>> -> memref<1x80xi32, #tpu.memory_space<vmem>>
        %dma_wait3A_683 = tpu.memref_squeeze %dma_wait3A_682 : memref<1x80xi32, #tpu.memory_space<vmem>> -> memref<80xi32, #tpu.memory_space<vmem>>
        %dma_wait3A_684 = arith.constant 0 : i32
        %dma_wait3A_685 = arith.constant 0 : i32
        %dma_wait3A_686 = tpu.memref_slice %arg18[%dma_wait3A_684, %dma_wait3A_685] : memref<10000x128xf32, #tpu.memory_space<vmem_shared>> -> memref<10000x128xf32, #tpu.memory_space<vmem_shared>>
        tpu.wait_indirect_dma semaphore(%run_scoped3A_674 : memref<!tpu.dma_semaphore, #tpu.memory_space<semaphore_mem>>) src(%arg17 : memref<80x128xf32, #tpu.memory_space<vmem>>) dst(%dma_wait3A_686 : memref<10000x128xf32, #tpu.memory_space<vmem_shared>>)
        tpu.yield
      }) : () -> ()
      %dma_start3A_307 = arith.constant 3 : i32
      %dma_start3A_308 = arith.constant 0 : i32
      %dma_start3A_309 = tpu.memref_slice %arg9[%dma_start3A_307, %dma_start3A_308] : memref<8x80xi32, #tpu.memory_space<vmem>> -> memref<1x80xi32, #tpu.memory_space<vmem>>
      %dma_start3A_310 = tpu.memref_squeeze %dma_start3A_309 : memref<1x80xi32, #tpu.memory_space<vmem>> -> memref<80xi32, #tpu.memory_space<vmem>>
      %dma_start3A_311 = arith.constant 0 : i32
      %dma_start3A_312 = arith.constant 0 : i32
      %dma_start3A_313 = tpu.memref_slice %arg2[%dma_start3A_311, %dma_start3A_312] : memref<10000x128xf32, #tpu.memory_space<hbm>> -> memref<10000x128xf32, #tpu.memory_space<hbm>>
      tpu.enqueue_indirect_dma source(%dma_start3A_313 : memref<10000x128xf32, #tpu.memory_space<hbm>>) target(%arg17 : memref<80x128xf32, #tpu.memory_space<vmem>>) offsets(%dma_start3A_310 : memref<80xi32, #tpu.memory_space<vmem>>) semaphore(%arg25 : memref<!tpu.dma_semaphore, #tpu.memory_space<semaphore_mem>>)
      %mul3A_314 = arith.constant 3 : i32
      %mul3A_315 = arith.muli %scan3A_134, %mul3A_314 : i32
      %add3A_316 = arith.constant 1 : i32
      %add3A_317 = arith.addi %mul3A_315, %add3A_316 : i32
      %add3A_318 = arith.constant 1 : i32
      %add3A_319 = arith.addi %add3A_317, %add3A_318 : i32
      %mul3A_320 = arith.constant 8 : i32
      %mul3A_321 = arith.muli %add3A_319, %mul3A_320 : i32
      %multiple_of3A_322 = tpu.assume_multiple %mul3A_321, 8 : i32
      %dma_wait3A_323 = arith.constant 0 : i32
      %dma_wait3A_324 = tpu.memref_slice %arg3[%add3A, %multiple_of3A_322, %dma_wait3A_323] : memref<32x128x80xi32, #tpu.memory_space<hbm>> -> memref<1x8x80xi32, #tpu.memory_space<hbm>>
      %dma_wait3A_325 = tpu.memref_squeeze %dma_wait3A_324 : memref<1x8x80xi32, #tpu.memory_space<hbm>> -> memref<8x80xi32, #tpu.memory_space<hbm>>
      %dma_wait3A_326 = arith.constant 0 : i32
      %dma_wait3A_327 = tpu.memref_slice %arg3[%add3A, %multiple_of3A_322, %dma_wait3A_326] : memref<32x128x80xi32, #tpu.memory_space<hbm>> -> memref<1x8x80xi32, #tpu.memory_space<hbm>>
      %dma_wait3A_328 = tpu.memref_squeeze %dma_wait3A_327 : memref<1x8x80xi32, #tpu.memory_space<hbm>> -> memref<8x80xi32, #tpu.memory_space<hbm>>
      tpu.wait_dma2 semaphore(%arg21 : memref<!tpu.dma_semaphore, #tpu.memory_space<semaphore_mem>>) src(%dma_wait3A_328 : memref<8x80xi32, #tpu.memory_space<hbm>>) dst(%arg10 : memref<8x80xi32, #tpu.memory_space<vmem>>)
      %dma_wait3A_329 = arith.constant 0 : i32
      %dma_wait3A_330 = tpu.memref_slice %arg4[%add3A, %multiple_of3A_322, %dma_wait3A_329] : memref<32x128x80xi32, #tpu.memory_space<hbm>> -> memref<1x8x80xi32, #tpu.memory_space<hbm>>
      %dma_wait3A_331 = tpu.memref_squeeze %dma_wait3A_330 : memref<1x8x80xi32, #tpu.memory_space<hbm>> -> memref<8x80xi32, #tpu.memory_space<hbm>>
      %dma_wait3A_332 = arith.constant 0 : i32
      %dma_wait3A_333 = tpu.memref_slice %arg4[%add3A, %multiple_of3A_322, %dma_wait3A_332] : memref<32x128x80xi32, #tpu.memory_space<hbm>> -> memref<1x8x80xi32, #tpu.memory_space<hbm>>
      %dma_wait3A_334 = tpu.memref_squeeze %dma_wait3A_333 : memref<1x8x80xi32, #tpu.memory_space<hbm>> -> memref<8x80xi32, #tpu.memory_space<hbm>>
      tpu.wait_dma2 semaphore(%arg21 : memref<!tpu.dma_semaphore, #tpu.memory_space<semaphore_mem>>) src(%dma_wait3A_334 : memref<8x80xi32, #tpu.memory_space<hbm>>) dst(%arg13 : memref<8x80xi32, #tpu.memory_space<vmem>>)
      %add3A_335 = arith.constant 2 : i32
      %add3A_336 = arith.addi %add3A_317, %add3A_335 : i32
      %lt3A_337 = arith.constant 16 : i32
      %lt3A_338 = arith.cmpi slt, %add3A_336, %lt3A_337 : i32
      %convert_element_type3A_339 = arith.extui %lt3A_338 : i1 to i32
      %cond3A_340 = arith.constant 0 : i32
      %cond3A_341 = arith.cmpi ne, %convert_element_type3A_339, %cond3A_340 : i32
      scf.if %cond3A_341 {
        %add3A_674 = arith.constant 2 : i32
        %add3A_675 = arith.addi %add3A_317, %add3A_674 : i32
        %mul3A_676 = arith.constant 8 : i32
        %mul3A_677 = arith.muli %add3A_675, %mul3A_676 : i32
        %multiple_of3A_678 = tpu.assume_multiple %mul3A_677, 8 : i32
        %dma_start3A_679 = arith.constant 0 : i32
        %dma_start3A_680 = tpu.memref_slice %arg3[%add3A, %multiple_of3A_678, %dma_start3A_679] : memref<32x128x80xi32, #tpu.memory_space<hbm>> -> memref<1x8x80xi32, #tpu.memory_space<hbm>>
        %dma_start3A_681 = tpu.memref_squeeze %dma_start3A_680 : memref<1x8x80xi32, #tpu.memory_space<hbm>> -> memref<8x80xi32, #tpu.memory_space<hbm>>
        %dma_start3A_682 = arith.constant 0 : i32
        %dma_start3A_683 = tpu.memref_slice %arg3[%add3A, %multiple_of3A_678, %dma_start3A_682] : memref<32x128x80xi32, #tpu.memory_space<hbm>> -> memref<1x8x80xi32, #tpu.memory_space<hbm>>
        %dma_start3A_684 = tpu.memref_squeeze %dma_start3A_683 : memref<1x8x80xi32, #tpu.memory_space<hbm>> -> memref<8x80xi32, #tpu.memory_space<hbm>>
        tpu.enqueue_dma source(%dma_start3A_684 : memref<8x80xi32, #tpu.memory_space<hbm>>) target(%arg8 : memref<8x80xi32, #tpu.memory_space<vmem>>) target_semaphore(%arg19 : memref<!tpu.dma_semaphore, #tpu.memory_space<semaphore_mem>>)
        %dma_start3A_685 = arith.constant 0 : i32
        %dma_start3A_686 = tpu.memref_slice %arg4[%add3A, %multiple_of3A_678, %dma_start3A_685] : memref<32x128x80xi32, #tpu.memory_space<hbm>> -> memref<1x8x80xi32, #tpu.memory_space<hbm>>
        %dma_start3A_687 = tpu.memref_squeeze %dma_start3A_686 : memref<1x8x80xi32, #tpu.memory_space<hbm>> -> memref<8x80xi32, #tpu.memory_space<hbm>>
        %dma_start3A_688 = arith.constant 0 : i32
        %dma_start3A_689 = tpu.memref_slice %arg4[%add3A, %multiple_of3A_678, %dma_start3A_688] : memref<32x128x80xi32, #tpu.memory_space<hbm>> -> memref<1x8x80xi32, #tpu.memory_space<hbm>>
        %dma_start3A_690 = tpu.memref_squeeze %dma_start3A_689 : memref<1x8x80xi32, #tpu.memory_space<hbm>> -> memref<8x80xi32, #tpu.memory_space<hbm>>
        tpu.enqueue_dma source(%dma_start3A_690 : memref<8x80xi32, #tpu.memory_space<hbm>>) target(%arg11 : memref<8x80xi32, #tpu.memory_space<vmem>>) target_semaphore(%arg19 : memref<!tpu.dma_semaphore, #tpu.memory_space<semaphore_mem>>)
      } else {
      }
      %mul3A_342 = arith.constant 8 : i32
      %mul3A_343 = arith.muli %add3A_317, %mul3A_342 : i32
      %add3A_344 = arith.constant 0 : i32
      %add3A_345 = arith.addi %mul3A_343, %add3A_344 : i32
      %dma_wait3A_346 = arith.constant 0 : i32
      %dma_wait3A_347 = arith.constant 0 : i32
      %dma_wait3A_348 = tpu.memref_slice %arg9[%dma_wait3A_346, %dma_wait3A_347] : memref<8x80xi32, #tpu.memory_space<vmem>> -> memref<1x80xi32, #tpu.memory_space<vmem>>
      %dma_wait3A_349 = tpu.memref_squeeze %dma_wait3A_348 : memref<1x80xi32, #tpu.memory_space<vmem>> -> memref<80xi32, #tpu.memory_space<vmem>>
      %dma_wait3A_350 = arith.constant 0 : i32
      %dma_wait3A_351 = arith.constant 0 : i32
      %dma_wait3A_352 = tpu.memref_slice %arg2[%dma_wait3A_350, %dma_wait3A_351] : memref<10000x128xf32, #tpu.memory_space<hbm>> -> memref<10000x128xf32, #tpu.memory_space<hbm>>
      tpu.wait_indirect_dma semaphore(%arg22 : memref<!tpu.dma_semaphore, #tpu.memory_space<semaphore_mem>>) src(%dma_wait3A_352 : memref<10000x128xf32, #tpu.memory_space<hbm>>) dst(%arg14 : memref<80x128xf32, #tpu.memory_space<vmem>>)
      %run_scoped3A_353 = arith.constant 0 : i32
      "tpu.region"() ({
        %run_scoped3A_674 = tpu.sem_alloc : memref<!tpu.dma_semaphore, #tpu.memory_space<semaphore_mem>>
        %dma_start3A_675 = arith.constant 0 : i32
        %dma_start3A_676 = tpu.memref_slice %arg12[%run_scoped3A_353, %dma_start3A_675] : memref<8x80xi32, #tpu.memory_space<vmem>> -> memref<1x80xi32, #tpu.memory_space<vmem>>
        %dma_start3A_677 = tpu.memref_squeeze %dma_start3A_676 : memref<1x80xi32, #tpu.memory_space<vmem>> -> memref<80xi32, #tpu.memory_space<vmem>>
        %dma_start3A_678 = arith.constant 0 : i32
        %dma_start3A_679 = arith.constant 0 : i32
        %dma_start3A_680 = tpu.memref_slice %arg18[%dma_start3A_678, %dma_start3A_679] : memref<10000x128xf32, #tpu.memory_space<vmem_shared>> -> memref<10000x128xf32, #tpu.memory_space<vmem_shared>>
        tpu.enqueue_indirect_dma source(%arg14 : memref<80x128xf32, #tpu.memory_space<vmem>>) target(%dma_start3A_680 : memref<10000x128xf32, #tpu.memory_space<vmem_shared>>) offsets(%dma_start3A_677 : memref<80xi32, #tpu.memory_space<vmem>>) semaphore(%run_scoped3A_674 : memref<!tpu.dma_semaphore, #tpu.memory_space<semaphore_mem>>) {add = true}
        %dma_wait3A_681 = arith.constant 0 : i32
        %dma_wait3A_682 = tpu.memref_slice %arg12[%run_scoped3A_353, %dma_wait3A_681] : memref<8x80xi32, #tpu.memory_space<vmem>> -> memref<1x80xi32, #tpu.memory_space<vmem>>
        %dma_wait3A_683 = tpu.memref_squeeze %dma_wait3A_682 : memref<1x80xi32, #tpu.memory_space<vmem>> -> memref<80xi32, #tpu.memory_space<vmem>>
        %dma_wait3A_684 = arith.constant 0 : i32
        %dma_wait3A_685 = arith.constant 0 : i32
        %dma_wait3A_686 = tpu.memref_slice %arg18[%dma_wait3A_684, %dma_wait3A_685] : memref<10000x128xf32, #tpu.memory_space<vmem_shared>> -> memref<10000x128xf32, #tpu.memory_space<vmem_shared>>
        tpu.wait_indirect_dma semaphore(%run_scoped3A_674 : memref<!tpu.dma_semaphore, #tpu.memory_space<semaphore_mem>>) src(%arg14 : memref<80x128xf32, #tpu.memory_space<vmem>>) dst(%dma_wait3A_686 : memref<10000x128xf32, #tpu.memory_space<vmem_shared>>)
        tpu.yield
      }) : () -> ()
      %dma_start3A_354 = arith.constant 4 : i32
      %dma_start3A_355 = arith.constant 0 : i32
      %dma_start3A_356 = tpu.memref_slice %arg9[%dma_start3A_354, %dma_start3A_355] : memref<8x80xi32, #tpu.memory_space<vmem>> -> memref<1x80xi32, #tpu.memory_space<vmem>>
      %dma_start3A_357 = tpu.memref_squeeze %dma_start3A_356 : memref<1x80xi32, #tpu.memory_space<vmem>> -> memref<80xi32, #tpu.memory_space<vmem>>
      %dma_start3A_358 = arith.constant 0 : i32
      %dma_start3A_359 = arith.constant 0 : i32
      %dma_start3A_360 = tpu.memref_slice %arg2[%dma_start3A_358, %dma_start3A_359] : memref<10000x128xf32, #tpu.memory_space<hbm>> -> memref<10000x128xf32, #tpu.memory_space<hbm>>
      tpu.enqueue_indirect_dma source(%dma_start3A_360 : memref<10000x128xf32, #tpu.memory_space<hbm>>) target(%arg14 : memref<80x128xf32, #tpu.memory_space<vmem>>) offsets(%dma_start3A_357 : memref<80xi32, #tpu.memory_space<vmem>>) semaphore(%arg22 : memref<!tpu.dma_semaphore, #tpu.memory_space<semaphore_mem>>)
      %mul3A_361 = arith.constant 8 : i32
      %mul3A_362 = arith.muli %add3A_317, %mul3A_361 : i32
      %add3A_363 = arith.constant 1 : i32
      %add3A_364 = arith.addi %mul3A_362, %add3A_363 : i32
      %dma_wait3A_365 = arith.constant 1 : i32
      %dma_wait3A_366 = arith.constant 0 : i32
      %dma_wait3A_367 = tpu.memref_slice %arg9[%dma_wait3A_365, %dma_wait3A_366] : memref<8x80xi32, #tpu.memory_space<vmem>> -> memref<1x80xi32, #tpu.memory_space<vmem>>
      %dma_wait3A_368 = tpu.memref_squeeze %dma_wait3A_367 : memref<1x80xi32, #tpu.memory_space<vmem>> -> memref<80xi32, #tpu.memory_space<vmem>>
      %dma_wait3A_369 = arith.constant 0 : i32
      %dma_wait3A_370 = arith.constant 0 : i32
      %dma_wait3A_371 = tpu.memref_slice %arg2[%dma_wait3A_369, %dma_wait3A_370] : memref<10000x128xf32, #tpu.memory_space<hbm>> -> memref<10000x128xf32, #tpu.memory_space<hbm>>
      tpu.wait_indirect_dma semaphore(%arg23 : memref<!tpu.dma_semaphore, #tpu.memory_space<semaphore_mem>>) src(%dma_wait3A_371 : memref<10000x128xf32, #tpu.memory_space<hbm>>) dst(%arg15 : memref<80x128xf32, #tpu.memory_space<vmem>>)
      %run_scoped3A_372 = arith.constant 1 : i32
      "tpu.region"() ({
        %run_scoped3A_674 = tpu.sem_alloc : memref<!tpu.dma_semaphore, #tpu.memory_space<semaphore_mem>>
        %dma_start3A_675 = arith.constant 0 : i32
        %dma_start3A_676 = tpu.memref_slice %arg12[%run_scoped3A_372, %dma_start3A_675] : memref<8x80xi32, #tpu.memory_space<vmem>> -> memref<1x80xi32, #tpu.memory_space<vmem>>
        %dma_start3A_677 = tpu.memref_squeeze %dma_start3A_676 : memref<1x80xi32, #tpu.memory_space<vmem>> -> memref<80xi32, #tpu.memory_space<vmem>>
        %dma_start3A_678 = arith.constant 0 : i32
        %dma_start3A_679 = arith.constant 0 : i32
        %dma_start3A_680 = tpu.memref_slice %arg18[%dma_start3A_678, %dma_start3A_679] : memref<10000x128xf32, #tpu.memory_space<vmem_shared>> -> memref<10000x128xf32, #tpu.memory_space<vmem_shared>>
        tpu.enqueue_indirect_dma source(%arg15 : memref<80x128xf32, #tpu.memory_space<vmem>>) target(%dma_start3A_680 : memref<10000x128xf32, #tpu.memory_space<vmem_shared>>) offsets(%dma_start3A_677 : memref<80xi32, #tpu.memory_space<vmem>>) semaphore(%run_scoped3A_674 : memref<!tpu.dma_semaphore, #tpu.memory_space<semaphore_mem>>) {add = true}
        %dma_wait3A_681 = arith.constant 0 : i32
        %dma_wait3A_682 = tpu.memref_slice %arg12[%run_scoped3A_372, %dma_wait3A_681] : memref<8x80xi32, #tpu.memory_space<vmem>> -> memref<1x80xi32, #tpu.memory_space<vmem>>
        %dma_wait3A_683 = tpu.memref_squeeze %dma_wait3A_682 : memref<1x80xi32, #tpu.memory_space<vmem>> -> memref<80xi32, #tpu.memory_space<vmem>>
        %dma_wait3A_684 = arith.constant 0 : i32
        %dma_wait3A_685 = arith.constant 0 : i32
        %dma_wait3A_686 = tpu.memref_slice %arg18[%dma_wait3A_684, %dma_wait3A_685] : memref<10000x128xf32, #tpu.memory_space<vmem_shared>> -> memref<10000x128xf32, #tpu.memory_space<vmem_shared>>
        tpu.wait_indirect_dma semaphore(%run_scoped3A_674 : memref<!tpu.dma_semaphore, #tpu.memory_space<semaphore_mem>>) src(%arg15 : memref<80x128xf32, #tpu.memory_space<vmem>>) dst(%dma_wait3A_686 : memref<10000x128xf32, #tpu.memory_space<vmem_shared>>)
        tpu.yield
      }) : () -> ()
      %dma_start3A_373 = arith.constant 5 : i32
      %dma_start3A_374 = arith.constant 0 : i32
      %dma_start3A_375 = tpu.memref_slice %arg9[%dma_start3A_373, %dma_start3A_374] : memref<8x80xi32, #tpu.memory_space<vmem>> -> memref<1x80xi32, #tpu.memory_space<vmem>>
      %dma_start3A_376 = tpu.memref_squeeze %dma_start3A_375 : memref<1x80xi32, #tpu.memory_space<vmem>> -> memref<80xi32, #tpu.memory_space<vmem>>
      %dma_start3A_377 = arith.constant 0 : i32
      %dma_start3A_378 = arith.constant 0 : i32
      %dma_start3A_379 = tpu.memref_slice %arg2[%dma_start3A_377, %dma_start3A_378] : memref<10000x128xf32, #tpu.memory_space<hbm>> -> memref<10000x128xf32, #tpu.memory_space<hbm>>
      tpu.enqueue_indirect_dma source(%dma_start3A_379 : memref<10000x128xf32, #tpu.memory_space<hbm>>) target(%arg15 : memref<80x128xf32, #tpu.memory_space<vmem>>) offsets(%dma_start3A_376 : memref<80xi32, #tpu.memory_space<vmem>>) semaphore(%arg23 : memref<!tpu.dma_semaphore, #tpu.memory_space<semaphore_mem>>)
      %mul3A_380 = arith.constant 8 : i32
      %mul3A_381 = arith.muli %add3A_317, %mul3A_380 : i32
      %add3A_382 = arith.constant 2 : i32
      %add3A_383 = arith.addi %mul3A_381, %add3A_382 : i32
      %dma_wait3A_384 = arith.constant 2 : i32
      %dma_wait3A_385 = arith.constant 0 : i32
      %dma_wait3A_386 = tpu.memref_slice %arg9[%dma_wait3A_384, %dma_wait3A_385] : memref<8x80xi32, #tpu.memory_space<vmem>> -> memref<1x80xi32, #tpu.memory_space<vmem>>
      %dma_wait3A_387 = tpu.memref_squeeze %dma_wait3A_386 : memref<1x80xi32, #tpu.memory_space<vmem>> -> memref<80xi32, #tpu.memory_space<vmem>>
      %dma_wait3A_388 = arith.constant 0 : i32
      %dma_wait3A_389 = arith.constant 0 : i32
      %dma_wait3A_390 = tpu.memref_slice %arg2[%dma_wait3A_388, %dma_wait3A_389] : memref<10000x128xf32, #tpu.memory_space<hbm>> -> memref<10000x128xf32, #tpu.memory_space<hbm>>
      tpu.wait_indirect_dma semaphore(%arg24 : memref<!tpu.dma_semaphore, #tpu.memory_space<semaphore_mem>>) src(%dma_wait3A_390 : memref<10000x128xf32, #tpu.memory_space<hbm>>) dst(%arg16 : memref<80x128xf32, #tpu.memory_space<vmem>>)
      %run_scoped3A_391 = arith.constant 2 : i32
      "tpu.region"() ({
        %run_scoped3A_674 = tpu.sem_alloc : memref<!tpu.dma_semaphore, #tpu.memory_space<semaphore_mem>>
        %dma_start3A_675 = arith.constant 0 : i32
        %dma_start3A_676 = tpu.memref_slice %arg12[%run_scoped3A_391, %dma_start3A_675] : memref<8x80xi32, #tpu.memory_space<vmem>> -> memref<1x80xi32, #tpu.memory_space<vmem>>
        %dma_start3A_677 = tpu.memref_squeeze %dma_start3A_676 : memref<1x80xi32, #tpu.memory_space<vmem>> -> memref<80xi32, #tpu.memory_space<vmem>>
        %dma_start3A_678 = arith.constant 0 : i32
        %dma_start3A_679 = arith.constant 0 : i32
        %dma_start3A_680 = tpu.memref_slice %arg18[%dma_start3A_678, %dma_start3A_679] : memref<10000x128xf32, #tpu.memory_space<vmem_shared>> -> memref<10000x128xf32, #tpu.memory_space<vmem_shared>>
        tpu.enqueue_indirect_dma source(%arg16 : memref<80x128xf32, #tpu.memory_space<vmem>>) target(%dma_start3A_680 : memref<10000x128xf32, #tpu.memory_space<vmem_shared>>) offsets(%dma_start3A_677 : memref<80xi32, #tpu.memory_space<vmem>>) semaphore(%run_scoped3A_674 : memref<!tpu.dma_semaphore, #tpu.memory_space<semaphore_mem>>) {add = true}
        %dma_wait3A_681 = arith.constant 0 : i32
        %dma_wait3A_682 = tpu.memref_slice %arg12[%run_scoped3A_391, %dma_wait3A_681] : memref<8x80xi32, #tpu.memory_space<vmem>> -> memref<1x80xi32, #tpu.memory_space<vmem>>
        %dma_wait3A_683 = tpu.memref_squeeze %dma_wait3A_682 : memref<1x80xi32, #tpu.memory_space<vmem>> -> memref<80xi32, #tpu.memory_space<vmem>>
        %dma_wait3A_684 = arith.constant 0 : i32
        %dma_wait3A_685 = arith.constant 0 : i32
        %dma_wait3A_686 = tpu.memref_slice %arg18[%dma_wait3A_684, %dma_wait3A_685] : memref<10000x128xf32, #tpu.memory_space<vmem_shared>> -> memref<10000x128xf32, #tpu.memory_space<vmem_shared>>
        tpu.wait_indirect_dma semaphore(%run_scoped3A_674 : memref<!tpu.dma_semaphore, #tpu.memory_space<semaphore_mem>>) src(%arg16 : memref<80x128xf32, #tpu.memory_space<vmem>>) dst(%dma_wait3A_686 : memref<10000x128xf32, #tpu.memory_space<vmem_shared>>)
        tpu.yield
      }) : () -> ()
      %dma_start3A_392 = arith.constant 6 : i32
      %dma_start3A_393 = arith.constant 0 : i32
      %dma_start3A_394 = tpu.memref_slice %arg9[%dma_start3A_392, %dma_start3A_393] : memref<8x80xi32, #tpu.memory_space<vmem>> -> memref<1x80xi32, #tpu.memory_space<vmem>>
      %dma_start3A_395 = tpu.memref_squeeze %dma_start3A_394 : memref<1x80xi32, #tpu.memory_space<vmem>> -> memref<80xi32, #tpu.memory_space<vmem>>
      %dma_start3A_396 = arith.constant 0 : i32
      %dma_start3A_397 = arith.constant 0 : i32
      %dma_start3A_398 = tpu.memref_slice %arg2[%dma_start3A_396, %dma_start3A_397] : memref<10000x128xf32, #tpu.memory_space<hbm>> -> memref<10000x128xf32, #tpu.memory_space<hbm>>
      tpu.enqueue_indirect_dma source(%dma_start3A_398 : memref<10000x128xf32, #tpu.memory_space<hbm>>) target(%arg16 : memref<80x128xf32, #tpu.memory_space<vmem>>) offsets(%dma_start3A_395 : memref<80xi32, #tpu.memory_space<vmem>>) semaphore(%arg24 : memref<!tpu.dma_semaphore, #tpu.memory_space<semaphore_mem>>)
      %mul3A_399 = arith.constant 8 : i32
      %mul3A_400 = arith.muli %add3A_317, %mul3A_399 : i32
      %add3A_401 = arith.constant 3 : i32
      %add3A_402 = arith.addi %mul3A_400, %add3A_401 : i32
      %dma_wait3A_403 = arith.constant 3 : i32
      %dma_wait3A_404 = arith.constant 0 : i32
      %dma_wait3A_405 = tpu.memref_slice %arg9[%dma_wait3A_403, %dma_wait3A_404] : memref<8x80xi32, #tpu.memory_space<vmem>> -> memref<1x80xi32, #tpu.memory_space<vmem>>
      %dma_wait3A_406 = tpu.memref_squeeze %dma_wait3A_405 : memref<1x80xi32, #tpu.memory_space<vmem>> -> memref<80xi32, #tpu.memory_space<vmem>>
      %dma_wait3A_407 = arith.constant 0 : i32
      %dma_wait3A_408 = arith.constant 0 : i32
      %dma_wait3A_409 = tpu.memref_slice %arg2[%dma_wait3A_407, %dma_wait3A_408] : memref<10000x128xf32, #tpu.memory_space<hbm>> -> memref<10000x128xf32, #tpu.memory_space<hbm>>
      tpu.wait_indirect_dma semaphore(%arg25 : memref<!tpu.dma_semaphore, #tpu.memory_space<semaphore_mem>>) src(%dma_wait3A_409 : memref<10000x128xf32, #tpu.memory_space<hbm>>) dst(%arg17 : memref<80x128xf32, #tpu.memory_space<vmem>>)
      %run_scoped3A_410 = arith.constant 3 : i32
      "tpu.region"() ({
        %run_scoped3A_674 = tpu.sem_alloc : memref<!tpu.dma_semaphore, #tpu.memory_space<semaphore_mem>>
        %dma_start3A_675 = arith.constant 0 : i32
        %dma_start3A_676 = tpu.memref_slice %arg12[%run_scoped3A_410, %dma_start3A_675] : memref<8x80xi32, #tpu.memory_space<vmem>> -> memref<1x80xi32, #tpu.memory_space<vmem>>
        %dma_start3A_677 = tpu.memref_squeeze %dma_start3A_676 : memref<1x80xi32, #tpu.memory_space<vmem>> -> memref<80xi32, #tpu.memory_space<vmem>>
        %dma_start3A_678 = arith.constant 0 : i32
        %dma_start3A_679 = arith.constant 0 : i32
        %dma_start3A_680 = tpu.memref_slice %arg18[%dma_start3A_678, %dma_start3A_679] : memref<10000x128xf32, #tpu.memory_space<vmem_shared>> -> memref<10000x128xf32, #tpu.memory_space<vmem_shared>>
        tpu.enqueue_indirect_dma source(%arg17 : memref<80x128xf32, #tpu.memory_space<vmem>>) target(%dma_start3A_680 : memref<10000x128xf32, #tpu.memory_space<vmem_shared>>) offsets(%dma_start3A_677 : memref<80xi32, #tpu.memory_space<vmem>>) semaphore(%run_scoped3A_674 : memref<!tpu.dma_semaphore, #tpu.memory_space<semaphore_mem>>) {add = true}
        %dma_wait3A_681 = arith.constant 0 : i32
        %dma_wait3A_682 = tpu.memref_slice %arg12[%run_scoped3A_410, %dma_wait3A_681] : memref<8x80xi32, #tpu.memory_space<vmem>> -> memref<1x80xi32, #tpu.memory_space<vmem>>
        %dma_wait3A_683 = tpu.memref_squeeze %dma_wait3A_682 : memref<1x80xi32, #tpu.memory_space<vmem>> -> memref<80xi32, #tpu.memory_space<vmem>>
        %dma_wait3A_684 = arith.constant 0 : i32
        %dma_wait3A_685 = arith.constant 0 : i32
        %dma_wait3A_686 = tpu.memref_slice %arg18[%dma_wait3A_684, %dma_wait3A_685] : memref<10000x128xf32, #tpu.memory_space<vmem_shared>> -> memref<10000x128xf32, #tpu.memory_space<vmem_shared>>
        tpu.wait_indirect_dma semaphore(%run_scoped3A_674 : memref<!tpu.dma_semaphore, #tpu.memory_space<semaphore_mem>>) src(%arg17 : memref<80x128xf32, #tpu.memory_space<vmem>>) dst(%dma_wait3A_686 : memref<10000x128xf32, #tpu.memory_space<vmem_shared>>)
        tpu.yield
      }) : () -> ()
      %dma_start3A_411 = arith.constant 7 : i32
      %dma_start3A_412 = arith.constant 0 : i32
      %dma_start3A_413 = tpu.memref_slice %arg9[%dma_start3A_411, %dma_start3A_412] : memref<8x80xi32, #tpu.memory_space<vmem>> -> memref<1x80xi32, #tpu.memory_space<vmem>>
      %dma_start3A_414 = tpu.memref_squeeze %dma_start3A_413 : memref<1x80xi32, #tpu.memory_space<vmem>> -> memref<80xi32, #tpu.memory_space<vmem>>
      %dma_start3A_415 = arith.constant 0 : i32
      %dma_start3A_416 = arith.constant 0 : i32
      %dma_start3A_417 = tpu.memref_slice %arg2[%dma_start3A_415, %dma_start3A_416] : memref<10000x128xf32, #tpu.memory_space<hbm>> -> memref<10000x128xf32, #tpu.memory_space<hbm>>
      tpu.enqueue_indirect_dma source(%dma_start3A_417 : memref<10000x128xf32, #tpu.memory_space<hbm>>) target(%arg17 : memref<80x128xf32, #tpu.memory_space<vmem>>) offsets(%dma_start3A_414 : memref<80xi32, #tpu.memory_space<vmem>>) semaphore(%arg25 : memref<!tpu.dma_semaphore, #tpu.memory_space<semaphore_mem>>)
      %mul3A_418 = arith.constant 8 : i32
      %mul3A_419 = arith.muli %add3A_317, %mul3A_418 : i32
      %add3A_420 = arith.constant 4 : i32
      %add3A_421 = arith.addi %mul3A_419, %add3A_420 : i32
      %dma_wait3A_422 = arith.constant 4 : i32
      %dma_wait3A_423 = arith.constant 0 : i32
      %dma_wait3A_424 = tpu.memref_slice %arg9[%dma_wait3A_422, %dma_wait3A_423] : memref<8x80xi32, #tpu.memory_space<vmem>> -> memref<1x80xi32, #tpu.memory_space<vmem>>
      %dma_wait3A_425 = tpu.memref_squeeze %dma_wait3A_424 : memref<1x80xi32, #tpu.memory_space<vmem>> -> memref<80xi32, #tpu.memory_space<vmem>>
      %dma_wait3A_426 = arith.constant 0 : i32
      %dma_wait3A_427 = arith.constant 0 : i32
      %dma_wait3A_428 = tpu.memref_slice %arg2[%dma_wait3A_426, %dma_wait3A_427] : memref<10000x128xf32, #tpu.memory_space<hbm>> -> memref<10000x128xf32, #tpu.memory_space<hbm>>
      tpu.wait_indirect_dma semaphore(%arg22 : memref<!tpu.dma_semaphore, #tpu.memory_space<semaphore_mem>>) src(%dma_wait3A_428 : memref<10000x128xf32, #tpu.memory_space<hbm>>) dst(%arg14 : memref<80x128xf32, #tpu.memory_space<vmem>>)
      %run_scoped3A_429 = arith.constant 4 : i32
      "tpu.region"() ({
        %run_scoped3A_674 = tpu.sem_alloc : memref<!tpu.dma_semaphore, #tpu.memory_space<semaphore_mem>>
        %dma_start3A_675 = arith.constant 0 : i32
        %dma_start3A_676 = tpu.memref_slice %arg12[%run_scoped3A_429, %dma_start3A_675] : memref<8x80xi32, #tpu.memory_space<vmem>> -> memref<1x80xi32, #tpu.memory_space<vmem>>
        %dma_start3A_677 = tpu.memref_squeeze %dma_start3A_676 : memref<1x80xi32, #tpu.memory_space<vmem>> -> memref<80xi32, #tpu.memory_space<vmem>>
        %dma_start3A_678 = arith.constant 0 : i32
        %dma_start3A_679 = arith.constant 0 : i32
        %dma_start3A_680 = tpu.memref_slice %arg18[%dma_start3A_678, %dma_start3A_679] : memref<10000x128xf32, #tpu.memory_space<vmem_shared>> -> memref<10000x128xf32, #tpu.memory_space<vmem_shared>>
        tpu.enqueue_indirect_dma source(%arg14 : memref<80x128xf32, #tpu.memory_space<vmem>>) target(%dma_start3A_680 : memref<10000x128xf32, #tpu.memory_space<vmem_shared>>) offsets(%dma_start3A_677 : memref<80xi32, #tpu.memory_space<vmem>>) semaphore(%run_scoped3A_674 : memref<!tpu.dma_semaphore, #tpu.memory_space<semaphore_mem>>) {add = true}
        %dma_wait3A_681 = arith.constant 0 : i32
        %dma_wait3A_682 = tpu.memref_slice %arg12[%run_scoped3A_429, %dma_wait3A_681] : memref<8x80xi32, #tpu.memory_space<vmem>> -> memref<1x80xi32, #tpu.memory_space<vmem>>
        %dma_wait3A_683 = tpu.memref_squeeze %dma_wait3A_682 : memref<1x80xi32, #tpu.memory_space<vmem>> -> memref<80xi32, #tpu.memory_space<vmem>>
        %dma_wait3A_684 = arith.constant 0 : i32
        %dma_wait3A_685 = arith.constant 0 : i32
        %dma_wait3A_686 = tpu.memref_slice %arg18[%dma_wait3A_684, %dma_wait3A_685] : memref<10000x128xf32, #tpu.memory_space<vmem_shared>> -> memref<10000x128xf32, #tpu.memory_space<vmem_shared>>
        tpu.wait_indirect_dma semaphore(%run_scoped3A_674 : memref<!tpu.dma_semaphore, #tpu.memory_space<semaphore_mem>>) src(%arg14 : memref<80x128xf32, #tpu.memory_space<vmem>>) dst(%dma_wait3A_686 : memref<10000x128xf32, #tpu.memory_space<vmem_shared>>)
        tpu.yield
      }) : () -> ()
      %dma_start3A_430 = arith.constant 0 : i32
      %dma_start3A_431 = arith.constant 0 : i32
      %dma_start3A_432 = tpu.memref_slice %arg10[%dma_start3A_430, %dma_start3A_431] : memref<8x80xi32, #tpu.memory_space<vmem>> -> memref<1x80xi32, #tpu.memory_space<vmem>>
      %dma_start3A_433 = tpu.memref_squeeze %dma_start3A_432 : memref<1x80xi32, #tpu.memory_space<vmem>> -> memref<80xi32, #tpu.memory_space<vmem>>
      %dma_start3A_434 = arith.constant 0 : i32
      %dma_start3A_435 = arith.constant 0 : i32
      %dma_start3A_436 = tpu.memref_slice %arg2[%dma_start3A_434, %dma_start3A_435] : memref<10000x128xf32, #tpu.memory_space<hbm>> -> memref<10000x128xf32, #tpu.memory_space<hbm>>
      tpu.enqueue_indirect_dma source(%dma_start3A_436 : memref<10000x128xf32, #tpu.memory_space<hbm>>) target(%arg14 : memref<80x128xf32, #tpu.memory_space<vmem>>) offsets(%dma_start3A_433 : memref<80xi32, #tpu.memory_space<vmem>>) semaphore(%arg22 : memref<!tpu.dma_semaphore, #tpu.memory_space<semaphore_mem>>)
      %mul3A_437 = arith.constant 8 : i32
      %mul3A_438 = arith.muli %add3A_317, %mul3A_437 : i32
      %add3A_439 = arith.constant 5 : i32
      %add3A_440 = arith.addi %mul3A_438, %add3A_439 : i32
      %dma_wait3A_441 = arith.constant 5 : i32
      %dma_wait3A_442 = arith.constant 0 : i32
      %dma_wait3A_443 = tpu.memref_slice %arg9[%dma_wait3A_441, %dma_wait3A_442] : memref<8x80xi32, #tpu.memory_space<vmem>> -> memref<1x80xi32, #tpu.memory_space<vmem>>
      %dma_wait3A_444 = tpu.memref_squeeze %dma_wait3A_443 : memref<1x80xi32, #tpu.memory_space<vmem>> -> memref<80xi32, #tpu.memory_space<vmem>>
      %dma_wait3A_445 = arith.constant 0 : i32
      %dma_wait3A_446 = arith.constant 0 : i32
      %dma_wait3A_447 = tpu.memref_slice %arg2[%dma_wait3A_445, %dma_wait3A_446] : memref<10000x128xf32, #tpu.memory_space<hbm>> -> memref<10000x128xf32, #tpu.memory_space<hbm>>
      tpu.wait_indirect_dma semaphore(%arg23 : memref<!tpu.dma_semaphore, #tpu.memory_space<semaphore_mem>>) src(%dma_wait3A_447 : memref<10000x128xf32, #tpu.memory_space<hbm>>) dst(%arg15 : memref<80x128xf32, #tpu.memory_space<vmem>>)
      %run_scoped3A_448 = arith.constant 5 : i32
      "tpu.region"() ({
        %run_scoped3A_674 = tpu.sem_alloc : memref<!tpu.dma_semaphore, #tpu.memory_space<semaphore_mem>>
        %dma_start3A_675 = arith.constant 0 : i32
        %dma_start3A_676 = tpu.memref_slice %arg12[%run_scoped3A_448, %dma_start3A_675] : memref<8x80xi32, #tpu.memory_space<vmem>> -> memref<1x80xi32, #tpu.memory_space<vmem>>
        %dma_start3A_677 = tpu.memref_squeeze %dma_start3A_676 : memref<1x80xi32, #tpu.memory_space<vmem>> -> memref<80xi32, #tpu.memory_space<vmem>>
        %dma_start3A_678 = arith.constant 0 : i32
        %dma_start3A_679 = arith.constant 0 : i32
        %dma_start3A_680 = tpu.memref_slice %arg18[%dma_start3A_678, %dma_start3A_679] : memref<10000x128xf32, #tpu.memory_space<vmem_shared>> -> memref<10000x128xf32, #tpu.memory_space<vmem_shared>>
        tpu.enqueue_indirect_dma source(%arg15 : memref<80x128xf32, #tpu.memory_space<vmem>>) target(%dma_start3A_680 : memref<10000x128xf32, #tpu.memory_space<vmem_shared>>) offsets(%dma_start3A_677 : memref<80xi32, #tpu.memory_space<vmem>>) semaphore(%run_scoped3A_674 : memref<!tpu.dma_semaphore, #tpu.memory_space<semaphore_mem>>) {add = true}
        %dma_wait3A_681 = arith.constant 0 : i32
        %dma_wait3A_682 = tpu.memref_slice %arg12[%run_scoped3A_448, %dma_wait3A_681] : memref<8x80xi32, #tpu.memory_space<vmem>> -> memref<1x80xi32, #tpu.memory_space<vmem>>
        %dma_wait3A_683 = tpu.memref_squeeze %dma_wait3A_682 : memref<1x80xi32, #tpu.memory_space<vmem>> -> memref<80xi32, #tpu.memory_space<vmem>>
        %dma_wait3A_684 = arith.constant 0 : i32
        %dma_wait3A_685 = arith.constant 0 : i32
        %dma_wait3A_686 = tpu.memref_slice %arg18[%dma_wait3A_684, %dma_wait3A_685] : memref<10000x128xf32, #tpu.memory_space<vmem_shared>> -> memref<10000x128xf32, #tpu.memory_space<vmem_shared>>
        tpu.wait_indirect_dma semaphore(%run_scoped3A_674 : memref<!tpu.dma_semaphore, #tpu.memory_space<semaphore_mem>>) src(%arg15 : memref<80x128xf32, #tpu.memory_space<vmem>>) dst(%dma_wait3A_686 : memref<10000x128xf32, #tpu.memory_space<vmem_shared>>)
        tpu.yield
      }) : () -> ()
      %dma_start3A_449 = arith.constant 1 : i32
      %dma_start3A_450 = arith.constant 0 : i32
      %dma_start3A_451 = tpu.memref_slice %arg10[%dma_start3A_449, %dma_start3A_450] : memref<8x80xi32, #tpu.memory_space<vmem>> -> memref<1x80xi32, #tpu.memory_space<vmem>>
      %dma_start3A_452 = tpu.memref_squeeze %dma_start3A_451 : memref<1x80xi32, #tpu.memory_space<vmem>> -> memref<80xi32, #tpu.memory_space<vmem>>
      %dma_start3A_453 = arith.constant 0 : i32
      %dma_start3A_454 = arith.constant 0 : i32
      %dma_start3A_455 = tpu.memref_slice %arg2[%dma_start3A_453, %dma_start3A_454] : memref<10000x128xf32, #tpu.memory_space<hbm>> -> memref<10000x128xf32, #tpu.memory_space<hbm>>
      tpu.enqueue_indirect_dma source(%dma_start3A_455 : memref<10000x128xf32, #tpu.memory_space<hbm>>) target(%arg15 : memref<80x128xf32, #tpu.memory_space<vmem>>) offsets(%dma_start3A_452 : memref<80xi32, #tpu.memory_space<vmem>>) semaphore(%arg23 : memref<!tpu.dma_semaphore, #tpu.memory_space<semaphore_mem>>)
      %mul3A_456 = arith.constant 8 : i32
      %mul3A_457 = arith.muli %add3A_317, %mul3A_456 : i32
      %add3A_458 = arith.constant 6 : i32
      %add3A_459 = arith.addi %mul3A_457, %add3A_458 : i32
      %dma_wait3A_460 = arith.constant 6 : i32
      %dma_wait3A_461 = arith.constant 0 : i32
      %dma_wait3A_462 = tpu.memref_slice %arg9[%dma_wait3A_460, %dma_wait3A_461] : memref<8x80xi32, #tpu.memory_space<vmem>> -> memref<1x80xi32, #tpu.memory_space<vmem>>
      %dma_wait3A_463 = tpu.memref_squeeze %dma_wait3A_462 : memref<1x80xi32, #tpu.memory_space<vmem>> -> memref<80xi32, #tpu.memory_space<vmem>>
      %dma_wait3A_464 = arith.constant 0 : i32
      %dma_wait3A_465 = arith.constant 0 : i32
      %dma_wait3A_466 = tpu.memref_slice %arg2[%dma_wait3A_464, %dma_wait3A_465] : memref<10000x128xf32, #tpu.memory_space<hbm>> -> memref<10000x128xf32, #tpu.memory_space<hbm>>
      tpu.wait_indirect_dma semaphore(%arg24 : memref<!tpu.dma_semaphore, #tpu.memory_space<semaphore_mem>>) src(%dma_wait3A_466 : memref<10000x128xf32, #tpu.memory_space<hbm>>) dst(%arg16 : memref<80x128xf32, #tpu.memory_space<vmem>>)
      %run_scoped3A_467 = arith.constant 6 : i32
      "tpu.region"() ({
        %run_scoped3A_674 = tpu.sem_alloc : memref<!tpu.dma_semaphore, #tpu.memory_space<semaphore_mem>>
        %dma_start3A_675 = arith.constant 0 : i32
        %dma_start3A_676 = tpu.memref_slice %arg12[%run_scoped3A_467, %dma_start3A_675] : memref<8x80xi32, #tpu.memory_space<vmem>> -> memref<1x80xi32, #tpu.memory_space<vmem>>
        %dma_start3A_677 = tpu.memref_squeeze %dma_start3A_676 : memref<1x80xi32, #tpu.memory_space<vmem>> -> memref<80xi32, #tpu.memory_space<vmem>>
        %dma_start3A_678 = arith.constant 0 : i32
        %dma_start3A_679 = arith.constant 0 : i32
        %dma_start3A_680 = tpu.memref_slice %arg18[%dma_start3A_678, %dma_start3A_679] : memref<10000x128xf32, #tpu.memory_space<vmem_shared>> -> memref<10000x128xf32, #tpu.memory_space<vmem_shared>>
        tpu.enqueue_indirect_dma source(%arg16 : memref<80x128xf32, #tpu.memory_space<vmem>>) target(%dma_start3A_680 : memref<10000x128xf32, #tpu.memory_space<vmem_shared>>) offsets(%dma_start3A_677 : memref<80xi32, #tpu.memory_space<vmem>>) semaphore(%run_scoped3A_674 : memref<!tpu.dma_semaphore, #tpu.memory_space<semaphore_mem>>) {add = true}
        %dma_wait3A_681 = arith.constant 0 : i32
        %dma_wait3A_682 = tpu.memref_slice %arg12[%run_scoped3A_467, %dma_wait3A_681] : memref<8x80xi32, #tpu.memory_space<vmem>> -> memref<1x80xi32, #tpu.memory_space<vmem>>
        %dma_wait3A_683 = tpu.memref_squeeze %dma_wait3A_682 : memref<1x80xi32, #tpu.memory_space<vmem>> -> memref<80xi32, #tpu.memory_space<vmem>>
        %dma_wait3A_684 = arith.constant 0 : i32
        %dma_wait3A_685 = arith.constant 0 : i32
        %dma_wait3A_686 = tpu.memref_slice %arg18[%dma_wait3A_684, %dma_wait3A_685] : memref<10000x128xf32, #tpu.memory_space<vmem_shared>> -> memref<10000x128xf32, #tpu.memory_space<vmem_shared>>
        tpu.wait_indirect_dma semaphore(%run_scoped3A_674 : memref<!tpu.dma_semaphore, #tpu.memory_space<semaphore_mem>>) src(%arg16 : memref<80x128xf32, #tpu.memory_space<vmem>>) dst(%dma_wait3A_686 : memref<10000x128xf32, #tpu.memory_space<vmem_shared>>)
        tpu.yield
      }) : () -> ()
      %dma_start3A_468 = arith.constant 2 : i32
      %dma_start3A_469 = arith.constant 0 : i32
      %dma_start3A_470 = tpu.memref_slice %arg10[%dma_start3A_468, %dma_start3A_469] : memref<8x80xi32, #tpu.memory_space<vmem>> -> memref<1x80xi32, #tpu.memory_space<vmem>>
      %dma_start3A_471 = tpu.memref_squeeze %dma_start3A_470 : memref<1x80xi32, #tpu.memory_space<vmem>> -> memref<80xi32, #tpu.memory_space<vmem>>
      %dma_start3A_472 = arith.constant 0 : i32
      %dma_start3A_473 = arith.constant 0 : i32
      %dma_start3A_474 = tpu.memref_slice %arg2[%dma_start3A_472, %dma_start3A_473] : memref<10000x128xf32, #tpu.memory_space<hbm>> -> memref<10000x128xf32, #tpu.memory_space<hbm>>
      tpu.enqueue_indirect_dma source(%dma_start3A_474 : memref<10000x128xf32, #tpu.memory_space<hbm>>) target(%arg16 : memref<80x128xf32, #tpu.memory_space<vmem>>) offsets(%dma_start3A_471 : memref<80xi32, #tpu.memory_space<vmem>>) semaphore(%arg24 : memref<!tpu.dma_semaphore, #tpu.memory_space<semaphore_mem>>)
      %mul3A_475 = arith.constant 8 : i32
      %mul3A_476 = arith.muli %add3A_317, %mul3A_475 : i32
      %add3A_477 = arith.constant 7 : i32
      %add3A_478 = arith.addi %mul3A_476, %add3A_477 : i32
      %dma_wait3A_479 = arith.constant 7 : i32
      %dma_wait3A_480 = arith.constant 0 : i32
      %dma_wait3A_481 = tpu.memref_slice %arg9[%dma_wait3A_479, %dma_wait3A_480] : memref<8x80xi32, #tpu.memory_space<vmem>> -> memref<1x80xi32, #tpu.memory_space<vmem>>
      %dma_wait3A_482 = tpu.memref_squeeze %dma_wait3A_481 : memref<1x80xi32, #tpu.memory_space<vmem>> -> memref<80xi32, #tpu.memory_space<vmem>>
      %dma_wait3A_483 = arith.constant 0 : i32
      %dma_wait3A_484 = arith.constant 0 : i32
      %dma_wait3A_485 = tpu.memref_slice %arg2[%dma_wait3A_483, %dma_wait3A_484] : memref<10000x128xf32, #tpu.memory_space<hbm>> -> memref<10000x128xf32, #tpu.memory_space<hbm>>
      tpu.wait_indirect_dma semaphore(%arg25 : memref<!tpu.dma_semaphore, #tpu.memory_space<semaphore_mem>>) src(%dma_wait3A_485 : memref<10000x128xf32, #tpu.memory_space<hbm>>) dst(%arg17 : memref<80x128xf32, #tpu.memory_space<vmem>>)
      %run_scoped3A_486 = arith.constant 7 : i32
      "tpu.region"() ({
        %run_scoped3A_674 = tpu.sem_alloc : memref<!tpu.dma_semaphore, #tpu.memory_space<semaphore_mem>>
        %dma_start3A_675 = arith.constant 0 : i32
        %dma_start3A_676 = tpu.memref_slice %arg12[%run_scoped3A_486, %dma_start3A_675] : memref<8x80xi32, #tpu.memory_space<vmem>> -> memref<1x80xi32, #tpu.memory_space<vmem>>
        %dma_start3A_677 = tpu.memref_squeeze %dma_start3A_676 : memref<1x80xi32, #tpu.memory_space<vmem>> -> memref<80xi32, #tpu.memory_space<vmem>>
        %dma_start3A_678 = arith.constant 0 : i32
        %dma_start3A_679 = arith.constant 0 : i32
        %dma_start3A_680 = tpu.memref_slice %arg18[%dma_start3A_678, %dma_start3A_679] : memref<10000x128xf32, #tpu.memory_space<vmem_shared>> -> memref<10000x128xf32, #tpu.memory_space<vmem_shared>>
        tpu.enqueue_indirect_dma source(%arg17 : memref<80x128xf32, #tpu.memory_space<vmem>>) target(%dma_start3A_680 : memref<10000x128xf32, #tpu.memory_space<vmem_shared>>) offsets(%dma_start3A_677 : memref<80xi32, #tpu.memory_space<vmem>>) semaphore(%run_scoped3A_674 : memref<!tpu.dma_semaphore, #tpu.memory_space<semaphore_mem>>) {add = true}
        %dma_wait3A_681 = arith.constant 0 : i32
        %dma_wait3A_682 = tpu.memref_slice %arg12[%run_scoped3A_486, %dma_wait3A_681] : memref<8x80xi32, #tpu.memory_space<vmem>> -> memref<1x80xi32, #tpu.memory_space<vmem>>
        %dma_wait3A_683 = tpu.memref_squeeze %dma_wait3A_682 : memref<1x80xi32, #tpu.memory_space<vmem>> -> memref<80xi32, #tpu.memory_space<vmem>>
        %dma_wait3A_684 = arith.constant 0 : i32
        %dma_wait3A_685 = arith.constant 0 : i32
        %dma_wait3A_686 = tpu.memref_slice %arg18[%dma_wait3A_684, %dma_wait3A_685] : memref<10000x128xf32, #tpu.memory_space<vmem_shared>> -> memref<10000x128xf32, #tpu.memory_space<vmem_shared>>
        tpu.wait_indirect_dma semaphore(%run_scoped3A_674 : memref<!tpu.dma_semaphore, #tpu.memory_space<semaphore_mem>>) src(%arg17 : memref<80x128xf32, #tpu.memory_space<vmem>>) dst(%dma_wait3A_686 : memref<10000x128xf32, #tpu.memory_space<vmem_shared>>)
        tpu.yield
      }) : () -> ()
      %dma_start3A_487 = arith.constant 3 : i32
      %dma_start3A_488 = arith.constant 0 : i32
      %dma_start3A_489 = tpu.memref_slice %arg10[%dma_start3A_487, %dma_start3A_488] : memref<8x80xi32, #tpu.memory_space<vmem>> -> memref<1x80xi32, #tpu.memory_space<vmem>>
      %dma_start3A_490 = tpu.memref_squeeze %dma_start3A_489 : memref<1x80xi32, #tpu.memory_space<vmem>> -> memref<80xi32, #tpu.memory_space<vmem>>
      %dma_start3A_491 = arith.constant 0 : i32
      %dma_start3A_492 = arith.constant 0 : i32
      %dma_start3A_493 = tpu.memref_slice %arg2[%dma_start3A_491, %dma_start3A_492] : memref<10000x128xf32, #tpu.memory_space<hbm>> -> memref<10000x128xf32, #tpu.memory_space<hbm>>
      tpu.enqueue_indirect_dma source(%dma_start3A_493 : memref<10000x128xf32, #tpu.memory_space<hbm>>) target(%arg17 : memref<80x128xf32, #tpu.memory_space<vmem>>) offsets(%dma_start3A_490 : memref<80xi32, #tpu.memory_space<vmem>>) semaphore(%arg25 : memref<!tpu.dma_semaphore, #tpu.memory_space<semaphore_mem>>)
      %mul3A_494 = arith.constant 3 : i32
      %mul3A_495 = arith.muli %scan3A_134, %mul3A_494 : i32
      %add3A_496 = arith.constant 2 : i32
      %add3A_497 = arith.addi %mul3A_495, %add3A_496 : i32
      %add3A_498 = arith.constant 1 : i32
      %add3A_499 = arith.addi %add3A_497, %add3A_498 : i32
      %mul3A_500 = arith.constant 8 : i32
      %mul3A_501 = arith.muli %add3A_499, %mul3A_500 : i32
      %multiple_of3A_502 = tpu.assume_multiple %mul3A_501, 8 : i32
      %dma_wait3A_503 = arith.constant 0 : i32
      %dma_wait3A_504 = tpu.memref_slice %arg3[%add3A, %multiple_of3A_502, %dma_wait3A_503] : memref<32x128x80xi32, #tpu.memory_space<hbm>> -> memref<1x8x80xi32, #tpu.memory_space<hbm>>
      %dma_wait3A_505 = tpu.memref_squeeze %dma_wait3A_504 : memref<1x8x80xi32, #tpu.memory_space<hbm>> -> memref<8x80xi32, #tpu.memory_space<hbm>>
      %dma_wait3A_506 = arith.constant 0 : i32
      %dma_wait3A_507 = tpu.memref_slice %arg3[%add3A, %multiple_of3A_502, %dma_wait3A_506] : memref<32x128x80xi32, #tpu.memory_space<hbm>> -> memref<1x8x80xi32, #tpu.memory_space<hbm>>
      %dma_wait3A_508 = tpu.memref_squeeze %dma_wait3A_507 : memref<1x8x80xi32, #tpu.memory_space<hbm>> -> memref<8x80xi32, #tpu.memory_space<hbm>>
      tpu.wait_dma2 semaphore(%arg19 : memref<!tpu.dma_semaphore, #tpu.memory_space<semaphore_mem>>) src(%dma_wait3A_508 : memref<8x80xi32, #tpu.memory_space<hbm>>) dst(%arg8 : memref<8x80xi32, #tpu.memory_space<vmem>>)
      %dma_wait3A_509 = arith.constant 0 : i32
      %dma_wait3A_510 = tpu.memref_slice %arg4[%add3A, %multiple_of3A_502, %dma_wait3A_509] : memref<32x128x80xi32, #tpu.memory_space<hbm>> -> memref<1x8x80xi32, #tpu.memory_space<hbm>>
      %dma_wait3A_511 = tpu.memref_squeeze %dma_wait3A_510 : memref<1x8x80xi32, #tpu.memory_space<hbm>> -> memref<8x80xi32, #tpu.memory_space<hbm>>
      %dma_wait3A_512 = arith.constant 0 : i32
      %dma_wait3A_513 = tpu.memref_slice %arg4[%add3A, %multiple_of3A_502, %dma_wait3A_512] : memref<32x128x80xi32, #tpu.memory_space<hbm>> -> memref<1x8x80xi32, #tpu.memory_space<hbm>>
      %dma_wait3A_514 = tpu.memref_squeeze %dma_wait3A_513 : memref<1x8x80xi32, #tpu.memory_space<hbm>> -> memref<8x80xi32, #tpu.memory_space<hbm>>
      tpu.wait_dma2 semaphore(%arg19 : memref<!tpu.dma_semaphore, #tpu.memory_space<semaphore_mem>>) src(%dma_wait3A_514 : memref<8x80xi32, #tpu.memory_space<hbm>>) dst(%arg11 : memref<8x80xi32, #tpu.memory_space<vmem>>)
      %add3A_515 = arith.constant 2 : i32
      %add3A_516 = arith.addi %add3A_497, %add3A_515 : i32
      %lt3A_517 = arith.constant 16 : i32
      %lt3A_518 = arith.cmpi slt, %add3A_516, %lt3A_517 : i32
      %convert_element_type3A_519 = arith.extui %lt3A_518 : i1 to i32
      %cond3A_520 = arith.constant 0 : i32
      %cond3A_521 = arith.cmpi ne, %convert_element_type3A_519, %cond3A_520 : i32
      scf.if %cond3A_521 {
        %add3A_674 = arith.constant 2 : i32
        %add3A_675 = arith.addi %add3A_497, %add3A_674 : i32
        %mul3A_676 = arith.constant 8 : i32
        %mul3A_677 = arith.muli %add3A_675, %mul3A_676 : i32
        %multiple_of3A_678 = tpu.assume_multiple %mul3A_677, 8 : i32
        %dma_start3A_679 = arith.constant 0 : i32
        %dma_start3A_680 = tpu.memref_slice %arg3[%add3A, %multiple_of3A_678, %dma_start3A_679] : memref<32x128x80xi32, #tpu.memory_space<hbm>> -> memref<1x8x80xi32, #tpu.memory_space<hbm>>
        %dma_start3A_681 = tpu.memref_squeeze %dma_start3A_680 : memref<1x8x80xi32, #tpu.memory_space<hbm>> -> memref<8x80xi32, #tpu.memory_space<hbm>>
        %dma_start3A_682 = arith.constant 0 : i32
        %dma_start3A_683 = tpu.memref_slice %arg3[%add3A, %multiple_of3A_678, %dma_start3A_682] : memref<32x128x80xi32, #tpu.memory_space<hbm>> -> memref<1x8x80xi32, #tpu.memory_space<hbm>>
        %dma_start3A_684 = tpu.memref_squeeze %dma_start3A_683 : memref<1x8x80xi32, #tpu.memory_space<hbm>> -> memref<8x80xi32, #tpu.memory_space<hbm>>
        tpu.enqueue_dma source(%dma_start3A_684 : memref<8x80xi32, #tpu.memory_space<hbm>>) target(%arg9 : memref<8x80xi32, #tpu.memory_space<vmem>>) target_semaphore(%arg20 : memref<!tpu.dma_semaphore, #tpu.memory_space<semaphore_mem>>)
        %dma_start3A_685 = arith.constant 0 : i32
        %dma_start3A_686 = tpu.memref_slice %arg4[%add3A, %multiple_of3A_678, %dma_start3A_685] : memref<32x128x80xi32, #tpu.memory_space<hbm>> -> memref<1x8x80xi32, #tpu.memory_space<hbm>>
        %dma_start3A_687 = tpu.memref_squeeze %dma_start3A_686 : memref<1x8x80xi32, #tpu.memory_space<hbm>> -> memref<8x80xi32, #tpu.memory_space<hbm>>
        %dma_start3A_688 = arith.constant 0 : i32
        %dma_start3A_689 = tpu.memref_slice %arg4[%add3A, %multiple_of3A_678, %dma_start3A_688] : memref<32x128x80xi32, #tpu.memory_space<hbm>> -> memref<1x8x80xi32, #tpu.memory_space<hbm>>
        %dma_start3A_690 = tpu.memref_squeeze %dma_start3A_689 : memref<1x8x80xi32, #tpu.memory_space<hbm>> -> memref<8x80xi32, #tpu.memory_space<hbm>>
        tpu.enqueue_dma source(%dma_start3A_690 : memref<8x80xi32, #tpu.memory_space<hbm>>) target(%arg12 : memref<8x80xi32, #tpu.memory_space<vmem>>) target_semaphore(%arg20 : memref<!tpu.dma_semaphore, #tpu.memory_space<semaphore_mem>>)
      } else {
      }
      %mul3A_522 = arith.constant 8 : i32
      %mul3A_523 = arith.muli %add3A_497, %mul3A_522 : i32
      %add3A_524 = arith.constant 0 : i32
      %add3A_525 = arith.addi %mul3A_523, %add3A_524 : i32
      %dma_wait3A_526 = arith.constant 0 : i32
      %dma_wait3A_527 = arith.constant 0 : i32
      %dma_wait3A_528 = tpu.memref_slice %arg10[%dma_wait3A_526, %dma_wait3A_527] : memref<8x80xi32, #tpu.memory_space<vmem>> -> memref<1x80xi32, #tpu.memory_space<vmem>>
      %dma_wait3A_529 = tpu.memref_squeeze %dma_wait3A_528 : memref<1x80xi32, #tpu.memory_space<vmem>> -> memref<80xi32, #tpu.memory_space<vmem>>
      %dma_wait3A_530 = arith.constant 0 : i32
      %dma_wait3A_531 = arith.constant 0 : i32
      %dma_wait3A_532 = tpu.memref_slice %arg2[%dma_wait3A_530, %dma_wait3A_531] : memref<10000x128xf32, #tpu.memory_space<hbm>> -> memref<10000x128xf32, #tpu.memory_space<hbm>>
      tpu.wait_indirect_dma semaphore(%arg22 : memref<!tpu.dma_semaphore, #tpu.memory_space<semaphore_mem>>) src(%dma_wait3A_532 : memref<10000x128xf32, #tpu.memory_space<hbm>>) dst(%arg14 : memref<80x128xf32, #tpu.memory_space<vmem>>)
      %run_scoped3A_533 = arith.constant 0 : i32
      "tpu.region"() ({
        %run_scoped3A_674 = tpu.sem_alloc : memref<!tpu.dma_semaphore, #tpu.memory_space<semaphore_mem>>
        %dma_start3A_675 = arith.constant 0 : i32
        %dma_start3A_676 = tpu.memref_slice %arg13[%run_scoped3A_533, %dma_start3A_675] : memref<8x80xi32, #tpu.memory_space<vmem>> -> memref<1x80xi32, #tpu.memory_space<vmem>>
        %dma_start3A_677 = tpu.memref_squeeze %dma_start3A_676 : memref<1x80xi32, #tpu.memory_space<vmem>> -> memref<80xi32, #tpu.memory_space<vmem>>
        %dma_start3A_678 = arith.constant 0 : i32
        %dma_start3A_679 = arith.constant 0 : i32
        %dma_start3A_680 = tpu.memref_slice %arg18[%dma_start3A_678, %dma_start3A_679] : memref<10000x128xf32, #tpu.memory_space<vmem_shared>> -> memref<10000x128xf32, #tpu.memory_space<vmem_shared>>
        tpu.enqueue_indirect_dma source(%arg14 : memref<80x128xf32, #tpu.memory_space<vmem>>) target(%dma_start3A_680 : memref<10000x128xf32, #tpu.memory_space<vmem_shared>>) offsets(%dma_start3A_677 : memref<80xi32, #tpu.memory_space<vmem>>) semaphore(%run_scoped3A_674 : memref<!tpu.dma_semaphore, #tpu.memory_space<semaphore_mem>>) {add = true}
        %dma_wait3A_681 = arith.constant 0 : i32
        %dma_wait3A_682 = tpu.memref_slice %arg13[%run_scoped3A_533, %dma_wait3A_681] : memref<8x80xi32, #tpu.memory_space<vmem>> -> memref<1x80xi32, #tpu.memory_space<vmem>>
        %dma_wait3A_683 = tpu.memref_squeeze %dma_wait3A_682 : memref<1x80xi32, #tpu.memory_space<vmem>> -> memref<80xi32, #tpu.memory_space<vmem>>
        %dma_wait3A_684 = arith.constant 0 : i32
        %dma_wait3A_685 = arith.constant 0 : i32
        %dma_wait3A_686 = tpu.memref_slice %arg18[%dma_wait3A_684, %dma_wait3A_685] : memref<10000x128xf32, #tpu.memory_space<vmem_shared>> -> memref<10000x128xf32, #tpu.memory_space<vmem_shared>>
        tpu.wait_indirect_dma semaphore(%run_scoped3A_674 : memref<!tpu.dma_semaphore, #tpu.memory_space<semaphore_mem>>) src(%arg14 : memref<80x128xf32, #tpu.memory_space<vmem>>) dst(%dma_wait3A_686 : memref<10000x128xf32, #tpu.memory_space<vmem_shared>>)
        tpu.yield
      }) : () -> ()
      %dma_start3A_534 = arith.constant 4 : i32
      %dma_start3A_535 = arith.constant 0 : i32
      %dma_start3A_536 = tpu.memref_slice %arg10[%dma_start3A_534, %dma_start3A_535] : memref<8x80xi32, #tpu.memory_space<vmem>> -> memref<1x80xi32, #tpu.memory_space<vmem>>
      %dma_start3A_537 = tpu.memref_squeeze %dma_start3A_536 : memref<1x80xi32, #tpu.memory_space<vmem>> -> memref<80xi32, #tpu.memory_space<vmem>>
      %dma_start3A_538 = arith.constant 0 : i32
      %dma_start3A_539 = arith.constant 0 : i32
      %dma_start3A_540 = tpu.memref_slice %arg2[%dma_start3A_538, %dma_start3A_539] : memref<10000x128xf32, #tpu.memory_space<hbm>> -> memref<10000x128xf32, #tpu.memory_space<hbm>>
      tpu.enqueue_indirect_dma source(%dma_start3A_540 : memref<10000x128xf32, #tpu.memory_space<hbm>>) target(%arg14 : memref<80x128xf32, #tpu.memory_space<vmem>>) offsets(%dma_start3A_537 : memref<80xi32, #tpu.memory_space<vmem>>) semaphore(%arg22 : memref<!tpu.dma_semaphore, #tpu.memory_space<semaphore_mem>>)
      %mul3A_541 = arith.constant 8 : i32
      %mul3A_542 = arith.muli %add3A_497, %mul3A_541 : i32
      %add3A_543 = arith.constant 1 : i32
      %add3A_544 = arith.addi %mul3A_542, %add3A_543 : i32
      %dma_wait3A_545 = arith.constant 1 : i32
      %dma_wait3A_546 = arith.constant 0 : i32
      %dma_wait3A_547 = tpu.memref_slice %arg10[%dma_wait3A_545, %dma_wait3A_546] : memref<8x80xi32, #tpu.memory_space<vmem>> -> memref<1x80xi32, #tpu.memory_space<vmem>>
      %dma_wait3A_548 = tpu.memref_squeeze %dma_wait3A_547 : memref<1x80xi32, #tpu.memory_space<vmem>> -> memref<80xi32, #tpu.memory_space<vmem>>
      %dma_wait3A_549 = arith.constant 0 : i32
      %dma_wait3A_550 = arith.constant 0 : i32
      %dma_wait3A_551 = tpu.memref_slice %arg2[%dma_wait3A_549, %dma_wait3A_550] : memref<10000x128xf32, #tpu.memory_space<hbm>> -> memref<10000x128xf32, #tpu.memory_space<hbm>>
      tpu.wait_indirect_dma semaphore(%arg23 : memref<!tpu.dma_semaphore, #tpu.memory_space<semaphore_mem>>) src(%dma_wait3A_551 : memref<10000x128xf32, #tpu.memory_space<hbm>>) dst(%arg15 : memref<80x128xf32, #tpu.memory_space<vmem>>)
      %run_scoped3A_552 = arith.constant 1 : i32
      "tpu.region"() ({
        %run_scoped3A_674 = tpu.sem_alloc : memref<!tpu.dma_semaphore, #tpu.memory_space<semaphore_mem>>
        %dma_start3A_675 = arith.constant 0 : i32
        %dma_start3A_676 = tpu.memref_slice %arg13[%run_scoped3A_552, %dma_start3A_675] : memref<8x80xi32, #tpu.memory_space<vmem>> -> memref<1x80xi32, #tpu.memory_space<vmem>>
        %dma_start3A_677 = tpu.memref_squeeze %dma_start3A_676 : memref<1x80xi32, #tpu.memory_space<vmem>> -> memref<80xi32, #tpu.memory_space<vmem>>
        %dma_start3A_678 = arith.constant 0 : i32
        %dma_start3A_679 = arith.constant 0 : i32
        %dma_start3A_680 = tpu.memref_slice %arg18[%dma_start3A_678, %dma_start3A_679] : memref<10000x128xf32, #tpu.memory_space<vmem_shared>> -> memref<10000x128xf32, #tpu.memory_space<vmem_shared>>
        tpu.enqueue_indirect_dma source(%arg15 : memref<80x128xf32, #tpu.memory_space<vmem>>) target(%dma_start3A_680 : memref<10000x128xf32, #tpu.memory_space<vmem_shared>>) offsets(%dma_start3A_677 : memref<80xi32, #tpu.memory_space<vmem>>) semaphore(%run_scoped3A_674 : memref<!tpu.dma_semaphore, #tpu.memory_space<semaphore_mem>>) {add = true}
        %dma_wait3A_681 = arith.constant 0 : i32
        %dma_wait3A_682 = tpu.memref_slice %arg13[%run_scoped3A_552, %dma_wait3A_681] : memref<8x80xi32, #tpu.memory_space<vmem>> -> memref<1x80xi32, #tpu.memory_space<vmem>>
        %dma_wait3A_683 = tpu.memref_squeeze %dma_wait3A_682 : memref<1x80xi32, #tpu.memory_space<vmem>> -> memref<80xi32, #tpu.memory_space<vmem>>
        %dma_wait3A_684 = arith.constant 0 : i32
        %dma_wait3A_685 = arith.constant 0 : i32
        %dma_wait3A_686 = tpu.memref_slice %arg18[%dma_wait3A_684, %dma_wait3A_685] : memref<10000x128xf32, #tpu.memory_space<vmem_shared>> -> memref<10000x128xf32, #tpu.memory_space<vmem_shared>>
        tpu.wait_indirect_dma semaphore(%run_scoped3A_674 : memref<!tpu.dma_semaphore, #tpu.memory_space<semaphore_mem>>) src(%arg15 : memref<80x128xf32, #tpu.memory_space<vmem>>) dst(%dma_wait3A_686 : memref<10000x128xf32, #tpu.memory_space<vmem_shared>>)
        tpu.yield
      }) : () -> ()
      %dma_start3A_553 = arith.constant 5 : i32
      %dma_start3A_554 = arith.constant 0 : i32
      %dma_start3A_555 = tpu.memref_slice %arg10[%dma_start3A_553, %dma_start3A_554] : memref<8x80xi32, #tpu.memory_space<vmem>> -> memref<1x80xi32, #tpu.memory_space<vmem>>
      %dma_start3A_556 = tpu.memref_squeeze %dma_start3A_555 : memref<1x80xi32, #tpu.memory_space<vmem>> -> memref<80xi32, #tpu.memory_space<vmem>>
      %dma_start3A_557 = arith.constant 0 : i32
      %dma_start3A_558 = arith.constant 0 : i32
      %dma_start3A_559 = tpu.memref_slice %arg2[%dma_start3A_557, %dma_start3A_558] : memref<10000x128xf32, #tpu.memory_space<hbm>> -> memref<10000x128xf32, #tpu.memory_space<hbm>>
      tpu.enqueue_indirect_dma source(%dma_start3A_559 : memref<10000x128xf32, #tpu.memory_space<hbm>>) target(%arg15 : memref<80x128xf32, #tpu.memory_space<vmem>>) offsets(%dma_start3A_556 : memref<80xi32, #tpu.memory_space<vmem>>) semaphore(%arg23 : memref<!tpu.dma_semaphore, #tpu.memory_space<semaphore_mem>>)
      %mul3A_560 = arith.constant 8 : i32
      %mul3A_561 = arith.muli %add3A_497, %mul3A_560 : i32
      %add3A_562 = arith.constant 2 : i32
      %add3A_563 = arith.addi %mul3A_561, %add3A_562 : i32
      %dma_wait3A_564 = arith.constant 2 : i32
      %dma_wait3A_565 = arith.constant 0 : i32
      %dma_wait3A_566 = tpu.memref_slice %arg10[%dma_wait3A_564, %dma_wait3A_565] : memref<8x80xi32, #tpu.memory_space<vmem>> -> memref<1x80xi32, #tpu.memory_space<vmem>>
      %dma_wait3A_567 = tpu.memref_squeeze %dma_wait3A_566 : memref<1x80xi32, #tpu.memory_space<vmem>> -> memref<80xi32, #tpu.memory_space<vmem>>
      %dma_wait3A_568 = arith.constant 0 : i32
      %dma_wait3A_569 = arith.constant 0 : i32
      %dma_wait3A_570 = tpu.memref_slice %arg2[%dma_wait3A_568, %dma_wait3A_569] : memref<10000x128xf32, #tpu.memory_space<hbm>> -> memref<10000x128xf32, #tpu.memory_space<hbm>>
      tpu.wait_indirect_dma semaphore(%arg24 : memref<!tpu.dma_semaphore, #tpu.memory_space<semaphore_mem>>) src(%dma_wait3A_570 : memref<10000x128xf32, #tpu.memory_space<hbm>>) dst(%arg16 : memref<80x128xf32, #tpu.memory_space<vmem>>)
      %run_scoped3A_571 = arith.constant 2 : i32
      "tpu.region"() ({
        %run_scoped3A_674 = tpu.sem_alloc : memref<!tpu.dma_semaphore, #tpu.memory_space<semaphore_mem>>
        %dma_start3A_675 = arith.constant 0 : i32
        %dma_start3A_676 = tpu.memref_slice %arg13[%run_scoped3A_571, %dma_start3A_675] : memref<8x80xi32, #tpu.memory_space<vmem>> -> memref<1x80xi32, #tpu.memory_space<vmem>>
        %dma_start3A_677 = tpu.memref_squeeze %dma_start3A_676 : memref<1x80xi32, #tpu.memory_space<vmem>> -> memref<80xi32, #tpu.memory_space<vmem>>
        %dma_start3A_678 = arith.constant 0 : i32
        %dma_start3A_679 = arith.constant 0 : i32
        %dma_start3A_680 = tpu.memref_slice %arg18[%dma_start3A_678, %dma_start3A_679] : memref<10000x128xf32, #tpu.memory_space<vmem_shared>> -> memref<10000x128xf32, #tpu.memory_space<vmem_shared>>
        tpu.enqueue_indirect_dma source(%arg16 : memref<80x128xf32, #tpu.memory_space<vmem>>) target(%dma_start3A_680 : memref<10000x128xf32, #tpu.memory_space<vmem_shared>>) offsets(%dma_start3A_677 : memref<80xi32, #tpu.memory_space<vmem>>) semaphore(%run_scoped3A_674 : memref<!tpu.dma_semaphore, #tpu.memory_space<semaphore_mem>>) {add = true}
        %dma_wait3A_681 = arith.constant 0 : i32
        %dma_wait3A_682 = tpu.memref_slice %arg13[%run_scoped3A_571, %dma_wait3A_681] : memref<8x80xi32, #tpu.memory_space<vmem>> -> memref<1x80xi32, #tpu.memory_space<vmem>>
        %dma_wait3A_683 = tpu.memref_squeeze %dma_wait3A_682 : memref<1x80xi32, #tpu.memory_space<vmem>> -> memref<80xi32, #tpu.memory_space<vmem>>
        %dma_wait3A_684 = arith.constant 0 : i32
        %dma_wait3A_685 = arith.constant 0 : i32
        %dma_wait3A_686 = tpu.memref_slice %arg18[%dma_wait3A_684, %dma_wait3A_685] : memref<10000x128xf32, #tpu.memory_space<vmem_shared>> -> memref<10000x128xf32, #tpu.memory_space<vmem_shared>>
        tpu.wait_indirect_dma semaphore(%run_scoped3A_674 : memref<!tpu.dma_semaphore, #tpu.memory_space<semaphore_mem>>) src(%arg16 : memref<80x128xf32, #tpu.memory_space<vmem>>) dst(%dma_wait3A_686 : memref<10000x128xf32, #tpu.memory_space<vmem_shared>>)
        tpu.yield
      }) : () -> ()
      %dma_start3A_572 = arith.constant 6 : i32
      %dma_start3A_573 = arith.constant 0 : i32
      %dma_start3A_574 = tpu.memref_slice %arg10[%dma_start3A_572, %dma_start3A_573] : memref<8x80xi32, #tpu.memory_space<vmem>> -> memref<1x80xi32, #tpu.memory_space<vmem>>
      %dma_start3A_575 = tpu.memref_squeeze %dma_start3A_574 : memref<1x80xi32, #tpu.memory_space<vmem>> -> memref<80xi32, #tpu.memory_space<vmem>>
      %dma_start3A_576 = arith.constant 0 : i32
      %dma_start3A_577 = arith.constant 0 : i32
      %dma_start3A_578 = tpu.memref_slice %arg2[%dma_start3A_576, %dma_start3A_577] : memref<10000x128xf32, #tpu.memory_space<hbm>> -> memref<10000x128xf32, #tpu.memory_space<hbm>>
      tpu.enqueue_indirect_dma source(%dma_start3A_578 : memref<10000x128xf32, #tpu.memory_space<hbm>>) target(%arg16 : memref<80x128xf32, #tpu.memory_space<vmem>>) offsets(%dma_start3A_575 : memref<80xi32, #tpu.memory_space<vmem>>) semaphore(%arg24 : memref<!tpu.dma_semaphore, #tpu.memory_space<semaphore_mem>>)
      %mul3A_579 = arith.constant 8 : i32
      %mul3A_580 = arith.muli %add3A_497, %mul3A_579 : i32
      %add3A_581 = arith.constant 3 : i32
      %add3A_582 = arith.addi %mul3A_580, %add3A_581 : i32
      %dma_wait3A_583 = arith.constant 3 : i32
      %dma_wait3A_584 = arith.constant 0 : i32
      %dma_wait3A_585 = tpu.memref_slice %arg10[%dma_wait3A_583, %dma_wait3A_584] : memref<8x80xi32, #tpu.memory_space<vmem>> -> memref<1x80xi32, #tpu.memory_space<vmem>>
      %dma_wait3A_586 = tpu.memref_squeeze %dma_wait3A_585 : memref<1x80xi32, #tpu.memory_space<vmem>> -> memref<80xi32, #tpu.memory_space<vmem>>
      %dma_wait3A_587 = arith.constant 0 : i32
      %dma_wait3A_588 = arith.constant 0 : i32
      %dma_wait3A_589 = tpu.memref_slice %arg2[%dma_wait3A_587, %dma_wait3A_588] : memref<10000x128xf32, #tpu.memory_space<hbm>> -> memref<10000x128xf32, #tpu.memory_space<hbm>>
      tpu.wait_indirect_dma semaphore(%arg25 : memref<!tpu.dma_semaphore, #tpu.memory_space<semaphore_mem>>) src(%dma_wait3A_589 : memref<10000x128xf32, #tpu.memory_space<hbm>>) dst(%arg17 : memref<80x128xf32, #tpu.memory_space<vmem>>)
      %run_scoped3A_590 = arith.constant 3 : i32
      "tpu.region"() ({
        %run_scoped3A_674 = tpu.sem_alloc : memref<!tpu.dma_semaphore, #tpu.memory_space<semaphore_mem>>
        %dma_start3A_675 = arith.constant 0 : i32
        %dma_start3A_676 = tpu.memref_slice %arg13[%run_scoped3A_590, %dma_start3A_675] : memref<8x80xi32, #tpu.memory_space<vmem>> -> memref<1x80xi32, #tpu.memory_space<vmem>>
        %dma_start3A_677 = tpu.memref_squeeze %dma_start3A_676 : memref<1x80xi32, #tpu.memory_space<vmem>> -> memref<80xi32, #tpu.memory_space<vmem>>
        %dma_start3A_678 = arith.constant 0 : i32
        %dma_start3A_679 = arith.constant 0 : i32
        %dma_start3A_680 = tpu.memref_slice %arg18[%dma_start3A_678, %dma_start3A_679] : memref<10000x128xf32, #tpu.memory_space<vmem_shared>> -> memref<10000x128xf32, #tpu.memory_space<vmem_shared>>
        tpu.enqueue_indirect_dma source(%arg17 : memref<80x128xf32, #tpu.memory_space<vmem>>) target(%dma_start3A_680 : memref<10000x128xf32, #tpu.memory_space<vmem_shared>>) offsets(%dma_start3A_677 : memref<80xi32, #tpu.memory_space<vmem>>) semaphore(%run_scoped3A_674 : memref<!tpu.dma_semaphore, #tpu.memory_space<semaphore_mem>>) {add = true}
        %dma_wait3A_681 = arith.constant 0 : i32
        %dma_wait3A_682 = tpu.memref_slice %arg13[%run_scoped3A_590, %dma_wait3A_681] : memref<8x80xi32, #tpu.memory_space<vmem>> -> memref<1x80xi32, #tpu.memory_space<vmem>>
        %dma_wait3A_683 = tpu.memref_squeeze %dma_wait3A_682 : memref<1x80xi32, #tpu.memory_space<vmem>> -> memref<80xi32, #tpu.memory_space<vmem>>
        %dma_wait3A_684 = arith.constant 0 : i32
        %dma_wait3A_685 = arith.constant 0 : i32
        %dma_wait3A_686 = tpu.memref_slice %arg18[%dma_wait3A_684, %dma_wait3A_685] : memref<10000x128xf32, #tpu.memory_space<vmem_shared>> -> memref<10000x128xf32, #tpu.memory_space<vmem_shared>>
        tpu.wait_indirect_dma semaphore(%run_scoped3A_674 : memref<!tpu.dma_semaphore, #tpu.memory_space<semaphore_mem>>) src(%arg17 : memref<80x128xf32, #tpu.memory_space<vmem>>) dst(%dma_wait3A_686 : memref<10000x128xf32, #tpu.memory_space<vmem_shared>>)
        tpu.yield
      }) : () -> ()
      %dma_start3A_591 = arith.constant 7 : i32
      %dma_start3A_592 = arith.constant 0 : i32
      %dma_start3A_593 = tpu.memref_slice %arg10[%dma_start3A_591, %dma_start3A_592] : memref<8x80xi32, #tpu.memory_space<vmem>> -> memref<1x80xi32, #tpu.memory_space<vmem>>
      %dma_start3A_594 = tpu.memref_squeeze %dma_start3A_593 : memref<1x80xi32, #tpu.memory_space<vmem>> -> memref<80xi32, #tpu.memory_space<vmem>>
      %dma_start3A_595 = arith.constant 0 : i32
      %dma_start3A_596 = arith.constant 0 : i32
      %dma_start3A_597 = tpu.memref_slice %arg2[%dma_start3A_595, %dma_start3A_596] : memref<10000x128xf32, #tpu.memory_space<hbm>> -> memref<10000x128xf32, #tpu.memory_space<hbm>>
      tpu.enqueue_indirect_dma source(%dma_start3A_597 : memref<10000x128xf32, #tpu.memory_space<hbm>>) target(%arg17 : memref<80x128xf32, #tpu.memory_space<vmem>>) offsets(%dma_start3A_594 : memref<80xi32, #tpu.memory_space<vmem>>) semaphore(%arg25 : memref<!tpu.dma_semaphore, #tpu.memory_space<semaphore_mem>>)
      %mul3A_598 = arith.constant 8 : i32
      %mul3A_599 = arith.muli %add3A_497, %mul3A_598 : i32
      %add3A_600 = arith.constant 4 : i32
      %add3A_601 = arith.addi %mul3A_599, %add3A_600 : i32
      %dma_wait3A_602 = arith.constant 4 : i32
      %dma_wait3A_603 = arith.constant 0 : i32
      %dma_wait3A_604 = tpu.memref_slice %arg10[%dma_wait3A_602, %dma_wait3A_603] : memref<8x80xi32, #tpu.memory_space<vmem>> -> memref<1x80xi32, #tpu.memory_space<vmem>>
      %dma_wait3A_605 = tpu.memref_squeeze %dma_wait3A_604 : memref<1x80xi32, #tpu.memory_space<vmem>> -> memref<80xi32, #tpu.memory_space<vmem>>
      %dma_wait3A_606 = arith.constant 0 : i32
      %dma_wait3A_607 = arith.constant 0 : i32
      %dma_wait3A_608 = tpu.memref_slice %arg2[%dma_wait3A_606, %dma_wait3A_607] : memref<10000x128xf32, #tpu.memory_space<hbm>> -> memref<10000x128xf32, #tpu.memory_space<hbm>>
      tpu.wait_indirect_dma semaphore(%arg22 : memref<!tpu.dma_semaphore, #tpu.memory_space<semaphore_mem>>) src(%dma_wait3A_608 : memref<10000x128xf32, #tpu.memory_space<hbm>>) dst(%arg14 : memref<80x128xf32, #tpu.memory_space<vmem>>)
      %run_scoped3A_609 = arith.constant 4 : i32
      "tpu.region"() ({
        %run_scoped3A_674 = tpu.sem_alloc : memref<!tpu.dma_semaphore, #tpu.memory_space<semaphore_mem>>
        %dma_start3A_675 = arith.constant 0 : i32
        %dma_start3A_676 = tpu.memref_slice %arg13[%run_scoped3A_609, %dma_start3A_675] : memref<8x80xi32, #tpu.memory_space<vmem>> -> memref<1x80xi32, #tpu.memory_space<vmem>>
        %dma_start3A_677 = tpu.memref_squeeze %dma_start3A_676 : memref<1x80xi32, #tpu.memory_space<vmem>> -> memref<80xi32, #tpu.memory_space<vmem>>
        %dma_start3A_678 = arith.constant 0 : i32
        %dma_start3A_679 = arith.constant 0 : i32
        %dma_start3A_680 = tpu.memref_slice %arg18[%dma_start3A_678, %dma_start3A_679] : memref<10000x128xf32, #tpu.memory_space<vmem_shared>> -> memref<10000x128xf32, #tpu.memory_space<vmem_shared>>
        tpu.enqueue_indirect_dma source(%arg14 : memref<80x128xf32, #tpu.memory_space<vmem>>) target(%dma_start3A_680 : memref<10000x128xf32, #tpu.memory_space<vmem_shared>>) offsets(%dma_start3A_677 : memref<80xi32, #tpu.memory_space<vmem>>) semaphore(%run_scoped3A_674 : memref<!tpu.dma_semaphore, #tpu.memory_space<semaphore_mem>>) {add = true}
        %dma_wait3A_681 = arith.constant 0 : i32
        %dma_wait3A_682 = tpu.memref_slice %arg13[%run_scoped3A_609, %dma_wait3A_681] : memref<8x80xi32, #tpu.memory_space<vmem>> -> memref<1x80xi32, #tpu.memory_space<vmem>>
        %dma_wait3A_683 = tpu.memref_squeeze %dma_wait3A_682 : memref<1x80xi32, #tpu.memory_space<vmem>> -> memref<80xi32, #tpu.memory_space<vmem>>
        %dma_wait3A_684 = arith.constant 0 : i32
        %dma_wait3A_685 = arith.constant 0 : i32
        %dma_wait3A_686 = tpu.memref_slice %arg18[%dma_wait3A_684, %dma_wait3A_685] : memref<10000x128xf32, #tpu.memory_space<vmem_shared>> -> memref<10000x128xf32, #tpu.memory_space<vmem_shared>>
        tpu.wait_indirect_dma semaphore(%run_scoped3A_674 : memref<!tpu.dma_semaphore, #tpu.memory_space<semaphore_mem>>) src(%arg14 : memref<80x128xf32, #tpu.memory_space<vmem>>) dst(%dma_wait3A_686 : memref<10000x128xf32, #tpu.memory_space<vmem_shared>>)
        tpu.yield
      }) : () -> ()
      %dma_start3A_610 = arith.constant 0 : i32
      %dma_start3A_611 = arith.constant 0 : i32
      %dma_start3A_612 = tpu.memref_slice %arg8[%dma_start3A_610, %dma_start3A_611] : memref<8x80xi32, #tpu.memory_space<vmem>> -> memref<1x80xi32, #tpu.memory_space<vmem>>
      %dma_start3A_613 = tpu.memref_squeeze %dma_start3A_612 : memref<1x80xi32, #tpu.memory_space<vmem>> -> memref<80xi32, #tpu.memory_space<vmem>>
      %dma_start3A_614 = arith.constant 0 : i32
      %dma_start3A_615 = arith.constant 0 : i32
      %dma_start3A_616 = tpu.memref_slice %arg2[%dma_start3A_614, %dma_start3A_615] : memref<10000x128xf32, #tpu.memory_space<hbm>> -> memref<10000x128xf32, #tpu.memory_space<hbm>>
      tpu.enqueue_indirect_dma source(%dma_start3A_616 : memref<10000x128xf32, #tpu.memory_space<hbm>>) target(%arg14 : memref<80x128xf32, #tpu.memory_space<vmem>>) offsets(%dma_start3A_613 : memref<80xi32, #tpu.memory_space<vmem>>) semaphore(%arg22 : memref<!tpu.dma_semaphore, #tpu.memory_space<semaphore_mem>>)
      %mul3A_617 = arith.constant 8 : i32
      %mul3A_618 = arith.muli %add3A_497, %mul3A_617 : i32
      %add3A_619 = arith.constant 5 : i32
      %add3A_620 = arith.addi %mul3A_618, %add3A_619 : i32
      %dma_wait3A_621 = arith.constant 5 : i32
      %dma_wait3A_622 = arith.constant 0 : i32
      %dma_wait3A_623 = tpu.memref_slice %arg10[%dma_wait3A_621, %dma_wait3A_622] : memref<8x80xi32, #tpu.memory_space<vmem>> -> memref<1x80xi32, #tpu.memory_space<vmem>>
      %dma_wait3A_624 = tpu.memref_squeeze %dma_wait3A_623 : memref<1x80xi32, #tpu.memory_space<vmem>> -> memref<80xi32, #tpu.memory_space<vmem>>
      %dma_wait3A_625 = arith.constant 0 : i32
      %dma_wait3A_626 = arith.constant 0 : i32
      %dma_wait3A_627 = tpu.memref_slice %arg2[%dma_wait3A_625, %dma_wait3A_626] : memref<10000x128xf32, #tpu.memory_space<hbm>> -> memref<10000x128xf32, #tpu.memory_space<hbm>>
      tpu.wait_indirect_dma semaphore(%arg23 : memref<!tpu.dma_semaphore, #tpu.memory_space<semaphore_mem>>) src(%dma_wait3A_627 : memref<10000x128xf32, #tpu.memory_space<hbm>>) dst(%arg15 : memref<80x128xf32, #tpu.memory_space<vmem>>)
      %run_scoped3A_628 = arith.constant 5 : i32
      "tpu.region"() ({
        %run_scoped3A_674 = tpu.sem_alloc : memref<!tpu.dma_semaphore, #tpu.memory_space<semaphore_mem>>
        %dma_start3A_675 = arith.constant 0 : i32
        %dma_start3A_676 = tpu.memref_slice %arg13[%run_scoped3A_628, %dma_start3A_675] : memref<8x80xi32, #tpu.memory_space<vmem>> -> memref<1x80xi32, #tpu.memory_space<vmem>>
        %dma_start3A_677 = tpu.memref_squeeze %dma_start3A_676 : memref<1x80xi32, #tpu.memory_space<vmem>> -> memref<80xi32, #tpu.memory_space<vmem>>
        %dma_start3A_678 = arith.constant 0 : i32
        %dma_start3A_679 = arith.constant 0 : i32
        %dma_start3A_680 = tpu.memref_slice %arg18[%dma_start3A_678, %dma_start3A_679] : memref<10000x128xf32, #tpu.memory_space<vmem_shared>> -> memref<10000x128xf32, #tpu.memory_space<vmem_shared>>
        tpu.enqueue_indirect_dma source(%arg15 : memref<80x128xf32, #tpu.memory_space<vmem>>) target(%dma_start3A_680 : memref<10000x128xf32, #tpu.memory_space<vmem_shared>>) offsets(%dma_start3A_677 : memref<80xi32, #tpu.memory_space<vmem>>) semaphore(%run_scoped3A_674 : memref<!tpu.dma_semaphore, #tpu.memory_space<semaphore_mem>>) {add = true}
        %dma_wait3A_681 = arith.constant 0 : i32
        %dma_wait3A_682 = tpu.memref_slice %arg13[%run_scoped3A_628, %dma_wait3A_681] : memref<8x80xi32, #tpu.memory_space<vmem>> -> memref<1x80xi32, #tpu.memory_space<vmem>>
        %dma_wait3A_683 = tpu.memref_squeeze %dma_wait3A_682 : memref<1x80xi32, #tpu.memory_space<vmem>> -> memref<80xi32, #tpu.memory_space<vmem>>
        %dma_wait3A_684 = arith.constant 0 : i32
        %dma_wait3A_685 = arith.constant 0 : i32
        %dma_wait3A_686 = tpu.memref_slice %arg18[%dma_wait3A_684, %dma_wait3A_685] : memref<10000x128xf32, #tpu.memory_space<vmem_shared>> -> memref<10000x128xf32, #tpu.memory_space<vmem_shared>>
        tpu.wait_indirect_dma semaphore(%run_scoped3A_674 : memref<!tpu.dma_semaphore, #tpu.memory_space<semaphore_mem>>) src(%arg15 : memref<80x128xf32, #tpu.memory_space<vmem>>) dst(%dma_wait3A_686 : memref<10000x128xf32, #tpu.memory_space<vmem_shared>>)
        tpu.yield
      }) : () -> ()
      %dma_start3A_629 = arith.constant 1 : i32
      %dma_start3A_630 = arith.constant 0 : i32
      %dma_start3A_631 = tpu.memref_slice %arg8[%dma_start3A_629, %dma_start3A_630] : memref<8x80xi32, #tpu.memory_space<vmem>> -> memref<1x80xi32, #tpu.memory_space<vmem>>
      %dma_start3A_632 = tpu.memref_squeeze %dma_start3A_631 : memref<1x80xi32, #tpu.memory_space<vmem>> -> memref<80xi32, #tpu.memory_space<vmem>>
      %dma_start3A_633 = arith.constant 0 : i32
      %dma_start3A_634 = arith.constant 0 : i32
      %dma_start3A_635 = tpu.memref_slice %arg2[%dma_start3A_633, %dma_start3A_634] : memref<10000x128xf32, #tpu.memory_space<hbm>> -> memref<10000x128xf32, #tpu.memory_space<hbm>>
      tpu.enqueue_indirect_dma source(%dma_start3A_635 : memref<10000x128xf32, #tpu.memory_space<hbm>>) target(%arg15 : memref<80x128xf32, #tpu.memory_space<vmem>>) offsets(%dma_start3A_632 : memref<80xi32, #tpu.memory_space<vmem>>) semaphore(%arg23 : memref<!tpu.dma_semaphore, #tpu.memory_space<semaphore_mem>>)
      %mul3A_636 = arith.constant 8 : i32
      %mul3A_637 = arith.muli %add3A_497, %mul3A_636 : i32
      %add3A_638 = arith.constant 6 : i32
      %add3A_639 = arith.addi %mul3A_637, %add3A_638 : i32
      %dma_wait3A_640 = arith.constant 6 : i32
      %dma_wait3A_641 = arith.constant 0 : i32
      %dma_wait3A_642 = tpu.memref_slice %arg10[%dma_wait3A_640, %dma_wait3A_641] : memref<8x80xi32, #tpu.memory_space<vmem>> -> memref<1x80xi32, #tpu.memory_space<vmem>>
      %dma_wait3A_643 = tpu.memref_squeeze %dma_wait3A_642 : memref<1x80xi32, #tpu.memory_space<vmem>> -> memref<80xi32, #tpu.memory_space<vmem>>
      %dma_wait3A_644 = arith.constant 0 : i32
      %dma_wait3A_645 = arith.constant 0 : i32
      %dma_wait3A_646 = tpu.memref_slice %arg2[%dma_wait3A_644, %dma_wait3A_645] : memref<10000x128xf32, #tpu.memory_space<hbm>> -> memref<10000x128xf32, #tpu.memory_space<hbm>>
      tpu.wait_indirect_dma semaphore(%arg24 : memref<!tpu.dma_semaphore, #tpu.memory_space<semaphore_mem>>) src(%dma_wait3A_646 : memref<10000x128xf32, #tpu.memory_space<hbm>>) dst(%arg16 : memref<80x128xf32, #tpu.memory_space<vmem>>)
      %run_scoped3A_647 = arith.constant 6 : i32
      "tpu.region"() ({
        %run_scoped3A_674 = tpu.sem_alloc : memref<!tpu.dma_semaphore, #tpu.memory_space<semaphore_mem>>
        %dma_start3A_675 = arith.constant 0 : i32
        %dma_start3A_676 = tpu.memref_slice %arg13[%run_scoped3A_647, %dma_start3A_675] : memref<8x80xi32, #tpu.memory_space<vmem>> -> memref<1x80xi32, #tpu.memory_space<vmem>>
        %dma_start3A_677 = tpu.memref_squeeze %dma_start3A_676 : memref<1x80xi32, #tpu.memory_space<vmem>> -> memref<80xi32, #tpu.memory_space<vmem>>
        %dma_start3A_678 = arith.constant 0 : i32
        %dma_start3A_679 = arith.constant 0 : i32
        %dma_start3A_680 = tpu.memref_slice %arg18[%dma_start3A_678, %dma_start3A_679] : memref<10000x128xf32, #tpu.memory_space<vmem_shared>> -> memref<10000x128xf32, #tpu.memory_space<vmem_shared>>
        tpu.enqueue_indirect_dma source(%arg16 : memref<80x128xf32, #tpu.memory_space<vmem>>) target(%dma_start3A_680 : memref<10000x128xf32, #tpu.memory_space<vmem_shared>>) offsets(%dma_start3A_677 : memref<80xi32, #tpu.memory_space<vmem>>) semaphore(%run_scoped3A_674 : memref<!tpu.dma_semaphore, #tpu.memory_space<semaphore_mem>>) {add = true}
        %dma_wait3A_681 = arith.constant 0 : i32
        %dma_wait3A_682 = tpu.memref_slice %arg13[%run_scoped3A_647, %dma_wait3A_681] : memref<8x80xi32, #tpu.memory_space<vmem>> -> memref<1x80xi32, #tpu.memory_space<vmem>>
        %dma_wait3A_683 = tpu.memref_squeeze %dma_wait3A_682 : memref<1x80xi32, #tpu.memory_space<vmem>> -> memref<80xi32, #tpu.memory_space<vmem>>
        %dma_wait3A_684 = arith.constant 0 : i32
        %dma_wait3A_685 = arith.constant 0 : i32
        %dma_wait3A_686 = tpu.memref_slice %arg18[%dma_wait3A_684, %dma_wait3A_685] : memref<10000x128xf32, #tpu.memory_space<vmem_shared>> -> memref<10000x128xf32, #tpu.memory_space<vmem_shared>>
        tpu.wait_indirect_dma semaphore(%run_scoped3A_674 : memref<!tpu.dma_semaphore, #tpu.memory_space<semaphore_mem>>) src(%arg16 : memref<80x128xf32, #tpu.memory_space<vmem>>) dst(%dma_wait3A_686 : memref<10000x128xf32, #tpu.memory_space<vmem_shared>>)
        tpu.yield
      }) : () -> ()
      %dma_start3A_648 = arith.constant 2 : i32
      %dma_start3A_649 = arith.constant 0 : i32
      %dma_start3A_650 = tpu.memref_slice %arg8[%dma_start3A_648, %dma_start3A_649] : memref<8x80xi32, #tpu.memory_space<vmem>> -> memref<1x80xi32, #tpu.memory_space<vmem>>
      %dma_start3A_651 = tpu.memref_squeeze %dma_start3A_650 : memref<1x80xi32, #tpu.memory_space<vmem>> -> memref<80xi32, #tpu.memory_space<vmem>>
      %dma_start3A_652 = arith.constant 0 : i32
      %dma_start3A_653 = arith.constant 0 : i32
      %dma_start3A_654 = tpu.memref_slice %arg2[%dma_start3A_652, %dma_start3A_653] : memref<10000x128xf32, #tpu.memory_space<hbm>> -> memref<10000x128xf32, #tpu.memory_space<hbm>>
      tpu.enqueue_indirect_dma source(%dma_start3A_654 : memref<10000x128xf32, #tpu.memory_space<hbm>>) target(%arg16 : memref<80x128xf32, #tpu.memory_space<vmem>>) offsets(%dma_start3A_651 : memref<80xi32, #tpu.memory_space<vmem>>) semaphore(%arg24 : memref<!tpu.dma_semaphore, #tpu.memory_space<semaphore_mem>>)
      %mul3A_655 = arith.constant 8 : i32
      %mul3A_656 = arith.muli %add3A_497, %mul3A_655 : i32
      %add3A_657 = arith.constant 7 : i32
      %add3A_658 = arith.addi %mul3A_656, %add3A_657 : i32
      %dma_wait3A_659 = arith.constant 7 : i32
      %dma_wait3A_660 = arith.constant 0 : i32
      %dma_wait3A_661 = tpu.memref_slice %arg10[%dma_wait3A_659, %dma_wait3A_660] : memref<8x80xi32, #tpu.memory_space<vmem>> -> memref<1x80xi32, #tpu.memory_space<vmem>>
      %dma_wait3A_662 = tpu.memref_squeeze %dma_wait3A_661 : memref<1x80xi32, #tpu.memory_space<vmem>> -> memref<80xi32, #tpu.memory_space<vmem>>
      %dma_wait3A_663 = arith.constant 0 : i32
      %dma_wait3A_664 = arith.constant 0 : i32
      %dma_wait3A_665 = tpu.memref_slice %arg2[%dma_wait3A_663, %dma_wait3A_664] : memref<10000x128xf32, #tpu.memory_space<hbm>> -> memref<10000x128xf32, #tpu.memory_space<hbm>>
      tpu.wait_indirect_dma semaphore(%arg25 : memref<!tpu.dma_semaphore, #tpu.memory_space<semaphore_mem>>) src(%dma_wait3A_665 : memref<10000x128xf32, #tpu.memory_space<hbm>>) dst(%arg17 : memref<80x128xf32, #tpu.memory_space<vmem>>)
      %run_scoped3A_666 = arith.constant 7 : i32
      "tpu.region"() ({
        %run_scoped3A_674 = tpu.sem_alloc : memref<!tpu.dma_semaphore, #tpu.memory_space<semaphore_mem>>
        %dma_start3A_675 = arith.constant 0 : i32
        %dma_start3A_676 = tpu.memref_slice %arg13[%run_scoped3A_666, %dma_start3A_675] : memref<8x80xi32, #tpu.memory_space<vmem>> -> memref<1x80xi32, #tpu.memory_space<vmem>>
        %dma_start3A_677 = tpu.memref_squeeze %dma_start3A_676 : memref<1x80xi32, #tpu.memory_space<vmem>> -> memref<80xi32, #tpu.memory_space<vmem>>
        %dma_start3A_678 = arith.constant 0 : i32
        %dma_start3A_679 = arith.constant 0 : i32
        %dma_start3A_680 = tpu.memref_slice %arg18[%dma_start3A_678, %dma_start3A_679] : memref<10000x128xf32, #tpu.memory_space<vmem_shared>> -> memref<10000x128xf32, #tpu.memory_space<vmem_shared>>
        tpu.enqueue_indirect_dma source(%arg17 : memref<80x128xf32, #tpu.memory_space<vmem>>) target(%dma_start3A_680 : memref<10000x128xf32, #tpu.memory_space<vmem_shared>>) offsets(%dma_start3A_677 : memref<80xi32, #tpu.memory_space<vmem>>) semaphore(%run_scoped3A_674 : memref<!tpu.dma_semaphore, #tpu.memory_space<semaphore_mem>>) {add = true}
        %dma_wait3A_681 = arith.constant 0 : i32
        %dma_wait3A_682 = tpu.memref_slice %arg13[%run_scoped3A_666, %dma_wait3A_681] : memref<8x80xi32, #tpu.memory_space<vmem>> -> memref<1x80xi32, #tpu.memory_space<vmem>>
        %dma_wait3A_683 = tpu.memref_squeeze %dma_wait3A_682 : memref<1x80xi32, #tpu.memory_space<vmem>> -> memref<80xi32, #tpu.memory_space<vmem>>
        %dma_wait3A_684 = arith.constant 0 : i32
        %dma_wait3A_685 = arith.constant 0 : i32
        %dma_wait3A_686 = tpu.memref_slice %arg18[%dma_wait3A_684, %dma_wait3A_685] : memref<10000x128xf32, #tpu.memory_space<vmem_shared>> -> memref<10000x128xf32, #tpu.memory_space<vmem_shared>>
        tpu.wait_indirect_dma semaphore(%run_scoped3A_674 : memref<!tpu.dma_semaphore, #tpu.memory_space<semaphore_mem>>) src(%arg17 : memref<80x128xf32, #tpu.memory_space<vmem>>) dst(%dma_wait3A_686 : memref<10000x128xf32, #tpu.memory_space<vmem_shared>>)
        tpu.yield
      }) : () -> ()
      %dma_start3A_667 = arith.constant 3 : i32
      %dma_start3A_668 = arith.constant 0 : i32
      %dma_start3A_669 = tpu.memref_slice %arg8[%dma_start3A_667, %dma_start3A_668] : memref<8x80xi32, #tpu.memory_space<vmem>> -> memref<1x80xi32, #tpu.memory_space<vmem>>
      %dma_start3A_670 = tpu.memref_squeeze %dma_start3A_669 : memref<1x80xi32, #tpu.memory_space<vmem>> -> memref<80xi32, #tpu.memory_space<vmem>>
      %dma_start3A_671 = arith.constant 0 : i32
      %dma_start3A_672 = arith.constant 0 : i32
      %dma_start3A_673 = tpu.memref_slice %arg2[%dma_start3A_671, %dma_start3A_672] : memref<10000x128xf32, #tpu.memory_space<hbm>> -> memref<10000x128xf32, #tpu.memory_space<hbm>>
      tpu.enqueue_indirect_dma source(%dma_start3A_673 : memref<10000x128xf32, #tpu.memory_space<hbm>>) target(%arg17 : memref<80x128xf32, #tpu.memory_space<vmem>>) offsets(%dma_start3A_670 : memref<80xi32, #tpu.memory_space<vmem>>) semaphore(%arg25 : memref<!tpu.dma_semaphore, #tpu.memory_space<semaphore_mem>>)
    }
    %scan3A_76 = arith.constant 5 : i32
    %dma_wait3A_77 = arith.constant 0 : i32
    %dma_wait3A_78 = arith.constant 0 : i32
    %dma_wait3A_79 = tpu.memref_slice %arg8[%dma_wait3A_77, %dma_wait3A_78] : memref<8x80xi32, #tpu.memory_space<vmem>> -> memref<1x80xi32, #tpu.memory_space<vmem>>
    %dma_wait3A_80 = tpu.memref_squeeze %dma_wait3A_79 : memref<1x80xi32, #tpu.memory_space<vmem>> -> memref<80xi32, #tpu.memory_space<vmem>>
    %dma_wait3A_81 = arith.constant 0 : i32
    %dma_wait3A_82 = arith.constant 0 : i32
    %dma_wait3A_83 = tpu.memref_slice %arg2[%dma_wait3A_81, %dma_wait3A_82] : memref<10000x128xf32, #tpu.memory_space<hbm>> -> memref<10000x128xf32, #tpu.memory_space<hbm>>
    tpu.wait_indirect_dma semaphore(%arg22 : memref<!tpu.dma_semaphore, #tpu.memory_space<semaphore_mem>>) src(%dma_wait3A_83 : memref<10000x128xf32, #tpu.memory_space<hbm>>) dst(%arg14 : memref<80x128xf32, #tpu.memory_space<vmem>>)
    %run_scoped3A = arith.constant 0 : i32
    "tpu.region"() ({
      %run_scoped3A_134 = tpu.sem_alloc : memref<!tpu.dma_semaphore, #tpu.memory_space<semaphore_mem>>
      %dma_start3A_135 = arith.constant 0 : i32
      %dma_start3A_136 = tpu.memref_slice %arg11[%run_scoped3A, %dma_start3A_135] : memref<8x80xi32, #tpu.memory_space<vmem>> -> memref<1x80xi32, #tpu.memory_space<vmem>>
      %dma_start3A_137 = tpu.memref_squeeze %dma_start3A_136 : memref<1x80xi32, #tpu.memory_space<vmem>> -> memref<80xi32, #tpu.memory_space<vmem>>
      %dma_start3A_138 = arith.constant 0 : i32
      %dma_start3A_139 = arith.constant 0 : i32
      %dma_start3A_140 = tpu.memref_slice %arg18[%dma_start3A_138, %dma_start3A_139] : memref<10000x128xf32, #tpu.memory_space<vmem_shared>> -> memref<10000x128xf32, #tpu.memory_space<vmem_shared>>
      tpu.enqueue_indirect_dma source(%arg14 : memref<80x128xf32, #tpu.memory_space<vmem>>) target(%dma_start3A_140 : memref<10000x128xf32, #tpu.memory_space<vmem_shared>>) offsets(%dma_start3A_137 : memref<80xi32, #tpu.memory_space<vmem>>) semaphore(%run_scoped3A_134 : memref<!tpu.dma_semaphore, #tpu.memory_space<semaphore_mem>>) {add = true}
      %dma_wait3A_141 = arith.constant 0 : i32
      %dma_wait3A_142 = tpu.memref_slice %arg11[%run_scoped3A, %dma_wait3A_141] : memref<8x80xi32, #tpu.memory_space<vmem>> -> memref<1x80xi32, #tpu.memory_space<vmem>>
      %dma_wait3A_143 = tpu.memref_squeeze %dma_wait3A_142 : memref<1x80xi32, #tpu.memory_space<vmem>> -> memref<80xi32, #tpu.memory_space<vmem>>
      %dma_wait3A_144 = arith.constant 0 : i32
      %dma_wait3A_145 = arith.constant 0 : i32
      %dma_wait3A_146 = tpu.memref_slice %arg18[%dma_wait3A_144, %dma_wait3A_145] : memref<10000x128xf32, #tpu.memory_space<vmem_shared>> -> memref<10000x128xf32, #tpu.memory_space<vmem_shared>>
      tpu.wait_indirect_dma semaphore(%run_scoped3A_134 : memref<!tpu.dma_semaphore, #tpu.memory_space<semaphore_mem>>) src(%arg14 : memref<80x128xf32, #tpu.memory_space<vmem>>) dst(%dma_wait3A_146 : memref<10000x128xf32, #tpu.memory_space<vmem_shared>>)
      tpu.yield
    }) : () -> ()
    %dma_start3A_84 = arith.constant 4 : i32
    %dma_start3A_85 = arith.constant 0 : i32
    %dma_start3A_86 = tpu.memref_slice %arg8[%dma_start3A_84, %dma_start3A_85] : memref<8x80xi32, #tpu.memory_space<vmem>> -> memref<1x80xi32, #tpu.memory_space<vmem>>
    %dma_start3A_87 = tpu.memref_squeeze %dma_start3A_86 : memref<1x80xi32, #tpu.memory_space<vmem>> -> memref<80xi32, #tpu.memory_space<vmem>>
    %dma_start3A_88 = arith.constant 0 : i32
    %dma_start3A_89 = arith.constant 0 : i32
    %dma_start3A_90 = tpu.memref_slice %arg2[%dma_start3A_88, %dma_start3A_89] : memref<10000x128xf32, #tpu.memory_space<hbm>> -> memref<10000x128xf32, #tpu.memory_space<hbm>>
    tpu.enqueue_indirect_dma source(%dma_start3A_90 : memref<10000x128xf32, #tpu.memory_space<hbm>>) target(%arg14 : memref<80x128xf32, #tpu.memory_space<vmem>>) offsets(%dma_start3A_87 : memref<80xi32, #tpu.memory_space<vmem>>) semaphore(%arg22 : memref<!tpu.dma_semaphore, #tpu.memory_space<semaphore_mem>>)
    %dma_wait3A_91 = arith.constant 1 : i32
    %dma_wait3A_92 = arith.constant 0 : i32
    %dma_wait3A_93 = tpu.memref_slice %arg8[%dma_wait3A_91, %dma_wait3A_92] : memref<8x80xi32, #tpu.memory_space<vmem>> -> memref<1x80xi32, #tpu.memory_space<vmem>>
    %dma_wait3A_94 = tpu.memref_squeeze %dma_wait3A_93 : memref<1x80xi32, #tpu.memory_space<vmem>> -> memref<80xi32, #tpu.memory_space<vmem>>
    %dma_wait3A_95 = arith.constant 0 : i32
    %dma_wait3A_96 = arith.constant 0 : i32
    %dma_wait3A_97 = tpu.memref_slice %arg2[%dma_wait3A_95, %dma_wait3A_96] : memref<10000x128xf32, #tpu.memory_space<hbm>> -> memref<10000x128xf32, #tpu.memory_space<hbm>>
    tpu.wait_indirect_dma semaphore(%arg23 : memref<!tpu.dma_semaphore, #tpu.memory_space<semaphore_mem>>) src(%dma_wait3A_97 : memref<10000x128xf32, #tpu.memory_space<hbm>>) dst(%arg15 : memref<80x128xf32, #tpu.memory_space<vmem>>)
    %run_scoped3A_98 = arith.constant 1 : i32
    "tpu.region"() ({
      %run_scoped3A_134 = tpu.sem_alloc : memref<!tpu.dma_semaphore, #tpu.memory_space<semaphore_mem>>
      %dma_start3A_135 = arith.constant 0 : i32
      %dma_start3A_136 = tpu.memref_slice %arg11[%run_scoped3A_98, %dma_start3A_135] : memref<8x80xi32, #tpu.memory_space<vmem>> -> memref<1x80xi32, #tpu.memory_space<vmem>>
      %dma_start3A_137 = tpu.memref_squeeze %dma_start3A_136 : memref<1x80xi32, #tpu.memory_space<vmem>> -> memref<80xi32, #tpu.memory_space<vmem>>
      %dma_start3A_138 = arith.constant 0 : i32
      %dma_start3A_139 = arith.constant 0 : i32
      %dma_start3A_140 = tpu.memref_slice %arg18[%dma_start3A_138, %dma_start3A_139] : memref<10000x128xf32, #tpu.memory_space<vmem_shared>> -> memref<10000x128xf32, #tpu.memory_space<vmem_shared>>
      tpu.enqueue_indirect_dma source(%arg15 : memref<80x128xf32, #tpu.memory_space<vmem>>) target(%dma_start3A_140 : memref<10000x128xf32, #tpu.memory_space<vmem_shared>>) offsets(%dma_start3A_137 : memref<80xi32, #tpu.memory_space<vmem>>) semaphore(%run_scoped3A_134 : memref<!tpu.dma_semaphore, #tpu.memory_space<semaphore_mem>>) {add = true}
      %dma_wait3A_141 = arith.constant 0 : i32
      %dma_wait3A_142 = tpu.memref_slice %arg11[%run_scoped3A_98, %dma_wait3A_141] : memref<8x80xi32, #tpu.memory_space<vmem>> -> memref<1x80xi32, #tpu.memory_space<vmem>>
      %dma_wait3A_143 = tpu.memref_squeeze %dma_wait3A_142 : memref<1x80xi32, #tpu.memory_space<vmem>> -> memref<80xi32, #tpu.memory_space<vmem>>
      %dma_wait3A_144 = arith.constant 0 : i32
      %dma_wait3A_145 = arith.constant 0 : i32
      %dma_wait3A_146 = tpu.memref_slice %arg18[%dma_wait3A_144, %dma_wait3A_145] : memref<10000x128xf32, #tpu.memory_space<vmem_shared>> -> memref<10000x128xf32, #tpu.memory_space<vmem_shared>>
      tpu.wait_indirect_dma semaphore(%run_scoped3A_134 : memref<!tpu.dma_semaphore, #tpu.memory_space<semaphore_mem>>) src(%arg15 : memref<80x128xf32, #tpu.memory_space<vmem>>) dst(%dma_wait3A_146 : memref<10000x128xf32, #tpu.memory_space<vmem_shared>>)
      tpu.yield
    }) : () -> ()
    %dma_wait3A_99 = arith.constant 2 : i32
    %dma_wait3A_100 = arith.constant 0 : i32
    %dma_wait3A_101 = tpu.memref_slice %arg8[%dma_wait3A_99, %dma_wait3A_100] : memref<8x80xi32, #tpu.memory_space<vmem>> -> memref<1x80xi32, #tpu.memory_space<vmem>>
    %dma_wait3A_102 = tpu.memref_squeeze %dma_wait3A_101 : memref<1x80xi32, #tpu.memory_space<vmem>> -> memref<80xi32, #tpu.memory_space<vmem>>
    %dma_wait3A_103 = arith.constant 0 : i32
    %dma_wait3A_104 = arith.constant 0 : i32
    %dma_wait3A_105 = tpu.memref_slice %arg2[%dma_wait3A_103, %dma_wait3A_104] : memref<10000x128xf32, #tpu.memory_space<hbm>> -> memref<10000x128xf32, #tpu.memory_space<hbm>>
    tpu.wait_indirect_dma semaphore(%arg24 : memref<!tpu.dma_semaphore, #tpu.memory_space<semaphore_mem>>) src(%dma_wait3A_105 : memref<10000x128xf32, #tpu.memory_space<hbm>>) dst(%arg16 : memref<80x128xf32, #tpu.memory_space<vmem>>)
    %run_scoped3A_106 = arith.constant 2 : i32
    "tpu.region"() ({
      %run_scoped3A_134 = tpu.sem_alloc : memref<!tpu.dma_semaphore, #tpu.memory_space<semaphore_mem>>
      %dma_start3A_135 = arith.constant 0 : i32
      %dma_start3A_136 = tpu.memref_slice %arg11[%run_scoped3A_106, %dma_start3A_135] : memref<8x80xi32, #tpu.memory_space<vmem>> -> memref<1x80xi32, #tpu.memory_space<vmem>>
      %dma_start3A_137 = tpu.memref_squeeze %dma_start3A_136 : memref<1x80xi32, #tpu.memory_space<vmem>> -> memref<80xi32, #tpu.memory_space<vmem>>
      %dma_start3A_138 = arith.constant 0 : i32
      %dma_start3A_139 = arith.constant 0 : i32
      %dma_start3A_140 = tpu.memref_slice %arg18[%dma_start3A_138, %dma_start3A_139] : memref<10000x128xf32, #tpu.memory_space<vmem_shared>> -> memref<10000x128xf32, #tpu.memory_space<vmem_shared>>
      tpu.enqueue_indirect_dma source(%arg16 : memref<80x128xf32, #tpu.memory_space<vmem>>) target(%dma_start3A_140 : memref<10000x128xf32, #tpu.memory_space<vmem_shared>>) offsets(%dma_start3A_137 : memref<80xi32, #tpu.memory_space<vmem>>) semaphore(%run_scoped3A_134 : memref<!tpu.dma_semaphore, #tpu.memory_space<semaphore_mem>>) {add = true}
      %dma_wait3A_141 = arith.constant 0 : i32
      %dma_wait3A_142 = tpu.memref_slice %arg11[%run_scoped3A_106, %dma_wait3A_141] : memref<8x80xi32, #tpu.memory_space<vmem>> -> memref<1x80xi32, #tpu.memory_space<vmem>>
      %dma_wait3A_143 = tpu.memref_squeeze %dma_wait3A_142 : memref<1x80xi32, #tpu.memory_space<vmem>> -> memref<80xi32, #tpu.memory_space<vmem>>
      %dma_wait3A_144 = arith.constant 0 : i32
      %dma_wait3A_145 = arith.constant 0 : i32
      %dma_wait3A_146 = tpu.memref_slice %arg18[%dma_wait3A_144, %dma_wait3A_145] : memref<10000x128xf32, #tpu.memory_space<vmem_shared>> -> memref<10000x128xf32, #tpu.memory_space<vmem_shared>>
      tpu.wait_indirect_dma semaphore(%run_scoped3A_134 : memref<!tpu.dma_semaphore, #tpu.memory_space<semaphore_mem>>) src(%arg16 : memref<80x128xf32, #tpu.memory_space<vmem>>) dst(%dma_wait3A_146 : memref<10000x128xf32, #tpu.memory_space<vmem_shared>>)
      tpu.yield
    }) : () -> ()
    %dma_wait3A_107 = arith.constant 3 : i32
    %dma_wait3A_108 = arith.constant 0 : i32
    %dma_wait3A_109 = tpu.memref_slice %arg8[%dma_wait3A_107, %dma_wait3A_108] : memref<8x80xi32, #tpu.memory_space<vmem>> -> memref<1x80xi32, #tpu.memory_space<vmem>>
    %dma_wait3A_110 = tpu.memref_squeeze %dma_wait3A_109 : memref<1x80xi32, #tpu.memory_space<vmem>> -> memref<80xi32, #tpu.memory_space<vmem>>
    %dma_wait3A_111 = arith.constant 0 : i32
    %dma_wait3A_112 = arith.constant 0 : i32
    %dma_wait3A_113 = tpu.memref_slice %arg2[%dma_wait3A_111, %dma_wait3A_112] : memref<10000x128xf32, #tpu.memory_space<hbm>> -> memref<10000x128xf32, #tpu.memory_space<hbm>>
    tpu.wait_indirect_dma semaphore(%arg25 : memref<!tpu.dma_semaphore, #tpu.memory_space<semaphore_mem>>) src(%dma_wait3A_113 : memref<10000x128xf32, #tpu.memory_space<hbm>>) dst(%arg17 : memref<80x128xf32, #tpu.memory_space<vmem>>)
    %run_scoped3A_114 = arith.constant 3 : i32
    "tpu.region"() ({
      %run_scoped3A_134 = tpu.sem_alloc : memref<!tpu.dma_semaphore, #tpu.memory_space<semaphore_mem>>
      %dma_start3A_135 = arith.constant 0 : i32
      %dma_start3A_136 = tpu.memref_slice %arg11[%run_scoped3A_114, %dma_start3A_135] : memref<8x80xi32, #tpu.memory_space<vmem>> -> memref<1x80xi32, #tpu.memory_space<vmem>>
      %dma_start3A_137 = tpu.memref_squeeze %dma_start3A_136 : memref<1x80xi32, #tpu.memory_space<vmem>> -> memref<80xi32, #tpu.memory_space<vmem>>
      %dma_start3A_138 = arith.constant 0 : i32
      %dma_start3A_139 = arith.constant 0 : i32
      %dma_start3A_140 = tpu.memref_slice %arg18[%dma_start3A_138, %dma_start3A_139] : memref<10000x128xf32, #tpu.memory_space<vmem_shared>> -> memref<10000x128xf32, #tpu.memory_space<vmem_shared>>
      tpu.enqueue_indirect_dma source(%arg17 : memref<80x128xf32, #tpu.memory_space<vmem>>) target(%dma_start3A_140 : memref<10000x128xf32, #tpu.memory_space<vmem_shared>>) offsets(%dma_start3A_137 : memref<80xi32, #tpu.memory_space<vmem>>) semaphore(%run_scoped3A_134 : memref<!tpu.dma_semaphore, #tpu.memory_space<semaphore_mem>>) {add = true}
      %dma_wait3A_141 = arith.constant 0 : i32
      %dma_wait3A_142 = tpu.memref_slice %arg11[%run_scoped3A_114, %dma_wait3A_141] : memref<8x80xi32, #tpu.memory_space<vmem>> -> memref<1x80xi32, #tpu.memory_space<vmem>>
      %dma_wait3A_143 = tpu.memref_squeeze %dma_wait3A_142 : memref<1x80xi32, #tpu.memory_space<vmem>> -> memref<80xi32, #tpu.memory_space<vmem>>
      %dma_wait3A_144 = arith.constant 0 : i32
      %dma_wait3A_145 = arith.constant 0 : i32
      %dma_wait3A_146 = tpu.memref_slice %arg18[%dma_wait3A_144, %dma_wait3A_145] : memref<10000x128xf32, #tpu.memory_space<vmem_shared>> -> memref<10000x128xf32, #tpu.memory_space<vmem_shared>>
      tpu.wait_indirect_dma semaphore(%run_scoped3A_134 : memref<!tpu.dma_semaphore, #tpu.memory_space<semaphore_mem>>) src(%arg17 : memref<80x128xf32, #tpu.memory_space<vmem>>) dst(%dma_wait3A_146 : memref<10000x128xf32, #tpu.memory_space<vmem_shared>>)
      tpu.yield
    }) : () -> ()
    %dma_wait3A_115 = arith.constant 4 : i32
    %dma_wait3A_116 = arith.constant 0 : i32
    %dma_wait3A_117 = tpu.memref_slice %arg8[%dma_wait3A_115, %dma_wait3A_116] : memref<8x80xi32, #tpu.memory_space<vmem>> -> memref<1x80xi32, #tpu.memory_space<vmem>>
    %dma_wait3A_118 = tpu.memref_squeeze %dma_wait3A_117 : memref<1x80xi32, #tpu.memory_space<vmem>> -> memref<80xi32, #tpu.memory_space<vmem>>
    %dma_wait3A_119 = arith.constant 0 : i32
    %dma_wait3A_120 = arith.constant 0 : i32
    %dma_wait3A_121 = tpu.memref_slice %arg2[%dma_wait3A_119, %dma_wait3A_120] : memref<10000x128xf32, #tpu.memory_space<hbm>> -> memref<10000x128xf32, #tpu.memory_space<hbm>>
    tpu.wait_indirect_dma semaphore(%arg22 : memref<!tpu.dma_semaphore, #tpu.memory_space<semaphore_mem>>) src(%dma_wait3A_121 : memref<10000x128xf32, #tpu.memory_space<hbm>>) dst(%arg14 : memref<80x128xf32, #tpu.memory_space<vmem>>)
    %run_scoped3A_122 = arith.constant 4 : i32
    "tpu.region"() ({
      %run_scoped3A_134 = tpu.sem_alloc : memref<!tpu.dma_semaphore, #tpu.memory_space<semaphore_mem>>
      %dma_start3A_135 = arith.constant 0 : i32
      %dma_start3A_136 = tpu.memref_slice %arg11[%run_scoped3A_122, %dma_start3A_135] : memref<8x80xi32, #tpu.memory_space<vmem>> -> memref<1x80xi32, #tpu.memory_space<vmem>>
      %dma_start3A_137 = tpu.memref_squeeze %dma_start3A_136 : memref<1x80xi32, #tpu.memory_space<vmem>> -> memref<80xi32, #tpu.memory_space<vmem>>
      %dma_start3A_138 = arith.constant 0 : i32
      %dma_start3A_139 = arith.constant 0 : i32
      %dma_start3A_140 = tpu.memref_slice %arg18[%dma_start3A_138, %dma_start3A_139] : memref<10000x128xf32, #tpu.memory_space<vmem_shared>> -> memref<10000x128xf32, #tpu.memory_space<vmem_shared>>
      tpu.enqueue_indirect_dma source(%arg14 : memref<80x128xf32, #tpu.memory_space<vmem>>) target(%dma_start3A_140 : memref<10000x128xf32, #tpu.memory_space<vmem_shared>>) offsets(%dma_start3A_137 : memref<80xi32, #tpu.memory_space<vmem>>) semaphore(%run_scoped3A_134 : memref<!tpu.dma_semaphore, #tpu.memory_space<semaphore_mem>>) {add = true}
      %dma_wait3A_141 = arith.constant 0 : i32
      %dma_wait3A_142 = tpu.memref_slice %arg11[%run_scoped3A_122, %dma_wait3A_141] : memref<8x80xi32, #tpu.memory_space<vmem>> -> memref<1x80xi32, #tpu.memory_space<vmem>>
      %dma_wait3A_143 = tpu.memref_squeeze %dma_wait3A_142 : memref<1x80xi32, #tpu.memory_space<vmem>> -> memref<80xi32, #tpu.memory_space<vmem>>
      %dma_wait3A_144 = arith.constant 0 : i32
      %dma_wait3A_145 = arith.constant 0 : i32
      %dma_wait3A_146 = tpu.memref_slice %arg18[%dma_wait3A_144, %dma_wait3A_145] : memref<10000x128xf32, #tpu.memory_space<vmem_shared>> -> memref<10000x128xf32, #tpu.memory_space<vmem_shared>>
      tpu.wait_indirect_dma semaphore(%run_scoped3A_134 : memref<!tpu.dma_semaphore, #tpu.memory_space<semaphore_mem>>) src(%arg14 : memref<80x128xf32, #tpu.memory_space<vmem>>) dst(%dma_wait3A_146 : memref<10000x128xf32, #tpu.memory_space<vmem_shared>>)
      tpu.yield
    }) : () -> ()
    %barrier3A_123 = arith.constant 0 : index
    tpu.barrier barrier_id(%barrier3A_123)
    %eq3A_124 = arith.constant 0 : i32
    %eq3A_125 = arith.cmpi eq, %arg0, %eq3A_124 : i32
    %convert_element_type3A_126 = arith.extui %eq3A_125 : i1 to i32
    %cond3A_127 = arith.constant 0 : i32
    %cond3A_128 = arith.cmpi ne, %convert_element_type3A_126, %cond3A_127 : i32
    scf.if %cond3A_128 {
      "tpu.region"() ({
        %run_scoped3A_139 = tpu.sem_alloc : memref<!tpu.dma_semaphore, #tpu.memory_space<semaphore_mem>>
        %dma_start3A_140 = arith.constant 0 : i32
        %dma_start3A_141 = tpu.memref_slice %arg6[%mul3A_2, %dma_start3A_140] : memref<10000x128xf32, #tpu.memory_space<hbm>> -> memref<624x128xf32, #tpu.memory_space<hbm>>
        %dma_start3A_142 = arith.constant 0 : i32
        %dma_start3A_143 = tpu.memref_slice %arg18[%mul3A_2, %dma_start3A_142] : memref<10000x128xf32, #tpu.memory_space<vmem_shared>> -> memref<624x128xf32, #tpu.memory_space<vmem_shared>>
        tpu.enqueue_dma source(%dma_start3A_143 : memref<624x128xf32, #tpu.memory_space<vmem_shared>>) target(%dma_start3A_141 : memref<624x128xf32, #tpu.memory_space<hbm>>) target_semaphore(%run_scoped3A_139 : memref<!tpu.dma_semaphore, #tpu.memory_space<semaphore_mem>>)
        %dma_wait3A_144 = arith.constant 0 : i32
        %dma_wait3A_145 = tpu.memref_slice %arg6[%mul3A_2, %dma_wait3A_144] : memref<10000x128xf32, #tpu.memory_space<hbm>> -> memref<624x128xf32, #tpu.memory_space<hbm>>
        %dma_wait3A_146 = arith.constant 0 : i32
        %dma_wait3A_147 = tpu.memref_slice %arg18[%mul3A_2, %dma_wait3A_146] : memref<10000x128xf32, #tpu.memory_space<vmem_shared>> -> memref<624x128xf32, #tpu.memory_space<vmem_shared>>
        tpu.wait_dma2 semaphore(%run_scoped3A_139 : memref<!tpu.dma_semaphore, #tpu.memory_space<semaphore_mem>>) src(%dma_wait3A_147 : memref<624x128xf32, #tpu.memory_space<vmem_shared>>) dst(%dma_wait3A_145 : memref<624x128xf32, #tpu.memory_space<hbm>>)
        tpu.yield
      }) : () -> ()
      %eq3A_134 = arith.constant 15 : i32
      %eq3A_135 = arith.cmpi eq, %arg1, %eq3A_134 : i32
      %convert_element_type3A_136 = arith.extui %eq3A_135 : i1 to i32
      %cond3A_137 = arith.constant 0 : i32
      %cond3A_138 = arith.cmpi ne, %convert_element_type3A_136, %cond3A_137 : i32
      scf.if %cond3A_138 {
        "tpu.region"() ({
          %run_scoped3A_139 = tpu.sem_alloc : memref<!tpu.dma_semaphore, #tpu.memory_space<semaphore_mem>>
          %dma_start3A_140 = arith.constant 9984 : i32
          %dma_start3A_141 = arith.constant 0 : i32
          %dma_start3A_142 = tpu.memref_slice %arg6[%dma_start3A_140, %dma_start3A_141] : memref<10000x128xf32, #tpu.memory_space<hbm>> -> memref<16x128xf32, #tpu.memory_space<hbm>>
          %dma_start3A_143 = arith.constant 9984 : i32
          %dma_start3A_144 = arith.constant 0 : i32
          %dma_start3A_145 = tpu.memref_slice %arg18[%dma_start3A_143, %dma_start3A_144] : memref<10000x128xf32, #tpu.memory_space<vmem_shared>> -> memref<16x128xf32, #tpu.memory_space<vmem_shared>>
          tpu.enqueue_dma source(%dma_start3A_145 : memref<16x128xf32, #tpu.memory_space<vmem_shared>>) target(%dma_start3A_142 : memref<16x128xf32, #tpu.memory_space<hbm>>) target_semaphore(%run_scoped3A_139 : memref<!tpu.dma_semaphore, #tpu.memory_space<semaphore_mem>>)
          %dma_wait3A_146 = arith.constant 9984 : i32
          %dma_wait3A_147 = arith.constant 0 : i32
          %dma_wait3A_148 = tpu.memref_slice %arg6[%dma_wait3A_146, %dma_wait3A_147] : memref<10000x128xf32, #tpu.memory_space<hbm>> -> memref<16x128xf32, #tpu.memory_space<hbm>>
          %dma_wait3A_149 = arith.constant 9984 : i32
          %dma_wait3A_150 = arith.constant 0 : i32
          %dma_wait3A_151 = tpu.memref_slice %arg18[%dma_wait3A_149, %dma_wait3A_150] : memref<10000x128xf32, #tpu.memory_space<vmem_shared>> -> memref<16x128xf32, #tpu.memory_space<vmem_shared>>
          tpu.wait_dma2 semaphore(%run_scoped3A_139 : memref<!tpu.dma_semaphore, #tpu.memory_space<semaphore_mem>>) src(%dma_wait3A_151 : memref<16x128xf32, #tpu.memory_space<vmem_shared>>) dst(%dma_wait3A_148 : memref<16x128xf32, #tpu.memory_space<hbm>>)
          tpu.yield
        }) : () -> ()
      } else {
      }
    } else {
    }
    %eq3A_129 = arith.constant 1 : i32
    %eq3A_130 = arith.cmpi eq, %arg0, %eq3A_129 : i32
    %convert_element_type3A_131 = arith.extui %eq3A_130 : i1 to i32
    %cond3A_132 = arith.constant 0 : i32
    %cond3A_133 = arith.cmpi ne, %convert_element_type3A_131, %cond3A_132 : i32
    scf.if %cond3A_133 {
      "tpu.region"() ({
        %run_scoped3A_139 = tpu.sem_alloc : memref<!tpu.dma_semaphore, #tpu.memory_space<semaphore_mem>>
        %dma_start3A_140 = arith.constant 0 : i32
        %dma_start3A_141 = tpu.memref_slice %arg7[%mul3A_2, %dma_start3A_140] : memref<10000x128xf32, #tpu.memory_space<hbm>> -> memref<624x128xf32, #tpu.memory_space<hbm>>
        %dma_start3A_142 = arith.constant 0 : i32
        %dma_start3A_143 = tpu.memref_slice %arg18[%mul3A_2, %dma_start3A_142] : memref<10000x128xf32, #tpu.memory_space<vmem_shared>> -> memref<624x128xf32, #tpu.memory_space<vmem_shared>>
        tpu.enqueue_dma source(%dma_start3A_143 : memref<624x128xf32, #tpu.memory_space<vmem_shared>>) target(%dma_start3A_141 : memref<624x128xf32, #tpu.memory_space<hbm>>) target_semaphore(%run_scoped3A_139 : memref<!tpu.dma_semaphore, #tpu.memory_space<semaphore_mem>>)
        %dma_wait3A_144 = arith.constant 0 : i32
        %dma_wait3A_145 = tpu.memref_slice %arg7[%mul3A_2, %dma_wait3A_144] : memref<10000x128xf32, #tpu.memory_space<hbm>> -> memref<624x128xf32, #tpu.memory_space<hbm>>
        %dma_wait3A_146 = arith.constant 0 : i32
        %dma_wait3A_147 = tpu.memref_slice %arg18[%mul3A_2, %dma_wait3A_146] : memref<10000x128xf32, #tpu.memory_space<vmem_shared>> -> memref<624x128xf32, #tpu.memory_space<vmem_shared>>
        tpu.wait_dma2 semaphore(%run_scoped3A_139 : memref<!tpu.dma_semaphore, #tpu.memory_space<semaphore_mem>>) src(%dma_wait3A_147 : memref<624x128xf32, #tpu.memory_space<vmem_shared>>) dst(%dma_wait3A_145 : memref<624x128xf32, #tpu.memory_space<hbm>>)
        tpu.yield
      }) : () -> ()
      %eq3A_134 = arith.constant 15 : i32
      %eq3A_135 = arith.cmpi eq, %arg1, %eq3A_134 : i32
      %convert_element_type3A_136 = arith.extui %eq3A_135 : i1 to i32
      %cond3A_137 = arith.constant 0 : i32
      %cond3A_138 = arith.cmpi ne, %convert_element_type3A_136, %cond3A_137 : i32
      scf.if %cond3A_138 {
        "tpu.region"() ({
          %run_scoped3A_139 = tpu.sem_alloc : memref<!tpu.dma_semaphore, #tpu.memory_space<semaphore_mem>>
          %dma_start3A_140 = arith.constant 9984 : i32
          %dma_start3A_141 = arith.constant 0 : i32
          %dma_start3A_142 = tpu.memref_slice %arg7[%dma_start3A_140, %dma_start3A_141] : memref<10000x128xf32, #tpu.memory_space<hbm>> -> memref<16x128xf32, #tpu.memory_space<hbm>>
          %dma_start3A_143 = arith.constant 9984 : i32
          %dma_start3A_144 = arith.constant 0 : i32
          %dma_start3A_145 = tpu.memref_slice %arg18[%dma_start3A_143, %dma_start3A_144] : memref<10000x128xf32, #tpu.memory_space<vmem_shared>> -> memref<16x128xf32, #tpu.memory_space<vmem_shared>>
          tpu.enqueue_dma source(%dma_start3A_145 : memref<16x128xf32, #tpu.memory_space<vmem_shared>>) target(%dma_start3A_142 : memref<16x128xf32, #tpu.memory_space<hbm>>) target_semaphore(%run_scoped3A_139 : memref<!tpu.dma_semaphore, #tpu.memory_space<semaphore_mem>>)
          %dma_wait3A_146 = arith.constant 9984 : i32
          %dma_wait3A_147 = arith.constant 0 : i32
          %dma_wait3A_148 = tpu.memref_slice %arg7[%dma_wait3A_146, %dma_wait3A_147] : memref<10000x128xf32, #tpu.memory_space<hbm>> -> memref<16x128xf32, #tpu.memory_space<hbm>>
          %dma_wait3A_149 = arith.constant 9984 : i32
          %dma_wait3A_150 = arith.constant 0 : i32
          %dma_wait3A_151 = tpu.memref_slice %arg18[%dma_wait3A_149, %dma_wait3A_150] : memref<10000x128xf32, #tpu.memory_space<vmem_shared>> -> memref<16x128xf32, #tpu.memory_space<vmem_shared>>
          tpu.wait_dma2 semaphore(%run_scoped3A_139 : memref<!tpu.dma_semaphore, #tpu.memory_space<semaphore_mem>>) src(%dma_wait3A_151 : memref<16x128xf32, #tpu.memory_space<vmem_shared>>) dst(%dma_wait3A_148 : memref<16x128xf32, #tpu.memory_space<hbm>>)
          tpu.yield
        }) : () -> ()
      } else {
      }
    } else {
    }
    return
  }
}

#map = affine_map<(d0, d1) -> (0, 0)>
#map1 = affine_map<(d0, d1) -> (0, 0, 0)>
module attributes {stable_mosaic.version = 14 : i64} {
  func.func @k(%arg0: i32, %arg1: i32, %arg2: memref<10000x128xf32, #tpu.memory_space<hbm>>, %arg3: memref<32x128x80xi32, #tpu.memory_space<hbm>>, %arg4: memref<32x128x80xi32, #tpu.memory_space<hbm>>, %arg5: memref<625x128xf32, #tpu.memory_space<hbm>>, %arg6: memref<10000x128xf32, #tpu.memory_space<hbm>>, %arg7: memref<10000x128xf32, #tpu.memory_space<hbm>>, %arg8: memref<8x80xi32, #tpu.memory_space<vmem>>, %arg9: memref<8x80xi32, #tpu.memory_space<vmem>>, %arg10: memref<8x80xi32, #tpu.memory_space<vmem>>, %arg11: memref<8x80xi32, #tpu.memory_space<vmem>>, %arg12: memref<8x80xi32, #tpu.memory_space<vmem>>, %arg13: memref<8x80xi32, #tpu.memory_space<vmem>>, %arg14: memref<80x128xf32, #tpu.memory_space<vmem>>, %arg15: memref<80x128xf32, #tpu.memory_space<vmem>>, %arg16: memref<80x128xf32, #tpu.memory_space<vmem>>, %arg17: memref<80x128xf32, #tpu.memory_space<vmem>>, %arg18: memref<10000x128xf32, #tpu.memory_space<vmem_shared>>, %arg19: memref<!tpu.dma_semaphore, #tpu.memory_space<semaphore_mem>>, %arg20: memref<!tpu.dma_semaphore, #tpu.memory_space<semaphore_mem>>, %arg21: memref<!tpu.dma_semaphore, #tpu.memory_space<semaphore_mem>>, %arg22: memref<!tpu.dma_semaphore, #tpu.memory_space<semaphore_mem>>, %arg23: memref<!tpu.dma_semaphore, #tpu.memory_space<semaphore_mem>>, %arg24: memref<!tpu.dma_semaphore, #tpu.memory_space<semaphore_mem>>, %arg25: memref<!tpu.dma_semaphore, #tpu.memory_space<semaphore_mem>>) attributes {dimension_semantics = [#tpu.dimension_semantics<core_parallel>, #tpu.dimension_semantics<subcore_parallel>], iteration_bounds = array<i64: 2, 16>, scalar_prefetch = 0 : i64, scratch_operands = 18 : i64, tpu.core_type = #tpu.core_type<sc_vector_subcore>, window_params = [{transform_indices = #map}, {transform_indices = #map1}, {transform_indices = #map1}, {transform_indices = #map}, {transform_indices = #map}, {transform_indices = #map}]} {
    %mul3A = arith.constant 16 : i32
    %mul3A_0 = arith.muli %arg0, %mul3A : i32
    %add3A = arith.addi %mul3A_0, %arg1 : i32
    %mul3A_1 = arith.constant 624 : i32
    %mul3A_2 = arith.muli %arg1, %mul3A_1 : i32
    "tpu.region"() ({
      %run_scoped3A_134 = tpu.sem_alloc : memref<!tpu.dma_semaphore, #tpu.memory_space<semaphore_mem>>
      %dma_start3A_135 = arith.constant 0 : i32
      %dma_start3A_136 = tpu.memref_slice %arg18[%mul3A_2, %dma_start3A_135] : memref<10000x128xf32, #tpu.memory_space<vmem_shared>> -> memref<624x128xf32, #tpu.memory_space<vmem_shared>>
      %dma_start3A_137 = arith.constant 0 : i32
      %dma_start3A_138 = arith.constant 0 : i32
      %dma_start3A_139 = tpu.memref_slice %arg5[%dma_start3A_137, %dma_start3A_138] : memref<625x128xf32, #tpu.memory_space<hbm>> -> memref<624x128xf32, #tpu.memory_space<hbm>>
      tpu.enqueue_dma source(%dma_start3A_139 : memref<624x128xf32, #tpu.memory_space<hbm>>) target(%dma_start3A_136 : memref<624x128xf32, #tpu.memory_space<vmem_shared>>) target_semaphore(%run_scoped3A_134 : memref<!tpu.dma_semaphore, #tpu.memory_space<semaphore_mem>>)
      %dma_wait3A_140 = arith.constant 0 : i32
      %dma_wait3A_141 = tpu.memref_slice %arg18[%mul3A_2, %dma_wait3A_140] : memref<10000x128xf32, #tpu.memory_space<vmem_shared>> -> memref<624x128xf32, #tpu.memory_space<vmem_shared>>
      %dma_wait3A_142 = arith.constant 0 : i32
      %dma_wait3A_143 = arith.constant 0 : i32
      %dma_wait3A_144 = tpu.memref_slice %arg5[%dma_wait3A_142, %dma_wait3A_143] : memref<625x128xf32, #tpu.memory_space<hbm>> -> memref<624x128xf32, #tpu.memory_space<hbm>>
      tpu.wait_dma2 semaphore(%run_scoped3A_134 : memref<!tpu.dma_semaphore, #tpu.memory_space<semaphore_mem>>) src(%dma_wait3A_144 : memref<624x128xf32, #tpu.memory_space<hbm>>) dst(%dma_wait3A_141 : memref<624x128xf32, #tpu.memory_space<vmem_shared>>)
      tpu.yield
    }) : () -> ()
    %eq3A = arith.constant 15 : i32
    %eq3A_3 = arith.cmpi eq, %arg1, %eq3A : i32
    %convert_element_type3A = arith.extui %eq3A_3 : i1 to i32
    %cond3A = arith.constant 0 : i32
    %cond3A_4 = arith.cmpi ne, %convert_element_type3A, %cond3A : i32
    scf.if %cond3A_4 {
      "tpu.region"() ({
        %run_scoped3A_134 = tpu.sem_alloc : memref<!tpu.dma_semaphore, #tpu.memory_space<semaphore_mem>>
        %dma_start3A_135 = arith.constant 9984 : i32
        %dma_start3A_136 = arith.constant 0 : i32
        %dma_start3A_137 = tpu.memref_slice %arg18[%dma_start3A_135, %dma_start3A_136] : memref<10000x128xf32, #tpu.memory_space<vmem_shared>> -> memref<16x128xf32, #tpu.memory_space<vmem_shared>>
        %dma_start3A_138 = arith.constant 0 : i32
        %dma_start3A_139 = arith.constant 0 : i32
        %dma_start3A_140 = tpu.memref_slice %arg5[%dma_start3A_138, %dma_start3A_139] : memref<625x128xf32, #tpu.memory_space<hbm>> -> memref<16x128xf32, #tpu.memory_space<hbm>>
        tpu.enqueue_dma source(%dma_start3A_140 : memref<16x128xf32, #tpu.memory_space<hbm>>) target(%dma_start3A_137 : memref<16x128xf32, #tpu.memory_space<vmem_shared>>) target_semaphore(%run_scoped3A_134 : memref<!tpu.dma_semaphore, #tpu.memory_space<semaphore_mem>>)
        %dma_wait3A_141 = arith.constant 9984 : i32
        %dma_wait3A_142 = arith.constant 0 : i32
        %dma_wait3A_143 = tpu.memref_slice %arg18[%dma_wait3A_141, %dma_wait3A_142] : memref<10000x128xf32, #tpu.memory_space<vmem_shared>> -> memref<16x128xf32, #tpu.memory_space<vmem_shared>>
        %dma_wait3A_144 = arith.constant 0 : i32
        %dma_wait3A_145 = arith.constant 0 : i32
        %dma_wait3A_146 = tpu.memref_slice %arg5[%dma_wait3A_144, %dma_wait3A_145] : memref<625x128xf32, #tpu.memory_space<hbm>> -> memref<16x128xf32, #tpu.memory_space<hbm>>
        tpu.wait_dma2 semaphore(%run_scoped3A_134 : memref<!tpu.dma_semaphore, #tpu.memory_space<semaphore_mem>>) src(%dma_wait3A_146 : memref<16x128xf32, #tpu.memory_space<hbm>>) dst(%dma_wait3A_143 : memref<16x128xf32, #tpu.memory_space<vmem_shared>>)
        tpu.yield
      }) : () -> ()
    } else {
    }
    %barrier3A = arith.constant 0 : index
    tpu.barrier barrier_id(%barrier3A)
    %multiple_of3A = arith.constant 0 : i32
    %multiple_of3A_5 = tpu.assume_multiple %multiple_of3A, 8 : i32
    %dma_start3A = arith.constant 0 : i32
    %dma_start3A_6 = tpu.memref_slice %arg3[%add3A, %multiple_of3A_5, %dma_start3A] : memref<32x128x80xi32, #tpu.memory_space<hbm>> -> memref<1x8x80xi32, #tpu.memory_space<hbm>>
    %dma_start3A_7 = tpu.memref_squeeze %dma_start3A_6 : memref<1x8x80xi32, #tpu.memory_space<hbm>> -> memref<8x80xi32, #tpu.memory_space<hbm>>
    %dma_start3A_8 = arith.constant 0 : i32
    %dma_start3A_9 = tpu.memref_slice %arg3[%add3A, %multiple_of3A_5, %dma_start3A_8] : memref<32x128x80xi32, #tpu.memory_space<hbm>> -> memref<1x8x80xi32, #tpu.memory_space<hbm>>
    %dma_start3A_10 = tpu.memref_squeeze %dma_start3A_9 : memref<1x8x80xi32, #tpu.memory_space<hbm>> -> memref<8x80xi32, #tpu.memory_space<hbm>>
    tpu.enqueue_dma source(%dma_start3A_10 : memref<8x80xi32, #tpu.memory_space<hbm>>) target(%arg8 : memref<8x80xi32, #tpu.memory_space<vmem>>) target_semaphore(%arg19 : memref<!tpu.dma_semaphore, #tpu.memory_space<semaphore_mem>>)
    %dma_start3A_11 = arith.constant 0 : i32
    %dma_start3A_12 = tpu.memref_slice %arg4[%add3A, %multiple_of3A_5, %dma_start3A_11] : memref<32x128x80xi32, #tpu.memory_space<hbm>> -> memref<1x8x80xi32, #tpu.memory_space<hbm>>
    %dma_start3A_13 = tpu.memref_squeeze %dma_start3A_12 : memref<1x8x80xi32, #tpu.memory_space<hbm>> -> memref<8x80xi32, #tpu.memory_space<hbm>>
    %dma_start3A_14 = arith.constant 0 : i32
    %dma_start3A_15 = tpu.memref_slice %arg4[%add3A, %multiple_of3A_5, %dma_start3A_14] : memref<32x128x80xi32, #tpu.memory_space<hbm>> -> memref<1x8x80xi32, #tpu.memory_space<hbm>>
    %dma_start3A_16 = tpu.memref_squeeze %dma_start3A_15 : memref<1x8x80xi32, #tpu.memory_space<hbm>> -> memref<8x80xi32, #tpu.memory_space<hbm>>
    tpu.enqueue_dma source(%dma_start3A_16 : memref<8x80xi32, #tpu.memory_space<hbm>>) target(%arg11 : memref<8x80xi32, #tpu.memory_space<vmem>>) target_semaphore(%arg19 : memref<!tpu.dma_semaphore, #tpu.memory_space<semaphore_mem>>)
    %multiple_of3A_17 = arith.constant 8 : i32
    %multiple_of3A_18 = tpu.assume_multiple %multiple_of3A_17, 8 : i32
    %dma_start3A_19 = arith.constant 0 : i32
    %dma_start3A_20 = tpu.memref_slice %arg3[%add3A, %multiple_of3A_18, %dma_start3A_19] : memref<32x128x80xi32, #tpu.memory_space<hbm>> -> memref<1x8x80xi32, #tpu.memory_space<hbm>>
    %dma_start3A_21 = tpu.memref_squeeze %dma_start3A_20 : memref<1x8x80xi32, #tpu.memory_space<hbm>> -> memref<8x80xi32, #tpu.memory_space<hbm>>
    %dma_start3A_22 = arith.constant 0 : i32
    %dma_start3A_23 = tpu.memref_slice %arg3[%add3A, %multiple_of3A_18, %dma_start3A_22] : memref<32x128x80xi32, #tpu.memory_space<hbm>> -> memref<1x8x80xi32, #tpu.memory_space<hbm>>
    %dma_start3A_24 = tpu.memref_squeeze %dma_start3A_23 : memref<1x8x80xi32, #tpu.memory_space<hbm>> -> memref<8x80xi32, #tpu.memory_space<hbm>>
    tpu.enqueue_dma source(%dma_start3A_24 : memref<8x80xi32, #tpu.memory_space<hbm>>) target(%arg9 : memref<8x80xi32, #tpu.memory_space<vmem>>) target_semaphore(%arg20 : memref<!tpu.dma_semaphore, #tpu.memory_space<semaphore_mem>>)
    %dma_start3A_25 = arith.constant 0 : i32
    %dma_start3A_26 = tpu.memref_slice %arg4[%add3A, %multiple_of3A_18, %dma_start3A_25] : memref<32x128x80xi32, #tpu.memory_space<hbm>> -> memref<1x8x80xi32, #tpu.memory_space<hbm>>
    %dma_start3A_27 = tpu.memref_squeeze %dma_start3A_26 : memref<1x8x80xi32, #tpu.memory_space<hbm>> -> memref<8x80xi32, #tpu.memory_space<hbm>>
    %dma_start3A_28 = arith.constant 0 : i32
    %dma_start3A_29 = tpu.memref_slice %arg4[%add3A, %multiple_of3A_18, %dma_start3A_28] : memref<32x128x80xi32, #tpu.memory_space<hbm>> -> memref<1x8x80xi32, #tpu.memory_space<hbm>>
    %dma_start3A_30 = tpu.memref_squeeze %dma_start3A_29 : memref<1x8x80xi32, #tpu.memory_space<hbm>> -> memref<8x80xi32, #tpu.memory_space<hbm>>
    tpu.enqueue_dma source(%dma_start3A_30 : memref<8x80xi32, #tpu.memory_space<hbm>>) target(%arg12 : memref<8x80xi32, #tpu.memory_space<vmem>>) target_semaphore(%arg20 : memref<!tpu.dma_semaphore, #tpu.memory_space<semaphore_mem>>)
    %multiple_of3A_31 = arith.constant 0 : i32
    %multiple_of3A_32 = tpu.assume_multiple %multiple_of3A_31, 8 : i32
    %dma_wait3A = arith.constant 0 : i32
    %dma_wait3A_33 = tpu.memref_slice %arg3[%add3A, %multiple_of3A_32, %dma_wait3A] : memref<32x128x80xi32, #tpu.memory_space<hbm>> -> memref<1x8x80xi32, #tpu.memory_space<hbm>>
    %dma_wait3A_34 = tpu.memref_squeeze %dma_wait3A_33 : memref<1x8x80xi32, #tpu.memory_space<hbm>> -> memref<8x80xi32, #tpu.memory_space<hbm>>
    %dma_wait3A_35 = arith.constant 0 : i32
    %dma_wait3A_36 = tpu.memref_slice %arg3[%add3A, %multiple_of3A_32, %dma_wait3A_35] : memref<32x128x80xi32, #tpu.memory_space<hbm>> -> memref<1x8x80xi32, #tpu.memory_space<hbm>>
    %dma_wait3A_37 = tpu.memref_squeeze %dma_wait3A_36 : memref<1x8x80xi32, #tpu.memory_space<hbm>> -> memref<8x80xi32, #tpu.memory_space<hbm>>
    tpu.wait_dma2 semaphore(%arg19 : memref<!tpu.dma_semaphore, #tpu.memory_space<semaphore_mem>>) src(%dma_wait3A_37 : memref<8x80xi32, #tpu.memory_space<hbm>>) dst(%arg8 : memref<8x80xi32, #tpu.memory_space<vmem>>)
    %dma_wait3A_38 = arith.constant 0 : i32
    %dma_wait3A_39 = tpu.memref_slice %arg4[%add3A, %multiple_of3A_32, %dma_wait3A_38] : memref<32x128x80xi32, #tpu.memory_space<hbm>> -> memref<1x8x80xi32, #tpu.memory_space<hbm>>
    %dma_wait3A_40 = tpu.memref_squeeze %dma_wait3A_39 : memref<1x8x80xi32, #tpu.memory_space<hbm>> -> memref<8x80xi32, #tpu.memory_space<hbm>>
    %dma_wait3A_41 = arith.constant 0 : i32
    %dma_wait3A_42 = tpu.memref_slice %arg4[%add3A, %multiple_of3A_32, %dma_wait3A_41] : memref<32x128x80xi32, #tpu.memory_space<hbm>> -> memref<1x8x80xi32, #tpu.memory_space<hbm>>
    %dma_wait3A_43 = tpu.memref_squeeze %dma_wait3A_42 : memref<1x8x80xi32, #tpu.memory_space<hbm>> -> memref<8x80xi32, #tpu.memory_space<hbm>>
    tpu.wait_dma2 semaphore(%arg19 : memref<!tpu.dma_semaphore, #tpu.memory_space<semaphore_mem>>) src(%dma_wait3A_43 : memref<8x80xi32, #tpu.memory_space<hbm>>) dst(%arg11 : memref<8x80xi32, #tpu.memory_space<vmem>>)
    %dma_start3A_44 = arith.constant 0 : i32
    %dma_start3A_45 = arith.constant 0 : i32
    %dma_start3A_46 = tpu.memref_slice %arg8[%dma_start3A_44, %dma_start3A_45] : memref<8x80xi32, #tpu.memory_space<vmem>> -> memref<1x80xi32, #tpu.memory_space<vmem>>
    %dma_start3A_47 = tpu.memref_squeeze %dma_start3A_46 : memref<1x80xi32, #tpu.memory_space<vmem>> -> memref<80xi32, #tpu.memory_space<vmem>>
    %dma_start3A_48 = arith.constant 0 : i32
    %dma_start3A_49 = arith.constant 0 : i32
    %dma_start3A_50 = tpu.memref_slice %arg2[%dma_start3A_48, %dma_start3A_49] : memref<10000x128xf32, #tpu.memory_space<hbm>> -> memref<10000x128xf32, #tpu.memory_space<hbm>>
    tpu.enqueue_indirect_dma source(%dma_start3A_50 : memref<10000x128xf32, #tpu.memory_space<hbm>>) target(%arg14 : memref<80x128xf32, #tpu.memory_space<vmem>>) offsets(%dma_start3A_47 : memref<80xi32, #tpu.memory_space<vmem>>) semaphore(%arg22 : memref<!tpu.dma_semaphore, #tpu.memory_space<semaphore_mem>>)
    %dma_start3A_51 = arith.constant 1 : i32
    %dma_start3A_52 = arith.constant 0 : i32
    %dma_start3A_53 = tpu.memref_slice %arg8[%dma_start3A_51, %dma_start3A_52] : memref<8x80xi32, #tpu.memory_space<vmem>> -> memref<1x80xi32, #tpu.memory_space<vmem>>
    %dma_start3A_54 = tpu.memref_squeeze %dma_start3A_53 : memref<1x80xi32, #tpu.memory_space<vmem>> -> memref<80xi32, #tpu.memory_space<vmem>>
    %dma_start3A_55 = arith.constant 0 : i32
    %dma_start3A_56 = arith.constant 0 : i32
    %dma_start3A_57 = tpu.memref_slice %arg2[%dma_start3A_55, %dma_start3A_56] : memref<10000x128xf32, #tpu.memory_space<hbm>> -> memref<10000x128xf32, #tpu.memory_space<hbm>>
    tpu.enqueue_indirect_dma source(%dma_start3A_57 : memref<10000x128xf32, #tpu.memory_space<hbm>>) target(%arg15 : memref<80x128xf32, #tpu.memory_space<vmem>>) offsets(%dma_start3A_54 : memref<80xi32, #tpu.memory_space<vmem>>) semaphore(%arg23 : memref<!tpu.dma_semaphore, #tpu.memory_space<semaphore_mem>>)
    %dma_start3A_58 = arith.constant 2 : i32
    %dma_start3A_59 = arith.constant 0 : i32
    %dma_start3A_60 = tpu.memref_slice %arg8[%dma_start3A_58, %dma_start3A_59] : memref<8x80xi32, #tpu.memory_space<vmem>> -> memref<1x80xi32, #tpu.memory_space<vmem>>
    %dma_start3A_61 = tpu.memref_squeeze %dma_start3A_60 : memref<1x80xi32, #tpu.memory_space<vmem>> -> memref<80xi32, #tpu.memory_space<vmem>>
    %dma_start3A_62 = arith.constant 0 : i32
    %dma_start3A_63 = arith.constant 0 : i32
    %dma_start3A_64 = tpu.memref_slice %arg2[%dma_start3A_62, %dma_start3A_63] : memref<10000x128xf32, #tpu.memory_space<hbm>> -> memref<10000x128xf32, #tpu.memory_space<hbm>>
    tpu.enqueue_indirect_dma source(%dma_start3A_64 : memref<10000x128xf32, #tpu.memory_space<hbm>>) target(%arg16 : memref<80x128xf32, #tpu.memory_space<vmem>>) offsets(%dma_start3A_61 : memref<80xi32, #tpu.memory_space<vmem>>) semaphore(%arg24 : memref<!tpu.dma_semaphore, #tpu.memory_space<semaphore_mem>>)
    %dma_start3A_65 = arith.constant 3 : i32
    %dma_start3A_66 = arith.constant 0 : i32
    %dma_start3A_67 = tpu.memref_slice %arg8[%dma_start3A_65, %dma_start3A_66] : memref<8x80xi32, #tpu.memory_space<vmem>> -> memref<1x80xi32, #tpu.memory_space<vmem>>
    %dma_start3A_68 = tpu.memref_squeeze %dma_start3A_67 : memref<1x80xi32, #tpu.memory_space<vmem>> -> memref<80xi32, #tpu.memory_space<vmem>>
    %dma_start3A_69 = arith.constant 0 : i32
    %dma_start3A_70 = arith.constant 0 : i32
    %dma_start3A_71 = tpu.memref_slice %arg2[%dma_start3A_69, %dma_start3A_70] : memref<10000x128xf32, #tpu.memory_space<hbm>> -> memref<10000x128xf32, #tpu.memory_space<hbm>>
    tpu.enqueue_indirect_dma source(%dma_start3A_71 : memref<10000x128xf32, #tpu.memory_space<hbm>>) target(%arg17 : memref<80x128xf32, #tpu.memory_space<vmem>>) offsets(%dma_start3A_68 : memref<80xi32, #tpu.memory_space<vmem>>) semaphore(%arg25 : memref<!tpu.dma_semaphore, #tpu.memory_space<semaphore_mem>>)
    %scan3A = arith.constant 0 : i32
    %scan3A_72 = arith.constant 0 : i32
    %scan3A_73 = arith.constant 5 : i32
    %scan3A_74 = arith.addi %scan3A_72, %scan3A_73 : i32
    %scan3A_75 = arith.constant 1 : i32
    scf.for %scan3A_134 = %scan3A_72 to %scan3A_74 step %scan3A_75  : i32 {
      %mul3A_135 = arith.constant 3 : i32
      %mul3A_136 = arith.muli %scan3A_134, %mul3A_135 : i32
      %add3A_137 = arith.constant 0 : i32
      %add3A_138 = arith.addi %mul3A_136, %add3A_137 : i32
      %add3A_139 = arith.constant 1 : i32
      %add3A_140 = arith.addi %add3A_138, %add3A_139 : i32
      %mul3A_141 = arith.constant 8 : i32
      %mul3A_142 = arith.muli %add3A_140, %mul3A_141 : i32
      %multiple_of3A_143 = tpu.assume_multiple %mul3A_142, 8 : i32
      %dma_wait3A_144 = arith.constant 0 : i32
      %dma_wait3A_145 = tpu.memref_slice %arg3[%add3A, %multiple_of3A_143, %dma_wait3A_144] : memref<32x128x80xi32, #tpu.memory_space<hbm>> -> memref<1x8x80xi32, #tpu.memory_space<hbm>>
      %dma_wait3A_146 = tpu.memref_squeeze %dma_wait3A_145 : memref<1x8x80xi32, #tpu.memory_space<hbm>> -> memref<8x80xi32, #tpu.memory_space<hbm>>
      %dma_wait3A_147 = arith.constant 0 : i32
      %dma_wait3A_148 = tpu.memref_slice %arg3[%add3A, %multiple_of3A_143, %dma_wait3A_147] : memref<32x128x80xi32, #tpu.memory_space<hbm>> -> memref<1x8x80xi32, #tpu.memory_space<hbm>>
      %dma_wait3A_149 = tpu.memref_squeeze %dma_wait3A_148 : memref<1x8x80xi32, #tpu.memory_space<hbm>> -> memref<8x80xi32, #tpu.memory_space<hbm>>
      tpu.wait_dma2 semaphore(%arg20 : memref<!tpu.dma_semaphore, #tpu.memory_space<semaphore_mem>>) src(%dma_wait3A_149 : memref<8x80xi32, #tpu.memory_space<hbm>>) dst(%arg9 : memref<8x80xi32, #tpu.memory_space<vmem>>)
      %dma_wait3A_150 = arith.constant 0 : i32
      %dma_wait3A_151 = tpu.memref_slice %arg4[%add3A, %multiple_of3A_143, %dma_wait3A_150] : memref<32x128x80xi32, #tpu.memory_space<hbm>> -> memref<1x8x80xi32, #tpu.memory_space<hbm>>
      %dma_wait3A_152 = tpu.memref_squeeze %dma_wait3A_151 : memref<1x8x80xi32, #tpu.memory_space<hbm>> -> memref<8x80xi32, #tpu.memory_space<hbm>>
      %dma_wait3A_153 = arith.constant 0 : i32
      %dma_wait3A_154 = tpu.memref_slice %arg4[%add3A, %multiple_of3A_143, %dma_wait3A_153] : memref<32x128x80xi32, #tpu.memory_space<hbm>> -> memref<1x8x80xi32, #tpu.memory_space<hbm>>
      %dma_wait3A_155 = tpu.memref_squeeze %dma_wait3A_154 : memref<1x8x80xi32, #tpu.memory_space<hbm>> -> memref<8x80xi32, #tpu.memory_space<hbm>>
      tpu.wait_dma2 semaphore(%arg20 : memref<!tpu.dma_semaphore, #tpu.memory_space<semaphore_mem>>) src(%dma_wait3A_155 : memref<8x80xi32, #tpu.memory_space<hbm>>) dst(%arg12 : memref<8x80xi32, #tpu.memory_space<vmem>>)
      %add3A_156 = arith.constant 2 : i32
      %add3A_157 = arith.addi %add3A_138, %add3A_156 : i32
      %lt3A = arith.constant 16 : i32
      %lt3A_158 = arith.cmpi slt, %add3A_157, %lt3A : i32
      %convert_element_type3A_159 = arith.extui %lt3A_158 : i1 to i32
      %cond3A_160 = arith.constant 0 : i32
      %cond3A_161 = arith.cmpi ne, %convert_element_type3A_159, %cond3A_160 : i32
      scf.if %cond3A_161 {
        %add3A_674 = arith.constant 2 : i32
        %add3A_675 = arith.addi %add3A_138, %add3A_674 : i32
        %mul3A_676 = arith.constant 8 : i32
        %mul3A_677 = arith.muli %add3A_675, %mul3A_676 : i32
        %multiple_of3A_678 = tpu.assume_multiple %mul3A_677, 8 : i32
        %dma_start3A_679 = arith.constant 0 : i32
        %dma_start3A_680 = tpu.memref_slice %arg3[%add3A, %multiple_of3A_678, %dma_start3A_679] : memref<32x128x80xi32, #tpu.memory_space<hbm>> -> memref<1x8x80xi32, #tpu.memory_space<hbm>>
        %dma_start3A_681 = tpu.memref_squeeze %dma_start3A_680 : memref<1x8x80xi32, #tpu.memory_space<hbm>> -> memref<8x80xi32, #tpu.memory_space<hbm>>
        %dma_start3A_682 = arith.constant 0 : i32
        %dma_start3A_683 = tpu.memref_slice %arg3[%add3A, %multiple_of3A_678, %dma_start3A_682] : memref<32x128x80xi32, #tpu.memory_space<hbm>> -> memref<1x8x80xi32, #tpu.memory_space<hbm>>
        %dma_start3A_684 = tpu.memref_squeeze %dma_start3A_683 : memref<1x8x80xi32, #tpu.memory_space<hbm>> -> memref<8x80xi32, #tpu.memory_space<hbm>>
        tpu.enqueue_dma source(%dma_start3A_684 : memref<8x80xi32, #tpu.memory_space<hbm>>) target(%arg10 : memref<8x80xi32, #tpu.memory_space<vmem>>) target_semaphore(%arg21 : memref<!tpu.dma_semaphore, #tpu.memory_space<semaphore_mem>>)
        %dma_start3A_685 = arith.constant 0 : i32
        %dma_start3A_686 = tpu.memref_slice %arg4[%add3A, %multiple_of3A_678, %dma_start3A_685] : memref<32x128x80xi32, #tpu.memory_space<hbm>> -> memref<1x8x80xi32, #tpu.memory_space<hbm>>
        %dma_start3A_687 = tpu.memref_squeeze %dma_start3A_686 : memref<1x8x80xi32, #tpu.memory_space<hbm>> -> memref<8x80xi32, #tpu.memory_space<hbm>>
        %dma_start3A_688 = arith.constant 0 : i32
        %dma_start3A_689 = tpu.memref_slice %arg4[%add3A, %multiple_of3A_678, %dma_start3A_688] : memref<32x128x80xi32, #tpu.memory_space<hbm>> -> memref<1x8x80xi32, #tpu.memory_space<hbm>>
        %dma_start3A_690 = tpu.memref_squeeze %dma_start3A_689 : memref<1x8x80xi32, #tpu.memory_space<hbm>> -> memref<8x80xi32, #tpu.memory_space<hbm>>
        tpu.enqueue_dma source(%dma_start3A_690 : memref<8x80xi32, #tpu.memory_space<hbm>>) target(%arg13 : memref<8x80xi32, #tpu.memory_space<vmem>>) target_semaphore(%arg21 : memref<!tpu.dma_semaphore, #tpu.memory_space<semaphore_mem>>)
      } else {
      }
      %mul3A_162 = arith.constant 8 : i32
      %mul3A_163 = arith.muli %add3A_138, %mul3A_162 : i32
      %add3A_164 = arith.constant 0 : i32
      %add3A_165 = arith.addi %mul3A_163, %add3A_164 : i32
      %dma_wait3A_166 = arith.constant 0 : i32
      %dma_wait3A_167 = arith.constant 0 : i32
      %dma_wait3A_168 = tpu.memref_slice %arg8[%dma_wait3A_166, %dma_wait3A_167] : memref<8x80xi32, #tpu.memory_space<vmem>> -> memref<1x80xi32, #tpu.memory_space<vmem>>
      %dma_wait3A_169 = tpu.memref_squeeze %dma_wait3A_168 : memref<1x80xi32, #tpu.memory_space<vmem>> -> memref<80xi32, #tpu.memory_space<vmem>>
      %dma_wait3A_170 = arith.constant 0 : i32
      %dma_wait3A_171 = arith.constant 0 : i32
      %dma_wait3A_172 = tpu.memref_slice %arg2[%dma_wait3A_170, %dma_wait3A_171] : memref<10000x128xf32, #tpu.memory_space<hbm>> -> memref<10000x128xf32, #tpu.memory_space<hbm>>
      tpu.wait_indirect_dma semaphore(%arg22 : memref<!tpu.dma_semaphore, #tpu.memory_space<semaphore_mem>>) src(%dma_wait3A_172 : memref<10000x128xf32, #tpu.memory_space<hbm>>) dst(%arg14 : memref<80x128xf32, #tpu.memory_space<vmem>>)
      %run_scoped3A_173 = arith.constant 0 : i32
      "tpu.region"() ({
        %run_scoped3A_674 = tpu.sem_alloc : memref<!tpu.dma_semaphore, #tpu.memory_space<semaphore_mem>>
        %dma_start3A_675 = arith.constant 0 : i32
        %dma_start3A_676 = tpu.memref_slice %arg11[%run_scoped3A_173, %dma_start3A_675] : memref<8x80xi32, #tpu.memory_space<vmem>> -> memref<1x80xi32, #tpu.memory_space<vmem>>
        %dma_start3A_677 = tpu.memref_squeeze %dma_start3A_676 : memref<1x80xi32, #tpu.memory_space<vmem>> -> memref<80xi32, #tpu.memory_space<vmem>>
        %dma_start3A_678 = arith.constant 0 : i32
        %dma_start3A_679 = arith.constant 0 : i32
        %dma_start3A_680 = tpu.memref_slice %arg18[%dma_start3A_678, %dma_start3A_679] : memref<10000x128xf32, #tpu.memory_space<vmem_shared>> -> memref<10000x128xf32, #tpu.memory_space<vmem_shared>>
        tpu.enqueue_indirect_dma source(%arg14 : memref<80x128xf32, #tpu.memory_space<vmem>>) target(%dma_start3A_680 : memref<10000x128xf32, #tpu.memory_space<vmem_shared>>) offsets(%dma_start3A_677 : memref<80xi32, #tpu.memory_space<vmem>>) semaphore(%run_scoped3A_674 : memref<!tpu.dma_semaphore, #tpu.memory_space<semaphore_mem>>) {add = true}
        %dma_wait3A_681 = arith.constant 0 : i32
        %dma_wait3A_682 = tpu.memref_slice %arg11[%run_scoped3A_173, %dma_wait3A_681] : memref<8x80xi32, #tpu.memory_space<vmem>> -> memref<1x80xi32, #tpu.memory_space<vmem>>
        %dma_wait3A_683 = tpu.memref_squeeze %dma_wait3A_682 : memref<1x80xi32, #tpu.memory_space<vmem>> -> memref<80xi32, #tpu.memory_space<vmem>>
        %dma_wait3A_684 = arith.constant 0 : i32
        %dma_wait3A_685 = arith.constant 0 : i32
        %dma_wait3A_686 = tpu.memref_slice %arg18[%dma_wait3A_684, %dma_wait3A_685] : memref<10000x128xf32, #tpu.memory_space<vmem_shared>> -> memref<10000x128xf32, #tpu.memory_space<vmem_shared>>
        tpu.wait_indirect_dma semaphore(%run_scoped3A_674 : memref<!tpu.dma_semaphore, #tpu.memory_space<semaphore_mem>>) src(%arg14 : memref<80x128xf32, #tpu.memory_space<vmem>>) dst(%dma_wait3A_686 : memref<10000x128xf32, #tpu.memory_space<vmem_shared>>)
        tpu.yield
      }) : () -> ()
      %dma_start3A_174 = arith.constant 4 : i32
      %dma_start3A_175 = arith.constant 0 : i32
      %dma_start3A_176 = tpu.memref_slice %arg8[%dma_start3A_174, %dma_start3A_175] : memref<8x80xi32, #tpu.memory_space<vmem>> -> memref<1x80xi32, #tpu.memory_space<vmem>>
      %dma_start3A_177 = tpu.memref_squeeze %dma_start3A_176 : memref<1x80xi32, #tpu.memory_space<vmem>> -> memref<80xi32, #tpu.memory_space<vmem>>
      %dma_start3A_178 = arith.constant 0 : i32
      %dma_start3A_179 = arith.constant 0 : i32
      %dma_start3A_180 = tpu.memref_slice %arg2[%dma_start3A_178, %dma_start3A_179] : memref<10000x128xf32, #tpu.memory_space<hbm>> -> memref<10000x128xf32, #tpu.memory_space<hbm>>
      tpu.enqueue_indirect_dma source(%dma_start3A_180 : memref<10000x128xf32, #tpu.memory_space<hbm>>) target(%arg14 : memref<80x128xf32, #tpu.memory_space<vmem>>) offsets(%dma_start3A_177 : memref<80xi32, #tpu.memory_space<vmem>>) semaphore(%arg22 : memref<!tpu.dma_semaphore, #tpu.memory_space<semaphore_mem>>)
      %mul3A_181 = arith.constant 8 : i32
      %mul3A_182 = arith.muli %add3A_138, %mul3A_181 : i32
      %add3A_183 = arith.constant 1 : i32
      %add3A_184 = arith.addi %mul3A_182, %add3A_183 : i32
      %dma_wait3A_185 = arith.constant 1 : i32
      %dma_wait3A_186 = arith.constant 0 : i32
      %dma_wait3A_187 = tpu.memref_slice %arg8[%dma_wait3A_185, %dma_wait3A_186] : memref<8x80xi32, #tpu.memory_space<vmem>> -> memref<1x80xi32, #tpu.memory_space<vmem>>
      %dma_wait3A_188 = tpu.memref_squeeze %dma_wait3A_187 : memref<1x80xi32, #tpu.memory_space<vmem>> -> memref<80xi32, #tpu.memory_space<vmem>>
      %dma_wait3A_189 = arith.constant 0 : i32
      %dma_wait3A_190 = arith.constant 0 : i32
      %dma_wait3A_191 = tpu.memref_slice %arg2[%dma_wait3A_189, %dma_wait3A_190] : memref<10000x128xf32, #tpu.memory_space<hbm>> -> memref<10000x128xf32, #tpu.memory_space<hbm>>
      tpu.wait_indirect_dma semaphore(%arg23 : memref<!tpu.dma_semaphore, #tpu.memory_space<semaphore_mem>>) src(%dma_wait3A_191 : memref<10000x128xf32, #tpu.memory_space<hbm>>) dst(%arg15 : memref<80x128xf32, #tpu.memory_space<vmem>>)
      %run_scoped3A_192 = arith.constant 1 : i32
      "tpu.region"() ({
        %run_scoped3A_674 = tpu.sem_alloc : memref<!tpu.dma_semaphore, #tpu.memory_space<semaphore_mem>>
        %dma_start3A_675 = arith.constant 0 : i32
        %dma_start3A_676 = tpu.memref_slice %arg11[%run_scoped3A_192, %dma_start3A_675] : memref<8x80xi32, #tpu.memory_space<vmem>> -> memref<1x80xi32, #tpu.memory_space<vmem>>
        %dma_start3A_677 = tpu.memref_squeeze %dma_start3A_676 : memref<1x80xi32, #tpu.memory_space<vmem>> -> memref<80xi32, #tpu.memory_space<vmem>>
        %dma_start3A_678 = arith.constant 0 : i32
        %dma_start3A_679 = arith.constant 0 : i32
        %dma_start3A_680 = tpu.memref_slice %arg18[%dma_start3A_678, %dma_start3A_679] : memref<10000x128xf32, #tpu.memory_space<vmem_shared>> -> memref<10000x128xf32, #tpu.memory_space<vmem_shared>>
        tpu.enqueue_indirect_dma source(%arg15 : memref<80x128xf32, #tpu.memory_space<vmem>>) target(%dma_start3A_680 : memref<10000x128xf32, #tpu.memory_space<vmem_shared>>) offsets(%dma_start3A_677 : memref<80xi32, #tpu.memory_space<vmem>>) semaphore(%run_scoped3A_674 : memref<!tpu.dma_semaphore, #tpu.memory_space<semaphore_mem>>) {add = true}
        %dma_wait3A_681 = arith.constant 0 : i32
        %dma_wait3A_682 = tpu.memref_slice %arg11[%run_scoped3A_192, %dma_wait3A_681] : memref<8x80xi32, #tpu.memory_space<vmem>> -> memref<1x80xi32, #tpu.memory_space<vmem>>
        %dma_wait3A_683 = tpu.memref_squeeze %dma_wait3A_682 : memref<1x80xi32, #tpu.memory_space<vmem>> -> memref<80xi32, #tpu.memory_space<vmem>>
        %dma_wait3A_684 = arith.constant 0 : i32
        %dma_wait3A_685 = arith.constant 0 : i32
        %dma_wait3A_686 = tpu.memref_slice %arg18[%dma_wait3A_684, %dma_wait3A_685] : memref<10000x128xf32, #tpu.memory_space<vmem_shared>> -> memref<10000x128xf32, #tpu.memory_space<vmem_shared>>
        tpu.wait_indirect_dma semaphore(%run_scoped3A_674 : memref<!tpu.dma_semaphore, #tpu.memory_space<semaphore_mem>>) src(%arg15 : memref<80x128xf32, #tpu.memory_space<vmem>>) dst(%dma_wait3A_686 : memref<10000x128xf32, #tpu.memory_space<vmem_shared>>)
        tpu.yield
      }) : () -> ()
      %dma_start3A_193 = arith.constant 5 : i32
      %dma_start3A_194 = arith.constant 0 : i32
      %dma_start3A_195 = tpu.memref_slice %arg8[%dma_start3A_193, %dma_start3A_194] : memref<8x80xi32, #tpu.memory_space<vmem>> -> memref<1x80xi32, #tpu.memory_space<vmem>>
      %dma_start3A_196 = tpu.memref_squeeze %dma_start3A_195 : memref<1x80xi32, #tpu.memory_space<vmem>> -> memref<80xi32, #tpu.memory_space<vmem>>
      %dma_start3A_197 = arith.constant 0 : i32
      %dma_start3A_198 = arith.constant 0 : i32
      %dma_start3A_199 = tpu.memref_slice %arg2[%dma_start3A_197, %dma_start3A_198] : memref<10000x128xf32, #tpu.memory_space<hbm>> -> memref<10000x128xf32, #tpu.memory_space<hbm>>
      tpu.enqueue_indirect_dma source(%dma_start3A_199 : memref<10000x128xf32, #tpu.memory_space<hbm>>) target(%arg15 : memref<80x128xf32, #tpu.memory_space<vmem>>) offsets(%dma_start3A_196 : memref<80xi32, #tpu.memory_space<vmem>>) semaphore(%arg23 : memref<!tpu.dma_semaphore, #tpu.memory_space<semaphore_mem>>)
      %mul3A_200 = arith.constant 8 : i32
      %mul3A_201 = arith.muli %add3A_138, %mul3A_200 : i32
      %add3A_202 = arith.constant 2 : i32
      %add3A_203 = arith.addi %mul3A_201, %add3A_202 : i32
      %dma_wait3A_204 = arith.constant 2 : i32
      %dma_wait3A_205 = arith.constant 0 : i32
      %dma_wait3A_206 = tpu.memref_slice %arg8[%dma_wait3A_204, %dma_wait3A_205] : memref<8x80xi32, #tpu.memory_space<vmem>> -> memref<1x80xi32, #tpu.memory_space<vmem>>
      %dma_wait3A_207 = tpu.memref_squeeze %dma_wait3A_206 : memref<1x80xi32, #tpu.memory_space<vmem>> -> memref<80xi32, #tpu.memory_space<vmem>>
      %dma_wait3A_208 = arith.constant 0 : i32
      %dma_wait3A_209 = arith.constant 0 : i32
      %dma_wait3A_210 = tpu.memref_slice %arg2[%dma_wait3A_208, %dma_wait3A_209] : memref<10000x128xf32, #tpu.memory_space<hbm>> -> memref<10000x128xf32, #tpu.memory_space<hbm>>
      tpu.wait_indirect_dma semaphore(%arg24 : memref<!tpu.dma_semaphore, #tpu.memory_space<semaphore_mem>>) src(%dma_wait3A_210 : memref<10000x128xf32, #tpu.memory_space<hbm>>) dst(%arg16 : memref<80x128xf32, #tpu.memory_space<vmem>>)
      %run_scoped3A_211 = arith.constant 2 : i32
      "tpu.region"() ({
        %run_scoped3A_674 = tpu.sem_alloc : memref<!tpu.dma_semaphore, #tpu.memory_space<semaphore_mem>>
        %dma_start3A_675 = arith.constant 0 : i32
        %dma_start3A_676 = tpu.memref_slice %arg11[%run_scoped3A_211, %dma_start3A_675] : memref<8x80xi32, #tpu.memory_space<vmem>> -> memref<1x80xi32, #tpu.memory_space<vmem>>
        %dma_start3A_677 = tpu.memref_squeeze %dma_start3A_676 : memref<1x80xi32, #tpu.memory_space<vmem>> -> memref<80xi32, #tpu.memory_space<vmem>>
        %dma_start3A_678 = arith.constant 0 : i32
        %dma_start3A_679 = arith.constant 0 : i32
        %dma_start3A_680 = tpu.memref_slice %arg18[%dma_start3A_678, %dma_start3A_679] : memref<10000x128xf32, #tpu.memory_space<vmem_shared>> -> memref<10000x128xf32, #tpu.memory_space<vmem_shared>>
        tpu.enqueue_indirect_dma source(%arg16 : memref<80x128xf32, #tpu.memory_space<vmem>>) target(%dma_start3A_680 : memref<10000x128xf32, #tpu.memory_space<vmem_shared>>) offsets(%dma_start3A_677 : memref<80xi32, #tpu.memory_space<vmem>>) semaphore(%run_scoped3A_674 : memref<!tpu.dma_semaphore, #tpu.memory_space<semaphore_mem>>) {add = true}
        %dma_wait3A_681 = arith.constant 0 : i32
        %dma_wait3A_682 = tpu.memref_slice %arg11[%run_scoped3A_211, %dma_wait3A_681] : memref<8x80xi32, #tpu.memory_space<vmem>> -> memref<1x80xi32, #tpu.memory_space<vmem>>
        %dma_wait3A_683 = tpu.memref_squeeze %dma_wait3A_682 : memref<1x80xi32, #tpu.memory_space<vmem>> -> memref<80xi32, #tpu.memory_space<vmem>>
        %dma_wait3A_684 = arith.constant 0 : i32
        %dma_wait3A_685 = arith.constant 0 : i32
        %dma_wait3A_686 = tpu.memref_slice %arg18[%dma_wait3A_684, %dma_wait3A_685] : memref<10000x128xf32, #tpu.memory_space<vmem_shared>> -> memref<10000x128xf32, #tpu.memory_space<vmem_shared>>
        tpu.wait_indirect_dma semaphore(%run_scoped3A_674 : memref<!tpu.dma_semaphore, #tpu.memory_space<semaphore_mem>>) src(%arg16 : memref<80x128xf32, #tpu.memory_space<vmem>>) dst(%dma_wait3A_686 : memref<10000x128xf32, #tpu.memory_space<vmem_shared>>)
        tpu.yield
      }) : () -> ()
      %dma_start3A_212 = arith.constant 6 : i32
      %dma_start3A_213 = arith.constant 0 : i32
      %dma_start3A_214 = tpu.memref_slice %arg8[%dma_start3A_212, %dma_start3A_213] : memref<8x80xi32, #tpu.memory_space<vmem>> -> memref<1x80xi32, #tpu.memory_space<vmem>>
      %dma_start3A_215 = tpu.memref_squeeze %dma_start3A_214 : memref<1x80xi32, #tpu.memory_space<vmem>> -> memref<80xi32, #tpu.memory_space<vmem>>
      %dma_start3A_216 = arith.constant 0 : i32
      %dma_start3A_217 = arith.constant 0 : i32
      %dma_start3A_218 = tpu.memref_slice %arg2[%dma_start3A_216, %dma_start3A_217] : memref<10000x128xf32, #tpu.memory_space<hbm>> -> memref<10000x128xf32, #tpu.memory_space<hbm>>
      tpu.enqueue_indirect_dma source(%dma_start3A_218 : memref<10000x128xf32, #tpu.memory_space<hbm>>) target(%arg16 : memref<80x128xf32, #tpu.memory_space<vmem>>) offsets(%dma_start3A_215 : memref<80xi32, #tpu.memory_space<vmem>>) semaphore(%arg24 : memref<!tpu.dma_semaphore, #tpu.memory_space<semaphore_mem>>)
      %mul3A_219 = arith.constant 8 : i32
      %mul3A_220 = arith.muli %add3A_138, %mul3A_219 : i32
      %add3A_221 = arith.constant 3 : i32
      %add3A_222 = arith.addi %mul3A_220, %add3A_221 : i32
      %dma_wait3A_223 = arith.constant 3 : i32
      %dma_wait3A_224 = arith.constant 0 : i32
      %dma_wait3A_225 = tpu.memref_slice %arg8[%dma_wait3A_223, %dma_wait3A_224] : memref<8x80xi32, #tpu.memory_space<vmem>> -> memref<1x80xi32, #tpu.memory_space<vmem>>
      %dma_wait3A_226 = tpu.memref_squeeze %dma_wait3A_225 : memref<1x80xi32, #tpu.memory_space<vmem>> -> memref<80xi32, #tpu.memory_space<vmem>>
      %dma_wait3A_227 = arith.constant 0 : i32
      %dma_wait3A_228 = arith.constant 0 : i32
      %dma_wait3A_229 = tpu.memref_slice %arg2[%dma_wait3A_227, %dma_wait3A_228] : memref<10000x128xf32, #tpu.memory_space<hbm>> -> memref<10000x128xf32, #tpu.memory_space<hbm>>
      tpu.wait_indirect_dma semaphore(%arg25 : memref<!tpu.dma_semaphore, #tpu.memory_space<semaphore_mem>>) src(%dma_wait3A_229 : memref<10000x128xf32, #tpu.memory_space<hbm>>) dst(%arg17 : memref<80x128xf32, #tpu.memory_space<vmem>>)
      %run_scoped3A_230 = arith.constant 3 : i32
      "tpu.region"() ({
        %run_scoped3A_674 = tpu.sem_alloc : memref<!tpu.dma_semaphore, #tpu.memory_space<semaphore_mem>>
        %dma_start3A_675 = arith.constant 0 : i32
        %dma_start3A_676 = tpu.memref_slice %arg11[%run_scoped3A_230, %dma_start3A_675] : memref<8x80xi32, #tpu.memory_space<vmem>> -> memref<1x80xi32, #tpu.memory_space<vmem>>
        %dma_start3A_677 = tpu.memref_squeeze %dma_start3A_676 : memref<1x80xi32, #tpu.memory_space<vmem>> -> memref<80xi32, #tpu.memory_space<vmem>>
        %dma_start3A_678 = arith.constant 0 : i32
        %dma_start3A_679 = arith.constant 0 : i32
        %dma_start3A_680 = tpu.memref_slice %arg18[%dma_start3A_678, %dma_start3A_679] : memref<10000x128xf32, #tpu.memory_space<vmem_shared>> -> memref<10000x128xf32, #tpu.memory_space<vmem_shared>>
        tpu.enqueue_indirect_dma source(%arg17 : memref<80x128xf32, #tpu.memory_space<vmem>>) target(%dma_start3A_680 : memref<10000x128xf32, #tpu.memory_space<vmem_shared>>) offsets(%dma_start3A_677 : memref<80xi32, #tpu.memory_space<vmem>>) semaphore(%run_scoped3A_674 : memref<!tpu.dma_semaphore, #tpu.memory_space<semaphore_mem>>) {add = true}
        %dma_wait3A_681 = arith.constant 0 : i32
        %dma_wait3A_682 = tpu.memref_slice %arg11[%run_scoped3A_230, %dma_wait3A_681] : memref<8x80xi32, #tpu.memory_space<vmem>> -> memref<1x80xi32, #tpu.memory_space<vmem>>
        %dma_wait3A_683 = tpu.memref_squeeze %dma_wait3A_682 : memref<1x80xi32, #tpu.memory_space<vmem>> -> memref<80xi32, #tpu.memory_space<vmem>>
        %dma_wait3A_684 = arith.constant 0 : i32
        %dma_wait3A_685 = arith.constant 0 : i32
        %dma_wait3A_686 = tpu.memref_slice %arg18[%dma_wait3A_684, %dma_wait3A_685] : memref<10000x128xf32, #tpu.memory_space<vmem_shared>> -> memref<10000x128xf32, #tpu.memory_space<vmem_shared>>
        tpu.wait_indirect_dma semaphore(%run_scoped3A_674 : memref<!tpu.dma_semaphore, #tpu.memory_space<semaphore_mem>>) src(%arg17 : memref<80x128xf32, #tpu.memory_space<vmem>>) dst(%dma_wait3A_686 : memref<10000x128xf32, #tpu.memory_space<vmem_shared>>)
        tpu.yield
      }) : () -> ()
      %dma_start3A_231 = arith.constant 7 : i32
      %dma_start3A_232 = arith.constant 0 : i32
      %dma_start3A_233 = tpu.memref_slice %arg8[%dma_start3A_231, %dma_start3A_232] : memref<8x80xi32, #tpu.memory_space<vmem>> -> memref<1x80xi32, #tpu.memory_space<vmem>>
      %dma_start3A_234 = tpu.memref_squeeze %dma_start3A_233 : memref<1x80xi32, #tpu.memory_space<vmem>> -> memref<80xi32, #tpu.memory_space<vmem>>
      %dma_start3A_235 = arith.constant 0 : i32
      %dma_start3A_236 = arith.constant 0 : i32
      %dma_start3A_237 = tpu.memref_slice %arg2[%dma_start3A_235, %dma_start3A_236] : memref<10000x128xf32, #tpu.memory_space<hbm>> -> memref<10000x128xf32, #tpu.memory_space<hbm>>
      tpu.enqueue_indirect_dma source(%dma_start3A_237 : memref<10000x128xf32, #tpu.memory_space<hbm>>) target(%arg17 : memref<80x128xf32, #tpu.memory_space<vmem>>) offsets(%dma_start3A_234 : memref<80xi32, #tpu.memory_space<vmem>>) semaphore(%arg25 : memref<!tpu.dma_semaphore, #tpu.memory_space<semaphore_mem>>)
      %mul3A_238 = arith.constant 8 : i32
      %mul3A_239 = arith.muli %add3A_138, %mul3A_238 : i32
      %add3A_240 = arith.constant 4 : i32
      %add3A_241 = arith.addi %mul3A_239, %add3A_240 : i32
      %dma_wait3A_242 = arith.constant 4 : i32
      %dma_wait3A_243 = arith.constant 0 : i32
      %dma_wait3A_244 = tpu.memref_slice %arg8[%dma_wait3A_242, %dma_wait3A_243] : memref<8x80xi32, #tpu.memory_space<vmem>> -> memref<1x80xi32, #tpu.memory_space<vmem>>
      %dma_wait3A_245 = tpu.memref_squeeze %dma_wait3A_244 : memref<1x80xi32, #tpu.memory_space<vmem>> -> memref<80xi32, #tpu.memory_space<vmem>>
      %dma_wait3A_246 = arith.constant 0 : i32
      %dma_wait3A_247 = arith.constant 0 : i32
      %dma_wait3A_248 = tpu.memref_slice %arg2[%dma_wait3A_246, %dma_wait3A_247] : memref<10000x128xf32, #tpu.memory_space<hbm>> -> memref<10000x128xf32, #tpu.memory_space<hbm>>
      tpu.wait_indirect_dma semaphore(%arg22 : memref<!tpu.dma_semaphore, #tpu.memory_space<semaphore_mem>>) src(%dma_wait3A_248 : memref<10000x128xf32, #tpu.memory_space<hbm>>) dst(%arg14 : memref<80x128xf32, #tpu.memory_space<vmem>>)
      %run_scoped3A_249 = arith.constant 4 : i32
      "tpu.region"() ({
        %run_scoped3A_674 = tpu.sem_alloc : memref<!tpu.dma_semaphore, #tpu.memory_space<semaphore_mem>>
        %dma_start3A_675 = arith.constant 0 : i32
        %dma_start3A_676 = tpu.memref_slice %arg11[%run_scoped3A_249, %dma_start3A_675] : memref<8x80xi32, #tpu.memory_space<vmem>> -> memref<1x80xi32, #tpu.memory_space<vmem>>
        %dma_start3A_677 = tpu.memref_squeeze %dma_start3A_676 : memref<1x80xi32, #tpu.memory_space<vmem>> -> memref<80xi32, #tpu.memory_space<vmem>>
        %dma_start3A_678 = arith.constant 0 : i32
        %dma_start3A_679 = arith.constant 0 : i32
        %dma_start3A_680 = tpu.memref_slice %arg18[%dma_start3A_678, %dma_start3A_679] : memref<10000x128xf32, #tpu.memory_space<vmem_shared>> -> memref<10000x128xf32, #tpu.memory_space<vmem_shared>>
        tpu.enqueue_indirect_dma source(%arg14 : memref<80x128xf32, #tpu.memory_space<vmem>>) target(%dma_start3A_680 : memref<10000x128xf32, #tpu.memory_space<vmem_shared>>) offsets(%dma_start3A_677 : memref<80xi32, #tpu.memory_space<vmem>>) semaphore(%run_scoped3A_674 : memref<!tpu.dma_semaphore, #tpu.memory_space<semaphore_mem>>) {add = true}
        %dma_wait3A_681 = arith.constant 0 : i32
        %dma_wait3A_682 = tpu.memref_slice %arg11[%run_scoped3A_249, %dma_wait3A_681] : memref<8x80xi32, #tpu.memory_space<vmem>> -> memref<1x80xi32, #tpu.memory_space<vmem>>
        %dma_wait3A_683 = tpu.memref_squeeze %dma_wait3A_682 : memref<1x80xi32, #tpu.memory_space<vmem>> -> memref<80xi32, #tpu.memory_space<vmem>>
        %dma_wait3A_684 = arith.constant 0 : i32
        %dma_wait3A_685 = arith.constant 0 : i32
        %dma_wait3A_686 = tpu.memref_slice %arg18[%dma_wait3A_684, %dma_wait3A_685] : memref<10000x128xf32, #tpu.memory_space<vmem_shared>> -> memref<10000x128xf32, #tpu.memory_space<vmem_shared>>
        tpu.wait_indirect_dma semaphore(%run_scoped3A_674 : memref<!tpu.dma_semaphore, #tpu.memory_space<semaphore_mem>>) src(%arg14 : memref<80x128xf32, #tpu.memory_space<vmem>>) dst(%dma_wait3A_686 : memref<10000x128xf32, #tpu.memory_space<vmem_shared>>)
        tpu.yield
      }) : () -> ()
      %dma_start3A_250 = arith.constant 0 : i32
      %dma_start3A_251 = arith.constant 0 : i32
      %dma_start3A_252 = tpu.memref_slice %arg9[%dma_start3A_250, %dma_start3A_251] : memref<8x80xi32, #tpu.memory_space<vmem>> -> memref<1x80xi32, #tpu.memory_space<vmem>>
      %dma_start3A_253 = tpu.memref_squeeze %dma_start3A_252 : memref<1x80xi32, #tpu.memory_space<vmem>> -> memref<80xi32, #tpu.memory_space<vmem>>
      %dma_start3A_254 = arith.constant 0 : i32
      %dma_start3A_255 = arith.constant 0 : i32
      %dma_start3A_256 = tpu.memref_slice %arg2[%dma_start3A_254, %dma_start3A_255] : memref<10000x128xf32, #tpu.memory_space<hbm>> -> memref<10000x128xf32, #tpu.memory_space<hbm>>
      tpu.enqueue_indirect_dma source(%dma_start3A_256 : memref<10000x128xf32, #tpu.memory_space<hbm>>) target(%arg14 : memref<80x128xf32, #tpu.memory_space<vmem>>) offsets(%dma_start3A_253 : memref<80xi32, #tpu.memory_space<vmem>>) semaphore(%arg22 : memref<!tpu.dma_semaphore, #tpu.memory_space<semaphore_mem>>)
      %mul3A_257 = arith.constant 8 : i32
      %mul3A_258 = arith.muli %add3A_138, %mul3A_257 : i32
      %add3A_259 = arith.constant 5 : i32
      %add3A_260 = arith.addi %mul3A_258, %add3A_259 : i32
      %dma_wait3A_261 = arith.constant 5 : i32
      %dma_wait3A_262 = arith.constant 0 : i32
      %dma_wait3A_263 = tpu.memref_slice %arg8[%dma_wait3A_261, %dma_wait3A_262] : memref<8x80xi32, #tpu.memory_space<vmem>> -> memref<1x80xi32, #tpu.memory_space<vmem>>
      %dma_wait3A_264 = tpu.memref_squeeze %dma_wait3A_263 : memref<1x80xi32, #tpu.memory_space<vmem>> -> memref<80xi32, #tpu.memory_space<vmem>>
      %dma_wait3A_265 = arith.constant 0 : i32
      %dma_wait3A_266 = arith.constant 0 : i32
      %dma_wait3A_267 = tpu.memref_slice %arg2[%dma_wait3A_265, %dma_wait3A_266] : memref<10000x128xf32, #tpu.memory_space<hbm>> -> memref<10000x128xf32, #tpu.memory_space<hbm>>
      tpu.wait_indirect_dma semaphore(%arg23 : memref<!tpu.dma_semaphore, #tpu.memory_space<semaphore_mem>>) src(%dma_wait3A_267 : memref<10000x128xf32, #tpu.memory_space<hbm>>) dst(%arg15 : memref<80x128xf32, #tpu.memory_space<vmem>>)
      %run_scoped3A_268 = arith.constant 5 : i32
      "tpu.region"() ({
        %run_scoped3A_674 = tpu.sem_alloc : memref<!tpu.dma_semaphore, #tpu.memory_space<semaphore_mem>>
        %dma_start3A_675 = arith.constant 0 : i32
        %dma_start3A_676 = tpu.memref_slice %arg11[%run_scoped3A_268, %dma_start3A_675] : memref<8x80xi32, #tpu.memory_space<vmem>> -> memref<1x80xi32, #tpu.memory_space<vmem>>
        %dma_start3A_677 = tpu.memref_squeeze %dma_start3A_676 : memref<1x80xi32, #tpu.memory_space<vmem>> -> memref<80xi32, #tpu.memory_space<vmem>>
        %dma_start3A_678 = arith.constant 0 : i32
        %dma_start3A_679 = arith.constant 0 : i32
        %dma_start3A_680 = tpu.memref_slice %arg18[%dma_start3A_678, %dma_start3A_679] : memref<10000x128xf32, #tpu.memory_space<vmem_shared>> -> memref<10000x128xf32, #tpu.memory_space<vmem_shared>>
        tpu.enqueue_indirect_dma source(%arg15 : memref<80x128xf32, #tpu.memory_space<vmem>>) target(%dma_start3A_680 : memref<10000x128xf32, #tpu.memory_space<vmem_shared>>) offsets(%dma_start3A_677 : memref<80xi32, #tpu.memory_space<vmem>>) semaphore(%run_scoped3A_674 : memref<!tpu.dma_semaphore, #tpu.memory_space<semaphore_mem>>) {add = true}
        %dma_wait3A_681 = arith.constant 0 : i32
        %dma_wait3A_682 = tpu.memref_slice %arg11[%run_scoped3A_268, %dma_wait3A_681] : memref<8x80xi32, #tpu.memory_space<vmem>> -> memref<1x80xi32, #tpu.memory_space<vmem>>
        %dma_wait3A_683 = tpu.memref_squeeze %dma_wait3A_682 : memref<1x80xi32, #tpu.memory_space<vmem>> -> memref<80xi32, #tpu.memory_space<vmem>>
        %dma_wait3A_684 = arith.constant 0 : i32
        %dma_wait3A_685 = arith.constant 0 : i32
        %dma_wait3A_686 = tpu.memref_slice %arg18[%dma_wait3A_684, %dma_wait3A_685] : memref<10000x128xf32, #tpu.memory_space<vmem_shared>> -> memref<10000x128xf32, #tpu.memory_space<vmem_shared>>
        tpu.wait_indirect_dma semaphore(%run_scoped3A_674 : memref<!tpu.dma_semaphore, #tpu.memory_space<semaphore_mem>>) src(%arg15 : memref<80x128xf32, #tpu.memory_space<vmem>>) dst(%dma_wait3A_686 : memref<10000x128xf32, #tpu.memory_space<vmem_shared>>)
        tpu.yield
      }) : () -> ()
      %dma_start3A_269 = arith.constant 1 : i32
      %dma_start3A_270 = arith.constant 0 : i32
      %dma_start3A_271 = tpu.memref_slice %arg9[%dma_start3A_269, %dma_start3A_270] : memref<8x80xi32, #tpu.memory_space<vmem>> -> memref<1x80xi32, #tpu.memory_space<vmem>>
      %dma_start3A_272 = tpu.memref_squeeze %dma_start3A_271 : memref<1x80xi32, #tpu.memory_space<vmem>> -> memref<80xi32, #tpu.memory_space<vmem>>
      %dma_start3A_273 = arith.constant 0 : i32
      %dma_start3A_274 = arith.constant 0 : i32
      %dma_start3A_275 = tpu.memref_slice %arg2[%dma_start3A_273, %dma_start3A_274] : memref<10000x128xf32, #tpu.memory_space<hbm>> -> memref<10000x128xf32, #tpu.memory_space<hbm>>
      tpu.enqueue_indirect_dma source(%dma_start3A_275 : memref<10000x128xf32, #tpu.memory_space<hbm>>) target(%arg15 : memref<80x128xf32, #tpu.memory_space<vmem>>) offsets(%dma_start3A_272 : memref<80xi32, #tpu.memory_space<vmem>>) semaphore(%arg23 : memref<!tpu.dma_semaphore, #tpu.memory_space<semaphore_mem>>)
      %mul3A_276 = arith.constant 8 : i32
      %mul3A_277 = arith.muli %add3A_138, %mul3A_276 : i32
      %add3A_278 = arith.constant 6 : i32
      %add3A_279 = arith.addi %mul3A_277, %add3A_278 : i32
      %dma_wait3A_280 = arith.constant 6 : i32
      %dma_wait3A_281 = arith.constant 0 : i32
      %dma_wait3A_282 = tpu.memref_slice %arg8[%dma_wait3A_280, %dma_wait3A_281] : memref<8x80xi32, #tpu.memory_space<vmem>> -> memref<1x80xi32, #tpu.memory_space<vmem>>
      %dma_wait3A_283 = tpu.memref_squeeze %dma_wait3A_282 : memref<1x80xi32, #tpu.memory_space<vmem>> -> memref<80xi32, #tpu.memory_space<vmem>>
      %dma_wait3A_284 = arith.constant 0 : i32
      %dma_wait3A_285 = arith.constant 0 : i32
      %dma_wait3A_286 = tpu.memref_slice %arg2[%dma_wait3A_284, %dma_wait3A_285] : memref<10000x128xf32, #tpu.memory_space<hbm>> -> memref<10000x128xf32, #tpu.memory_space<hbm>>
      tpu.wait_indirect_dma semaphore(%arg24 : memref<!tpu.dma_semaphore, #tpu.memory_space<semaphore_mem>>) src(%dma_wait3A_286 : memref<10000x128xf32, #tpu.memory_space<hbm>>) dst(%arg16 : memref<80x128xf32, #tpu.memory_space<vmem>>)
      %run_scoped3A_287 = arith.constant 6 : i32
      "tpu.region"() ({
        %run_scoped3A_674 = tpu.sem_alloc : memref<!tpu.dma_semaphore, #tpu.memory_space<semaphore_mem>>
        %dma_start3A_675 = arith.constant 0 : i32
        %dma_start3A_676 = tpu.memref_slice %arg11[%run_scoped3A_287, %dma_start3A_675] : memref<8x80xi32, #tpu.memory_space<vmem>> -> memref<1x80xi32, #tpu.memory_space<vmem>>
        %dma_start3A_677 = tpu.memref_squeeze %dma_start3A_676 : memref<1x80xi32, #tpu.memory_space<vmem>> -> memref<80xi32, #tpu.memory_space<vmem>>
        %dma_start3A_678 = arith.constant 0 : i32
        %dma_start3A_679 = arith.constant 0 : i32
        %dma_start3A_680 = tpu.memref_slice %arg18[%dma_start3A_678, %dma_start3A_679] : memref<10000x128xf32, #tpu.memory_space<vmem_shared>> -> memref<10000x128xf32, #tpu.memory_space<vmem_shared>>
        tpu.enqueue_indirect_dma source(%arg16 : memref<80x128xf32, #tpu.memory_space<vmem>>) target(%dma_start3A_680 : memref<10000x128xf32, #tpu.memory_space<vmem_shared>>) offsets(%dma_start3A_677 : memref<80xi32, #tpu.memory_space<vmem>>) semaphore(%run_scoped3A_674 : memref<!tpu.dma_semaphore, #tpu.memory_space<semaphore_mem>>) {add = true}
        %dma_wait3A_681 = arith.constant 0 : i32
        %dma_wait3A_682 = tpu.memref_slice %arg11[%run_scoped3A_287, %dma_wait3A_681] : memref<8x80xi32, #tpu.memory_space<vmem>> -> memref<1x80xi32, #tpu.memory_space<vmem>>
        %dma_wait3A_683 = tpu.memref_squeeze %dma_wait3A_682 : memref<1x80xi32, #tpu.memory_space<vmem>> -> memref<80xi32, #tpu.memory_space<vmem>>
        %dma_wait3A_684 = arith.constant 0 : i32
        %dma_wait3A_685 = arith.constant 0 : i32
        %dma_wait3A_686 = tpu.memref_slice %arg18[%dma_wait3A_684, %dma_wait3A_685] : memref<10000x128xf32, #tpu.memory_space<vmem_shared>> -> memref<10000x128xf32, #tpu.memory_space<vmem_shared>>
        tpu.wait_indirect_dma semaphore(%run_scoped3A_674 : memref<!tpu.dma_semaphore, #tpu.memory_space<semaphore_mem>>) src(%arg16 : memref<80x128xf32, #tpu.memory_space<vmem>>) dst(%dma_wait3A_686 : memref<10000x128xf32, #tpu.memory_space<vmem_shared>>)
        tpu.yield
      }) : () -> ()
      %dma_start3A_288 = arith.constant 2 : i32
      %dma_start3A_289 = arith.constant 0 : i32
      %dma_start3A_290 = tpu.memref_slice %arg9[%dma_start3A_288, %dma_start3A_289] : memref<8x80xi32, #tpu.memory_space<vmem>> -> memref<1x80xi32, #tpu.memory_space<vmem>>
      %dma_start3A_291 = tpu.memref_squeeze %dma_start3A_290 : memref<1x80xi32, #tpu.memory_space<vmem>> -> memref<80xi32, #tpu.memory_space<vmem>>
      %dma_start3A_292 = arith.constant 0 : i32
      %dma_start3A_293 = arith.constant 0 : i32
      %dma_start3A_294 = tpu.memref_slice %arg2[%dma_start3A_292, %dma_start3A_293] : memref<10000x128xf32, #tpu.memory_space<hbm>> -> memref<10000x128xf32, #tpu.memory_space<hbm>>
      tpu.enqueue_indirect_dma source(%dma_start3A_294 : memref<10000x128xf32, #tpu.memory_space<hbm>>) target(%arg16 : memref<80x128xf32, #tpu.memory_space<vmem>>) offsets(%dma_start3A_291 : memref<80xi32, #tpu.memory_space<vmem>>) semaphore(%arg24 : memref<!tpu.dma_semaphore, #tpu.memory_space<semaphore_mem>>)
      %mul3A_295 = arith.constant 8 : i32
      %mul3A_296 = arith.muli %add3A_138, %mul3A_295 : i32
      %add3A_297 = arith.constant 7 : i32
      %add3A_298 = arith.addi %mul3A_296, %add3A_297 : i32
      %dma_wait3A_299 = arith.constant 7 : i32
      %dma_wait3A_300 = arith.constant 0 : i32
      %dma_wait3A_301 = tpu.memref_slice %arg8[%dma_wait3A_299, %dma_wait3A_300] : memref<8x80xi32, #tpu.memory_space<vmem>> -> memref<1x80xi32, #tpu.memory_space<vmem>>
      %dma_wait3A_302 = tpu.memref_squeeze %dma_wait3A_301 : memref<1x80xi32, #tpu.memory_space<vmem>> -> memref<80xi32, #tpu.memory_space<vmem>>
      %dma_wait3A_303 = arith.constant 0 : i32
      %dma_wait3A_304 = arith.constant 0 : i32
      %dma_wait3A_305 = tpu.memref_slice %arg2[%dma_wait3A_303, %dma_wait3A_304] : memref<10000x128xf32, #tpu.memory_space<hbm>> -> memref<10000x128xf32, #tpu.memory_space<hbm>>
      tpu.wait_indirect_dma semaphore(%arg25 : memref<!tpu.dma_semaphore, #tpu.memory_space<semaphore_mem>>) src(%dma_wait3A_305 : memref<10000x128xf32, #tpu.memory_space<hbm>>) dst(%arg17 : memref<80x128xf32, #tpu.memory_space<vmem>>)
      %run_scoped3A_306 = arith.constant 7 : i32
      "tpu.region"() ({
        %run_scoped3A_674 = tpu.sem_alloc : memref<!tpu.dma_semaphore, #tpu.memory_space<semaphore_mem>>
        %dma_start3A_675 = arith.constant 0 : i32
        %dma_start3A_676 = tpu.memref_slice %arg11[%run_scoped3A_306, %dma_start3A_675] : memref<8x80xi32, #tpu.memory_space<vmem>> -> memref<1x80xi32, #tpu.memory_space<vmem>>
        %dma_start3A_677 = tpu.memref_squeeze %dma_start3A_676 : memref<1x80xi32, #tpu.memory_space<vmem>> -> memref<80xi32, #tpu.memory_space<vmem>>
        %dma_start3A_678 = arith.constant 0 : i32
        %dma_start3A_679 = arith.constant 0 : i32
        %dma_start3A_680 = tpu.memref_slice %arg18[%dma_start3A_678, %dma_start3A_679] : memref<10000x128xf32, #tpu.memory_space<vmem_shared>> -> memref<10000x128xf32, #tpu.memory_space<vmem_shared>>
        tpu.enqueue_indirect_dma source(%arg17 : memref<80x128xf32, #tpu.memory_space<vmem>>) target(%dma_start3A_680 : memref<10000x128xf32, #tpu.memory_space<vmem_shared>>) offsets(%dma_start3A_677 : memref<80xi32, #tpu.memory_space<vmem>>) semaphore(%run_scoped3A_674 : memref<!tpu.dma_semaphore, #tpu.memory_space<semaphore_mem>>) {add = true}
        %dma_wait3A_681 = arith.constant 0 : i32
        %dma_wait3A_682 = tpu.memref_slice %arg11[%run_scoped3A_306, %dma_wait3A_681] : memref<8x80xi32, #tpu.memory_space<vmem>> -> memref<1x80xi32, #tpu.memory_space<vmem>>
        %dma_wait3A_683 = tpu.memref_squeeze %dma_wait3A_682 : memref<1x80xi32, #tpu.memory_space<vmem>> -> memref<80xi32, #tpu.memory_space<vmem>>
        %dma_wait3A_684 = arith.constant 0 : i32
        %dma_wait3A_685 = arith.constant 0 : i32
        %dma_wait3A_686 = tpu.memref_slice %arg18[%dma_wait3A_684, %dma_wait3A_685] : memref<10000x128xf32, #tpu.memory_space<vmem_shared>> -> memref<10000x128xf32, #tpu.memory_space<vmem_shared>>
        tpu.wait_indirect_dma semaphore(%run_scoped3A_674 : memref<!tpu.dma_semaphore, #tpu.memory_space<semaphore_mem>>) src(%arg17 : memref<80x128xf32, #tpu.memory_space<vmem>>) dst(%dma_wait3A_686 : memref<10000x128xf32, #tpu.memory_space<vmem_shared>>)
        tpu.yield
      }) : () -> ()
      %dma_start3A_307 = arith.constant 3 : i32
      %dma_start3A_308 = arith.constant 0 : i32
      %dma_start3A_309 = tpu.memref_slice %arg9[%dma_start3A_307, %dma_start3A_308] : memref<8x80xi32, #tpu.memory_space<vmem>> -> memref<1x80xi32, #tpu.memory_space<vmem>>
      %dma_start3A_310 = tpu.memref_squeeze %dma_start3A_309 : memref<1x80xi32, #tpu.memory_space<vmem>> -> memref<80xi32, #tpu.memory_space<vmem>>
      %dma_start3A_311 = arith.constant 0 : i32
      %dma_start3A_312 = arith.constant 0 : i32
      %dma_start3A_313 = tpu.memref_slice %arg2[%dma_start3A_311, %dma_start3A_312] : memref<10000x128xf32, #tpu.memory_space<hbm>> -> memref<10000x128xf32, #tpu.memory_space<hbm>>
      tpu.enqueue_indirect_dma source(%dma_start3A_313 : memref<10000x128xf32, #tpu.memory_space<hbm>>) target(%arg17 : memref<80x128xf32, #tpu.memory_space<vmem>>) offsets(%dma_start3A_310 : memref<80xi32, #tpu.memory_space<vmem>>) semaphore(%arg25 : memref<!tpu.dma_semaphore, #tpu.memory_space<semaphore_mem>>)
      %mul3A_314 = arith.constant 3 : i32
      %mul3A_315 = arith.muli %scan3A_134, %mul3A_314 : i32
      %add3A_316 = arith.constant 1 : i32
      %add3A_317 = arith.addi %mul3A_315, %add3A_316 : i32
      %add3A_318 = arith.constant 1 : i32
      %add3A_319 = arith.addi %add3A_317, %add3A_318 : i32
      %mul3A_320 = arith.constant 8 : i32
      %mul3A_321 = arith.muli %add3A_319, %mul3A_320 : i32
      %multiple_of3A_322 = tpu.assume_multiple %mul3A_321, 8 : i32
      %dma_wait3A_323 = arith.constant 0 : i32
      %dma_wait3A_324 = tpu.memref_slice %arg3[%add3A, %multiple_of3A_322, %dma_wait3A_323] : memref<32x128x80xi32, #tpu.memory_space<hbm>> -> memref<1x8x80xi32, #tpu.memory_space<hbm>>
      %dma_wait3A_325 = tpu.memref_squeeze %dma_wait3A_324 : memref<1x8x80xi32, #tpu.memory_space<hbm>> -> memref<8x80xi32, #tpu.memory_space<hbm>>
      %dma_wait3A_326 = arith.constant 0 : i32
      %dma_wait3A_327 = tpu.memref_slice %arg3[%add3A, %multiple_of3A_322, %dma_wait3A_326] : memref<32x128x80xi32, #tpu.memory_space<hbm>> -> memref<1x8x80xi32, #tpu.memory_space<hbm>>
      %dma_wait3A_328 = tpu.memref_squeeze %dma_wait3A_327 : memref<1x8x80xi32, #tpu.memory_space<hbm>> -> memref<8x80xi32, #tpu.memory_space<hbm>>
      tpu.wait_dma2 semaphore(%arg21 : memref<!tpu.dma_semaphore, #tpu.memory_space<semaphore_mem>>) src(%dma_wait3A_328 : memref<8x80xi32, #tpu.memory_space<hbm>>) dst(%arg10 : memref<8x80xi32, #tpu.memory_space<vmem>>)
      %dma_wait3A_329 = arith.constant 0 : i32
      %dma_wait3A_330 = tpu.memref_slice %arg4[%add3A, %multiple_of3A_322, %dma_wait3A_329] : memref<32x128x80xi32, #tpu.memory_space<hbm>> -> memref<1x8x80xi32, #tpu.memory_space<hbm>>
      %dma_wait3A_331 = tpu.memref_squeeze %dma_wait3A_330 : memref<1x8x80xi32, #tpu.memory_space<hbm>> -> memref<8x80xi32, #tpu.memory_space<hbm>>
      %dma_wait3A_332 = arith.constant 0 : i32
      %dma_wait3A_333 = tpu.memref_slice %arg4[%add3A, %multiple_of3A_322, %dma_wait3A_332] : memref<32x128x80xi32, #tpu.memory_space<hbm>> -> memref<1x8x80xi32, #tpu.memory_space<hbm>>
      %dma_wait3A_334 = tpu.memref_squeeze %dma_wait3A_333 : memref<1x8x80xi32, #tpu.memory_space<hbm>> -> memref<8x80xi32, #tpu.memory_space<hbm>>
      tpu.wait_dma2 semaphore(%arg21 : memref<!tpu.dma_semaphore, #tpu.memory_space<semaphore_mem>>) src(%dma_wait3A_334 : memref<8x80xi32, #tpu.memory_space<hbm>>) dst(%arg13 : memref<8x80xi32, #tpu.memory_space<vmem>>)
      %add3A_335 = arith.constant 2 : i32
      %add3A_336 = arith.addi %add3A_317, %add3A_335 : i32
      %lt3A_337 = arith.constant 16 : i32
      %lt3A_338 = arith.cmpi slt, %add3A_336, %lt3A_337 : i32
      %convert_element_type3A_339 = arith.extui %lt3A_338 : i1 to i32
      %cond3A_340 = arith.constant 0 : i32
      %cond3A_341 = arith.cmpi ne, %convert_element_type3A_339, %cond3A_340 : i32
      scf.if %cond3A_341 {
        %add3A_674 = arith.constant 2 : i32
        %add3A_675 = arith.addi %add3A_317, %add3A_674 : i32
        %mul3A_676 = arith.constant 8 : i32
        %mul3A_677 = arith.muli %add3A_675, %mul3A_676 : i32
        %multiple_of3A_678 = tpu.assume_multiple %mul3A_677, 8 : i32
        %dma_start3A_679 = arith.constant 0 : i32
        %dma_start3A_680 = tpu.memref_slice %arg3[%add3A, %multiple_of3A_678, %dma_start3A_679] : memref<32x128x80xi32, #tpu.memory_space<hbm>> -> memref<1x8x80xi32, #tpu.memory_space<hbm>>
        %dma_start3A_681 = tpu.memref_squeeze %dma_start3A_680 : memref<1x8x80xi32, #tpu.memory_space<hbm>> -> memref<8x80xi32, #tpu.memory_space<hbm>>
        %dma_start3A_682 = arith.constant 0 : i32
        %dma_start3A_683 = tpu.memref_slice %arg3[%add3A, %multiple_of3A_678, %dma_start3A_682] : memref<32x128x80xi32, #tpu.memory_space<hbm>> -> memref<1x8x80xi32, #tpu.memory_space<hbm>>
        %dma_start3A_684 = tpu.memref_squeeze %dma_start3A_683 : memref<1x8x80xi32, #tpu.memory_space<hbm>> -> memref<8x80xi32, #tpu.memory_space<hbm>>
        tpu.enqueue_dma source(%dma_start3A_684 : memref<8x80xi32, #tpu.memory_space<hbm>>) target(%arg8 : memref<8x80xi32, #tpu.memory_space<vmem>>) target_semaphore(%arg19 : memref<!tpu.dma_semaphore, #tpu.memory_space<semaphore_mem>>)
        %dma_start3A_685 = arith.constant 0 : i32
        %dma_start3A_686 = tpu.memref_slice %arg4[%add3A, %multiple_of3A_678, %dma_start3A_685] : memref<32x128x80xi32, #tpu.memory_space<hbm>> -> memref<1x8x80xi32, #tpu.memory_space<hbm>>
        %dma_start3A_687 = tpu.memref_squeeze %dma_start3A_686 : memref<1x8x80xi32, #tpu.memory_space<hbm>> -> memref<8x80xi32, #tpu.memory_space<hbm>>
        %dma_start3A_688 = arith.constant 0 : i32
        %dma_start3A_689 = tpu.memref_slice %arg4[%add3A, %multiple_of3A_678, %dma_start3A_688] : memref<32x128x80xi32, #tpu.memory_space<hbm>> -> memref<1x8x80xi32, #tpu.memory_space<hbm>>
        %dma_start3A_690 = tpu.memref_squeeze %dma_start3A_689 : memref<1x8x80xi32, #tpu.memory_space<hbm>> -> memref<8x80xi32, #tpu.memory_space<hbm>>
        tpu.enqueue_dma source(%dma_start3A_690 : memref<8x80xi32, #tpu.memory_space<hbm>>) target(%arg11 : memref<8x80xi32, #tpu.memory_space<vmem>>) target_semaphore(%arg19 : memref<!tpu.dma_semaphore, #tpu.memory_space<semaphore_mem>>)
      } else {
      }
      %mul3A_342 = arith.constant 8 : i32
      %mul3A_343 = arith.muli %add3A_317, %mul3A_342 : i32
      %add3A_344 = arith.constant 0 : i32
      %add3A_345 = arith.addi %mul3A_343, %add3A_344 : i32
      %dma_wait3A_346 = arith.constant 0 : i32
      %dma_wait3A_347 = arith.constant 0 : i32
      %dma_wait3A_348 = tpu.memref_slice %arg9[%dma_wait3A_346, %dma_wait3A_347] : memref<8x80xi32, #tpu.memory_space<vmem>> -> memref<1x80xi32, #tpu.memory_space<vmem>>
      %dma_wait3A_349 = tpu.memref_squeeze %dma_wait3A_348 : memref<1x80xi32, #tpu.memory_space<vmem>> -> memref<80xi32, #tpu.memory_space<vmem>>
      %dma_wait3A_350 = arith.constant 0 : i32
      %dma_wait3A_351 = arith.constant 0 : i32
      %dma_wait3A_352 = tpu.memref_slice %arg2[%dma_wait3A_350, %dma_wait3A_351] : memref<10000x128xf32, #tpu.memory_space<hbm>> -> memref<10000x128xf32, #tpu.memory_space<hbm>>
      tpu.wait_indirect_dma semaphore(%arg22 : memref<!tpu.dma_semaphore, #tpu.memory_space<semaphore_mem>>) src(%dma_wait3A_352 : memref<10000x128xf32, #tpu.memory_space<hbm>>) dst(%arg14 : memref<80x128xf32, #tpu.memory_space<vmem>>)
      %run_scoped3A_353 = arith.constant 0 : i32
      "tpu.region"() ({
        %run_scoped3A_674 = tpu.sem_alloc : memref<!tpu.dma_semaphore, #tpu.memory_space<semaphore_mem>>
        %dma_start3A_675 = arith.constant 0 : i32
        %dma_start3A_676 = tpu.memref_slice %arg12[%run_scoped3A_353, %dma_start3A_675] : memref<8x80xi32, #tpu.memory_space<vmem>> -> memref<1x80xi32, #tpu.memory_space<vmem>>
        %dma_start3A_677 = tpu.memref_squeeze %dma_start3A_676 : memref<1x80xi32, #tpu.memory_space<vmem>> -> memref<80xi32, #tpu.memory_space<vmem>>
        %dma_start3A_678 = arith.constant 0 : i32
        %dma_start3A_679 = arith.constant 0 : i32
        %dma_start3A_680 = tpu.memref_slice %arg18[%dma_start3A_678, %dma_start3A_679] : memref<10000x128xf32, #tpu.memory_space<vmem_shared>> -> memref<10000x128xf32, #tpu.memory_space<vmem_shared>>
        tpu.enqueue_indirect_dma source(%arg14 : memref<80x128xf32, #tpu.memory_space<vmem>>) target(%dma_start3A_680 : memref<10000x128xf32, #tpu.memory_space<vmem_shared>>) offsets(%dma_start3A_677 : memref<80xi32, #tpu.memory_space<vmem>>) semaphore(%run_scoped3A_674 : memref<!tpu.dma_semaphore, #tpu.memory_space<semaphore_mem>>) {add = true}
        %dma_wait3A_681 = arith.constant 0 : i32
        %dma_wait3A_682 = tpu.memref_slice %arg12[%run_scoped3A_353, %dma_wait3A_681] : memref<8x80xi32, #tpu.memory_space<vmem>> -> memref<1x80xi32, #tpu.memory_space<vmem>>
        %dma_wait3A_683 = tpu.memref_squeeze %dma_wait3A_682 : memref<1x80xi32, #tpu.memory_space<vmem>> -> memref<80xi32, #tpu.memory_space<vmem>>
        %dma_wait3A_684 = arith.constant 0 : i32
        %dma_wait3A_685 = arith.constant 0 : i32
        %dma_wait3A_686 = tpu.memref_slice %arg18[%dma_wait3A_684, %dma_wait3A_685] : memref<10000x128xf32, #tpu.memory_space<vmem_shared>> -> memref<10000x128xf32, #tpu.memory_space<vmem_shared>>
        tpu.wait_indirect_dma semaphore(%run_scoped3A_674 : memref<!tpu.dma_semaphore, #tpu.memory_space<semaphore_mem>>) src(%arg14 : memref<80x128xf32, #tpu.memory_space<vmem>>) dst(%dma_wait3A_686 : memref<10000x128xf32, #tpu.memory_space<vmem_shared>>)
        tpu.yield
      }) : () -> ()
      %dma_start3A_354 = arith.constant 4 : i32
      %dma_start3A_355 = arith.constant 0 : i32
      %dma_start3A_356 = tpu.memref_slice %arg9[%dma_start3A_354, %dma_start3A_355] : memref<8x80xi32, #tpu.memory_space<vmem>> -> memref<1x80xi32, #tpu.memory_space<vmem>>
      %dma_start3A_357 = tpu.memref_squeeze %dma_start3A_356 : memref<1x80xi32, #tpu.memory_space<vmem>> -> memref<80xi32, #tpu.memory_space<vmem>>
      %dma_start3A_358 = arith.constant 0 : i32
      %dma_start3A_359 = arith.constant 0 : i32
      %dma_start3A_360 = tpu.memref_slice %arg2[%dma_start3A_358, %dma_start3A_359] : memref<10000x128xf32, #tpu.memory_space<hbm>> -> memref<10000x128xf32, #tpu.memory_space<hbm>>
      tpu.enqueue_indirect_dma source(%dma_start3A_360 : memref<10000x128xf32, #tpu.memory_space<hbm>>) target(%arg14 : memref<80x128xf32, #tpu.memory_space<vmem>>) offsets(%dma_start3A_357 : memref<80xi32, #tpu.memory_space<vmem>>) semaphore(%arg22 : memref<!tpu.dma_semaphore, #tpu.memory_space<semaphore_mem>>)
      %mul3A_361 = arith.constant 8 : i32
      %mul3A_362 = arith.muli %add3A_317, %mul3A_361 : i32
      %add3A_363 = arith.constant 1 : i32
      %add3A_364 = arith.addi %mul3A_362, %add3A_363 : i32
      %dma_wait3A_365 = arith.constant 1 : i32
      %dma_wait3A_366 = arith.constant 0 : i32
      %dma_wait3A_367 = tpu.memref_slice %arg9[%dma_wait3A_365, %dma_wait3A_366] : memref<8x80xi32, #tpu.memory_space<vmem>> -> memref<1x80xi32, #tpu.memory_space<vmem>>
      %dma_wait3A_368 = tpu.memref_squeeze %dma_wait3A_367 : memref<1x80xi32, #tpu.memory_space<vmem>> -> memref<80xi32, #tpu.memory_space<vmem>>
      %dma_wait3A_369 = arith.constant 0 : i32
      %dma_wait3A_370 = arith.constant 0 : i32
      %dma_wait3A_371 = tpu.memref_slice %arg2[%dma_wait3A_369, %dma_wait3A_370] : memref<10000x128xf32, #tpu.memory_space<hbm>> -> memref<10000x128xf32, #tpu.memory_space<hbm>>
      tpu.wait_indirect_dma semaphore(%arg23 : memref<!tpu.dma_semaphore, #tpu.memory_space<semaphore_mem>>) src(%dma_wait3A_371 : memref<10000x128xf32, #tpu.memory_space<hbm>>) dst(%arg15 : memref<80x128xf32, #tpu.memory_space<vmem>>)
      %run_scoped3A_372 = arith.constant 1 : i32
      "tpu.region"() ({
        %run_scoped3A_674 = tpu.sem_alloc : memref<!tpu.dma_semaphore, #tpu.memory_space<semaphore_mem>>
        %dma_start3A_675 = arith.constant 0 : i32
        %dma_start3A_676 = tpu.memref_slice %arg12[%run_scoped3A_372, %dma_start3A_675] : memref<8x80xi32, #tpu.memory_space<vmem>> -> memref<1x80xi32, #tpu.memory_space<vmem>>
        %dma_start3A_677 = tpu.memref_squeeze %dma_start3A_676 : memref<1x80xi32, #tpu.memory_space<vmem>> -> memref<80xi32, #tpu.memory_space<vmem>>
        %dma_start3A_678 = arith.constant 0 : i32
        %dma_start3A_679 = arith.constant 0 : i32
        %dma_start3A_680 = tpu.memref_slice %arg18[%dma_start3A_678, %dma_start3A_679] : memref<10000x128xf32, #tpu.memory_space<vmem_shared>> -> memref<10000x128xf32, #tpu.memory_space<vmem_shared>>
        tpu.enqueue_indirect_dma source(%arg15 : memref<80x128xf32, #tpu.memory_space<vmem>>) target(%dma_start3A_680 : memref<10000x128xf32, #tpu.memory_space<vmem_shared>>) offsets(%dma_start3A_677 : memref<80xi32, #tpu.memory_space<vmem>>) semaphore(%run_scoped3A_674 : memref<!tpu.dma_semaphore, #tpu.memory_space<semaphore_mem>>) {add = true}
        %dma_wait3A_681 = arith.constant 0 : i32
        %dma_wait3A_682 = tpu.memref_slice %arg12[%run_scoped3A_372, %dma_wait3A_681] : memref<8x80xi32, #tpu.memory_space<vmem>> -> memref<1x80xi32, #tpu.memory_space<vmem>>
        %dma_wait3A_683 = tpu.memref_squeeze %dma_wait3A_682 : memref<1x80xi32, #tpu.memory_space<vmem>> -> memref<80xi32, #tpu.memory_space<vmem>>
        %dma_wait3A_684 = arith.constant 0 : i32
        %dma_wait3A_685 = arith.constant 0 : i32
        %dma_wait3A_686 = tpu.memref_slice %arg18[%dma_wait3A_684, %dma_wait3A_685] : memref<10000x128xf32, #tpu.memory_space<vmem_shared>> -> memref<10000x128xf32, #tpu.memory_space<vmem_shared>>
        tpu.wait_indirect_dma semaphore(%run_scoped3A_674 : memref<!tpu.dma_semaphore, #tpu.memory_space<semaphore_mem>>) src(%arg15 : memref<80x128xf32, #tpu.memory_space<vmem>>) dst(%dma_wait3A_686 : memref<10000x128xf32, #tpu.memory_space<vmem_shared>>)
        tpu.yield
      }) : () -> ()
      %dma_start3A_373 = arith.constant 5 : i32
      %dma_start3A_374 = arith.constant 0 : i32
      %dma_start3A_375 = tpu.memref_slice %arg9[%dma_start3A_373, %dma_start3A_374] : memref<8x80xi32, #tpu.memory_space<vmem>> -> memref<1x80xi32, #tpu.memory_space<vmem>>
      %dma_start3A_376 = tpu.memref_squeeze %dma_start3A_375 : memref<1x80xi32, #tpu.memory_space<vmem>> -> memref<80xi32, #tpu.memory_space<vmem>>
      %dma_start3A_377 = arith.constant 0 : i32
      %dma_start3A_378 = arith.constant 0 : i32
      %dma_start3A_379 = tpu.memref_slice %arg2[%dma_start3A_377, %dma_start3A_378] : memref<10000x128xf32, #tpu.memory_space<hbm>> -> memref<10000x128xf32, #tpu.memory_space<hbm>>
      tpu.enqueue_indirect_dma source(%dma_start3A_379 : memref<10000x128xf32, #tpu.memory_space<hbm>>) target(%arg15 : memref<80x128xf32, #tpu.memory_space<vmem>>) offsets(%dma_start3A_376 : memref<80xi32, #tpu.memory_space<vmem>>) semaphore(%arg23 : memref<!tpu.dma_semaphore, #tpu.memory_space<semaphore_mem>>)
      %mul3A_380 = arith.constant 8 : i32
      %mul3A_381 = arith.muli %add3A_317, %mul3A_380 : i32
      %add3A_382 = arith.constant 2 : i32
      %add3A_383 = arith.addi %mul3A_381, %add3A_382 : i32
      %dma_wait3A_384 = arith.constant 2 : i32
      %dma_wait3A_385 = arith.constant 0 : i32
      %dma_wait3A_386 = tpu.memref_slice %arg9[%dma_wait3A_384, %dma_wait3A_385] : memref<8x80xi32, #tpu.memory_space<vmem>> -> memref<1x80xi32, #tpu.memory_space<vmem>>
      %dma_wait3A_387 = tpu.memref_squeeze %dma_wait3A_386 : memref<1x80xi32, #tpu.memory_space<vmem>> -> memref<80xi32, #tpu.memory_space<vmem>>
      %dma_wait3A_388 = arith.constant 0 : i32
      %dma_wait3A_389 = arith.constant 0 : i32
      %dma_wait3A_390 = tpu.memref_slice %arg2[%dma_wait3A_388, %dma_wait3A_389] : memref<10000x128xf32, #tpu.memory_space<hbm>> -> memref<10000x128xf32, #tpu.memory_space<hbm>>
      tpu.wait_indirect_dma semaphore(%arg24 : memref<!tpu.dma_semaphore, #tpu.memory_space<semaphore_mem>>) src(%dma_wait3A_390 : memref<10000x128xf32, #tpu.memory_space<hbm>>) dst(%arg16 : memref<80x128xf32, #tpu.memory_space<vmem>>)
      %run_scoped3A_391 = arith.constant 2 : i32
      "tpu.region"() ({
        %run_scoped3A_674 = tpu.sem_alloc : memref<!tpu.dma_semaphore, #tpu.memory_space<semaphore_mem>>
        %dma_start3A_675 = arith.constant 0 : i32
        %dma_start3A_676 = tpu.memref_slice %arg12[%run_scoped3A_391, %dma_start3A_675] : memref<8x80xi32, #tpu.memory_space<vmem>> -> memref<1x80xi32, #tpu.memory_space<vmem>>
        %dma_start3A_677 = tpu.memref_squeeze %dma_start3A_676 : memref<1x80xi32, #tpu.memory_space<vmem>> -> memref<80xi32, #tpu.memory_space<vmem>>
        %dma_start3A_678 = arith.constant 0 : i32
        %dma_start3A_679 = arith.constant 0 : i32
        %dma_start3A_680 = tpu.memref_slice %arg18[%dma_start3A_678, %dma_start3A_679] : memref<10000x128xf32, #tpu.memory_space<vmem_shared>> -> memref<10000x128xf32, #tpu.memory_space<vmem_shared>>
        tpu.enqueue_indirect_dma source(%arg16 : memref<80x128xf32, #tpu.memory_space<vmem>>) target(%dma_start3A_680 : memref<10000x128xf32, #tpu.memory_space<vmem_shared>>) offsets(%dma_start3A_677 : memref<80xi32, #tpu.memory_space<vmem>>) semaphore(%run_scoped3A_674 : memref<!tpu.dma_semaphore, #tpu.memory_space<semaphore_mem>>) {add = true}
        %dma_wait3A_681 = arith.constant 0 : i32
        %dma_wait3A_682 = tpu.memref_slice %arg12[%run_scoped3A_391, %dma_wait3A_681] : memref<8x80xi32, #tpu.memory_space<vmem>> -> memref<1x80xi32, #tpu.memory_space<vmem>>
        %dma_wait3A_683 = tpu.memref_squeeze %dma_wait3A_682 : memref<1x80xi32, #tpu.memory_space<vmem>> -> memref<80xi32, #tpu.memory_space<vmem>>
        %dma_wait3A_684 = arith.constant 0 : i32
        %dma_wait3A_685 = arith.constant 0 : i32
        %dma_wait3A_686 = tpu.memref_slice %arg18[%dma_wait3A_684, %dma_wait3A_685] : memref<10000x128xf32, #tpu.memory_space<vmem_shared>> -> memref<10000x128xf32, #tpu.memory_space<vmem_shared>>
        tpu.wait_indirect_dma semaphore(%run_scoped3A_674 : memref<!tpu.dma_semaphore, #tpu.memory_space<semaphore_mem>>) src(%arg16 : memref<80x128xf32, #tpu.memory_space<vmem>>) dst(%dma_wait3A_686 : memref<10000x128xf32, #tpu.memory_space<vmem_shared>>)
        tpu.yield
      }) : () -> ()
      %dma_start3A_392 = arith.constant 6 : i32
      %dma_start3A_393 = arith.constant 0 : i32
      %dma_start3A_394 = tpu.memref_slice %arg9[%dma_start3A_392, %dma_start3A_393] : memref<8x80xi32, #tpu.memory_space<vmem>> -> memref<1x80xi32, #tpu.memory_space<vmem>>
      %dma_start3A_395 = tpu.memref_squeeze %dma_start3A_394 : memref<1x80xi32, #tpu.memory_space<vmem>> -> memref<80xi32, #tpu.memory_space<vmem>>
      %dma_start3A_396 = arith.constant 0 : i32
      %dma_start3A_397 = arith.constant 0 : i32
      %dma_start3A_398 = tpu.memref_slice %arg2[%dma_start3A_396, %dma_start3A_397] : memref<10000x128xf32, #tpu.memory_space<hbm>> -> memref<10000x128xf32, #tpu.memory_space<hbm>>
      tpu.enqueue_indirect_dma source(%dma_start3A_398 : memref<10000x128xf32, #tpu.memory_space<hbm>>) target(%arg16 : memref<80x128xf32, #tpu.memory_space<vmem>>) offsets(%dma_start3A_395 : memref<80xi32, #tpu.memory_space<vmem>>) semaphore(%arg24 : memref<!tpu.dma_semaphore, #tpu.memory_space<semaphore_mem>>)
      %mul3A_399 = arith.constant 8 : i32
      %mul3A_400 = arith.muli %add3A_317, %mul3A_399 : i32
      %add3A_401 = arith.constant 3 : i32
      %add3A_402 = arith.addi %mul3A_400, %add3A_401 : i32
      %dma_wait3A_403 = arith.constant 3 : i32
      %dma_wait3A_404 = arith.constant 0 : i32
      %dma_wait3A_405 = tpu.memref_slice %arg9[%dma_wait3A_403, %dma_wait3A_404] : memref<8x80xi32, #tpu.memory_space<vmem>> -> memref<1x80xi32, #tpu.memory_space<vmem>>
      %dma_wait3A_406 = tpu.memref_squeeze %dma_wait3A_405 : memref<1x80xi32, #tpu.memory_space<vmem>> -> memref<80xi32, #tpu.memory_space<vmem>>
      %dma_wait3A_407 = arith.constant 0 : i32
      %dma_wait3A_408 = arith.constant 0 : i32
      %dma_wait3A_409 = tpu.memref_slice %arg2[%dma_wait3A_407, %dma_wait3A_408] : memref<10000x128xf32, #tpu.memory_space<hbm>> -> memref<10000x128xf32, #tpu.memory_space<hbm>>
      tpu.wait_indirect_dma semaphore(%arg25 : memref<!tpu.dma_semaphore, #tpu.memory_space<semaphore_mem>>) src(%dma_wait3A_409 : memref<10000x128xf32, #tpu.memory_space<hbm>>) dst(%arg17 : memref<80x128xf32, #tpu.memory_space<vmem>>)
      %run_scoped3A_410 = arith.constant 3 : i32
      "tpu.region"() ({
        %run_scoped3A_674 = tpu.sem_alloc : memref<!tpu.dma_semaphore, #tpu.memory_space<semaphore_mem>>
        %dma_start3A_675 = arith.constant 0 : i32
        %dma_start3A_676 = tpu.memref_slice %arg12[%run_scoped3A_410, %dma_start3A_675] : memref<8x80xi32, #tpu.memory_space<vmem>> -> memref<1x80xi32, #tpu.memory_space<vmem>>
        %dma_start3A_677 = tpu.memref_squeeze %dma_start3A_676 : memref<1x80xi32, #tpu.memory_space<vmem>> -> memref<80xi32, #tpu.memory_space<vmem>>
        %dma_start3A_678 = arith.constant 0 : i32
        %dma_start3A_679 = arith.constant 0 : i32
        %dma_start3A_680 = tpu.memref_slice %arg18[%dma_start3A_678, %dma_start3A_679] : memref<10000x128xf32, #tpu.memory_space<vmem_shared>> -> memref<10000x128xf32, #tpu.memory_space<vmem_shared>>
        tpu.enqueue_indirect_dma source(%arg17 : memref<80x128xf32, #tpu.memory_space<vmem>>) target(%dma_start3A_680 : memref<10000x128xf32, #tpu.memory_space<vmem_shared>>) offsets(%dma_start3A_677 : memref<80xi32, #tpu.memory_space<vmem>>) semaphore(%run_scoped3A_674 : memref<!tpu.dma_semaphore, #tpu.memory_space<semaphore_mem>>) {add = true}
        %dma_wait3A_681 = arith.constant 0 : i32
        %dma_wait3A_682 = tpu.memref_slice %arg12[%run_scoped3A_410, %dma_wait3A_681] : memref<8x80xi32, #tpu.memory_space<vmem>> -> memref<1x80xi32, #tpu.memory_space<vmem>>
        %dma_wait3A_683 = tpu.memref_squeeze %dma_wait3A_682 : memref<1x80xi32, #tpu.memory_space<vmem>> -> memref<80xi32, #tpu.memory_space<vmem>>
        %dma_wait3A_684 = arith.constant 0 : i32
        %dma_wait3A_685 = arith.constant 0 : i32
        %dma_wait3A_686 = tpu.memref_slice %arg18[%dma_wait3A_684, %dma_wait3A_685] : memref<10000x128xf32, #tpu.memory_space<vmem_shared>> -> memref<10000x128xf32, #tpu.memory_space<vmem_shared>>
        tpu.wait_indirect_dma semaphore(%run_scoped3A_674 : memref<!tpu.dma_semaphore, #tpu.memory_space<semaphore_mem>>) src(%arg17 : memref<80x128xf32, #tpu.memory_space<vmem>>) dst(%dma_wait3A_686 : memref<10000x128xf32, #tpu.memory_space<vmem_shared>>)
        tpu.yield
      }) : () -> ()
      %dma_start3A_411 = arith.constant 7 : i32
      %dma_start3A_412 = arith.constant 0 : i32
      %dma_start3A_413 = tpu.memref_slice %arg9[%dma_start3A_411, %dma_start3A_412] : memref<8x80xi32, #tpu.memory_space<vmem>> -> memref<1x80xi32, #tpu.memory_space<vmem>>
      %dma_start3A_414 = tpu.memref_squeeze %dma_start3A_413 : memref<1x80xi32, #tpu.memory_space<vmem>> -> memref<80xi32, #tpu.memory_space<vmem>>
      %dma_start3A_415 = arith.constant 0 : i32
      %dma_start3A_416 = arith.constant 0 : i32
      %dma_start3A_417 = tpu.memref_slice %arg2[%dma_start3A_415, %dma_start3A_416] : memref<10000x128xf32, #tpu.memory_space<hbm>> -> memref<10000x128xf32, #tpu.memory_space<hbm>>
      tpu.enqueue_indirect_dma source(%dma_start3A_417 : memref<10000x128xf32, #tpu.memory_space<hbm>>) target(%arg17 : memref<80x128xf32, #tpu.memory_space<vmem>>) offsets(%dma_start3A_414 : memref<80xi32, #tpu.memory_space<vmem>>) semaphore(%arg25 : memref<!tpu.dma_semaphore, #tpu.memory_space<semaphore_mem>>)
      %mul3A_418 = arith.constant 8 : i32
      %mul3A_419 = arith.muli %add3A_317, %mul3A_418 : i32
      %add3A_420 = arith.constant 4 : i32
      %add3A_421 = arith.addi %mul3A_419, %add3A_420 : i32
      %dma_wait3A_422 = arith.constant 4 : i32
      %dma_wait3A_423 = arith.constant 0 : i32
      %dma_wait3A_424 = tpu.memref_slice %arg9[%dma_wait3A_422, %dma_wait3A_423] : memref<8x80xi32, #tpu.memory_space<vmem>> -> memref<1x80xi32, #tpu.memory_space<vmem>>
      %dma_wait3A_425 = tpu.memref_squeeze %dma_wait3A_424 : memref<1x80xi32, #tpu.memory_space<vmem>> -> memref<80xi32, #tpu.memory_space<vmem>>
      %dma_wait3A_426 = arith.constant 0 : i32
      %dma_wait3A_427 = arith.constant 0 : i32
      %dma_wait3A_428 = tpu.memref_slice %arg2[%dma_wait3A_426, %dma_wait3A_427] : memref<10000x128xf32, #tpu.memory_space<hbm>> -> memref<10000x128xf32, #tpu.memory_space<hbm>>
      tpu.wait_indirect_dma semaphore(%arg22 : memref<!tpu.dma_semaphore, #tpu.memory_space<semaphore_mem>>) src(%dma_wait3A_428 : memref<10000x128xf32, #tpu.memory_space<hbm>>) dst(%arg14 : memref<80x128xf32, #tpu.memory_space<vmem>>)
      %run_scoped3A_429 = arith.constant 4 : i32
      "tpu.region"() ({
        %run_scoped3A_674 = tpu.sem_alloc : memref<!tpu.dma_semaphore, #tpu.memory_space<semaphore_mem>>
        %dma_start3A_675 = arith.constant 0 : i32
        %dma_start3A_676 = tpu.memref_slice %arg12[%run_scoped3A_429, %dma_start3A_675] : memref<8x80xi32, #tpu.memory_space<vmem>> -> memref<1x80xi32, #tpu.memory_space<vmem>>
        %dma_start3A_677 = tpu.memref_squeeze %dma_start3A_676 : memref<1x80xi32, #tpu.memory_space<vmem>> -> memref<80xi32, #tpu.memory_space<vmem>>
        %dma_start3A_678 = arith.constant 0 : i32
        %dma_start3A_679 = arith.constant 0 : i32
        %dma_start3A_680 = tpu.memref_slice %arg18[%dma_start3A_678, %dma_start3A_679] : memref<10000x128xf32, #tpu.memory_space<vmem_shared>> -> memref<10000x128xf32, #tpu.memory_space<vmem_shared>>
        tpu.enqueue_indirect_dma source(%arg14 : memref<80x128xf32, #tpu.memory_space<vmem>>) target(%dma_start3A_680 : memref<10000x128xf32, #tpu.memory_space<vmem_shared>>) offsets(%dma_start3A_677 : memref<80xi32, #tpu.memory_space<vmem>>) semaphore(%run_scoped3A_674 : memref<!tpu.dma_semaphore, #tpu.memory_space<semaphore_mem>>) {add = true}
        %dma_wait3A_681 = arith.constant 0 : i32
        %dma_wait3A_682 = tpu.memref_slice %arg12[%run_scoped3A_429, %dma_wait3A_681] : memref<8x80xi32, #tpu.memory_space<vmem>> -> memref<1x80xi32, #tpu.memory_space<vmem>>
        %dma_wait3A_683 = tpu.memref_squeeze %dma_wait3A_682 : memref<1x80xi32, #tpu.memory_space<vmem>> -> memref<80xi32, #tpu.memory_space<vmem>>
        %dma_wait3A_684 = arith.constant 0 : i32
        %dma_wait3A_685 = arith.constant 0 : i32
        %dma_wait3A_686 = tpu.memref_slice %arg18[%dma_wait3A_684, %dma_wait3A_685] : memref<10000x128xf32, #tpu.memory_space<vmem_shared>> -> memref<10000x128xf32, #tpu.memory_space<vmem_shared>>
        tpu.wait_indirect_dma semaphore(%run_scoped3A_674 : memref<!tpu.dma_semaphore, #tpu.memory_space<semaphore_mem>>) src(%arg14 : memref<80x128xf32, #tpu.memory_space<vmem>>) dst(%dma_wait3A_686 : memref<10000x128xf32, #tpu.memory_space<vmem_shared>>)
        tpu.yield
      }) : () -> ()
      %dma_start3A_430 = arith.constant 0 : i32
      %dma_start3A_431 = arith.constant 0 : i32
      %dma_start3A_432 = tpu.memref_slice %arg10[%dma_start3A_430, %dma_start3A_431] : memref<8x80xi32, #tpu.memory_space<vmem>> -> memref<1x80xi32, #tpu.memory_space<vmem>>
      %dma_start3A_433 = tpu.memref_squeeze %dma_start3A_432 : memref<1x80xi32, #tpu.memory_space<vmem>> -> memref<80xi32, #tpu.memory_space<vmem>>
      %dma_start3A_434 = arith.constant 0 : i32
      %dma_start3A_435 = arith.constant 0 : i32
      %dma_start3A_436 = tpu.memref_slice %arg2[%dma_start3A_434, %dma_start3A_435] : memref<10000x128xf32, #tpu.memory_space<hbm>> -> memref<10000x128xf32, #tpu.memory_space<hbm>>
      tpu.enqueue_indirect_dma source(%dma_start3A_436 : memref<10000x128xf32, #tpu.memory_space<hbm>>) target(%arg14 : memref<80x128xf32, #tpu.memory_space<vmem>>) offsets(%dma_start3A_433 : memref<80xi32, #tpu.memory_space<vmem>>) semaphore(%arg22 : memref<!tpu.dma_semaphore, #tpu.memory_space<semaphore_mem>>)
      %mul3A_437 = arith.constant 8 : i32
      %mul3A_438 = arith.muli %add3A_317, %mul3A_437 : i32
      %add3A_439 = arith.constant 5 : i32
      %add3A_440 = arith.addi %mul3A_438, %add3A_439 : i32
      %dma_wait3A_441 = arith.constant 5 : i32
      %dma_wait3A_442 = arith.constant 0 : i32
      %dma_wait3A_443 = tpu.memref_slice %arg9[%dma_wait3A_441, %dma_wait3A_442] : memref<8x80xi32, #tpu.memory_space<vmem>> -> memref<1x80xi32, #tpu.memory_space<vmem>>
      %dma_wait3A_444 = tpu.memref_squeeze %dma_wait3A_443 : memref<1x80xi32, #tpu.memory_space<vmem>> -> memref<80xi32, #tpu.memory_space<vmem>>
      %dma_wait3A_445 = arith.constant 0 : i32
      %dma_wait3A_446 = arith.constant 0 : i32
      %dma_wait3A_447 = tpu.memref_slice %arg2[%dma_wait3A_445, %dma_wait3A_446] : memref<10000x128xf32, #tpu.memory_space<hbm>> -> memref<10000x128xf32, #tpu.memory_space<hbm>>
      tpu.wait_indirect_dma semaphore(%arg23 : memref<!tpu.dma_semaphore, #tpu.memory_space<semaphore_mem>>) src(%dma_wait3A_447 : memref<10000x128xf32, #tpu.memory_space<hbm>>) dst(%arg15 : memref<80x128xf32, #tpu.memory_space<vmem>>)
      %run_scoped3A_448 = arith.constant 5 : i32
      "tpu.region"() ({
        %run_scoped3A_674 = tpu.sem_alloc : memref<!tpu.dma_semaphore, #tpu.memory_space<semaphore_mem>>
        %dma_start3A_675 = arith.constant 0 : i32
        %dma_start3A_676 = tpu.memref_slice %arg12[%run_scoped3A_448, %dma_start3A_675] : memref<8x80xi32, #tpu.memory_space<vmem>> -> memref<1x80xi32, #tpu.memory_space<vmem>>
        %dma_start3A_677 = tpu.memref_squeeze %dma_start3A_676 : memref<1x80xi32, #tpu.memory_space<vmem>> -> memref<80xi32, #tpu.memory_space<vmem>>
        %dma_start3A_678 = arith.constant 0 : i32
        %dma_start3A_679 = arith.constant 0 : i32
        %dma_start3A_680 = tpu.memref_slice %arg18[%dma_start3A_678, %dma_start3A_679] : memref<10000x128xf32, #tpu.memory_space<vmem_shared>> -> memref<10000x128xf32, #tpu.memory_space<vmem_shared>>
        tpu.enqueue_indirect_dma source(%arg15 : memref<80x128xf32, #tpu.memory_space<vmem>>) target(%dma_start3A_680 : memref<10000x128xf32, #tpu.memory_space<vmem_shared>>) offsets(%dma_start3A_677 : memref<80xi32, #tpu.memory_space<vmem>>) semaphore(%run_scoped3A_674 : memref<!tpu.dma_semaphore, #tpu.memory_space<semaphore_mem>>) {add = true}
        %dma_wait3A_681 = arith.constant 0 : i32
        %dma_wait3A_682 = tpu.memref_slice %arg12[%run_scoped3A_448, %dma_wait3A_681] : memref<8x80xi32, #tpu.memory_space<vmem>> -> memref<1x80xi32, #tpu.memory_space<vmem>>
        %dma_wait3A_683 = tpu.memref_squeeze %dma_wait3A_682 : memref<1x80xi32, #tpu.memory_space<vmem>> -> memref<80xi32, #tpu.memory_space<vmem>>
        %dma_wait3A_684 = arith.constant 0 : i32
        %dma_wait3A_685 = arith.constant 0 : i32
        %dma_wait3A_686 = tpu.memref_slice %arg18[%dma_wait3A_684, %dma_wait3A_685] : memref<10000x128xf32, #tpu.memory_space<vmem_shared>> -> memref<10000x128xf32, #tpu.memory_space<vmem_shared>>
        tpu.wait_indirect_dma semaphore(%run_scoped3A_674 : memref<!tpu.dma_semaphore, #tpu.memory_space<semaphore_mem>>) src(%arg15 : memref<80x128xf32, #tpu.memory_space<vmem>>) dst(%dma_wait3A_686 : memref<10000x128xf32, #tpu.memory_space<vmem_shared>>)
        tpu.yield
      }) : () -> ()
      %dma_start3A_449 = arith.constant 1 : i32
      %dma_start3A_450 = arith.constant 0 : i32
      %dma_start3A_451 = tpu.memref_slice %arg10[%dma_start3A_449, %dma_start3A_450] : memref<8x80xi32, #tpu.memory_space<vmem>> -> memref<1x80xi32, #tpu.memory_space<vmem>>
      %dma_start3A_452 = tpu.memref_squeeze %dma_start3A_451 : memref<1x80xi32, #tpu.memory_space<vmem>> -> memref<80xi32, #tpu.memory_space<vmem>>
      %dma_start3A_453 = arith.constant 0 : i32
      %dma_start3A_454 = arith.constant 0 : i32
      %dma_start3A_455 = tpu.memref_slice %arg2[%dma_start3A_453, %dma_start3A_454] : memref<10000x128xf32, #tpu.memory_space<hbm>> -> memref<10000x128xf32, #tpu.memory_space<hbm>>
      tpu.enqueue_indirect_dma source(%dma_start3A_455 : memref<10000x128xf32, #tpu.memory_space<hbm>>) target(%arg15 : memref<80x128xf32, #tpu.memory_space<vmem>>) offsets(%dma_start3A_452 : memref<80xi32, #tpu.memory_space<vmem>>) semaphore(%arg23 : memref<!tpu.dma_semaphore, #tpu.memory_space<semaphore_mem>>)
      %mul3A_456 = arith.constant 8 : i32
      %mul3A_457 = arith.muli %add3A_317, %mul3A_456 : i32
      %add3A_458 = arith.constant 6 : i32
      %add3A_459 = arith.addi %mul3A_457, %add3A_458 : i32
      %dma_wait3A_460 = arith.constant 6 : i32
      %dma_wait3A_461 = arith.constant 0 : i32
      %dma_wait3A_462 = tpu.memref_slice %arg9[%dma_wait3A_460, %dma_wait3A_461] : memref<8x80xi32, #tpu.memory_space<vmem>> -> memref<1x80xi32, #tpu.memory_space<vmem>>
      %dma_wait3A_463 = tpu.memref_squeeze %dma_wait3A_462 : memref<1x80xi32, #tpu.memory_space<vmem>> -> memref<80xi32, #tpu.memory_space<vmem>>
      %dma_wait3A_464 = arith.constant 0 : i32
      %dma_wait3A_465 = arith.constant 0 : i32
      %dma_wait3A_466 = tpu.memref_slice %arg2[%dma_wait3A_464, %dma_wait3A_465] : memref<10000x128xf32, #tpu.memory_space<hbm>> -> memref<10000x128xf32, #tpu.memory_space<hbm>>
      tpu.wait_indirect_dma semaphore(%arg24 : memref<!tpu.dma_semaphore, #tpu.memory_space<semaphore_mem>>) src(%dma_wait3A_466 : memref<10000x128xf32, #tpu.memory_space<hbm>>) dst(%arg16 : memref<80x128xf32, #tpu.memory_space<vmem>>)
      %run_scoped3A_467 = arith.constant 6 : i32
      "tpu.region"() ({
        %run_scoped3A_674 = tpu.sem_alloc : memref<!tpu.dma_semaphore, #tpu.memory_space<semaphore_mem>>
        %dma_start3A_675 = arith.constant 0 : i32
        %dma_start3A_676 = tpu.memref_slice %arg12[%run_scoped3A_467, %dma_start3A_675] : memref<8x80xi32, #tpu.memory_space<vmem>> -> memref<1x80xi32, #tpu.memory_space<vmem>>
        %dma_start3A_677 = tpu.memref_squeeze %dma_start3A_676 : memref<1x80xi32, #tpu.memory_space<vmem>> -> memref<80xi32, #tpu.memory_space<vmem>>
        %dma_start3A_678 = arith.constant 0 : i32
        %dma_start3A_679 = arith.constant 0 : i32
        %dma_start3A_680 = tpu.memref_slice %arg18[%dma_start3A_678, %dma_start3A_679] : memref<10000x128xf32, #tpu.memory_space<vmem_shared>> -> memref<10000x128xf32, #tpu.memory_space<vmem_shared>>
        tpu.enqueue_indirect_dma source(%arg16 : memref<80x128xf32, #tpu.memory_space<vmem>>) target(%dma_start3A_680 : memref<10000x128xf32, #tpu.memory_space<vmem_shared>>) offsets(%dma_start3A_677 : memref<80xi32, #tpu.memory_space<vmem>>) semaphore(%run_scoped3A_674 : memref<!tpu.dma_semaphore, #tpu.memory_space<semaphore_mem>>) {add = true}
        %dma_wait3A_681 = arith.constant 0 : i32
        %dma_wait3A_682 = tpu.memref_slice %arg12[%run_scoped3A_467, %dma_wait3A_681] : memref<8x80xi32, #tpu.memory_space<vmem>> -> memref<1x80xi32, #tpu.memory_space<vmem>>
        %dma_wait3A_683 = tpu.memref_squeeze %dma_wait3A_682 : memref<1x80xi32, #tpu.memory_space<vmem>> -> memref<80xi32, #tpu.memory_space<vmem>>
        %dma_wait3A_684 = arith.constant 0 : i32
        %dma_wait3A_685 = arith.constant 0 : i32
        %dma_wait3A_686 = tpu.memref_slice %arg18[%dma_wait3A_684, %dma_wait3A_685] : memref<10000x128xf32, #tpu.memory_space<vmem_shared>> -> memref<10000x128xf32, #tpu.memory_space<vmem_shared>>
        tpu.wait_indirect_dma semaphore(%run_scoped3A_674 : memref<!tpu.dma_semaphore, #tpu.memory_space<semaphore_mem>>) src(%arg16 : memref<80x128xf32, #tpu.memory_space<vmem>>) dst(%dma_wait3A_686 : memref<10000x128xf32, #tpu.memory_space<vmem_shared>>)
        tpu.yield
      }) : () -> ()
      %dma_start3A_468 = arith.constant 2 : i32
      %dma_start3A_469 = arith.constant 0 : i32
      %dma_start3A_470 = tpu.memref_slice %arg10[%dma_start3A_468, %dma_start3A_469] : memref<8x80xi32, #tpu.memory_space<vmem>> -> memref<1x80xi32, #tpu.memory_space<vmem>>
      %dma_start3A_471 = tpu.memref_squeeze %dma_start3A_470 : memref<1x80xi32, #tpu.memory_space<vmem>> -> memref<80xi32, #tpu.memory_space<vmem>>
      %dma_start3A_472 = arith.constant 0 : i32
      %dma_start3A_473 = arith.constant 0 : i32
      %dma_start3A_474 = tpu.memref_slice %arg2[%dma_start3A_472, %dma_start3A_473] : memref<10000x128xf32, #tpu.memory_space<hbm>> -> memref<10000x128xf32, #tpu.memory_space<hbm>>
      tpu.enqueue_indirect_dma source(%dma_start3A_474 : memref<10000x128xf32, #tpu.memory_space<hbm>>) target(%arg16 : memref<80x128xf32, #tpu.memory_space<vmem>>) offsets(%dma_start3A_471 : memref<80xi32, #tpu.memory_space<vmem>>) semaphore(%arg24 : memref<!tpu.dma_semaphore, #tpu.memory_space<semaphore_mem>>)
      %mul3A_475 = arith.constant 8 : i32
      %mul3A_476 = arith.muli %add3A_317, %mul3A_475 : i32
      %add3A_477 = arith.constant 7 : i32
      %add3A_478 = arith.addi %mul3A_476, %add3A_477 : i32
      %dma_wait3A_479 = arith.constant 7 : i32
      %dma_wait3A_480 = arith.constant 0 : i32
      %dma_wait3A_481 = tpu.memref_slice %arg9[%dma_wait3A_479, %dma_wait3A_480] : memref<8x80xi32, #tpu.memory_space<vmem>> -> memref<1x80xi32, #tpu.memory_space<vmem>>
      %dma_wait3A_482 = tpu.memref_squeeze %dma_wait3A_481 : memref<1x80xi32, #tpu.memory_space<vmem>> -> memref<80xi32, #tpu.memory_space<vmem>>
      %dma_wait3A_483 = arith.constant 0 : i32
      %dma_wait3A_484 = arith.constant 0 : i32
      %dma_wait3A_485 = tpu.memref_slice %arg2[%dma_wait3A_483, %dma_wait3A_484] : memref<10000x128xf32, #tpu.memory_space<hbm>> -> memref<10000x128xf32, #tpu.memory_space<hbm>>
      tpu.wait_indirect_dma semaphore(%arg25 : memref<!tpu.dma_semaphore, #tpu.memory_space<semaphore_mem>>) src(%dma_wait3A_485 : memref<10000x128xf32, #tpu.memory_space<hbm>>) dst(%arg17 : memref<80x128xf32, #tpu.memory_space<vmem>>)
      %run_scoped3A_486 = arith.constant 7 : i32
      "tpu.region"() ({
        %run_scoped3A_674 = tpu.sem_alloc : memref<!tpu.dma_semaphore, #tpu.memory_space<semaphore_mem>>
        %dma_start3A_675 = arith.constant 0 : i32
        %dma_start3A_676 = tpu.memref_slice %arg12[%run_scoped3A_486, %dma_start3A_675] : memref<8x80xi32, #tpu.memory_space<vmem>> -> memref<1x80xi32, #tpu.memory_space<vmem>>
        %dma_start3A_677 = tpu.memref_squeeze %dma_start3A_676 : memref<1x80xi32, #tpu.memory_space<vmem>> -> memref<80xi32, #tpu.memory_space<vmem>>
        %dma_start3A_678 = arith.constant 0 : i32
        %dma_start3A_679 = arith.constant 0 : i32
        %dma_start3A_680 = tpu.memref_slice %arg18[%dma_start3A_678, %dma_start3A_679] : memref<10000x128xf32, #tpu.memory_space<vmem_shared>> -> memref<10000x128xf32, #tpu.memory_space<vmem_shared>>
        tpu.enqueue_indirect_dma source(%arg17 : memref<80x128xf32, #tpu.memory_space<vmem>>) target(%dma_start3A_680 : memref<10000x128xf32, #tpu.memory_space<vmem_shared>>) offsets(%dma_start3A_677 : memref<80xi32, #tpu.memory_space<vmem>>) semaphore(%run_scoped3A_674 : memref<!tpu.dma_semaphore, #tpu.memory_space<semaphore_mem>>) {add = true}
        %dma_wait3A_681 = arith.constant 0 : i32
        %dma_wait3A_682 = tpu.memref_slice %arg12[%run_scoped3A_486, %dma_wait3A_681] : memref<8x80xi32, #tpu.memory_space<vmem>> -> memref<1x80xi32, #tpu.memory_space<vmem>>
        %dma_wait3A_683 = tpu.memref_squeeze %dma_wait3A_682 : memref<1x80xi32, #tpu.memory_space<vmem>> -> memref<80xi32, #tpu.memory_space<vmem>>
        %dma_wait3A_684 = arith.constant 0 : i32
        %dma_wait3A_685 = arith.constant 0 : i32
        %dma_wait3A_686 = tpu.memref_slice %arg18[%dma_wait3A_684, %dma_wait3A_685] : memref<10000x128xf32, #tpu.memory_space<vmem_shared>> -> memref<10000x128xf32, #tpu.memory_space<vmem_shared>>
        tpu.wait_indirect_dma semaphore(%run_scoped3A_674 : memref<!tpu.dma_semaphore, #tpu.memory_space<semaphore_mem>>) src(%arg17 : memref<80x128xf32, #tpu.memory_space<vmem>>) dst(%dma_wait3A_686 : memref<10000x128xf32, #tpu.memory_space<vmem_shared>>)
        tpu.yield
      }) : () -> ()
      %dma_start3A_487 = arith.constant 3 : i32
      %dma_start3A_488 = arith.constant 0 : i32
      %dma_start3A_489 = tpu.memref_slice %arg10[%dma_start3A_487, %dma_start3A_488] : memref<8x80xi32, #tpu.memory_space<vmem>> -> memref<1x80xi32, #tpu.memory_space<vmem>>
      %dma_start3A_490 = tpu.memref_squeeze %dma_start3A_489 : memref<1x80xi32, #tpu.memory_space<vmem>> -> memref<80xi32, #tpu.memory_space<vmem>>
      %dma_start3A_491 = arith.constant 0 : i32
      %dma_start3A_492 = arith.constant 0 : i32
      %dma_start3A_493 = tpu.memref_slice %arg2[%dma_start3A_491, %dma_start3A_492] : memref<10000x128xf32, #tpu.memory_space<hbm>> -> memref<10000x128xf32, #tpu.memory_space<hbm>>
      tpu.enqueue_indirect_dma source(%dma_start3A_493 : memref<10000x128xf32, #tpu.memory_space<hbm>>) target(%arg17 : memref<80x128xf32, #tpu.memory_space<vmem>>) offsets(%dma_start3A_490 : memref<80xi32, #tpu.memory_space<vmem>>) semaphore(%arg25 : memref<!tpu.dma_semaphore, #tpu.memory_space<semaphore_mem>>)
      %mul3A_494 = arith.constant 3 : i32
      %mul3A_495 = arith.muli %scan3A_134, %mul3A_494 : i32
      %add3A_496 = arith.constant 2 : i32
      %add3A_497 = arith.addi %mul3A_495, %add3A_496 : i32
      %add3A_498 = arith.constant 1 : i32
      %add3A_499 = arith.addi %add3A_497, %add3A_498 : i32
      %mul3A_500 = arith.constant 8 : i32
      %mul3A_501 = arith.muli %add3A_499, %mul3A_500 : i32
      %multiple_of3A_502 = tpu.assume_multiple %mul3A_501, 8 : i32
      %dma_wait3A_503 = arith.constant 0 : i32
      %dma_wait3A_504 = tpu.memref_slice %arg3[%add3A, %multiple_of3A_502, %dma_wait3A_503] : memref<32x128x80xi32, #tpu.memory_space<hbm>> -> memref<1x8x80xi32, #tpu.memory_space<hbm>>
      %dma_wait3A_505 = tpu.memref_squeeze %dma_wait3A_504 : memref<1x8x80xi32, #tpu.memory_space<hbm>> -> memref<8x80xi32, #tpu.memory_space<hbm>>
      %dma_wait3A_506 = arith.constant 0 : i32
      %dma_wait3A_507 = tpu.memref_slice %arg3[%add3A, %multiple_of3A_502, %dma_wait3A_506] : memref<32x128x80xi32, #tpu.memory_space<hbm>> -> memref<1x8x80xi32, #tpu.memory_space<hbm>>
      %dma_wait3A_508 = tpu.memref_squeeze %dma_wait3A_507 : memref<1x8x80xi32, #tpu.memory_space<hbm>> -> memref<8x80xi32, #tpu.memory_space<hbm>>
      tpu.wait_dma2 semaphore(%arg19 : memref<!tpu.dma_semaphore, #tpu.memory_space<semaphore_mem>>) src(%dma_wait3A_508 : memref<8x80xi32, #tpu.memory_space<hbm>>) dst(%arg8 : memref<8x80xi32, #tpu.memory_space<vmem>>)
      %dma_wait3A_509 = arith.constant 0 : i32
      %dma_wait3A_510 = tpu.memref_slice %arg4[%add3A, %multiple_of3A_502, %dma_wait3A_509] : memref<32x128x80xi32, #tpu.memory_space<hbm>> -> memref<1x8x80xi32, #tpu.memory_space<hbm>>
      %dma_wait3A_511 = tpu.memref_squeeze %dma_wait3A_510 : memref<1x8x80xi32, #tpu.memory_space<hbm>> -> memref<8x80xi32, #tpu.memory_space<hbm>>
      %dma_wait3A_512 = arith.constant 0 : i32
      %dma_wait3A_513 = tpu.memref_slice %arg4[%add3A, %multiple_of3A_502, %dma_wait3A_512] : memref<32x128x80xi32, #tpu.memory_space<hbm>> -> memref<1x8x80xi32, #tpu.memory_space<hbm>>
      %dma_wait3A_514 = tpu.memref_squeeze %dma_wait3A_513 : memref<1x8x80xi32, #tpu.memory_space<hbm>> -> memref<8x80xi32, #tpu.memory_space<hbm>>
      tpu.wait_dma2 semaphore(%arg19 : memref<!tpu.dma_semaphore, #tpu.memory_space<semaphore_mem>>) src(%dma_wait3A_514 : memref<8x80xi32, #tpu.memory_space<hbm>>) dst(%arg11 : memref<8x80xi32, #tpu.memory_space<vmem>>)
      %add3A_515 = arith.constant 2 : i32
      %add3A_516 = arith.addi %add3A_497, %add3A_515 : i32
      %lt3A_517 = arith.constant 16 : i32
      %lt3A_518 = arith.cmpi slt, %add3A_516, %lt3A_517 : i32
      %convert_element_type3A_519 = arith.extui %lt3A_518 : i1 to i32
      %cond3A_520 = arith.constant 0 : i32
      %cond3A_521 = arith.cmpi ne, %convert_element_type3A_519, %cond3A_520 : i32
      scf.if %cond3A_521 {
        %add3A_674 = arith.constant 2 : i32
        %add3A_675 = arith.addi %add3A_497, %add3A_674 : i32
        %mul3A_676 = arith.constant 8 : i32
        %mul3A_677 = arith.muli %add3A_675, %mul3A_676 : i32
        %multiple_of3A_678 = tpu.assume_multiple %mul3A_677, 8 : i32
        %dma_start3A_679 = arith.constant 0 : i32
        %dma_start3A_680 = tpu.memref_slice %arg3[%add3A, %multiple_of3A_678, %dma_start3A_679] : memref<32x128x80xi32, #tpu.memory_space<hbm>> -> memref<1x8x80xi32, #tpu.memory_space<hbm>>
        %dma_start3A_681 = tpu.memref_squeeze %dma_start3A_680 : memref<1x8x80xi32, #tpu.memory_space<hbm>> -> memref<8x80xi32, #tpu.memory_space<hbm>>
        %dma_start3A_682 = arith.constant 0 : i32
        %dma_start3A_683 = tpu.memref_slice %arg3[%add3A, %multiple_of3A_678, %dma_start3A_682] : memref<32x128x80xi32, #tpu.memory_space<hbm>> -> memref<1x8x80xi32, #tpu.memory_space<hbm>>
        %dma_start3A_684 = tpu.memref_squeeze %dma_start3A_683 : memref<1x8x80xi32, #tpu.memory_space<hbm>> -> memref<8x80xi32, #tpu.memory_space<hbm>>
        tpu.enqueue_dma source(%dma_start3A_684 : memref<8x80xi32, #tpu.memory_space<hbm>>) target(%arg9 : memref<8x80xi32, #tpu.memory_space<vmem>>) target_semaphore(%arg20 : memref<!tpu.dma_semaphore, #tpu.memory_space<semaphore_mem>>)
        %dma_start3A_685 = arith.constant 0 : i32
        %dma_start3A_686 = tpu.memref_slice %arg4[%add3A, %multiple_of3A_678, %dma_start3A_685] : memref<32x128x80xi32, #tpu.memory_space<hbm>> -> memref<1x8x80xi32, #tpu.memory_space<hbm>>
        %dma_start3A_687 = tpu.memref_squeeze %dma_start3A_686 : memref<1x8x80xi32, #tpu.memory_space<hbm>> -> memref<8x80xi32, #tpu.memory_space<hbm>>
        %dma_start3A_688 = arith.constant 0 : i32
        %dma_start3A_689 = tpu.memref_slice %arg4[%add3A, %multiple_of3A_678, %dma_start3A_688] : memref<32x128x80xi32, #tpu.memory_space<hbm>> -> memref<1x8x80xi32, #tpu.memory_space<hbm>>
        %dma_start3A_690 = tpu.memref_squeeze %dma_start3A_689 : memref<1x8x80xi32, #tpu.memory_space<hbm>> -> memref<8x80xi32, #tpu.memory_space<hbm>>
        tpu.enqueue_dma source(%dma_start3A_690 : memref<8x80xi32, #tpu.memory_space<hbm>>) target(%arg12 : memref<8x80xi32, #tpu.memory_space<vmem>>) target_semaphore(%arg20 : memref<!tpu.dma_semaphore, #tpu.memory_space<semaphore_mem>>)
      } else {
      }
      %mul3A_522 = arith.constant 8 : i32
      %mul3A_523 = arith.muli %add3A_497, %mul3A_522 : i32
      %add3A_524 = arith.constant 0 : i32
      %add3A_525 = arith.addi %mul3A_523, %add3A_524 : i32
      %dma_wait3A_526 = arith.constant 0 : i32
      %dma_wait3A_527 = arith.constant 0 : i32
      %dma_wait3A_528 = tpu.memref_slice %arg10[%dma_wait3A_526, %dma_wait3A_527] : memref<8x80xi32, #tpu.memory_space<vmem>> -> memref<1x80xi32, #tpu.memory_space<vmem>>
      %dma_wait3A_529 = tpu.memref_squeeze %dma_wait3A_528 : memref<1x80xi32, #tpu.memory_space<vmem>> -> memref<80xi32, #tpu.memory_space<vmem>>
      %dma_wait3A_530 = arith.constant 0 : i32
      %dma_wait3A_531 = arith.constant 0 : i32
      %dma_wait3A_532 = tpu.memref_slice %arg2[%dma_wait3A_530, %dma_wait3A_531] : memref<10000x128xf32, #tpu.memory_space<hbm>> -> memref<10000x128xf32, #tpu.memory_space<hbm>>
      tpu.wait_indirect_dma semaphore(%arg22 : memref<!tpu.dma_semaphore, #tpu.memory_space<semaphore_mem>>) src(%dma_wait3A_532 : memref<10000x128xf32, #tpu.memory_space<hbm>>) dst(%arg14 : memref<80x128xf32, #tpu.memory_space<vmem>>)
      %run_scoped3A_533 = arith.constant 0 : i32
      "tpu.region"() ({
        %run_scoped3A_674 = tpu.sem_alloc : memref<!tpu.dma_semaphore, #tpu.memory_space<semaphore_mem>>
        %dma_start3A_675 = arith.constant 0 : i32
        %dma_start3A_676 = tpu.memref_slice %arg13[%run_scoped3A_533, %dma_start3A_675] : memref<8x80xi32, #tpu.memory_space<vmem>> -> memref<1x80xi32, #tpu.memory_space<vmem>>
        %dma_start3A_677 = tpu.memref_squeeze %dma_start3A_676 : memref<1x80xi32, #tpu.memory_space<vmem>> -> memref<80xi32, #tpu.memory_space<vmem>>
        %dma_start3A_678 = arith.constant 0 : i32
        %dma_start3A_679 = arith.constant 0 : i32
        %dma_start3A_680 = tpu.memref_slice %arg18[%dma_start3A_678, %dma_start3A_679] : memref<10000x128xf32, #tpu.memory_space<vmem_shared>> -> memref<10000x128xf32, #tpu.memory_space<vmem_shared>>
        tpu.enqueue_indirect_dma source(%arg14 : memref<80x128xf32, #tpu.memory_space<vmem>>) target(%dma_start3A_680 : memref<10000x128xf32, #tpu.memory_space<vmem_shared>>) offsets(%dma_start3A_677 : memref<80xi32, #tpu.memory_space<vmem>>) semaphore(%run_scoped3A_674 : memref<!tpu.dma_semaphore, #tpu.memory_space<semaphore_mem>>) {add = true}
        %dma_wait3A_681 = arith.constant 0 : i32
        %dma_wait3A_682 = tpu.memref_slice %arg13[%run_scoped3A_533, %dma_wait3A_681] : memref<8x80xi32, #tpu.memory_space<vmem>> -> memref<1x80xi32, #tpu.memory_space<vmem>>
        %dma_wait3A_683 = tpu.memref_squeeze %dma_wait3A_682 : memref<1x80xi32, #tpu.memory_space<vmem>> -> memref<80xi32, #tpu.memory_space<vmem>>
        %dma_wait3A_684 = arith.constant 0 : i32
        %dma_wait3A_685 = arith.constant 0 : i32
        %dma_wait3A_686 = tpu.memref_slice %arg18[%dma_wait3A_684, %dma_wait3A_685] : memref<10000x128xf32, #tpu.memory_space<vmem_shared>> -> memref<10000x128xf32, #tpu.memory_space<vmem_shared>>
        tpu.wait_indirect_dma semaphore(%run_scoped3A_674 : memref<!tpu.dma_semaphore, #tpu.memory_space<semaphore_mem>>) src(%arg14 : memref<80x128xf32, #tpu.memory_space<vmem>>) dst(%dma_wait3A_686 : memref<10000x128xf32, #tpu.memory_space<vmem_shared>>)
        tpu.yield
      }) : () -> ()
      %dma_start3A_534 = arith.constant 4 : i32
      %dma_start3A_535 = arith.constant 0 : i32
      %dma_start3A_536 = tpu.memref_slice %arg10[%dma_start3A_534, %dma_start3A_535] : memref<8x80xi32, #tpu.memory_space<vmem>> -> memref<1x80xi32, #tpu.memory_space<vmem>>
      %dma_start3A_537 = tpu.memref_squeeze %dma_start3A_536 : memref<1x80xi32, #tpu.memory_space<vmem>> -> memref<80xi32, #tpu.memory_space<vmem>>
      %dma_start3A_538 = arith.constant 0 : i32
      %dma_start3A_539 = arith.constant 0 : i32
      %dma_start3A_540 = tpu.memref_slice %arg2[%dma_start3A_538, %dma_start3A_539] : memref<10000x128xf32, #tpu.memory_space<hbm>> -> memref<10000x128xf32, #tpu.memory_space<hbm>>
      tpu.enqueue_indirect_dma source(%dma_start3A_540 : memref<10000x128xf32, #tpu.memory_space<hbm>>) target(%arg14 : memref<80x128xf32, #tpu.memory_space<vmem>>) offsets(%dma_start3A_537 : memref<80xi32, #tpu.memory_space<vmem>>) semaphore(%arg22 : memref<!tpu.dma_semaphore, #tpu.memory_space<semaphore_mem>>)
      %mul3A_541 = arith.constant 8 : i32
      %mul3A_542 = arith.muli %add3A_497, %mul3A_541 : i32
      %add3A_543 = arith.constant 1 : i32
      %add3A_544 = arith.addi %mul3A_542, %add3A_543 : i32
      %dma_wait3A_545 = arith.constant 1 : i32
      %dma_wait3A_546 = arith.constant 0 : i32
      %dma_wait3A_547 = tpu.memref_slice %arg10[%dma_wait3A_545, %dma_wait3A_546] : memref<8x80xi32, #tpu.memory_space<vmem>> -> memref<1x80xi32, #tpu.memory_space<vmem>>
      %dma_wait3A_548 = tpu.memref_squeeze %dma_wait3A_547 : memref<1x80xi32, #tpu.memory_space<vmem>> -> memref<80xi32, #tpu.memory_space<vmem>>
      %dma_wait3A_549 = arith.constant 0 : i32
      %dma_wait3A_550 = arith.constant 0 : i32
      %dma_wait3A_551 = tpu.memref_slice %arg2[%dma_wait3A_549, %dma_wait3A_550] : memref<10000x128xf32, #tpu.memory_space<hbm>> -> memref<10000x128xf32, #tpu.memory_space<hbm>>
      tpu.wait_indirect_dma semaphore(%arg23 : memref<!tpu.dma_semaphore, #tpu.memory_space<semaphore_mem>>) src(%dma_wait3A_551 : memref<10000x128xf32, #tpu.memory_space<hbm>>) dst(%arg15 : memref<80x128xf32, #tpu.memory_space<vmem>>)
      %run_scoped3A_552 = arith.constant 1 : i32
      "tpu.region"() ({
        %run_scoped3A_674 = tpu.sem_alloc : memref<!tpu.dma_semaphore, #tpu.memory_space<semaphore_mem>>
        %dma_start3A_675 = arith.constant 0 : i32
        %dma_start3A_676 = tpu.memref_slice %arg13[%run_scoped3A_552, %dma_start3A_675] : memref<8x80xi32, #tpu.memory_space<vmem>> -> memref<1x80xi32, #tpu.memory_space<vmem>>
        %dma_start3A_677 = tpu.memref_squeeze %dma_start3A_676 : memref<1x80xi32, #tpu.memory_space<vmem>> -> memref<80xi32, #tpu.memory_space<vmem>>
        %dma_start3A_678 = arith.constant 0 : i32
        %dma_start3A_679 = arith.constant 0 : i32
        %dma_start3A_680 = tpu.memref_slice %arg18[%dma_start3A_678, %dma_start3A_679] : memref<10000x128xf32, #tpu.memory_space<vmem_shared>> -> memref<10000x128xf32, #tpu.memory_space<vmem_shared>>
        tpu.enqueue_indirect_dma source(%arg15 : memref<80x128xf32, #tpu.memory_space<vmem>>) target(%dma_start3A_680 : memref<10000x128xf32, #tpu.memory_space<vmem_shared>>) offsets(%dma_start3A_677 : memref<80xi32, #tpu.memory_space<vmem>>) semaphore(%run_scoped3A_674 : memref<!tpu.dma_semaphore, #tpu.memory_space<semaphore_mem>>) {add = true}
        %dma_wait3A_681 = arith.constant 0 : i32
        %dma_wait3A_682 = tpu.memref_slice %arg13[%run_scoped3A_552, %dma_wait3A_681] : memref<8x80xi32, #tpu.memory_space<vmem>> -> memref<1x80xi32, #tpu.memory_space<vmem>>
        %dma_wait3A_683 = tpu.memref_squeeze %dma_wait3A_682 : memref<1x80xi32, #tpu.memory_space<vmem>> -> memref<80xi32, #tpu.memory_space<vmem>>
        %dma_wait3A_684 = arith.constant 0 : i32
        %dma_wait3A_685 = arith.constant 0 : i32
        %dma_wait3A_686 = tpu.memref_slice %arg18[%dma_wait3A_684, %dma_wait3A_685] : memref<10000x128xf32, #tpu.memory_space<vmem_shared>> -> memref<10000x128xf32, #tpu.memory_space<vmem_shared>>
        tpu.wait_indirect_dma semaphore(%run_scoped3A_674 : memref<!tpu.dma_semaphore, #tpu.memory_space<semaphore_mem>>) src(%arg15 : memref<80x128xf32, #tpu.memory_space<vmem>>) dst(%dma_wait3A_686 : memref<10000x128xf32, #tpu.memory_space<vmem_shared>>)
        tpu.yield
      }) : () -> ()
      %dma_start3A_553 = arith.constant 5 : i32
      %dma_start3A_554 = arith.constant 0 : i32
      %dma_start3A_555 = tpu.memref_slice %arg10[%dma_start3A_553, %dma_start3A_554] : memref<8x80xi32, #tpu.memory_space<vmem>> -> memref<1x80xi32, #tpu.memory_space<vmem>>
      %dma_start3A_556 = tpu.memref_squeeze %dma_start3A_555 : memref<1x80xi32, #tpu.memory_space<vmem>> -> memref<80xi32, #tpu.memory_space<vmem>>
      %dma_start3A_557 = arith.constant 0 : i32
      %dma_start3A_558 = arith.constant 0 : i32
      %dma_start3A_559 = tpu.memref_slice %arg2[%dma_start3A_557, %dma_start3A_558] : memref<10000x128xf32, #tpu.memory_space<hbm>> -> memref<10000x128xf32, #tpu.memory_space<hbm>>
      tpu.enqueue_indirect_dma source(%dma_start3A_559 : memref<10000x128xf32, #tpu.memory_space<hbm>>) target(%arg15 : memref<80x128xf32, #tpu.memory_space<vmem>>) offsets(%dma_start3A_556 : memref<80xi32, #tpu.memory_space<vmem>>) semaphore(%arg23 : memref<!tpu.dma_semaphore, #tpu.memory_space<semaphore_mem>>)
      %mul3A_560 = arith.constant 8 : i32
      %mul3A_561 = arith.muli %add3A_497, %mul3A_560 : i32
      %add3A_562 = arith.constant 2 : i32
      %add3A_563 = arith.addi %mul3A_561, %add3A_562 : i32
      %dma_wait3A_564 = arith.constant 2 : i32
      %dma_wait3A_565 = arith.constant 0 : i32
      %dma_wait3A_566 = tpu.memref_slice %arg10[%dma_wait3A_564, %dma_wait3A_565] : memref<8x80xi32, #tpu.memory_space<vmem>> -> memref<1x80xi32, #tpu.memory_space<vmem>>
      %dma_wait3A_567 = tpu.memref_squeeze %dma_wait3A_566 : memref<1x80xi32, #tpu.memory_space<vmem>> -> memref<80xi32, #tpu.memory_space<vmem>>
      %dma_wait3A_568 = arith.constant 0 : i32
      %dma_wait3A_569 = arith.constant 0 : i32
      %dma_wait3A_570 = tpu.memref_slice %arg2[%dma_wait3A_568, %dma_wait3A_569] : memref<10000x128xf32, #tpu.memory_space<hbm>> -> memref<10000x128xf32, #tpu.memory_space<hbm>>
      tpu.wait_indirect_dma semaphore(%arg24 : memref<!tpu.dma_semaphore, #tpu.memory_space<semaphore_mem>>) src(%dma_wait3A_570 : memref<10000x128xf32, #tpu.memory_space<hbm>>) dst(%arg16 : memref<80x128xf32, #tpu.memory_space<vmem>>)
      %run_scoped3A_571 = arith.constant 2 : i32
      "tpu.region"() ({
        %run_scoped3A_674 = tpu.sem_alloc : memref<!tpu.dma_semaphore, #tpu.memory_space<semaphore_mem>>
        %dma_start3A_675 = arith.constant 0 : i32
        %dma_start3A_676 = tpu.memref_slice %arg13[%run_scoped3A_571, %dma_start3A_675] : memref<8x80xi32, #tpu.memory_space<vmem>> -> memref<1x80xi32, #tpu.memory_space<vmem>>
        %dma_start3A_677 = tpu.memref_squeeze %dma_start3A_676 : memref<1x80xi32, #tpu.memory_space<vmem>> -> memref<80xi32, #tpu.memory_space<vmem>>
        %dma_start3A_678 = arith.constant 0 : i32
        %dma_start3A_679 = arith.constant 0 : i32
        %dma_start3A_680 = tpu.memref_slice %arg18[%dma_start3A_678, %dma_start3A_679] : memref<10000x128xf32, #tpu.memory_space<vmem_shared>> -> memref<10000x128xf32, #tpu.memory_space<vmem_shared>>
        tpu.enqueue_indirect_dma source(%arg16 : memref<80x128xf32, #tpu.memory_space<vmem>>) target(%dma_start3A_680 : memref<10000x128xf32, #tpu.memory_space<vmem_shared>>) offsets(%dma_start3A_677 : memref<80xi32, #tpu.memory_space<vmem>>) semaphore(%run_scoped3A_674 : memref<!tpu.dma_semaphore, #tpu.memory_space<semaphore_mem>>) {add = true}
        %dma_wait3A_681 = arith.constant 0 : i32
        %dma_wait3A_682 = tpu.memref_slice %arg13[%run_scoped3A_571, %dma_wait3A_681] : memref<8x80xi32, #tpu.memory_space<vmem>> -> memref<1x80xi32, #tpu.memory_space<vmem>>
        %dma_wait3A_683 = tpu.memref_squeeze %dma_wait3A_682 : memref<1x80xi32, #tpu.memory_space<vmem>> -> memref<80xi32, #tpu.memory_space<vmem>>
        %dma_wait3A_684 = arith.constant 0 : i32
        %dma_wait3A_685 = arith.constant 0 : i32
        %dma_wait3A_686 = tpu.memref_slice %arg18[%dma_wait3A_684, %dma_wait3A_685] : memref<10000x128xf32, #tpu.memory_space<vmem_shared>> -> memref<10000x128xf32, #tpu.memory_space<vmem_shared>>
        tpu.wait_indirect_dma semaphore(%run_scoped3A_674 : memref<!tpu.dma_semaphore, #tpu.memory_space<semaphore_mem>>) src(%arg16 : memref<80x128xf32, #tpu.memory_space<vmem>>) dst(%dma_wait3A_686 : memref<10000x128xf32, #tpu.memory_space<vmem_shared>>)
        tpu.yield
      }) : () -> ()
      %dma_start3A_572 = arith.constant 6 : i32
      %dma_start3A_573 = arith.constant 0 : i32
      %dma_start3A_574 = tpu.memref_slice %arg10[%dma_start3A_572, %dma_start3A_573] : memref<8x80xi32, #tpu.memory_space<vmem>> -> memref<1x80xi32, #tpu.memory_space<vmem>>
      %dma_start3A_575 = tpu.memref_squeeze %dma_start3A_574 : memref<1x80xi32, #tpu.memory_space<vmem>> -> memref<80xi32, #tpu.memory_space<vmem>>
      %dma_start3A_576 = arith.constant 0 : i32
      %dma_start3A_577 = arith.constant 0 : i32
      %dma_start3A_578 = tpu.memref_slice %arg2[%dma_start3A_576, %dma_start3A_577] : memref<10000x128xf32, #tpu.memory_space<hbm>> -> memref<10000x128xf32, #tpu.memory_space<hbm>>
      tpu.enqueue_indirect_dma source(%dma_start3A_578 : memref<10000x128xf32, #tpu.memory_space<hbm>>) target(%arg16 : memref<80x128xf32, #tpu.memory_space<vmem>>) offsets(%dma_start3A_575 : memref<80xi32, #tpu.memory_space<vmem>>) semaphore(%arg24 : memref<!tpu.dma_semaphore, #tpu.memory_space<semaphore_mem>>)
      %mul3A_579 = arith.constant 8 : i32
      %mul3A_580 = arith.muli %add3A_497, %mul3A_579 : i32
      %add3A_581 = arith.constant 3 : i32
      %add3A_582 = arith.addi %mul3A_580, %add3A_581 : i32
      %dma_wait3A_583 = arith.constant 3 : i32
      %dma_wait3A_584 = arith.constant 0 : i32
      %dma_wait3A_585 = tpu.memref_slice %arg10[%dma_wait3A_583, %dma_wait3A_584] : memref<8x80xi32, #tpu.memory_space<vmem>> -> memref<1x80xi32, #tpu.memory_space<vmem>>
      %dma_wait3A_586 = tpu.memref_squeeze %dma_wait3A_585 : memref<1x80xi32, #tpu.memory_space<vmem>> -> memref<80xi32, #tpu.memory_space<vmem>>
      %dma_wait3A_587 = arith.constant 0 : i32
      %dma_wait3A_588 = arith.constant 0 : i32
      %dma_wait3A_589 = tpu.memref_slice %arg2[%dma_wait3A_587, %dma_wait3A_588] : memref<10000x128xf32, #tpu.memory_space<hbm>> -> memref<10000x128xf32, #tpu.memory_space<hbm>>
      tpu.wait_indirect_dma semaphore(%arg25 : memref<!tpu.dma_semaphore, #tpu.memory_space<semaphore_mem>>) src(%dma_wait3A_589 : memref<10000x128xf32, #tpu.memory_space<hbm>>) dst(%arg17 : memref<80x128xf32, #tpu.memory_space<vmem>>)
      %run_scoped3A_590 = arith.constant 3 : i32
      "tpu.region"() ({
        %run_scoped3A_674 = tpu.sem_alloc : memref<!tpu.dma_semaphore, #tpu.memory_space<semaphore_mem>>
        %dma_start3A_675 = arith.constant 0 : i32
        %dma_start3A_676 = tpu.memref_slice %arg13[%run_scoped3A_590, %dma_start3A_675] : memref<8x80xi32, #tpu.memory_space<vmem>> -> memref<1x80xi32, #tpu.memory_space<vmem>>
        %dma_start3A_677 = tpu.memref_squeeze %dma_start3A_676 : memref<1x80xi32, #tpu.memory_space<vmem>> -> memref<80xi32, #tpu.memory_space<vmem>>
        %dma_start3A_678 = arith.constant 0 : i32
        %dma_start3A_679 = arith.constant 0 : i32
        %dma_start3A_680 = tpu.memref_slice %arg18[%dma_start3A_678, %dma_start3A_679] : memref<10000x128xf32, #tpu.memory_space<vmem_shared>> -> memref<10000x128xf32, #tpu.memory_space<vmem_shared>>
        tpu.enqueue_indirect_dma source(%arg17 : memref<80x128xf32, #tpu.memory_space<vmem>>) target(%dma_start3A_680 : memref<10000x128xf32, #tpu.memory_space<vmem_shared>>) offsets(%dma_start3A_677 : memref<80xi32, #tpu.memory_space<vmem>>) semaphore(%run_scoped3A_674 : memref<!tpu.dma_semaphore, #tpu.memory_space<semaphore_mem>>) {add = true}
        %dma_wait3A_681 = arith.constant 0 : i32
        %dma_wait3A_682 = tpu.memref_slice %arg13[%run_scoped3A_590, %dma_wait3A_681] : memref<8x80xi32, #tpu.memory_space<vmem>> -> memref<1x80xi32, #tpu.memory_space<vmem>>
        %dma_wait3A_683 = tpu.memref_squeeze %dma_wait3A_682 : memref<1x80xi32, #tpu.memory_space<vmem>> -> memref<80xi32, #tpu.memory_space<vmem>>
        %dma_wait3A_684 = arith.constant 0 : i32
        %dma_wait3A_685 = arith.constant 0 : i32
        %dma_wait3A_686 = tpu.memref_slice %arg18[%dma_wait3A_684, %dma_wait3A_685] : memref<10000x128xf32, #tpu.memory_space<vmem_shared>> -> memref<10000x128xf32, #tpu.memory_space<vmem_shared>>
        tpu.wait_indirect_dma semaphore(%run_scoped3A_674 : memref<!tpu.dma_semaphore, #tpu.memory_space<semaphore_mem>>) src(%arg17 : memref<80x128xf32, #tpu.memory_space<vmem>>) dst(%dma_wait3A_686 : memref<10000x128xf32, #tpu.memory_space<vmem_shared>>)
        tpu.yield
      }) : () -> ()
      %dma_start3A_591 = arith.constant 7 : i32
      %dma_start3A_592 = arith.constant 0 : i32
      %dma_start3A_593 = tpu.memref_slice %arg10[%dma_start3A_591, %dma_start3A_592] : memref<8x80xi32, #tpu.memory_space<vmem>> -> memref<1x80xi32, #tpu.memory_space<vmem>>
      %dma_start3A_594 = tpu.memref_squeeze %dma_start3A_593 : memref<1x80xi32, #tpu.memory_space<vmem>> -> memref<80xi32, #tpu.memory_space<vmem>>
      %dma_start3A_595 = arith.constant 0 : i32
      %dma_start3A_596 = arith.constant 0 : i32
      %dma_start3A_597 = tpu.memref_slice %arg2[%dma_start3A_595, %dma_start3A_596] : memref<10000x128xf32, #tpu.memory_space<hbm>> -> memref<10000x128xf32, #tpu.memory_space<hbm>>
      tpu.enqueue_indirect_dma source(%dma_start3A_597 : memref<10000x128xf32, #tpu.memory_space<hbm>>) target(%arg17 : memref<80x128xf32, #tpu.memory_space<vmem>>) offsets(%dma_start3A_594 : memref<80xi32, #tpu.memory_space<vmem>>) semaphore(%arg25 : memref<!tpu.dma_semaphore, #tpu.memory_space<semaphore_mem>>)
      %mul3A_598 = arith.constant 8 : i32
      %mul3A_599 = arith.muli %add3A_497, %mul3A_598 : i32
      %add3A_600 = arith.constant 4 : i32
      %add3A_601 = arith.addi %mul3A_599, %add3A_600 : i32
      %dma_wait3A_602 = arith.constant 4 : i32
      %dma_wait3A_603 = arith.constant 0 : i32
      %dma_wait3A_604 = tpu.memref_slice %arg10[%dma_wait3A_602, %dma_wait3A_603] : memref<8x80xi32, #tpu.memory_space<vmem>> -> memref<1x80xi32, #tpu.memory_space<vmem>>
      %dma_wait3A_605 = tpu.memref_squeeze %dma_wait3A_604 : memref<1x80xi32, #tpu.memory_space<vmem>> -> memref<80xi32, #tpu.memory_space<vmem>>
      %dma_wait3A_606 = arith.constant 0 : i32
      %dma_wait3A_607 = arith.constant 0 : i32
      %dma_wait3A_608 = tpu.memref_slice %arg2[%dma_wait3A_606, %dma_wait3A_607] : memref<10000x128xf32, #tpu.memory_space<hbm>> -> memref<10000x128xf32, #tpu.memory_space<hbm>>
      tpu.wait_indirect_dma semaphore(%arg22 : memref<!tpu.dma_semaphore, #tpu.memory_space<semaphore_mem>>) src(%dma_wait3A_608 : memref<10000x128xf32, #tpu.memory_space<hbm>>) dst(%arg14 : memref<80x128xf32, #tpu.memory_space<vmem>>)
      %run_scoped3A_609 = arith.constant 4 : i32
      "tpu.region"() ({
        %run_scoped3A_674 = tpu.sem_alloc : memref<!tpu.dma_semaphore, #tpu.memory_space<semaphore_mem>>
        %dma_start3A_675 = arith.constant 0 : i32
        %dma_start3A_676 = tpu.memref_slice %arg13[%run_scoped3A_609, %dma_start3A_675] : memref<8x80xi32, #tpu.memory_space<vmem>> -> memref<1x80xi32, #tpu.memory_space<vmem>>
        %dma_start3A_677 = tpu.memref_squeeze %dma_start3A_676 : memref<1x80xi32, #tpu.memory_space<vmem>> -> memref<80xi32, #tpu.memory_space<vmem>>
        %dma_start3A_678 = arith.constant 0 : i32
        %dma_start3A_679 = arith.constant 0 : i32
        %dma_start3A_680 = tpu.memref_slice %arg18[%dma_start3A_678, %dma_start3A_679] : memref<10000x128xf32, #tpu.memory_space<vmem_shared>> -> memref<10000x128xf32, #tpu.memory_space<vmem_shared>>
        tpu.enqueue_indirect_dma source(%arg14 : memref<80x128xf32, #tpu.memory_space<vmem>>) target(%dma_start3A_680 : memref<10000x128xf32, #tpu.memory_space<vmem_shared>>) offsets(%dma_start3A_677 : memref<80xi32, #tpu.memory_space<vmem>>) semaphore(%run_scoped3A_674 : memref<!tpu.dma_semaphore, #tpu.memory_space<semaphore_mem>>) {add = true}
        %dma_wait3A_681 = arith.constant 0 : i32
        %dma_wait3A_682 = tpu.memref_slice %arg13[%run_scoped3A_609, %dma_wait3A_681] : memref<8x80xi32, #tpu.memory_space<vmem>> -> memref<1x80xi32, #tpu.memory_space<vmem>>
        %dma_wait3A_683 = tpu.memref_squeeze %dma_wait3A_682 : memref<1x80xi32, #tpu.memory_space<vmem>> -> memref<80xi32, #tpu.memory_space<vmem>>
        %dma_wait3A_684 = arith.constant 0 : i32
        %dma_wait3A_685 = arith.constant 0 : i32
        %dma_wait3A_686 = tpu.memref_slice %arg18[%dma_wait3A_684, %dma_wait3A_685] : memref<10000x128xf32, #tpu.memory_space<vmem_shared>> -> memref<10000x128xf32, #tpu.memory_space<vmem_shared>>
        tpu.wait_indirect_dma semaphore(%run_scoped3A_674 : memref<!tpu.dma_semaphore, #tpu.memory_space<semaphore_mem>>) src(%arg14 : memref<80x128xf32, #tpu.memory_space<vmem>>) dst(%dma_wait3A_686 : memref<10000x128xf32, #tpu.memory_space<vmem_shared>>)
        tpu.yield
      }) : () -> ()
      %dma_start3A_610 = arith.constant 0 : i32
      %dma_start3A_611 = arith.constant 0 : i32
      %dma_start3A_612 = tpu.memref_slice %arg8[%dma_start3A_610, %dma_start3A_611] : memref<8x80xi32, #tpu.memory_space<vmem>> -> memref<1x80xi32, #tpu.memory_space<vmem>>
      %dma_start3A_613 = tpu.memref_squeeze %dma_start3A_612 : memref<1x80xi32, #tpu.memory_space<vmem>> -> memref<80xi32, #tpu.memory_space<vmem>>
      %dma_start3A_614 = arith.constant 0 : i32
      %dma_start3A_615 = arith.constant 0 : i32
      %dma_start3A_616 = tpu.memref_slice %arg2[%dma_start3A_614, %dma_start3A_615] : memref<10000x128xf32, #tpu.memory_space<hbm>> -> memref<10000x128xf32, #tpu.memory_space<hbm>>
      tpu.enqueue_indirect_dma source(%dma_start3A_616 : memref<10000x128xf32, #tpu.memory_space<hbm>>) target(%arg14 : memref<80x128xf32, #tpu.memory_space<vmem>>) offsets(%dma_start3A_613 : memref<80xi32, #tpu.memory_space<vmem>>) semaphore(%arg22 : memref<!tpu.dma_semaphore, #tpu.memory_space<semaphore_mem>>)
      %mul3A_617 = arith.constant 8 : i32
      %mul3A_618 = arith.muli %add3A_497, %mul3A_617 : i32
      %add3A_619 = arith.constant 5 : i32
      %add3A_620 = arith.addi %mul3A_618, %add3A_619 : i32
      %dma_wait3A_621 = arith.constant 5 : i32
      %dma_wait3A_622 = arith.constant 0 : i32
      %dma_wait3A_623 = tpu.memref_slice %arg10[%dma_wait3A_621, %dma_wait3A_622] : memref<8x80xi32, #tpu.memory_space<vmem>> -> memref<1x80xi32, #tpu.memory_space<vmem>>
      %dma_wait3A_624 = tpu.memref_squeeze %dma_wait3A_623 : memref<1x80xi32, #tpu.memory_space<vmem>> -> memref<80xi32, #tpu.memory_space<vmem>>
      %dma_wait3A_625 = arith.constant 0 : i32
      %dma_wait3A_626 = arith.constant 0 : i32
      %dma_wait3A_627 = tpu.memref_slice %arg2[%dma_wait3A_625, %dma_wait3A_626] : memref<10000x128xf32, #tpu.memory_space<hbm>> -> memref<10000x128xf32, #tpu.memory_space<hbm>>
      tpu.wait_indirect_dma semaphore(%arg23 : memref<!tpu.dma_semaphore, #tpu.memory_space<semaphore_mem>>) src(%dma_wait3A_627 : memref<10000x128xf32, #tpu.memory_space<hbm>>) dst(%arg15 : memref<80x128xf32, #tpu.memory_space<vmem>>)
      %run_scoped3A_628 = arith.constant 5 : i32
      "tpu.region"() ({
        %run_scoped3A_674 = tpu.sem_alloc : memref<!tpu.dma_semaphore, #tpu.memory_space<semaphore_mem>>
        %dma_start3A_675 = arith.constant 0 : i32
        %dma_start3A_676 = tpu.memref_slice %arg13[%run_scoped3A_628, %dma_start3A_675] : memref<8x80xi32, #tpu.memory_space<vmem>> -> memref<1x80xi32, #tpu.memory_space<vmem>>
        %dma_start3A_677 = tpu.memref_squeeze %dma_start3A_676 : memref<1x80xi32, #tpu.memory_space<vmem>> -> memref<80xi32, #tpu.memory_space<vmem>>
        %dma_start3A_678 = arith.constant 0 : i32
        %dma_start3A_679 = arith.constant 0 : i32
        %dma_start3A_680 = tpu.memref_slice %arg18[%dma_start3A_678, %dma_start3A_679] : memref<10000x128xf32, #tpu.memory_space<vmem_shared>> -> memref<10000x128xf32, #tpu.memory_space<vmem_shared>>
        tpu.enqueue_indirect_dma source(%arg15 : memref<80x128xf32, #tpu.memory_space<vmem>>) target(%dma_start3A_680 : memref<10000x128xf32, #tpu.memory_space<vmem_shared>>) offsets(%dma_start3A_677 : memref<80xi32, #tpu.memory_space<vmem>>) semaphore(%run_scoped3A_674 : memref<!tpu.dma_semaphore, #tpu.memory_space<semaphore_mem>>) {add = true}
        %dma_wait3A_681 = arith.constant 0 : i32
        %dma_wait3A_682 = tpu.memref_slice %arg13[%run_scoped3A_628, %dma_wait3A_681] : memref<8x80xi32, #tpu.memory_space<vmem>> -> memref<1x80xi32, #tpu.memory_space<vmem>>
        %dma_wait3A_683 = tpu.memref_squeeze %dma_wait3A_682 : memref<1x80xi32, #tpu.memory_space<vmem>> -> memref<80xi32, #tpu.memory_space<vmem>>
        %dma_wait3A_684 = arith.constant 0 : i32
        %dma_wait3A_685 = arith.constant 0 : i32
        %dma_wait3A_686 = tpu.memref_slice %arg18[%dma_wait3A_684, %dma_wait3A_685] : memref<10000x128xf32, #tpu.memory_space<vmem_shared>> -> memref<10000x128xf32, #tpu.memory_space<vmem_shared>>
        tpu.wait_indirect_dma semaphore(%run_scoped3A_674 : memref<!tpu.dma_semaphore, #tpu.memory_space<semaphore_mem>>) src(%arg15 : memref<80x128xf32, #tpu.memory_space<vmem>>) dst(%dma_wait3A_686 : memref<10000x128xf32, #tpu.memory_space<vmem_shared>>)
        tpu.yield
      }) : () -> ()
      %dma_start3A_629 = arith.constant 1 : i32
      %dma_start3A_630 = arith.constant 0 : i32
      %dma_start3A_631 = tpu.memref_slice %arg8[%dma_start3A_629, %dma_start3A_630] : memref<8x80xi32, #tpu.memory_space<vmem>> -> memref<1x80xi32, #tpu.memory_space<vmem>>
      %dma_start3A_632 = tpu.memref_squeeze %dma_start3A_631 : memref<1x80xi32, #tpu.memory_space<vmem>> -> memref<80xi32, #tpu.memory_space<vmem>>
      %dma_start3A_633 = arith.constant 0 : i32
      %dma_start3A_634 = arith.constant 0 : i32
      %dma_start3A_635 = tpu.memref_slice %arg2[%dma_start3A_633, %dma_start3A_634] : memref<10000x128xf32, #tpu.memory_space<hbm>> -> memref<10000x128xf32, #tpu.memory_space<hbm>>
      tpu.enqueue_indirect_dma source(%dma_start3A_635 : memref<10000x128xf32, #tpu.memory_space<hbm>>) target(%arg15 : memref<80x128xf32, #tpu.memory_space<vmem>>) offsets(%dma_start3A_632 : memref<80xi32, #tpu.memory_space<vmem>>) semaphore(%arg23 : memref<!tpu.dma_semaphore, #tpu.memory_space<semaphore_mem>>)
      %mul3A_636 = arith.constant 8 : i32
      %mul3A_637 = arith.muli %add3A_497, %mul3A_636 : i32
      %add3A_638 = arith.constant 6 : i32
      %add3A_639 = arith.addi %mul3A_637, %add3A_638 : i32
      %dma_wait3A_640 = arith.constant 6 : i32
      %dma_wait3A_641 = arith.constant 0 : i32
      %dma_wait3A_642 = tpu.memref_slice %arg10[%dma_wait3A_640, %dma_wait3A_641] : memref<8x80xi32, #tpu.memory_space<vmem>> -> memref<1x80xi32, #tpu.memory_space<vmem>>
      %dma_wait3A_643 = tpu.memref_squeeze %dma_wait3A_642 : memref<1x80xi32, #tpu.memory_space<vmem>> -> memref<80xi32, #tpu.memory_space<vmem>>
      %dma_wait3A_644 = arith.constant 0 : i32
      %dma_wait3A_645 = arith.constant 0 : i32
      %dma_wait3A_646 = tpu.memref_slice %arg2[%dma_wait3A_644, %dma_wait3A_645] : memref<10000x128xf32, #tpu.memory_space<hbm>> -> memref<10000x128xf32, #tpu.memory_space<hbm>>
      tpu.wait_indirect_dma semaphore(%arg24 : memref<!tpu.dma_semaphore, #tpu.memory_space<semaphore_mem>>) src(%dma_wait3A_646 : memref<10000x128xf32, #tpu.memory_space<hbm>>) dst(%arg16 : memref<80x128xf32, #tpu.memory_space<vmem>>)
      %run_scoped3A_647 = arith.constant 6 : i32
      "tpu.region"() ({
        %run_scoped3A_674 = tpu.sem_alloc : memref<!tpu.dma_semaphore, #tpu.memory_space<semaphore_mem>>
        %dma_start3A_675 = arith.constant 0 : i32
        %dma_start3A_676 = tpu.memref_slice %arg13[%run_scoped3A_647, %dma_start3A_675] : memref<8x80xi32, #tpu.memory_space<vmem>> -> memref<1x80xi32, #tpu.memory_space<vmem>>
        %dma_start3A_677 = tpu.memref_squeeze %dma_start3A_676 : memref<1x80xi32, #tpu.memory_space<vmem>> -> memref<80xi32, #tpu.memory_space<vmem>>
        %dma_start3A_678 = arith.constant 0 : i32
        %dma_start3A_679 = arith.constant 0 : i32
        %dma_start3A_680 = tpu.memref_slice %arg18[%dma_start3A_678, %dma_start3A_679] : memref<10000x128xf32, #tpu.memory_space<vmem_shared>> -> memref<10000x128xf32, #tpu.memory_space<vmem_shared>>
        tpu.enqueue_indirect_dma source(%arg16 : memref<80x128xf32, #tpu.memory_space<vmem>>) target(%dma_start3A_680 : memref<10000x128xf32, #tpu.memory_space<vmem_shared>>) offsets(%dma_start3A_677 : memref<80xi32, #tpu.memory_space<vmem>>) semaphore(%run_scoped3A_674 : memref<!tpu.dma_semaphore, #tpu.memory_space<semaphore_mem>>) {add = true}
        %dma_wait3A_681 = arith.constant 0 : i32
        %dma_wait3A_682 = tpu.memref_slice %arg13[%run_scoped3A_647, %dma_wait3A_681] : memref<8x80xi32, #tpu.memory_space<vmem>> -> memref<1x80xi32, #tpu.memory_space<vmem>>
        %dma_wait3A_683 = tpu.memref_squeeze %dma_wait3A_682 : memref<1x80xi32, #tpu.memory_space<vmem>> -> memref<80xi32, #tpu.memory_space<vmem>>
        %dma_wait3A_684 = arith.constant 0 : i32
        %dma_wait3A_685 = arith.constant 0 : i32
        %dma_wait3A_686 = tpu.memref_slice %arg18[%dma_wait3A_684, %dma_wait3A_685] : memref<10000x128xf32, #tpu.memory_space<vmem_shared>> -> memref<10000x128xf32, #tpu.memory_space<vmem_shared>>
        tpu.wait_indirect_dma semaphore(%run_scoped3A_674 : memref<!tpu.dma_semaphore, #tpu.memory_space<semaphore_mem>>) src(%arg16 : memref<80x128xf32, #tpu.memory_space<vmem>>) dst(%dma_wait3A_686 : memref<10000x128xf32, #tpu.memory_space<vmem_shared>>)
        tpu.yield
      }) : () -> ()
      %dma_start3A_648 = arith.constant 2 : i32
      %dma_start3A_649 = arith.constant 0 : i32
      %dma_start3A_650 = tpu.memref_slice %arg8[%dma_start3A_648, %dma_start3A_649] : memref<8x80xi32, #tpu.memory_space<vmem>> -> memref<1x80xi32, #tpu.memory_space<vmem>>
      %dma_start3A_651 = tpu.memref_squeeze %dma_start3A_650 : memref<1x80xi32, #tpu.memory_space<vmem>> -> memref<80xi32, #tpu.memory_space<vmem>>
      %dma_start3A_652 = arith.constant 0 : i32
      %dma_start3A_653 = arith.constant 0 : i32
      %dma_start3A_654 = tpu.memref_slice %arg2[%dma_start3A_652, %dma_start3A_653] : memref<10000x128xf32, #tpu.memory_space<hbm>> -> memref<10000x128xf32, #tpu.memory_space<hbm>>
      tpu.enqueue_indirect_dma source(%dma_start3A_654 : memref<10000x128xf32, #tpu.memory_space<hbm>>) target(%arg16 : memref<80x128xf32, #tpu.memory_space<vmem>>) offsets(%dma_start3A_651 : memref<80xi32, #tpu.memory_space<vmem>>) semaphore(%arg24 : memref<!tpu.dma_semaphore, #tpu.memory_space<semaphore_mem>>)
      %mul3A_655 = arith.constant 8 : i32
      %mul3A_656 = arith.muli %add3A_497, %mul3A_655 : i32
      %add3A_657 = arith.constant 7 : i32
      %add3A_658 = arith.addi %mul3A_656, %add3A_657 : i32
      %dma_wait3A_659 = arith.constant 7 : i32
      %dma_wait3A_660 = arith.constant 0 : i32
      %dma_wait3A_661 = tpu.memref_slice %arg10[%dma_wait3A_659, %dma_wait3A_660] : memref<8x80xi32, #tpu.memory_space<vmem>> -> memref<1x80xi32, #tpu.memory_space<vmem>>
      %dma_wait3A_662 = tpu.memref_squeeze %dma_wait3A_661 : memref<1x80xi32, #tpu.memory_space<vmem>> -> memref<80xi32, #tpu.memory_space<vmem>>
      %dma_wait3A_663 = arith.constant 0 : i32
      %dma_wait3A_664 = arith.constant 0 : i32
      %dma_wait3A_665 = tpu.memref_slice %arg2[%dma_wait3A_663, %dma_wait3A_664] : memref<10000x128xf32, #tpu.memory_space<hbm>> -> memref<10000x128xf32, #tpu.memory_space<hbm>>
      tpu.wait_indirect_dma semaphore(%arg25 : memref<!tpu.dma_semaphore, #tpu.memory_space<semaphore_mem>>) src(%dma_wait3A_665 : memref<10000x128xf32, #tpu.memory_space<hbm>>) dst(%arg17 : memref<80x128xf32, #tpu.memory_space<vmem>>)
      %run_scoped3A_666 = arith.constant 7 : i32
      "tpu.region"() ({
        %run_scoped3A_674 = tpu.sem_alloc : memref<!tpu.dma_semaphore, #tpu.memory_space<semaphore_mem>>
        %dma_start3A_675 = arith.constant 0 : i32
        %dma_start3A_676 = tpu.memref_slice %arg13[%run_scoped3A_666, %dma_start3A_675] : memref<8x80xi32, #tpu.memory_space<vmem>> -> memref<1x80xi32, #tpu.memory_space<vmem>>
        %dma_start3A_677 = tpu.memref_squeeze %dma_start3A_676 : memref<1x80xi32, #tpu.memory_space<vmem>> -> memref<80xi32, #tpu.memory_space<vmem>>
        %dma_start3A_678 = arith.constant 0 : i32
        %dma_start3A_679 = arith.constant 0 : i32
        %dma_start3A_680 = tpu.memref_slice %arg18[%dma_start3A_678, %dma_start3A_679] : memref<10000x128xf32, #tpu.memory_space<vmem_shared>> -> memref<10000x128xf32, #tpu.memory_space<vmem_shared>>
        tpu.enqueue_indirect_dma source(%arg17 : memref<80x128xf32, #tpu.memory_space<vmem>>) target(%dma_start3A_680 : memref<10000x128xf32, #tpu.memory_space<vmem_shared>>) offsets(%dma_start3A_677 : memref<80xi32, #tpu.memory_space<vmem>>) semaphore(%run_scoped3A_674 : memref<!tpu.dma_semaphore, #tpu.memory_space<semaphore_mem>>) {add = true}
        %dma_wait3A_681 = arith.constant 0 : i32
        %dma_wait3A_682 = tpu.memref_slice %arg13[%run_scoped3A_666, %dma_wait3A_681] : memref<8x80xi32, #tpu.memory_space<vmem>> -> memref<1x80xi32, #tpu.memory_space<vmem>>
        %dma_wait3A_683 = tpu.memref_squeeze %dma_wait3A_682 : memref<1x80xi32, #tpu.memory_space<vmem>> -> memref<80xi32, #tpu.memory_space<vmem>>
        %dma_wait3A_684 = arith.constant 0 : i32
        %dma_wait3A_685 = arith.constant 0 : i32
        %dma_wait3A_686 = tpu.memref_slice %arg18[%dma_wait3A_684, %dma_wait3A_685] : memref<10000x128xf32, #tpu.memory_space<vmem_shared>> -> memref<10000x128xf32, #tpu.memory_space<vmem_shared>>
        tpu.wait_indirect_dma semaphore(%run_scoped3A_674 : memref<!tpu.dma_semaphore, #tpu.memory_space<semaphore_mem>>) src(%arg17 : memref<80x128xf32, #tpu.memory_space<vmem>>) dst(%dma_wait3A_686 : memref<10000x128xf32, #tpu.memory_space<vmem_shared>>)
        tpu.yield
      }) : () -> ()
      %dma_start3A_667 = arith.constant 3 : i32
      %dma_start3A_668 = arith.constant 0 : i32
      %dma_start3A_669 = tpu.memref_slice %arg8[%dma_start3A_667, %dma_start3A_668] : memref<8x80xi32, #tpu.memory_space<vmem>> -> memref<1x80xi32, #tpu.memory_space<vmem>>
      %dma_start3A_670 = tpu.memref_squeeze %dma_start3A_669 : memref<1x80xi32, #tpu.memory_space<vmem>> -> memref<80xi32, #tpu.memory_space<vmem>>
      %dma_start3A_671 = arith.constant 0 : i32
      %dma_start3A_672 = arith.constant 0 : i32
      %dma_start3A_673 = tpu.memref_slice %arg2[%dma_start3A_671, %dma_start3A_672] : memref<10000x128xf32, #tpu.memory_space<hbm>> -> memref<10000x128xf32, #tpu.memory_space<hbm>>
      tpu.enqueue_indirect_dma source(%dma_start3A_673 : memref<10000x128xf32, #tpu.memory_space<hbm>>) target(%arg17 : memref<80x128xf32, #tpu.memory_space<vmem>>) offsets(%dma_start3A_670 : memref<80xi32, #tpu.memory_space<vmem>>) semaphore(%arg25 : memref<!tpu.dma_semaphore, #tpu.memory_space<semaphore_mem>>)
    }
    %scan3A_76 = arith.constant 5 : i32
    %dma_wait3A_77 = arith.constant 0 : i32
    %dma_wait3A_78 = arith.constant 0 : i32
    %dma_wait3A_79 = tpu.memref_slice %arg8[%dma_wait3A_77, %dma_wait3A_78] : memref<8x80xi32, #tpu.memory_space<vmem>> -> memref<1x80xi32, #tpu.memory_space<vmem>>
    %dma_wait3A_80 = tpu.memref_squeeze %dma_wait3A_79 : memref<1x80xi32, #tpu.memory_space<vmem>> -> memref<80xi32, #tpu.memory_space<vmem>>
    %dma_wait3A_81 = arith.constant 0 : i32
    %dma_wait3A_82 = arith.constant 0 : i32
    %dma_wait3A_83 = tpu.memref_slice %arg2[%dma_wait3A_81, %dma_wait3A_82] : memref<10000x128xf32, #tpu.memory_space<hbm>> -> memref<10000x128xf32, #tpu.memory_space<hbm>>
    tpu.wait_indirect_dma semaphore(%arg22 : memref<!tpu.dma_semaphore, #tpu.memory_space<semaphore_mem>>) src(%dma_wait3A_83 : memref<10000x128xf32, #tpu.memory_space<hbm>>) dst(%arg14 : memref<80x128xf32, #tpu.memory_space<vmem>>)
    %run_scoped3A = arith.constant 0 : i32
    "tpu.region"() ({
      %run_scoped3A_134 = tpu.sem_alloc : memref<!tpu.dma_semaphore, #tpu.memory_space<semaphore_mem>>
      %dma_start3A_135 = arith.constant 0 : i32
      %dma_start3A_136 = tpu.memref_slice %arg11[%run_scoped3A, %dma_start3A_135] : memref<8x80xi32, #tpu.memory_space<vmem>> -> memref<1x80xi32, #tpu.memory_space<vmem>>
      %dma_start3A_137 = tpu.memref_squeeze %dma_start3A_136 : memref<1x80xi32, #tpu.memory_space<vmem>> -> memref<80xi32, #tpu.memory_space<vmem>>
      %dma_start3A_138 = arith.constant 0 : i32
      %dma_start3A_139 = arith.constant 0 : i32
      %dma_start3A_140 = tpu.memref_slice %arg18[%dma_start3A_138, %dma_start3A_139] : memref<10000x128xf32, #tpu.memory_space<vmem_shared>> -> memref<10000x128xf32, #tpu.memory_space<vmem_shared>>
      tpu.enqueue_indirect_dma source(%arg14 : memref<80x128xf32, #tpu.memory_space<vmem>>) target(%dma_start3A_140 : memref<10000x128xf32, #tpu.memory_space<vmem_shared>>) offsets(%dma_start3A_137 : memref<80xi32, #tpu.memory_space<vmem>>) semaphore(%run_scoped3A_134 : memref<!tpu.dma_semaphore, #tpu.memory_space<semaphore_mem>>) {add = true}
      %dma_wait3A_141 = arith.constant 0 : i32
      %dma_wait3A_142 = tpu.memref_slice %arg11[%run_scoped3A, %dma_wait3A_141] : memref<8x80xi32, #tpu.memory_space<vmem>> -> memref<1x80xi32, #tpu.memory_space<vmem>>
      %dma_wait3A_143 = tpu.memref_squeeze %dma_wait3A_142 : memref<1x80xi32, #tpu.memory_space<vmem>> -> memref<80xi32, #tpu.memory_space<vmem>>
      %dma_wait3A_144 = arith.constant 0 : i32
      %dma_wait3A_145 = arith.constant 0 : i32
      %dma_wait3A_146 = tpu.memref_slice %arg18[%dma_wait3A_144, %dma_wait3A_145] : memref<10000x128xf32, #tpu.memory_space<vmem_shared>> -> memref<10000x128xf32, #tpu.memory_space<vmem_shared>>
      tpu.wait_indirect_dma semaphore(%run_scoped3A_134 : memref<!tpu.dma_semaphore, #tpu.memory_space<semaphore_mem>>) src(%arg14 : memref<80x128xf32, #tpu.memory_space<vmem>>) dst(%dma_wait3A_146 : memref<10000x128xf32, #tpu.memory_space<vmem_shared>>)
      tpu.yield
    }) : () -> ()
    %dma_start3A_84 = arith.constant 4 : i32
    %dma_start3A_85 = arith.constant 0 : i32
    %dma_start3A_86 = tpu.memref_slice %arg8[%dma_start3A_84, %dma_start3A_85] : memref<8x80xi32, #tpu.memory_space<vmem>> -> memref<1x80xi32, #tpu.memory_space<vmem>>
    %dma_start3A_87 = tpu.memref_squeeze %dma_start3A_86 : memref<1x80xi32, #tpu.memory_space<vmem>> -> memref<80xi32, #tpu.memory_space<vmem>>
    %dma_start3A_88 = arith.constant 0 : i32
    %dma_start3A_89 = arith.constant 0 : i32
    %dma_start3A_90 = tpu.memref_slice %arg2[%dma_start3A_88, %dma_start3A_89] : memref<10000x128xf32, #tpu.memory_space<hbm>> -> memref<10000x128xf32, #tpu.memory_space<hbm>>
    tpu.enqueue_indirect_dma source(%dma_start3A_90 : memref<10000x128xf32, #tpu.memory_space<hbm>>) target(%arg14 : memref<80x128xf32, #tpu.memory_space<vmem>>) offsets(%dma_start3A_87 : memref<80xi32, #tpu.memory_space<vmem>>) semaphore(%arg22 : memref<!tpu.dma_semaphore, #tpu.memory_space<semaphore_mem>>)
    %dma_wait3A_91 = arith.constant 1 : i32
    %dma_wait3A_92 = arith.constant 0 : i32
    %dma_wait3A_93 = tpu.memref_slice %arg8[%dma_wait3A_91, %dma_wait3A_92] : memref<8x80xi32, #tpu.memory_space<vmem>> -> memref<1x80xi32, #tpu.memory_space<vmem>>
    %dma_wait3A_94 = tpu.memref_squeeze %dma_wait3A_93 : memref<1x80xi32, #tpu.memory_space<vmem>> -> memref<80xi32, #tpu.memory_space<vmem>>
    %dma_wait3A_95 = arith.constant 0 : i32
    %dma_wait3A_96 = arith.constant 0 : i32
    %dma_wait3A_97 = tpu.memref_slice %arg2[%dma_wait3A_95, %dma_wait3A_96] : memref<10000x128xf32, #tpu.memory_space<hbm>> -> memref<10000x128xf32, #tpu.memory_space<hbm>>
    tpu.wait_indirect_dma semaphore(%arg23 : memref<!tpu.dma_semaphore, #tpu.memory_space<semaphore_mem>>) src(%dma_wait3A_97 : memref<10000x128xf32, #tpu.memory_space<hbm>>) dst(%arg15 : memref<80x128xf32, #tpu.memory_space<vmem>>)
    %run_scoped3A_98 = arith.constant 1 : i32
    "tpu.region"() ({
      %run_scoped3A_134 = tpu.sem_alloc : memref<!tpu.dma_semaphore, #tpu.memory_space<semaphore_mem>>
      %dma_start3A_135 = arith.constant 0 : i32
      %dma_start3A_136 = tpu.memref_slice %arg11[%run_scoped3A_98, %dma_start3A_135] : memref<8x80xi32, #tpu.memory_space<vmem>> -> memref<1x80xi32, #tpu.memory_space<vmem>>
      %dma_start3A_137 = tpu.memref_squeeze %dma_start3A_136 : memref<1x80xi32, #tpu.memory_space<vmem>> -> memref<80xi32, #tpu.memory_space<vmem>>
      %dma_start3A_138 = arith.constant 0 : i32
      %dma_start3A_139 = arith.constant 0 : i32
      %dma_start3A_140 = tpu.memref_slice %arg18[%dma_start3A_138, %dma_start3A_139] : memref<10000x128xf32, #tpu.memory_space<vmem_shared>> -> memref<10000x128xf32, #tpu.memory_space<vmem_shared>>
      tpu.enqueue_indirect_dma source(%arg15 : memref<80x128xf32, #tpu.memory_space<vmem>>) target(%dma_start3A_140 : memref<10000x128xf32, #tpu.memory_space<vmem_shared>>) offsets(%dma_start3A_137 : memref<80xi32, #tpu.memory_space<vmem>>) semaphore(%run_scoped3A_134 : memref<!tpu.dma_semaphore, #tpu.memory_space<semaphore_mem>>) {add = true}
      %dma_wait3A_141 = arith.constant 0 : i32
      %dma_wait3A_142 = tpu.memref_slice %arg11[%run_scoped3A_98, %dma_wait3A_141] : memref<8x80xi32, #tpu.memory_space<vmem>> -> memref<1x80xi32, #tpu.memory_space<vmem>>
      %dma_wait3A_143 = tpu.memref_squeeze %dma_wait3A_142 : memref<1x80xi32, #tpu.memory_space<vmem>> -> memref<80xi32, #tpu.memory_space<vmem>>
      %dma_wait3A_144 = arith.constant 0 : i32
      %dma_wait3A_145 = arith.constant 0 : i32
      %dma_wait3A_146 = tpu.memref_slice %arg18[%dma_wait3A_144, %dma_wait3A_145] : memref<10000x128xf32, #tpu.memory_space<vmem_shared>> -> memref<10000x128xf32, #tpu.memory_space<vmem_shared>>
      tpu.wait_indirect_dma semaphore(%run_scoped3A_134 : memref<!tpu.dma_semaphore, #tpu.memory_space<semaphore_mem>>) src(%arg15 : memref<80x128xf32, #tpu.memory_space<vmem>>) dst(%dma_wait3A_146 : memref<10000x128xf32, #tpu.memory_space<vmem_shared>>)
      tpu.yield
    }) : () -> ()
    %dma_wait3A_99 = arith.constant 2 : i32
    %dma_wait3A_100 = arith.constant 0 : i32
    %dma_wait3A_101 = tpu.memref_slice %arg8[%dma_wait3A_99, %dma_wait3A_100] : memref<8x80xi32, #tpu.memory_space<vmem>> -> memref<1x80xi32, #tpu.memory_space<vmem>>
    %dma_wait3A_102 = tpu.memref_squeeze %dma_wait3A_101 : memref<1x80xi32, #tpu.memory_space<vmem>> -> memref<80xi32, #tpu.memory_space<vmem>>
    %dma_wait3A_103 = arith.constant 0 : i32
    %dma_wait3A_104 = arith.constant 0 : i32
    %dma_wait3A_105 = tpu.memref_slice %arg2[%dma_wait3A_103, %dma_wait3A_104] : memref<10000x128xf32, #tpu.memory_space<hbm>> -> memref<10000x128xf32, #tpu.memory_space<hbm>>
    tpu.wait_indirect_dma semaphore(%arg24 : memref<!tpu.dma_semaphore, #tpu.memory_space<semaphore_mem>>) src(%dma_wait3A_105 : memref<10000x128xf32, #tpu.memory_space<hbm>>) dst(%arg16 : memref<80x128xf32, #tpu.memory_space<vmem>>)
    %run_scoped3A_106 = arith.constant 2 : i32
    "tpu.region"() ({
      %run_scoped3A_134 = tpu.sem_alloc : memref<!tpu.dma_semaphore, #tpu.memory_space<semaphore_mem>>
      %dma_start3A_135 = arith.constant 0 : i32
      %dma_start3A_136 = tpu.memref_slice %arg11[%run_scoped3A_106, %dma_start3A_135] : memref<8x80xi32, #tpu.memory_space<vmem>> -> memref<1x80xi32, #tpu.memory_space<vmem>>
      %dma_start3A_137 = tpu.memref_squeeze %dma_start3A_136 : memref<1x80xi32, #tpu.memory_space<vmem>> -> memref<80xi32, #tpu.memory_space<vmem>>
      %dma_start3A_138 = arith.constant 0 : i32
      %dma_start3A_139 = arith.constant 0 : i32
      %dma_start3A_140 = tpu.memref_slice %arg18[%dma_start3A_138, %dma_start3A_139] : memref<10000x128xf32, #tpu.memory_space<vmem_shared>> -> memref<10000x128xf32, #tpu.memory_space<vmem_shared>>
      tpu.enqueue_indirect_dma source(%arg16 : memref<80x128xf32, #tpu.memory_space<vmem>>) target(%dma_start3A_140 : memref<10000x128xf32, #tpu.memory_space<vmem_shared>>) offsets(%dma_start3A_137 : memref<80xi32, #tpu.memory_space<vmem>>) semaphore(%run_scoped3A_134 : memref<!tpu.dma_semaphore, #tpu.memory_space<semaphore_mem>>) {add = true}
      %dma_wait3A_141 = arith.constant 0 : i32
      %dma_wait3A_142 = tpu.memref_slice %arg11[%run_scoped3A_106, %dma_wait3A_141] : memref<8x80xi32, #tpu.memory_space<vmem>> -> memref<1x80xi32, #tpu.memory_space<vmem>>
      %dma_wait3A_143 = tpu.memref_squeeze %dma_wait3A_142 : memref<1x80xi32, #tpu.memory_space<vmem>> -> memref<80xi32, #tpu.memory_space<vmem>>
      %dma_wait3A_144 = arith.constant 0 : i32
      %dma_wait3A_145 = arith.constant 0 : i32
      %dma_wait3A_146 = tpu.memref_slice %arg18[%dma_wait3A_144, %dma_wait3A_145] : memref<10000x128xf32, #tpu.memory_space<vmem_shared>> -> memref<10000x128xf32, #tpu.memory_space<vmem_shared>>
      tpu.wait_indirect_dma semaphore(%run_scoped3A_134 : memref<!tpu.dma_semaphore, #tpu.memory_space<semaphore_mem>>) src(%arg16 : memref<80x128xf32, #tpu.memory_space<vmem>>) dst(%dma_wait3A_146 : memref<10000x128xf32, #tpu.memory_space<vmem_shared>>)
      tpu.yield
    }) : () -> ()
    %dma_wait3A_107 = arith.constant 3 : i32
    %dma_wait3A_108 = arith.constant 0 : i32
    %dma_wait3A_109 = tpu.memref_slice %arg8[%dma_wait3A_107, %dma_wait3A_108] : memref<8x80xi32, #tpu.memory_space<vmem>> -> memref<1x80xi32, #tpu.memory_space<vmem>>
    %dma_wait3A_110 = tpu.memref_squeeze %dma_wait3A_109 : memref<1x80xi32, #tpu.memory_space<vmem>> -> memref<80xi32, #tpu.memory_space<vmem>>
    %dma_wait3A_111 = arith.constant 0 : i32
    %dma_wait3A_112 = arith.constant 0 : i32
    %dma_wait3A_113 = tpu.memref_slice %arg2[%dma_wait3A_111, %dma_wait3A_112] : memref<10000x128xf32, #tpu.memory_space<hbm>> -> memref<10000x128xf32, #tpu.memory_space<hbm>>
    tpu.wait_indirect_dma semaphore(%arg25 : memref<!tpu.dma_semaphore, #tpu.memory_space<semaphore_mem>>) src(%dma_wait3A_113 : memref<10000x128xf32, #tpu.memory_space<hbm>>) dst(%arg17 : memref<80x128xf32, #tpu.memory_space<vmem>>)
    %run_scoped3A_114 = arith.constant 3 : i32
    "tpu.region"() ({
      %run_scoped3A_134 = tpu.sem_alloc : memref<!tpu.dma_semaphore, #tpu.memory_space<semaphore_mem>>
      %dma_start3A_135 = arith.constant 0 : i32
      %dma_start3A_136 = tpu.memref_slice %arg11[%run_scoped3A_114, %dma_start3A_135] : memref<8x80xi32, #tpu.memory_space<vmem>> -> memref<1x80xi32, #tpu.memory_space<vmem>>
      %dma_start3A_137 = tpu.memref_squeeze %dma_start3A_136 : memref<1x80xi32, #tpu.memory_space<vmem>> -> memref<80xi32, #tpu.memory_space<vmem>>
      %dma_start3A_138 = arith.constant 0 : i32
      %dma_start3A_139 = arith.constant 0 : i32
      %dma_start3A_140 = tpu.memref_slice %arg18[%dma_start3A_138, %dma_start3A_139] : memref<10000x128xf32, #tpu.memory_space<vmem_shared>> -> memref<10000x128xf32, #tpu.memory_space<vmem_shared>>
      tpu.enqueue_indirect_dma source(%arg17 : memref<80x128xf32, #tpu.memory_space<vmem>>) target(%dma_start3A_140 : memref<10000x128xf32, #tpu.memory_space<vmem_shared>>) offsets(%dma_start3A_137 : memref<80xi32, #tpu.memory_space<vmem>>) semaphore(%run_scoped3A_134 : memref<!tpu.dma_semaphore, #tpu.memory_space<semaphore_mem>>) {add = true}
      %dma_wait3A_141 = arith.constant 0 : i32
      %dma_wait3A_142 = tpu.memref_slice %arg11[%run_scoped3A_114, %dma_wait3A_141] : memref<8x80xi32, #tpu.memory_space<vmem>> -> memref<1x80xi32, #tpu.memory_space<vmem>>
      %dma_wait3A_143 = tpu.memref_squeeze %dma_wait3A_142 : memref<1x80xi32, #tpu.memory_space<vmem>> -> memref<80xi32, #tpu.memory_space<vmem>>
      %dma_wait3A_144 = arith.constant 0 : i32
      %dma_wait3A_145 = arith.constant 0 : i32
      %dma_wait3A_146 = tpu.memref_slice %arg18[%dma_wait3A_144, %dma_wait3A_145] : memref<10000x128xf32, #tpu.memory_space<vmem_shared>> -> memref<10000x128xf32, #tpu.memory_space<vmem_shared>>
      tpu.wait_indirect_dma semaphore(%run_scoped3A_134 : memref<!tpu.dma_semaphore, #tpu.memory_space<semaphore_mem>>) src(%arg17 : memref<80x128xf32, #tpu.memory_space<vmem>>) dst(%dma_wait3A_146 : memref<10000x128xf32, #tpu.memory_space<vmem_shared>>)
      tpu.yield
    }) : () -> ()
    %dma_wait3A_115 = arith.constant 4 : i32
    %dma_wait3A_116 = arith.constant 0 : i32
    %dma_wait3A_117 = tpu.memref_slice %arg8[%dma_wait3A_115, %dma_wait3A_116] : memref<8x80xi32, #tpu.memory_space<vmem>> -> memref<1x80xi32, #tpu.memory_space<vmem>>
    %dma_wait3A_118 = tpu.memref_squeeze %dma_wait3A_117 : memref<1x80xi32, #tpu.memory_space<vmem>> -> memref<80xi32, #tpu.memory_space<vmem>>
    %dma_wait3A_119 = arith.constant 0 : i32
    %dma_wait3A_120 = arith.constant 0 : i32
    %dma_wait3A_121 = tpu.memref_slice %arg2[%dma_wait3A_119, %dma_wait3A_120] : memref<10000x128xf32, #tpu.memory_space<hbm>> -> memref<10000x128xf32, #tpu.memory_space<hbm>>
    tpu.wait_indirect_dma semaphore(%arg22 : memref<!tpu.dma_semaphore, #tpu.memory_space<semaphore_mem>>) src(%dma_wait3A_121 : memref<10000x128xf32, #tpu.memory_space<hbm>>) dst(%arg14 : memref<80x128xf32, #tpu.memory_space<vmem>>)
    %run_scoped3A_122 = arith.constant 4 : i32
    "tpu.region"() ({
      %run_scoped3A_134 = tpu.sem_alloc : memref<!tpu.dma_semaphore, #tpu.memory_space<semaphore_mem>>
      %dma_start3A_135 = arith.constant 0 : i32
      %dma_start3A_136 = tpu.memref_slice %arg11[%run_scoped3A_122, %dma_start3A_135] : memref<8x80xi32, #tpu.memory_space<vmem>> -> memref<1x80xi32, #tpu.memory_space<vmem>>
      %dma_start3A_137 = tpu.memref_squeeze %dma_start3A_136 : memref<1x80xi32, #tpu.memory_space<vmem>> -> memref<80xi32, #tpu.memory_space<vmem>>
      %dma_start3A_138 = arith.constant 0 : i32
      %dma_start3A_139 = arith.constant 0 : i32
      %dma_start3A_140 = tpu.memref_slice %arg18[%dma_start3A_138, %dma_start3A_139] : memref<10000x128xf32, #tpu.memory_space<vmem_shared>> -> memref<10000x128xf32, #tpu.memory_space<vmem_shared>>
      tpu.enqueue_indirect_dma source(%arg14 : memref<80x128xf32, #tpu.memory_space<vmem>>) target(%dma_start3A_140 : memref<10000x128xf32, #tpu.memory_space<vmem_shared>>) offsets(%dma_start3A_137 : memref<80xi32, #tpu.memory_space<vmem>>) semaphore(%run_scoped3A_134 : memref<!tpu.dma_semaphore, #tpu.memory_space<semaphore_mem>>) {add = true}
      %dma_wait3A_141 = arith.constant 0 : i32
      %dma_wait3A_142 = tpu.memref_slice %arg11[%run_scoped3A_122, %dma_wait3A_141] : memref<8x80xi32, #tpu.memory_space<vmem>> -> memref<1x80xi32, #tpu.memory_space<vmem>>
      %dma_wait3A_143 = tpu.memref_squeeze %dma_wait3A_142 : memref<1x80xi32, #tpu.memory_space<vmem>> -> memref<80xi32, #tpu.memory_space<vmem>>
      %dma_wait3A_144 = arith.constant 0 : i32
      %dma_wait3A_145 = arith.constant 0 : i32
      %dma_wait3A_146 = tpu.memref_slice %arg18[%dma_wait3A_144, %dma_wait3A_145] : memref<10000x128xf32, #tpu.memory_space<vmem_shared>> -> memref<10000x128xf32, #tpu.memory_space<vmem_shared>>
      tpu.wait_indirect_dma semaphore(%run_scoped3A_134 : memref<!tpu.dma_semaphore, #tpu.memory_space<semaphore_mem>>) src(%arg14 : memref<80x128xf32, #tpu.memory_space<vmem>>) dst(%dma_wait3A_146 : memref<10000x128xf32, #tpu.memory_space<vmem_shared>>)
      tpu.yield
    }) : () -> ()
    %barrier3A_123 = arith.constant 0 : index
    tpu.barrier barrier_id(%barrier3A_123)
    %eq3A_124 = arith.constant 0 : i32
    %eq3A_125 = arith.cmpi eq, %arg0, %eq3A_124 : i32
    %convert_element_type3A_126 = arith.extui %eq3A_125 : i1 to i32
    %cond3A_127 = arith.constant 0 : i32
    %cond3A_128 = arith.cmpi ne, %convert_element_type3A_126, %cond3A_127 : i32
    scf.if %cond3A_128 {
      "tpu.region"() ({
        %run_scoped3A_139 = tpu.sem_alloc : memref<!tpu.dma_semaphore, #tpu.memory_space<semaphore_mem>>
        %dma_start3A_140 = arith.constant 0 : i32
        %dma_start3A_141 = tpu.memref_slice %arg6[%mul3A_2, %dma_start3A_140] : memref<10000x128xf32, #tpu.memory_space<hbm>> -> memref<624x128xf32, #tpu.memory_space<hbm>>
        %dma_start3A_142 = arith.constant 0 : i32
        %dma_start3A_143 = tpu.memref_slice %arg18[%mul3A_2, %dma_start3A_142] : memref<10000x128xf32, #tpu.memory_space<vmem_shared>> -> memref<624x128xf32, #tpu.memory_space<vmem_shared>>
        tpu.enqueue_dma source(%dma_start3A_143 : memref<624x128xf32, #tpu.memory_space<vmem_shared>>) target(%dma_start3A_141 : memref<624x128xf32, #tpu.memory_space<hbm>>) target_semaphore(%run_scoped3A_139 : memref<!tpu.dma_semaphore, #tpu.memory_space<semaphore_mem>>)
        %dma_wait3A_144 = arith.constant 0 : i32
        %dma_wait3A_145 = tpu.memref_slice %arg6[%mul3A_2, %dma_wait3A_144] : memref<10000x128xf32, #tpu.memory_space<hbm>> -> memref<624x128xf32, #tpu.memory_space<hbm>>
        %dma_wait3A_146 = arith.constant 0 : i32
        %dma_wait3A_147 = tpu.memref_slice %arg18[%mul3A_2, %dma_wait3A_146] : memref<10000x128xf32, #tpu.memory_space<vmem_shared>> -> memref<624x128xf32, #tpu.memory_space<vmem_shared>>
        tpu.wait_dma2 semaphore(%run_scoped3A_139 : memref<!tpu.dma_semaphore, #tpu.memory_space<semaphore_mem>>) src(%dma_wait3A_147 : memref<624x128xf32, #tpu.memory_space<vmem_shared>>) dst(%dma_wait3A_145 : memref<624x128xf32, #tpu.memory_space<hbm>>)
        tpu.yield
      }) : () -> ()
      %eq3A_134 = arith.constant 15 : i32
      %eq3A_135 = arith.cmpi eq, %arg1, %eq3A_134 : i32
      %convert_element_type3A_136 = arith.extui %eq3A_135 : i1 to i32
      %cond3A_137 = arith.constant 0 : i32
      %cond3A_138 = arith.cmpi ne, %convert_element_type3A_136, %cond3A_137 : i32
      scf.if %cond3A_138 {
        "tpu.region"() ({
          %run_scoped3A_139 = tpu.sem_alloc : memref<!tpu.dma_semaphore, #tpu.memory_space<semaphore_mem>>
          %dma_start3A_140 = arith.constant 9984 : i32
          %dma_start3A_141 = arith.constant 0 : i32
          %dma_start3A_142 = tpu.memref_slice %arg6[%dma_start3A_140, %dma_start3A_141] : memref<10000x128xf32, #tpu.memory_space<hbm>> -> memref<16x128xf32, #tpu.memory_space<hbm>>
          %dma_start3A_143 = arith.constant 9984 : i32
          %dma_start3A_144 = arith.constant 0 : i32
          %dma_start3A_145 = tpu.memref_slice %arg18[%dma_start3A_143, %dma_start3A_144] : memref<10000x128xf32, #tpu.memory_space<vmem_shared>> -> memref<16x128xf32, #tpu.memory_space<vmem_shared>>
          tpu.enqueue_dma source(%dma_start3A_145 : memref<16x128xf32, #tpu.memory_space<vmem_shared>>) target(%dma_start3A_142 : memref<16x128xf32, #tpu.memory_space<hbm>>) target_semaphore(%run_scoped3A_139 : memref<!tpu.dma_semaphore, #tpu.memory_space<semaphore_mem>>)
          %dma_wait3A_146 = arith.constant 9984 : i32
          %dma_wait3A_147 = arith.constant 0 : i32
          %dma_wait3A_148 = tpu.memref_slice %arg6[%dma_wait3A_146, %dma_wait3A_147] : memref<10000x128xf32, #tpu.memory_space<hbm>> -> memref<16x128xf32, #tpu.memory_space<hbm>>
          %dma_wait3A_149 = arith.constant 9984 : i32
          %dma_wait3A_150 = arith.constant 0 : i32
          %dma_wait3A_151 = tpu.memref_slice %arg18[%dma_wait3A_149, %dma_wait3A_150] : memref<10000x128xf32, #tpu.memory_space<vmem_shared>> -> memref<16x128xf32, #tpu.memory_space<vmem_shared>>
          tpu.wait_dma2 semaphore(%run_scoped3A_139 : memref<!tpu.dma_semaphore, #tpu.memory_space<semaphore_mem>>) src(%dma_wait3A_151 : memref<16x128xf32, #tpu.memory_space<vmem_shared>>) dst(%dma_wait3A_148 : memref<16x128xf32, #tpu.memory_space<hbm>>)
          tpu.yield
        }) : () -> ()
      } else {
      }
    } else {
    }
    %eq3A_129 = arith.constant 1 : i32
    %eq3A_130 = arith.cmpi eq, %arg0, %eq3A_129 : i32
    %convert_element_type3A_131 = arith.extui %eq3A_130 : i1 to i32
    %cond3A_132 = arith.constant 0 : i32
    %cond3A_133 = arith.cmpi ne, %convert_element_type3A_131, %cond3A_132 : i32
    scf.if %cond3A_133 {
      "tpu.region"() ({
        %run_scoped3A_139 = tpu.sem_alloc : memref<!tpu.dma_semaphore, #tpu.memory_space<semaphore_mem>>
        %dma_start3A_140 = arith.constant 0 : i32
        %dma_start3A_141 = tpu.memref_slice %arg7[%mul3A_2, %dma_start3A_140] : memref<10000x128xf32, #tpu.memory_space<hbm>> -> memref<624x128xf32, #tpu.memory_space<hbm>>
        %dma_start3A_142 = arith.constant 0 : i32
        %dma_start3A_143 = tpu.memref_slice %arg18[%mul3A_2, %dma_start3A_142] : memref<10000x128xf32, #tpu.memory_space<vmem_shared>> -> memref<624x128xf32, #tpu.memory_space<vmem_shared>>
        tpu.enqueue_dma source(%dma_start3A_143 : memref<624x128xf32, #tpu.memory_space<vmem_shared>>) target(%dma_start3A_141 : memref<624x128xf32, #tpu.memory_space<hbm>>) target_semaphore(%run_scoped3A_139 : memref<!tpu.dma_semaphore, #tpu.memory_space<semaphore_mem>>)
        %dma_wait3A_144 = arith.constant 0 : i32
        %dma_wait3A_145 = tpu.memref_slice %arg7[%mul3A_2, %dma_wait3A_144] : memref<10000x128xf32, #tpu.memory_space<hbm>> -> memref<624x128xf32, #tpu.memory_space<hbm>>
        %dma_wait3A_146 = arith.constant 0 : i32
        %dma_wait3A_147 = tpu.memref_slice %arg18[%mul3A_2, %dma_wait3A_146] : memref<10000x128xf32, #tpu.memory_space<vmem_shared>> -> memref<624x128xf32, #tpu.memory_space<vmem_shared>>
        tpu.wait_dma2 semaphore(%run_scoped3A_139 : memref<!tpu.dma_semaphore, #tpu.memory_space<semaphore_mem>>) src(%dma_wait3A_147 : memref<624x128xf32, #tpu.memory_space<vmem_shared>>) dst(%dma_wait3A_145 : memref<624x128xf32, #tpu.memory_space<hbm>>)
        tpu.yield
      }) : () -> ()
      %eq3A_134 = arith.constant 15 : i32
      %eq3A_135 = arith.cmpi eq, %arg1, %eq3A_134 : i32
      %convert_element_type3A_136 = arith.extui %eq3A_135 : i1 to i32
      %cond3A_137 = arith.constant 0 : i32
      %cond3A_138 = arith.cmpi ne, %convert_element_type3A_136, %cond3A_137 : i32
      scf.if %cond3A_138 {
        "tpu.region"() ({
          %run_scoped3A_139 = tpu.sem_alloc : memref<!tpu.dma_semaphore, #tpu.memory_space<semaphore_mem>>
          %dma_start3A_140 = arith.constant 9984 : i32
          %dma_start3A_141 = arith.constant 0 : i32
          %dma_start3A_142 = tpu.memref_slice %arg7[%dma_start3A_140, %dma_start3A_141] : memref<10000x128xf32, #tpu.memory_space<hbm>> -> memref<16x128xf32, #tpu.memory_space<hbm>>
          %dma_start3A_143 = arith.constant 9984 : i32
          %dma_start3A_144 = arith.constant 0 : i32
          %dma_start3A_145 = tpu.memref_slice %arg18[%dma_start3A_143, %dma_start3A_144] : memref<10000x128xf32, #tpu.memory_space<vmem_shared>> -> memref<16x128xf32, #tpu.memory_space<vmem_shared>>
          tpu.enqueue_dma source(%dma_start3A_145 : memref<16x128xf32, #tpu.memory_space<vmem_shared>>) target(%dma_start3A_142 : memref<16x128xf32, #tpu.memory_space<hbm>>) target_semaphore(%run_scoped3A_139 : memref<!tpu.dma_semaphore, #tpu.memory_space<semaphore_mem>>)
          %dma_wait3A_146 = arith.constant 9984 : i32
          %dma_wait3A_147 = arith.constant 0 : i32
          %dma_wait3A_148 = tpu.memref_slice %arg7[%dma_wait3A_146, %dma_wait3A_147] : memref<10000x128xf32, #tpu.memory_space<hbm>> -> memref<16x128xf32, #tpu.memory_space<hbm>>
          %dma_wait3A_149 = arith.constant 9984 : i32
          %dma_wait3A_150 = arith.constant 0 : i32
          %dma_wait3A_151 = tpu.memref_slice %arg18[%dma_wait3A_149, %dma_wait3A_150] : memref<10000x128xf32, #tpu.memory_space<vmem_shared>> -> memref<16x128xf32, #tpu.memory_space<vmem_shared>>
          tpu.wait_dma2 semaphore(%run_scoped3A_139 : memref<!tpu.dma_semaphore, #tpu.memory_space<semaphore_mem>>) src(%dma_wait3A_151 : memref<16x128xf32, #tpu.memory_space<vmem_shared>>) dst(%dma_wait3A_148 : memref<16x128xf32, #tpu.memory_space<hbm>>)
          tpu.yield
        }) : () -> ()
      } else {
      }
    } else {
    }
    return
  }
}

module attributes {stable_mosaic.version = 14 : i64} {
  func.func @body(%arg0: memref<10000x128xf32, #tpu.memory_space<vmem>>, %arg1: memref<128x128xf32, #tpu.memory_space<vmem>>, %arg2: memref<10000x128xf32, #tpu.memory_space<vmem>>) attributes {dimension_semantics = [], scalar_prefetch = 0 : i64, scratch_operands = 0 : i64, tpu.core_type = #tpu.core_type<tc>} {
    %get3A = arith.constant 0 : index
    %get3A_0 = arith.constant 0 : index
    %get3A_1 = vector.load %arg0[%get3A, %get3A_0] : memref<10000x128xf32, #tpu.memory_space<vmem>>, vector<10000x128xf32>
    %get3A_2 = arith.constant 0 : index
    %get3A_3 = arith.constant 0 : index
    %get3A_4 = vector.load %arg1[%get3A_2, %get3A_3] : memref<128x128xf32, #tpu.memory_space<vmem>>, vector<128x128xf32>
    %dot_general3A = arith.constant dense<0.000000e+00> : vector<10000x128xf32>
    %dot_general3A_5 = tpu.matmul %get3A_1, %get3A_4, %dot_general3A {dimension_numbers = #tpu.dot_dimension_numbers<[1], [0], [0], [1], [0, 0, 1, 1], [], []>, transpose_lhs_hint = false} : vector<10000x128xf32>, vector<128x128xf32>, vector<10000x128xf32> -> vector<10000x128xf32>
    %swap3A = arith.constant 0 : index
    %swap3A_6 = arith.constant 0 : index
    %swap3A_7 = vector.load %arg2[%swap3A, %swap3A_6] : memref<10000x128xf32, #tpu.memory_space<vmem>>, vector<10000x128xf32>
    tpu.vector_store %arg2[%swap3A, %swap3A_6], %dot_general3A_5 {strides = array<i32>} : memref<10000x128xf32, #tpu.memory_space<vmem>>, vector<10000x128xf32>,
    return
  }
}

module attributes {stable_mosaic.version = 14 : i64} {
  func.func @body(%arg0: memref<10000x128xf32, #tpu.memory_space<vmem>>, %arg1: memref<128x128xf32, #tpu.memory_space<vmem>>, %arg2: memref<1x128xf32, #tpu.memory_space<vmem>>, %arg3: memref<10000x128xf32, #tpu.memory_space<vmem>>) attributes {dimension_semantics = [], scalar_prefetch = 0 : i64, scratch_operands = 0 : i64, tpu.core_type = #tpu.core_type<tc>} {
    %get3A = arith.constant 0 : index
    %get3A_0 = arith.constant 0 : index
    %get3A_1 = vector.load %arg0[%get3A, %get3A_0] : memref<10000x128xf32, #tpu.memory_space<vmem>>, vector<10000x128xf32>
    %get3A_2 = arith.constant 0 : index
    %get3A_3 = arith.constant 0 : index
    %get3A_4 = vector.load %arg1[%get3A_2, %get3A_3] : memref<128x128xf32, #tpu.memory_space<vmem>>, vector<128x128xf32>
    %dot_general3A = arith.constant dense<0.000000e+00> : vector<10000x128xf32>
    %dot_general3A_5 = tpu.matmul %get3A_1, %get3A_4, %dot_general3A {dimension_numbers = #tpu.dot_dimension_numbers<[1], [0], [0], [1], [0, 0, 1, 1], [], []>, transpose_lhs_hint = false} : vector<10000x128xf32>, vector<128x128xf32>, vector<10000x128xf32> -> vector<10000x128xf32>
    %get3A_6 = arith.constant 0 : index
    %get3A_7 = arith.constant 0 : index
    %get3A_8 = vector.load %arg2[%get3A_6, %get3A_7] : memref<1x128xf32, #tpu.memory_space<vmem>>, vector<1x128xf32>
    %add3A = vector.broadcast %get3A_8 : vector<1x128xf32> to vector<10000x128xf32>
    %add3A_9 = arith.addf %dot_general3A_5, %add3A : vector<10000x128xf32>
    %swap3A = arith.constant 0 : index
    %swap3A_10 = arith.constant 0 : index
    %swap3A_11 = vector.load %arg3[%swap3A, %swap3A_10] : memref<10000x128xf32, #tpu.memory_space<vmem>>, vector<10000x128xf32>
    tpu.vector_store %arg3[%swap3A, %swap3A_10], %add3A_9 {strides = array<i32>} : memref<10000x128xf32, #tpu.memory_space<vmem>>, vector<10000x128xf32>,
    return
  }
}

module attributes {stable_mosaic.version = 14 : i64} {
  func.func @body(%arg0: memref<10000x128xf32, #tpu.memory_space<vmem>>, %arg1: memref<10000x128xf32, #tpu.memory_space<vmem>>, %arg2: memref<10000x128xf32, #tpu.memory_space<vmem>>, %arg3: memref<128x128xf32, #tpu.memory_space<vmem>>, %arg4: memref<10000x128xf32, #tpu.memory_space<vmem>>, %arg5: memref<10000x128xf32, #tpu.memory_space<vmem>>) attributes {dimension_semantics = [], scalar_prefetch = 0 : i64, scratch_operands = 0 : i64, tpu.core_type = #tpu.core_type<tc>} {
    %get3A = arith.constant 0 : index
    %get3A_0 = arith.constant 0 : index
    %get3A_1 = vector.load %arg0[%get3A, %get3A_0] : memref<10000x128xf32, #tpu.memory_space<vmem>>, vector<10000x128xf32>
    %get3A_2 = arith.constant 0 : index
    %get3A_3 = arith.constant 0 : index
    %get3A_4 = vector.load %arg1[%get3A_2, %get3A_3] : memref<10000x128xf32, #tpu.memory_space<vmem>>, vector<10000x128xf32>
    %add3A = arith.addf %get3A_1, %get3A_4 : vector<10000x128xf32>
    %get3A_5 = arith.constant 0 : index
    %get3A_6 = arith.constant 0 : index
    %get3A_7 = vector.load %arg2[%get3A_5, %get3A_6] : memref<10000x128xf32, #tpu.memory_space<vmem>>, vector<10000x128xf32>
    %add3A_8 = arith.addf %add3A, %get3A_7 : vector<10000x128xf32>
    %max3A = arith.constant 0.000000e+00 : f32
    %max3A_9 = vector.broadcast %max3A : f32 to vector<10000x128xf32>
    %max3A_10 = arith.maximumf %add3A_8, %max3A_9 : vector<10000x128xf32>
    %swap3A = arith.constant 0 : index
    %swap3A_11 = arith.constant 0 : index
    %swap3A_12 = vector.load %arg4[%swap3A, %swap3A_11] : memref<10000x128xf32, #tpu.memory_space<vmem>>, vector<10000x128xf32>
    tpu.vector_store %arg4[%swap3A, %swap3A_11], %max3A_10 {strides = array<i32>} : memref<10000x128xf32, #tpu.memory_space<vmem>>, vector<10000x128xf32>,
    %get3A_13 = arith.constant 0 : index
    %get3A_14 = arith.constant 0 : index
    %get3A_15 = vector.load %arg3[%get3A_13, %get3A_14] : memref<128x128xf32, #tpu.memory_space<vmem>>, vector<128x128xf32>
    %dot_general3A = arith.constant dense<0.000000e+00> : vector<10000x128xf32>
    %dot_general3A_16 = tpu.matmul %max3A_10, %get3A_15, %dot_general3A {dimension_numbers = #tpu.dot_dimension_numbers<[1], [0], [0], [1], [0, 0, 1, 1], [], []>, transpose_lhs_hint = false} : vector<10000x128xf32>, vector<128x128xf32>, vector<10000x128xf32> -> vector<10000x128xf32>
    %swap3A_17 = arith.constant 0 : index
    %swap3A_18 = arith.constant 0 : index
    %swap3A_19 = vector.load %arg5[%swap3A_17, %swap3A_18] : memref<10000x128xf32, #tpu.memory_space<vmem>>, vector<10000x128xf32>
    tpu.vector_store %arg5[%swap3A_17, %swap3A_18], %dot_general3A_16 {strides = array<i32>} : memref<10000x128xf32, #tpu.memory_space<vmem>>, vector<10000x128xf32>,
    return
  }
}

module attributes {stable_mosaic.version = 14 : i64} {
  func.func @body(%arg0: memref<10000x128xf32, #tpu.memory_space<vmem>>, %arg1: memref<10000x128xf32, #tpu.memory_space<vmem>>, %arg2: memref<10000x128xf32, #tpu.memory_space<vmem>>, %arg3: memref<10000x128xf32, #tpu.memory_space<vmem>>) attributes {dimension_semantics = [], scalar_prefetch = 0 : i64, scratch_operands = 0 : i64, tpu.core_type = #tpu.core_type<tc>} {
    %get3A = arith.constant 0 : index
    %get3A_0 = arith.constant 0 : index
    %get3A_1 = vector.load %arg0[%get3A, %get3A_0] : memref<10000x128xf32, #tpu.memory_space<vmem>>, vector<10000x128xf32>
    %get3A_2 = arith.constant 0 : index
    %get3A_3 = arith.constant 0 : index
    %get3A_4 = vector.load %arg1[%get3A_2, %get3A_3] : memref<10000x128xf32, #tpu.memory_space<vmem>>, vector<10000x128xf32>
    %add3A = arith.addf %get3A_1, %get3A_4 : vector<10000x128xf32>
    %get3A_5 = arith.constant 0 : index
    %get3A_6 = arith.constant 0 : index
    %get3A_7 = vector.load %arg2[%get3A_5, %get3A_6] : memref<10000x128xf32, #tpu.memory_space<vmem>>, vector<10000x128xf32>
    %add3A_8 = arith.addf %add3A, %get3A_7 : vector<10000x128xf32>
    %swap3A = arith.constant 0 : index
    %swap3A_9 = arith.constant 0 : index
    %swap3A_10 = vector.load %arg3[%swap3A, %swap3A_9] : memref<10000x128xf32, #tpu.memory_space<vmem>>, vector<10000x128xf32>
    tpu.vector_store %arg3[%swap3A, %swap3A_9], %add3A_8 {strides = array<i32>} : memref<10000x128xf32, #tpu.memory_space<vmem>>, vector<10000x128xf32>,
    return
  }
}

</mosaic_0001>

<sc_bundles>
// kernel: kernel.12.cloned.1.call-start
scs
__scs_entry_jumppad:
0x0: {  	(pc) =	sbr.rel $0x88, $3  }
0x1: {  	(tag) =	ssettag $0x0;
	lr =	simm.s32 $0x1  }
0x2: {  	[smem:$0x3F99] =	sst lr;
	_ =	strace $0xD0000000  }
0x3: {  	_ = 	snop  }
0x4: {  	_ = 	snop  }
0x5: {  	_ = 	snop  }
0x6: {  	_ = 	snop  }
0x7: {  	_ = 	snop  }
__scs_overlays_trampoline_lowered:
0x8: {  	[smem:$0x3FA8] =	sst s0  }
0x9: {  	[smem:$0x3FA9] =	sst s1  }
0xa: {  	[smem:$0x3FAA] =	sst s2  }
0xb: {  	[smem:$0x3FAB] =	sst s3  }
0xc: {  	[smem:$0x3FAC] =	sst s4  }
0xd: {  	[smem:$0x3FAD] =	sst s5  }
0xe: {  	[smem:$0x3FAE] =	sst s6  }
0xf: {  	[smem:$0x3FAF] =	sst s7  }
0x10: {  	[smem:$0x3FB0] =	sst s8  }
0x11: {  	[smem:$0x3FB1] =	sst s9;
	s0 =	simm.s32 @!p0 $0x0  }
0x12: {  	s1 =	sld [smem:$0x3F97];
	s0 =	simm.s32 @p0 $0x1  }
0x13: {  	[smem:$0x3FB2] =	sst s0;
	s0 =	simm.s32 @!p1 $0x0  }
0x14: {  	s2 =	sld [smem:$0x3F96];
	s0 =	simm.s32 @p1 $0x1  }
0x15: {  	[smem:$0x3FB3] =	sst s0;
	s0 =	simm.s32 @!p2 $0x0  }
0x16: {  	s3 =	sld [smem:$0x3FDB];
	s0 =	simm.s32 @p2 $0x1  }
0x17: {  	s4 =	simm.s32 $0x1BF5;
	[smem:$0x3FB5] =	sst s0  }
0x18: {  	s0 =	sld [smem:$0x3F98];
	_ =	swait.ge [sflag:s4], $0x0  }
0x19: {  	s7 =	sld [smem:$0x3F99]  }
0x1a: {  	s8 =	sadd.s32 $0xFFFFE003, lr  }
0x1b: {  	s9 =	sadd.s32 $0xFFFFFEF7, lr;
	s5 =	simm.s32 $0xFFFFFFFF;
	p2 =	slt.u32 s8, $0xFFFFF086  }
0x1c: {  	p1 =	slt.u32 s9, $0xF7A;
	s5 =	simm.s32 @!p2 $0x0  }
0x1d: {  	s5 =	simm.s32 @p1 $0x1;
	p0 =	seq.s32 s7, s2  }
0x1e: {  	s7 =	smul.u32 @!p0 $0xF7A, s2;
	p2 =	seq.s32 @!p0 s5, $0x0  }
0x1f: {  	s9 =	smul.u32 $0xF7A, s1;
	s8 =	simm.s32 @!p0 $0x1BF5;
	p2 =	por !p2, p0  }
0x20: {  	[sflag:s8] =	ssyncset.s32 @!p0 $0xFFFFF086;
	s6 =	sadd.s32 @!p0 s3, s7;
	s7 =	simm.s32 @!p0 $0x108  }
0x21: {  	s3 =	sadd.s32 s3, s9;
	s6 =	sadd.s32 @!p0 $0x88, s6;
	s7 =	simm.s32 @p2 $0x1082  }
0x22: {  	[simem:s7], [sflag:s8] =	dma.local @!p0 [hbm:s6], $0xF7A  }
0x23: {  	s9 =	sor.u32 $0xD0000000, s2;
	s6 =	simm.s32 $0x108;
	_ =	swait.ge @!p0 [sflag:s8], $0x0  }
0x24: {  	s3 =	sadd.s32 $0x88, s3;
	s6 =	simm.s32 @!p1 $0x1082;
	[sflag:s4] =	ssyncset.s32 $0xFFFFF086  }
0x25: {  	[simem:s6], [sflag:s4] =	dma.local [hbm:s3], $0xF7A  }
0x26: {  	[smem:$0x3F99] =	sst s1;
	(tag) =	ssettag s2;
	_ =	strace s9  }
0x27: {  	s1 =	sld [smem:$0x3FA9]  }
0x28: {  	s2 =	sld [smem:$0x3FAA]  }
0x29: {  	s4 =	sld [smem:$0x3FAC]  }
0x2a: {  	p0 =	seq.s32 s5, $0x0;
	s5 =	sld [smem:$0x3FAD]  }
0x2b: {  	s6 =	sld [smem:$0x3FAE]  }
0x2c: {  	s7 =	sld [smem:$0x3FAF]  }
0x2d: {  	s3 =	simm.s32 $0x108;
	s8 =	sld [smem:$0x3FB0]  }
0x2e: {  	s3 =	simm.s32 @!p0 $0x1082;
	s9 =	sld [smem:$0x3FB1]  }
0x2f: {  	lr =	sadd.s32 s0, s3;
	s0 =	sld [smem:$0x3FA8]  }
0x30: {  	s3 =	sld [smem:$0x3FAB]  }
0x31: {  	[smem:$0x3FB4] =	sst s10  }
0x32: {  	s10 =	sld [smem:$0x3FB2];
	_ =	sdelay $0x3  }
0x33: {  	p0 =	seq.s32 s10, $0x1;
	s10 =	sld [smem:$0x3FB4];
	_ =	sdelay $0x3  }
0x34: {  	[smem:$0x3FB4] =	sst s10  }
0x35: {  	s10 =	sld [smem:$0x3FB3];
	_ =	sdelay $0x3  }
0x36: {  	p1 =	seq.s32 s10, $0x1;
	s10 =	sld [smem:$0x3FB4];
	_ =	sdelay $0x3  }
0x37: {  	[smem:$0x3FB4] =	sst s10  }
0x38: {  	s10 =	sld [smem:$0x3FB5]  }
0x39: {  	_ = 	snop;
	(pc) =	sbr.ind lr, $3  }
0x3a: {  	_ = 	snop  }
0x3b: {  	_ = 	snop  }
0x3c: {  	p2 =	seq.s32 s10, $0x1;
	s10 =	sld [smem:$0x3FB4]  }
0x3d: {  	_ =	shalt  }
0x3e: {  	_ =	shalt  }
0x3f: {  	_ =	shalt  }
0x40: {  	_ =	shalt  }
0x41: {  	_ =	shalt  }
0x42: {  	_ =	shalt  }
0x43: {  	_ =	shalt  }
0x44: {  	_ =	shalt  }
0x45: {  	_ =	shalt  }
0x46: {  	_ =	shalt  }
0x47: {  	_ =	shalt  }
0x48: {  	_ =	shalt  }
0x49: {  	_ =	shalt  }
0x4a: {  	_ =	shalt  }
0x4b: {  	_ =	shalt  }
0x4c: {  	_ =	shalt  }
0x4d: {  	_ =	shalt  }
0x4e: {  	_ =	shalt  }
0x4f: {  	_ =	shalt  }
0x50: {  	_ =	shalt  }
0x51: {  	_ =	shalt  }
0x52: {  	_ =	shalt  }
0x53: {  	_ =	shalt  }
0x54: {  	_ =	shalt  }
0x55: {  	_ =	shalt  }
0x56: {  	_ =	shalt  }
0x57: {  	_ =	shalt  }
0x58: {  	_ =	shalt  }
0x59: {  	_ =	shalt  }
0x5a: {  	_ =	shalt  }
0x5b: {  	_ =	shalt  }
0x5c: {  	_ =	shalt  }
0x5d: {  	_ =	shalt  }
0x5e: {  	_ =	shalt  }
0x5f: {  	_ =	shalt  }
0x60: {  	_ =	shalt  }
0x61: {  	_ =	shalt  }
0x62: {  	_ =	shalt  }
0x63: {  	_ =	shalt  }
0x64: {  	_ =	shalt  }
0x65: {  	_ =	shalt  }
0x66: {  	_ =	shalt  }
0x67: {  	_ =	shalt  }
0x68: {  	_ =	shalt  }
0x69: {  	_ =	shalt  }
0x6a: {  	_ =	shalt  }
0x6b: {  	_ =	shalt  }
0x6c: {  	_ =	shalt  }
0x6d: {  	_ =	shalt  }
0x6e: {  	_ =	shalt  }
0x6f: {  	_ =	shalt  }
0x70: {  	_ =	shalt  }
0x71: {  	_ =	shalt  }
0x72: {  	_ =	shalt  }
0x73: {  	_ =	shalt  }
0x74: {  	_ =	shalt  }
0x75: {  	_ =	shalt  }
0x76: {  	_ =	shalt  }
0x77: {  	_ =	shalt  }
0x78: {  	_ =	shalt  }
0x79: {  	_ =	shalt  }
0x7a: {  	_ =	shalt  }
0x7b: {  	_ =	shalt  }
0x7c: {  	_ =	shalt  }
0x7d: {  	_ =	shalt  }
0x7e: {  	_ =	shalt  }
0x7f: {  	_ =	shalt  }
0x80: {  	_ =	shalt  }
0x81: {  	_ =	shalt  }
0x82: {  	_ =	shalt  }
0x83: {  	_ =	shalt  }
0x84: {  	_ =	shalt  }
0x85: {  	_ =	shalt  }
0x86: {  	_ =	shalt  }
0x87: {  	_ =	shalt  }
.Lfunc_end0:
.L_simem_size_0:
called_computation.1_lowered:
.L_overlay_start_0:
0x88: {  	s2 =	sld [smem:$0x3FD9]  }
0x89: {  	s3 =	sld [smem:$0x3FFE];
	_ =	sdelay $0x1  }
0x8a: {  	s1 =	srdreg.scid  }
0x8b: {  	s0 =	sand.u32 $0x1, s1  }
0x8c: {  	s17 =	sshll.u32 s0, $0xA;
	s2 =	sadd.s32 s3, s2  }
0x8d: {  	s2 =	sadd.s32 s2, s17  }
0x8e: {  	[smem:$0x3FC0] =	sst s2  }
0x8f: {  	_ = 	snop  }
0x90: {  	s2 =	sld [smem:$0x3FD0];
	(tm) =	ssettm $0x1  }
0x91: {  	s18 =	sld [smem:$0x3FFB];
	_ =	sdelay $0x3  }
0x92: {  	_ =	strace s18  }
0x93: {  	s3 =	sld [smem:$0x3FFC];
	_ =	sdelay $0x3  }
0x94: {  	_ =	strace s3  }
0x95: {  	s3 =	sld [smem:$0x3FFD];
	_ =	sdelay $0x3  }
0x96: {  	_ =	strace s3  }
0x97: {  	_ =	strace $0x8FFFFFFF  }
0x98: {  	s19 =	sld [smem:$0x3FDB];
	_ =	sdelay $0x1  }
0x99: {  	s4 =	simm.s32 $_scs_section_size  }
0x9a: {  	s5 =	simm.s32 $_size__tile_overlayer_lowered;
	s6 =	simm.s32 $_tile_overlayer_lowered  }
0x9b: {  	s22 =	simm.s32 $0x1BFF;
	s21 =	sshll.u32 s6, $0x1;
	s3 =	sadd.s32 s4, s19  }
0x9c: {  	s7 =	simm.s32 $0x0;
	s20 =	sshll.u32 s5, $0x1;
	s5 =	sadd.s32 s21, s3  }
0x9d: {  	[timem:s7], [sflag:s22] =	dma.local [hbm:s5], s20  }
0x9e: {  	_ =	swait.ge [sflag:s22], s20  }
0x9f: {  	s4 =	ssub.s32 $0x0, s20;
	[sflag:s22] =	ssyncset.done $0x0  }
0xa0: {  	[sflag:s22] =	ssyncadd.s32 s4;
	_ =	sdelay $0x1  }
0xa1: {  	s23 =	simm.s32 $0x1B8B  }
0xa2: {  	_ =	swait.ge [sflag:s23], $0x1  }
0xa3: {  	[sflag:s23] =	ssyncset.done $0x0  }
0xa4: {  	s25 =	simm.s32 $0x1B8E;
	s24 =	sld [smem:$0x3FFE];
	[sflag:s23] =	ssyncadd.s32 $0xFFFFFFFF  }
0xa5: {  	s26 =	simm.s32 $execute0_lowered;
	[smem:$0x3FD2] =	sst s25  }
0xa6: {  	s5 =	sshll.u32 s26, $0x1;
	_ =	strace $0x80000049;
	[dreg:$0x1] =	wrdreg $0xFFFFFFFF  }
0xa7: {  	s28 =	simm.s32 $_size_execute0_lowered;
	s3 =	sadd.s32 s3, s5;
	[dreg:$0x0] =	wrdreg $0x0  }
0xa8: {  	s5 =	sshll.u32 s28, $0x1;
	[dreg:$0x2] =	wrdreg s3  }
0xa9: {  	[dreg:$0x3] =	wrdreg s5  }
0xaa: {  	[dreg:$0x4] =	wrdreg $0xC0  }
0xab: {  	_ =	task [dreg:s7], $0x5FFFF  }
0xac: {  	[dreg:$0x1] =	wrdreg $0xFFFFFFFF  }
0xad: {  	[dreg:$0x0] =	wrdreg $0x60  }
0xae: {  	[dreg:$0x2] =	wrdreg s2  }
0xaf: {  	[dreg:$0x3] =	wrdreg s24  }
0xb0: {  	[dreg:$0x4] =	wrdreg $0xB8000  }
0xb1: {  	[dreg:$0x5] =	wrdreg $0x9  }
0xb2: {  	_ =	task.clear_ibuf [dreg:s7], $0x6FFFF;
	_ =	strace $0x90000049  }
0xb3: {  	s29 =	simm.s32 $0x9;
	_ =	strace $0x8000004B  }
0xb4: {  	_ =	swait.ge [sflag:s29], $0x1  }
0xb5: {  	[sflag:s29] =	ssyncadd.s32 $0xFFFFFFFF  }
0xb6: {  	_ =	strace $0x9000004B  }
0xb7: {  	_ =	sfence  }
0xb8: {  	s30 =	sld [smem:$0x0];
	_ =	sdelay $0x2  }
0xb9: {  	s31 =	sshll.u32 s1, $0xD;
	s1 =	sshrl.u32 s1, $0x2  }
0xba: {  	s3 =	sand.u32 $0x4000, s31;
	s1 =	sadd.s32 s1, s30  }
0xbb: {  	s0 =	sor.u32 s3, s0;
	s1 =	sshll.u32 s1, $0x11  }
0xbc: {  	s0 =	sor.u32 s1, s0  }
0xbd: {  	s0 =	sadd.s32 $0x8F2B, s0  }
0xbe: {  	[sflag:s0] =	ssyncadd.remote.s32 $0x1  }
0xbf: {  	_ =	sfence.sel $0xFFFF  }
0xc0: {  	[dreg:$0x0] =	wrdreg $0xFFFFFFFF;
	(pc) =	sbr.abs _section_cstart, $3  }
0xc1: {  	[dreg:$0x1] =	wrdreg $0xFFFFFFFF  }
0xc2: {  	_ =	task.clear_ibuf [dreg:s7], $0x2FFFF;
	_ =	strace $0x9FFFFFFF  }
0xc3: {  	(tm) =	ssettm $0x7FFFFFFF  }
tec
execute0_lowered:
.L_overlay_start_1:
0x0: {  	(tag) =	ssettag $0x1  }
0x1: {  	s1 =	rddreg [dreg:$0x0]  }
0x2: {  	s7 =	rddreg [dreg:$0x1]  }
0x3: {  	s3 =	rddreg [dreg:$0x2];
	s4 =	simm.s32 $0x0  }
0x4: {  	s12 =	simm.s32 $0x380;
	[smem:$0x7FF] =	sst s4  }
0x5: {  	s13 =	simm.s32 $0xE80;
	_ =	strace $0x8000004A;
	[dreg:$0xc] =	wrdreg s12  }
0x6: {  	s15 =	sadd.s32 $0x22C00, s7;
	[dreg:$0xd] =	wrdreg s13  }
0x7: {  	s14 =	simm.s32 $0x480;
	[smem:$0x7E5] =	sst s15  }
0x8: {  	s16 =	simm.s32 $0xF00;
	[dreg:$0xe] =	wrdreg s14  }
0x9: {  	s0 =	srdreg.scid;
	s17 =	simm.s32 $0x500;
	[dreg:$0xf] =	wrdreg s16  }
0xa: {  	s11 =	stileid.u32;
	s18 =	simm.s32 $0xF80;
	[dreg:$0x10] =	wrdreg s17  }
0xb: {  	s28 =	simm.s32 $0x1000;
	[dreg:$0x11] =	wrdreg s18;
	s14 =	simm.s32 $0x700  }
0xc: {  	s0 =	sand.u32 $0x1, s0;
	s16 =	simm.s32 $0x1180;
	[dreg:$0x17] =	wrdreg s14  }
0xd: {  	s5 =	sshll.u32 s11, $0xE;
	s18 =	sadd.s32 $0x138000, s3;
	[dreg:$0x18] =	wrdreg s16  }
0xe: {  	s2 =	sshll.u32 s0, $0x12;
	s17 =	simm.s32 $0x780;
	[smem:$0x7E8] =	sst s18  }
0xf: {  	s12 =	sadd.s32 $0x25400, s7;
	s13 =	sadd.s32 $0x4C600, s7;
	[dreg:$0x19] =	wrdreg s17  }
0x10: {  	s6 =	sor.u32 s5, s2;
	s2 =	sadd.s32 $0x2C00, s7;
	[smem:$0x7EF] =	sst s12  }
0x11: {  	[smem:$0x7F2] =	sst s13;
	s17 =	simm.s32 $0x1500;
	s5 =	sor.u32 $0x1000, s6  }
0x12: {  	s10 =	sor.u32 $0xC00, s6;
	s22 =	sor.u32 $0x800, s6;
	[smem:$0x7F6] =	sst s17  }
0x13: {  	s8 =	sshrl.u32 s5, $0x3;
	s20 =	sshrl.u32 s10, $0x3;
	s10 =	simm.s32 $0x300  }
0x14: {  	s24 =	sshrl.u32 s22, $0x3;
	s22 =	simm.s32 $0x600;
	[dreg:$0xb] =	wrdreg s10  }
0x15: {  	s5 =	sadd.s32 $0x12C00, s7;
	s9 =	sadd.s32 s8, s2;
	[dreg:$0x13] =	wrdreg s22  }
0x16: {  	s30 =	simm.s32 $0x100;
	s8 =	sadd.s32 s8, s5;
	[dreg:$0x4] =	wrdreg s9  }
0x17: {  	s29 =	simm.s32 $0x6800;
	s21 =	sadd.s32 s20, s2;
	[dreg:$0x5] =	wrdreg s8  }
0x18: {  	s31 =	simm.s32 $0x9000;
	s23 =	sadd.s32 s20, s5;
	[dreg:$0x6] =	wrdreg s21  }
0x19: {  	p1 =	sne.s32 s11, $0xF;
	s25 =	sadd.s32 s24, s2;
	[dreg:$0x7] =	wrdreg s23  }
0x1a: {  	p2 =	seq.s32 s11, $0xF;
	s26 =	sadd.s32 s24, s5;
	[dreg:$0x8] =	wrdreg s25  }
0x1b: {  	s19 =	ssub.s32 $0x2, s0;
	s20 =	simm.s32 $0x580;
	[dreg:$0x9] =	wrdreg s26  }
0x1c: {  	s15 =	sshll.u32 s11, $0x6;
	s24 =	simm.s32 $0x1080;
	[dreg:$0x12] =	wrdreg s20  }
0x1d: {  	p0 =	seq.s32 s0, $0x1;
	s10 =	simm.s32 $0x1100;
	[dreg:$0x14] =	wrdreg s24  }
0x1e: {  	s0 =	simm.s32 $0x800;
	s22 =	simm.s32 $0x880;
	[dreg:$0x16] =	wrdreg s10  }
0x1f: {  	s6 =	sshrl.u32 s6, $0x3;
	s9 =	simm.s32 $0x280;
	[dreg:$0x1c] =	wrdreg s22  }
0x20: {  	s17 =	simm.s32 $0xE00;
	s25 =	simm.s32 $0x680;
	[dreg:$0xa] =	wrdreg s9  }
0x21: {  	s7 =	smul.u32 $0x2700, s11;
	s20 =	simm.s32 $0x1280;
	[dreg:$0x15] =	wrdreg s25  }
0x22: {  	s21 =	sshrl.u32 s19, $0x1;
	s24 =	simm.s32 $0x1300;
	[dreg:$0x1b] =	wrdreg s20  }
0x23: {  	s23 =	smul.u32 $0x4E000, s11;
	s14 =	sadd.s32 s12, s7;
	[dreg:$0x1d] =	wrdreg s24  }
0x24: {  	s10 =	simm.s32 $0x1480;
	s16 =	sadd.s32 s13, s7;
	[smem:$0x7F0] =	sst s14  }
0x25: {  	s22 =	simm.s32 $0x1600;
	s7 =	simm.s32 $0x5;
	[smem:$0x7F1] =	sst s10  }
0x26: {  	s11 =	simm.s32 $0x6;
	s12 =	simm.s32 $0xD00;
	[smem:$0x7F3] =	sst s16  }
0x27: {  	s8 =	ssub.s32 s19, s21;
	s19 =	simm.s32 $0x1200;
	[smem:$0x7FA] =	sst s22  }
0x28: {  	s13 =	simm.s32 $0x7;
	s21 =	sadd.s32 s5, s6;
	[dreg:$0x1a] =	wrdreg s19  }
0x29: {  	s25 =	simm.s32 $0x900;
	s20 =	simm.s32 $0x1580;
	[smem:$0x7E9] =	sst s21  }
0x2a: {  	s24 =	simm.s32 $0x1700;
	s22 =	simm.s32 $0x1;
	[dreg:$0x1e] =	wrdreg s25  }
0x2b: {  	s16 =	simm.s32 $0x4;
	s14 =	simm.s32 $0xD80;
	[smem:$0x7F8] =	sst s20  }
0x2c: {  	s26 =	sshrl.u32 s23, $0x2;
	s23 =	sadd.s32 s2, s6;
	[smem:$0x7FC] =	sst s24  }
0x2d: {  	s10 =	simm.s32 $0x3;
	s18 =	smax.u32 s8, $0x1;
	[smem:$0x7EA] =	sst s23  }
0x2e: {  	s6 =	sor.u32 $0x80, s6;
	s19 =	simm.s32 $0xB00;
	[smem:$0x7F5] =	sst s18  }
0x2f: {  	s21 =	simm.s32 $0xB80;
	s25 =	simm.s32 $0x400;
	[smem:$0x7F7] =	sst s19  }
0x30: {  	s24 =	simm.s32 $0x1800;
	s9 =	sadd.s32 s26, s3;
	[smem:$0x7F9] =	sst s21  }
0x31: {  	s8 =	simm.s32 $0xC80;
	s5 =	sadd.s32 s5, s6;
	[smem:$0x7E6] =	sst s9  }
0x32: {  	s20 =	simm.s32 $0x0;
	s2 =	sadd.s32 s2, s6;
	[smem:$0x7EB] =	sst s5  }
0x33: {  	s26 =	simm.s32 $0x1380;
	s6 =	simm.s32 $0x980;
	[smem:$0x7EC] =	sst s2  }
0x34: {  	s18 =	simm.s32 $0x8;
	s19 =	simm.s32 $0xC00;
	[dreg:$0x1f] =	wrdreg s26  }
0x35: {  	s23 =	simm.s32 $0x1680;
	s21 =	simm.s32 $0x80;
	[smem:$0x7ED] =	sst s6  }
.Ltmp0:
0x36: {  	s9 =	sor.u32 $0x1C08, s15;
	[smem:$0x7FB] =	sst s23;
	(pc) =	sbr.rel .LBB2_1-.Ltmp0, $4  }
0x37: {  	s15 =	simm.s32 $0xA80;
	s26 =	simm.s32 $0x1780;
	[smem:$0x7E7] =	sst s9  }
0x38: {  	s23 =	simm.s32 $0x50;
	s2 =	simm.s32 $0x2;
	[smem:$0x7F4] =	sst s15  }
0x39: {  	s6 =	simm.s32 $0x200;
	s9 =	simm.s32 $0xA00;
	[smem:$0x7FD] =	sst s26  }
0x3a: {  	s26 =	simm.s32 $0x4000;
	s15 =	simm.s32 $0x1400;
	[smem:$0x7EE] =	sst s9  }
.LBB2_6:
0x3b: {  	s5 =	sadd.s32 $0x27000, s5;
	s9 =	sld [smem:$0x7E8]  }
0x3c: {  	[smem:$0x7E0] =	sst s5  }
0x3d: {  	s5 =	sld [smem:$0x7E7]  }
0x3e: {  	s20 =	sld [smem:$0x7E0];
	_ =	sdelay $0x1  }
0x3f: {  	s9 =	sshrl.u32 s9, $0x3  }
0x40: {  	[hbm:s20], [sflag:s5] =	dma.local [spmem:s9], $0x100  }
0x41: {  	s20 =	sld [smem:$0x7E1];
	_ =	swait.ge [sflag:s18], $0x100  }
0x42: {  	[sflag:s18] =	ssyncset.done $0x0  }
0x43: {  	[sflag:s18] =	ssyncadd.s32 $0xFFFFFF00  }
.LBB2_7:
0x44: {  	s5 =	sld [smem:$0x7F5];
	_ =	sdelay $0x1  }
0x45: {  	s20 =	sadd.s32 $0x1, s20  }
0x46: {  	p3 =	sne.s32 s20, s5  }
.Ltmp1:
0x47: {  	_ = 	snop;
	(pc) =	sbr.rel @!p3 .LBB2_8-.Ltmp1, $1  }
0x48: {  	_ =	sdelay $0x3  }
.LBB2_1:
0x49: {  	[smem:$0x7E1] =	sst s20  }
0x4a: {  	s5 =	sld [smem:$0x7E6]  }
0x4b: {  	s9 =	sld [smem:$0x7E5]  }
0x4c: {  	s20 =	sld [smem:$0x7E7]  }
0x4d: {  	s5 =	sshrl.u32 s5, $0x3  }
0x4e: {  	[smem:$0x7E2] =	sst s5  }
0x4f: {  	[spmem:s5], [sflag:s20] =	dma.local [hbm:s9], $0x2700  }
0x50: {  	_ =	swait.ge [sflag:s18], $0x2700  }
0x51: {  	s5 =	sld [smem:$0x7E8];
	_ =	sdelay $0x1  }
0x52: {  	[sflag:s18] =	ssyncset.done $0x0  }
0x53: {  	[sflag:s18] =	ssyncadd.s32 $0xFFFFD900;
	s5 =	sshrl.u32 @!p1 s5, $0x3  }
0x54: {  	[spmem:s5], [sflag:s20] =	dma.local @!p1 [hbm:s9], $0x100  }
0x55: {  	s5 =	simm.s32 @!p1 $0x8  }
0x56: {  	_ =	swait.ge @!p1 [sflag:s5], $0x100  }
0x57: {  	[sflag:s5] =	ssyncset.done @!p1 $0x0  }
0x58: {  	[sflag:s5] =	ssyncadd.s32 @!p1 $0xFFFFFF00  }
0x59: {  	[bflag:$0x0] =	sbarrier.arrive $0xFFFF  }
0x5a: {  	s9 =	sld [smem:$0x7E9];
	_ =	sdelay $0x1  }
0x5b: {  	s20 =	sld [smem:$0x7EA]  }
0x5c: {  	[tilespmem:s4], [sflag:$0x1] =	stream.linear.gather [hbm4b:s9+s4], $0x400, $0x38;
	[tilespmem:$0x1F080] =	vst v63  }
0x5d: {  	s9 =	sld [smem:$0x7EB]  }
0x5e: {  	[tilespmem:s19], [sflag:$0x1] =	stream.linear.gather [hbm4b:s20+s4], $0x400, $0x38;
	[tilespmem:$0x1F080] =	vst v63  }
0x5f: {  	s20 =	sld [smem:$0x7EC]  }
0x60: {  	[tilespmem:s25], [sflag:$0x2] =	stream.linear.gather [hbm4b:s9+s4], $0x400, $0x38;
	[tilespmem:$0x1F080] =	vst v63  }
0x61: {  	_ = 	snop  }
0x62: {  	[tilespmem:s28], [sflag:$0x2] =	stream.linear.gather [hbm4b:s20+s4], $0x400, $0x38;
	[tilespmem:$0x1F080] =	vst v63  }
0x63: {  	_ =	swait.ge [sflag:s22], $0x400  }
0x64: {  	[sflag:s22] =	ssyncset.done $0x0  }
0x65: {  	[sflag:s22] =	ssyncadd.s32 $0xFFFFFC00  }
0x66: {  	_ =	swait.ge [sflag:s22], $0x400  }
0x67: {  	[sflag:s22] =	ssyncset.done $0x0  }
0x68: {  	[sflag:s22] =	ssyncadd.s32 $0xFFFFFC00  }
0x69: {  	[tilespmem:s24], [sflag:$0x4] =	stream.indirect.gather [hbm4b:s1+s23], $0x80, s4, s23, $0xb8;
	[tilespmem:$0x1F080] =	vst v63  }
0x6a: {  	_ = 	snop  }
0x6b: {  	[tilespmem:s26], [sflag:$0x5] =	stream.indirect.gather [hbm4b:s1+s23], $0x80, s21, s23, $0xb8;
	[tilespmem:$0x1F080] =	vst v63  }
0x6c: {  	_ = 	snop  }
0x6d: {  	[tilespmem:s29], [sflag:$0x6] =	stream.indirect.gather [hbm4b:s1+s23], $0x80, s30, s23, $0xb8;
	[tilespmem:$0x1F080] =	vst v63  }
0x6e: {  	s20 =	simm.s32 $0x180  }
0x6f: {  	[tilespmem:s31], [sflag:$0x7] =	stream.indirect.gather [hbm4b:s1+s23], $0x80, s20, s23, $0xb8;
	[tilespmem:$0x1F080] =	vst v63  }
0x70: {  	_ =	swait.ge [sflag:s2], $0x400  }
0x71: {  	[sflag:s2] =	ssyncset.done $0x0  }
0x72: {  	[sflag:s2] =	ssyncadd.s32 $0xFFFFFC00  }
0x73: {  	_ =	swait.ge [sflag:s2], $0x400  }
0x74: {  	s5 =	rddreg [dreg:$0x9];
	[sflag:s2] =	ssyncset.done $0x0  }
0x75: {  	s9 =	rddreg [dreg:$0x8];
	[sflag:s2] =	ssyncadd.s32 $0xFFFFFC00;
	s5 =	sadd.s32 $0x0, s5  }
0x76: {  	[tilespmem:s0], [sflag:$0x3] =	stream.linear.gather [hbm4b:s5+s4], $0x400, $0x38;
	[tilespmem:$0x1F080] =	vst v63  }
0x77: {  	s9 =	sadd.s32 $0x0, s9  }
0x78: {  	[tilespmem:s15], [sflag:$0x3] =	stream.linear.gather [hbm4b:s9+s4], $0x400, $0x38;
	[tilespmem:$0x1F080] =	vst v63  }
0x79: {  	_ =	swait.ge [sflag:s16], $0x2800  }
0x7a: {  	[sflag:s16] =	ssyncset.done $0x0  }
0x7b: {  	[sflag:s16] =	ssyncadd.s32 $0xFFFFD800  }
0x7c: {  	[spmem:s3] =	stream.indirect.scatter.add.f32 [tilespmem:s24], [sflag:$0x8], $0x80, s19, s23, $0xb8;
	[tilespmem:$0x1F080] =	vst v63  }
0x7d: {  	_ =	swait.ge [sflag:s18], $0x2800  }
0x7e: {  	[sflag:s18] =	ssyncset.done $0x0  }
0x7f: {  	[sflag:s18] =	ssyncadd.s32 $0xFFFFD800  }
0x80: {  	[tilespmem:s24], [sflag:$0x4] =	stream.indirect.gather [hbm4b:s1+s23], $0x80, s6, s23, $0xb8;
	[tilespmem:$0x1F080] =	vst v63  }
0x81: {  	_ =	swait.ge [sflag:s7], $0x2800  }
0x82: {  	[sflag:s7] =	ssyncset.done $0x0  }
0x83: {  	[sflag:s7] =	ssyncadd.s32 $0xFFFFD800  }
0x84: {  	[spmem:s3] =	stream.indirect.scatter.add.f32 [tilespmem:s26], [sflag:$0x8], $0x80, s8, s23, $0xb8;
	[tilespmem:$0x1F080] =	vst v63  }
0x85: {  	_ =	swait.ge [sflag:s18], $0x2800  }
0x86: {  	[sflag:s18] =	ssyncset.done $0x0  }
0x87: {  	s9 =	rddreg [dreg:$0xa];
	[sflag:s18] =	ssyncadd.s32 $0xFFFFD800  }
0x88: {  	[tilespmem:s26], [sflag:$0x5] =	stream.indirect.gather [hbm4b:s1+s23], $0x80, s9, s23, $0xb8;
	[tilespmem:$0x1F080] =	vst v63  }
0x89: {  	_ =	swait.ge [sflag:s11], $0x2800  }
0x8a: {  	[sflag:s11] =	ssyncset.done $0x0  }
0x8b: {  	[sflag:s11] =	ssyncadd.s32 $0xFFFFD800  }
0x8c: {  	[spmem:s3] =	stream.indirect.scatter.add.f32 [tilespmem:s29], [sflag:$0x8], $0x80, s12, s23, $0xb8;
	[tilespmem:$0x1F080] =	vst v63  }
0x8d: {  	_ =	swait.ge [sflag:s18], $0x2800  }
0x8e: {  	[sflag:s18] =	ssyncset.done $0x0  }
0x8f: {  	s6 =	rddreg [dreg:$0xb];
	[sflag:s18] =	ssyncadd.s32 $0xFFFFD800  }
0x90: {  	[tilespmem:s29], [sflag:$0x6] =	stream.indirect.gather [hbm4b:s1+s23], $0x80, s6, s23, $0xb8;
	[tilespmem:$0x1F080] =	vst v63  }
0x91: {  	_ =	swait.ge [sflag:s13], $0x2800  }
0x92: {  	[sflag:s13] =	ssyncset.done $0x0  }
0x93: {  	[sflag:s13] =	ssyncadd.s32 $0xFFFFD800  }
0x94: {  	[spmem:s3] =	stream.indirect.scatter.add.f32 [tilespmem:s31], [sflag:$0x8], $0x80, s14, s23, $0xb8;
	[tilespmem:$0x1F080] =	vst v63  }
0x95: {  	_ =	swait.ge [sflag:s18], $0x2800  }
0x96: {  	[sflag:s18] =	ssyncset.done $0x0  }
0x97: {  	s8 =	rddreg [dreg:$0xc];
	[sflag:s18] =	ssyncadd.s32 $0xFFFFD800  }
0x98: {  	[tilespmem:s31], [sflag:$0x7] =	stream.indirect.gather [hbm4b:s1+s23], $0x80, s8, s23, $0xb8;
	[tilespmem:$0x1F080] =	vst v63  }
0x99: {  	_ =	swait.ge [sflag:s16], $0x2800  }
0x9a: {  	[sflag:s16] =	ssyncset.done $0x0  }
0x9b: {  	[sflag:s16] =	ssyncadd.s32 $0xFFFFD800  }
0x9c: {  	[spmem:s3] =	stream.indirect.scatter.add.f32 [tilespmem:s24], [sflag:$0x8], $0x80, s17, s23, $0xb8;
	[tilespmem:$0x1F080] =	vst v63  }
0x9d: {  	_ =	swait.ge [sflag:s18], $0x2800  }
0x9e: {  	[sflag:s18] =	ssyncset.done $0x0  }
0x9f: {  	[sflag:s18] =	ssyncadd.s32 $0xFFFFD800  }
0xa0: {  	[tilespmem:s24], [sflag:$0x4] =	stream.indirect.gather [hbm4b:s1+s23], $0x80, s25, s23, $0xb8;
	[tilespmem:$0x1F080] =	vst v63  }
0xa1: {  	_ =	swait.ge [sflag:s7], $0x2800  }
0xa2: {  	[sflag:s7] =	ssyncset.done $0x0  }
0xa3: {  	s9 =	rddreg [dreg:$0xd];
	[sflag:s7] =	ssyncadd.s32 $0xFFFFD800  }
0xa4: {  	[spmem:s3] =	stream.indirect.scatter.add.f32 [tilespmem:s26], [sflag:$0x8], $0x80, s9, s23, $0xb8;
	[tilespmem:$0x1F080] =	vst v63  }
0xa5: {  	_ =	swait.ge [sflag:s18], $0x2800  }
0xa6: {  	[sflag:s18] =	ssyncset.done $0x0  }
0xa7: {  	s6 =	rddreg [dreg:$0xe];
	[sflag:s18] =	ssyncadd.s32 $0xFFFFD800  }
0xa8: {  	[tilespmem:s26], [sflag:$0x5] =	stream.indirect.gather [hbm4b:s1+s23], $0x80, s6, s23, $0xb8;
	[tilespmem:$0x1F080] =	vst v63  }
0xa9: {  	_ =	swait.ge [sflag:s11], $0x2800  }
0xaa: {  	[sflag:s11] =	ssyncset.done $0x0  }
0xab: {  	s8 =	rddreg [dreg:$0xf];
	[sflag:s11] =	ssyncadd.s32 $0xFFFFD800  }
0xac: {  	[spmem:s3] =	stream.indirect.scatter.add.f32 [tilespmem:s29], [sflag:$0x8], $0x80, s8, s23, $0xb8;
	[tilespmem:$0x1F080] =	vst v63  }
0xad: {  	_ =	swait.ge [sflag:s18], $0x2800  }
0xae: {  	[sflag:s18] =	ssyncset.done $0x0  }
0xaf: {  	s9 =	rddreg [dreg:$0x10];
	[sflag:s18] =	ssyncadd.s32 $0xFFFFD800  }
0xb0: {  	[tilespmem:s29], [sflag:$0x6] =	stream.indirect.gather [hbm4b:s1+s23], $0x80, s9, s23, $0xb8;
	[tilespmem:$0x1F080] =	vst v63  }
0xb1: {  	_ =	swait.ge [sflag:s13], $0x2800  }
0xb2: {  	[sflag:s13] =	ssyncset.done $0x0  }
0xb3: {  	s6 =	rddreg [dreg:$0x11];
	[sflag:s13] =	ssyncadd.s32 $0xFFFFD800  }
0xb4: {  	[spmem:s3] =	stream.indirect.scatter.add.f32 [tilespmem:s31], [sflag:$0x8], $0x80, s6, s23, $0xb8;
	[tilespmem:$0x1F080] =	vst v63  }
0xb5: {  	_ =	swait.ge [sflag:s18], $0x2800  }
0xb6: {  	[sflag:s18] =	ssyncset.done $0x0  }
0xb7: {  	s8 =	rddreg [dreg:$0x12];
	[sflag:s18] =	ssyncadd.s32 $0xFFFFD800  }
0xb8: {  	[tilespmem:s31], [sflag:$0x7] =	stream.indirect.gather [hbm4b:s1+s23], $0x80, s8, s23, $0xb8;
	[tilespmem:$0x1F080] =	vst v63  }
0xb9: {  	_ =	swait.ge [sflag:s10], $0x400  }
0xba: {  	[sflag:s10] =	ssyncset.done $0x0  }
0xbb: {  	[sflag:s10] =	ssyncadd.s32 $0xFFFFFC00  }
0xbc: {  	_ =	swait.ge [sflag:s10], $0x400  }
0xbd: {  	s9 =	rddreg [dreg:$0x7];
	[sflag:s10] =	ssyncset.done $0x0  }
0xbe: {  	s6 =	rddreg [dreg:$0x6];
	[sflag:s10] =	ssyncadd.s32 $0xFFFFFC00;
	s5 =	sadd.s32 $0x0, s9  }
0xbf: {  	[tilespmem:s4], [sflag:$0x1] =	stream.linear.gather [hbm4b:s5+s4], $0x400, $0x38;
	[tilespmem:$0x1F080] =	vst v63  }
0xc0: {  	s8 =	sadd.s32 $0x0, s6  }
0xc1: {  	[tilespmem:s19], [sflag:$0x1] =	stream.linear.gather [hbm4b:s8+s4], $0x400, $0x38;
	[tilespmem:$0x1F080] =	vst v63  }
0xc2: {  	_ =	swait.ge [sflag:s16], $0x2800  }
0xc3: {  	[sflag:s16] =	ssyncset.done $0x0  }
0xc4: {  	[sflag:s16] =	ssyncadd.s32 $0xFFFFD800  }
0xc5: {  	[spmem:s3] =	stream.indirect.scatter.add.f32 [tilespmem:s24], [sflag:$0x8], $0x80, s28, s23, $0xb8;
	[tilespmem:$0x1F080] =	vst v63  }
0xc6: {  	_ =	swait.ge [sflag:s18], $0x2800  }
0xc7: {  	[sflag:s18] =	ssyncset.done $0x0  }
0xc8: {  	s9 =	rddreg [dreg:$0x13];
	[sflag:s18] =	ssyncadd.s32 $0xFFFFD800  }
0xc9: {  	[tilespmem:s24], [sflag:$0x4] =	stream.indirect.gather [hbm4b:s1+s23], $0x80, s9, s23, $0xb8;
	[tilespmem:$0x1F080] =	vst v63  }
0xca: {  	_ =	swait.ge [sflag:s7], $0x2800  }
0xcb: {  	[sflag:s7] =	ssyncset.done $0x0  }
0xcc: {  	s6 =	rddreg [dreg:$0x14];
	[sflag:s7] =	ssyncadd.s32 $0xFFFFD800  }
0xcd: {  	[spmem:s3] =	stream.indirect.scatter.add.f32 [tilespmem:s26], [sflag:$0x8], $0x80, s6, s23, $0xb8;
	[tilespmem:$0x1F080] =	vst v63  }
0xce: {  	_ =	swait.ge [sflag:s18], $0x2800  }
0xcf: {  	[sflag:s18] =	ssyncset.done $0x0  }
0xd0: {  	s8 =	rddreg [dreg:$0x15];
	[sflag:s18] =	ssyncadd.s32 $0xFFFFD800  }
0xd1: {  	[tilespmem:s26], [sflag:$0x5] =	stream.indirect.gather [hbm4b:s1+s23], $0x80, s8, s23, $0xb8;
	[tilespmem:$0x1F080] =	vst v63  }
0xd2: {  	_ =	swait.ge [sflag:s11], $0x2800  }
0xd3: {  	[sflag:s11] =	ssyncset.done $0x0  }
0xd4: {  	s9 =	rddreg [dreg:$0x16];
	[sflag:s11] =	ssyncadd.s32 $0xFFFFD800  }
0xd5: {  	[spmem:s3] =	stream.indirect.scatter.add.f32 [tilespmem:s29], [sflag:$0x8], $0x80, s9, s23, $0xb8;
	[tilespmem:$0x1F080] =	vst v63  }
0xd6: {  	_ =	swait.ge [sflag:s18], $0x2800  }
0xd7: {  	[sflag:s18] =	ssyncset.done $0x0  }
0xd8: {  	s6 =	rddreg [dreg:$0x17];
	[sflag:s18] =	ssyncadd.s32 $0xFFFFD800  }
0xd9: {  	[tilespmem:s29], [sflag:$0x6] =	stream.indirect.gather [hbm4b:s1+s23], $0x80, s6, s23, $0xb8;
	[tilespmem:$0x1F080] =	vst v63  }
0xda: {  	_ =	swait.ge [sflag:s13], $0x2800  }
0xdb: {  	[sflag:s13] =	ssyncset.done $0x0  }
0xdc: {  	s8 =	rddreg [dreg:$0x18];
	[sflag:s13] =	ssyncadd.s32 $0xFFFFD800  }
0xdd: {  	[spmem:s3] =	stream.indirect.scatter.add.f32 [tilespmem:s31], [sflag:$0x8], $0x80, s8, s23, $0xb8;
	[tilespmem:$0x1F080] =	vst v63  }
0xde: {  	_ =	swait.ge [sflag:s18], $0x2800  }
0xdf: {  	[sflag:s18] =	ssyncset.done $0x0  }
0xe0: {  	s9 =	rddreg [dreg:$0x19];
	[sflag:s18] =	ssyncadd.s32 $0xFFFFD800  }
0xe1: {  	[tilespmem:s31], [sflag:$0x7] =	stream.indirect.gather [hbm4b:s1+s23], $0x80, s9, s23, $0xb8;
	[tilespmem:$0x1F080] =	vst v63  }
0xe2: {  	_ =	swait.ge [sflag:s16], $0x2800  }
0xe3: {  	[sflag:s16] =	ssyncset.done $0x0  }
0xe4: {  	s6 =	rddreg [dreg:$0x1a];
	[sflag:s16] =	ssyncadd.s32 $0xFFFFD800  }
0xe5: {  	[spmem:s3] =	stream.indirect.scatter.add.f32 [tilespmem:s24], [sflag:$0x8], $0x80, s6, s23, $0xb8;
	[tilespmem:$0x1F080] =	vst v63  }
0xe6: {  	_ =	swait.ge [sflag:s18], $0x2800  }
0xe7: {  	[sflag:s18] =	ssyncset.done $0x0  }
0xe8: {  	[sflag:s18] =	ssyncadd.s32 $0xFFFFD800  }
0xe9: {  	[tilespmem:s24], [sflag:$0x4] =	stream.indirect.gather [hbm4b:s1+s23], $0x80, s0, s23, $0xb8;
	[tilespmem:$0x1F080] =	vst v63  }
0xea: {  	_ =	swait.ge [sflag:s7], $0x2800  }
0xeb: {  	[sflag:s7] =	ssyncset.done $0x0  }
0xec: {  	s8 =	rddreg [dreg:$0x1b];
	[sflag:s7] =	ssyncadd.s32 $0xFFFFD800  }
0xed: {  	[spmem:s3] =	stream.indirect.scatter.add.f32 [tilespmem:s26], [sflag:$0x8], $0x80, s8, s23, $0xb8;
	[tilespmem:$0x1F080] =	vst v63  }
0xee: {  	_ =	swait.ge [sflag:s18], $0x2800  }
0xef: {  	[sflag:s18] =	ssyncset.done $0x0  }
0xf0: {  	s9 =	rddreg [dreg:$0x1c];
	[sflag:s18] =	ssyncadd.s32 $0xFFFFD800  }
0xf1: {  	[tilespmem:s26], [sflag:$0x5] =	stream.indirect.gather [hbm4b:s1+s23], $0x80, s9, s23, $0xb8;
	[tilespmem:$0x1F080] =	vst v63  }
0xf2: {  	_ =	swait.ge [sflag:s11], $0x2800  }
0xf3: {  	[sflag:s11] =	ssyncset.done $0x0  }
0xf4: {  	s6 =	rddreg [dreg:$0x1d];
	[sflag:s11] =	ssyncadd.s32 $0xFFFFD800  }
0xf5: {  	[spmem:s3] =	stream.indirect.scatter.add.f32 [tilespmem:s29], [sflag:$0x8], $0x80, s6, s23, $0xb8;
	[tilespmem:$0x1F080] =	vst v63  }
0xf6: {  	_ =	swait.ge [sflag:s18], $0x2800  }
0xf7: {  	[sflag:s18] =	ssyncset.done $0x0  }
0xf8: {  	s8 =	rddreg [dreg:$0x1e];
	[sflag:s18] =	ssyncadd.s32 $0xFFFFD800  }
0xf9: {  	[tilespmem:s29], [sflag:$0x6] =	stream.indirect.gather [hbm4b:s1+s23], $0x80, s8, s23, $0xb8;
	[tilespmem:$0x1F080] =	vst v63  }
0xfa: {  	_ =	swait.ge [sflag:s13], $0x2800  }
0xfb: {  	[sflag:s13] =	ssyncset.done $0x0  }
0xfc: {  	s9 =	rddreg [dreg:$0x1f];
	[sflag:s13] =	ssyncadd.s32 $0xFFFFD800  }
0xfd: {  	[spmem:s3] =	stream.indirect.scatter.add.f32 [tilespmem:s31], [sflag:$0x8], $0x80, s9, s23, $0xb8;
	[tilespmem:$0x1F080] =	vst v63  }
0xfe: {  	_ =	swait.ge [sflag:s18], $0x2800  }
0xff: {  	s6 =	sld [smem:$0x7ED]  }
0x100: {  	[sflag:s18] =	ssyncset.done $0x0  }
0x101: {  	[sflag:s18] =	ssyncadd.s32 $0xFFFFD800  }
0x102: {  	[tilespmem:s31], [sflag:$0x7] =	stream.indirect.gather [hbm4b:s1+s23], $0x80, s6, s23, $0xb8;
	[tilespmem:$0x1F080] =	vst v63  }
0x103: {  	_ =	swait.ge [sflag:s22], $0x400  }
0x104: {  	[sflag:s22] =	ssyncset.done $0x0  }
0x105: {  	[sflag:s22] =	ssyncadd.s32 $0xFFFFFC00  }
0x106: {  	_ =	swait.ge [sflag:s22], $0x400  }
0x107: {  	p3 =	por $0x0, $0x0;
	s5 =	rddreg [dreg:$0x5]  }
0x108: {  	s5 =	sadd.s32 @!p3 $0x0, s5  }
0x109: {  	[smem:$0x7E3] =	sst s5  }
0x10a: {  	s6 =	sld [smem:$0x7E3]  }
0x10b: {  	s9 =	simm.s32 @!p3 $0x400;
	[sflag:s22] =	ssyncset.done $0x0;
	s8 =	rddreg [dreg:$0x4]  }
0x10c: {  	[smem:$0x7E4] =	sst s8;
	[sflag:s22] =	ssyncadd.s32 $0xFFFFFC00;
	s5 =	simm.s32 @!p3 $0x0  }
0x10d: {  	[tilespmem:s9], [sflag:$0x2] =	stream.linear.gather @!p3 [hbm4b:s6+s5], $0x400, $0x38;
	[tilespmem:$0x1F080] =	vst v63  }
0x10e: {  	s9 =	sld [smem:$0x7E4];
	_ =	sdelay $0x2  }
0x10f: {  	s8 =	simm.s32 @!p3 $0x1000;
	s5 =	simm.s32 @!p3 $0x0;
	s9 =	sadd.s32 @!p3 $0x0, s9  }
0x110: {  	[tilespmem:s8], [sflag:$0x2] =	stream.linear.gather @!p3 [hbm4b:s9+s5], $0x400, $0x38;
	[tilespmem:$0x1F080] =	vst v63  }
0x111: {  	_ =	swait.ge [sflag:s16], $0x2800  }
0x112: {  	[sflag:s16] =	ssyncset.done $0x0  }
0x113: {  	[sflag:s16] =	ssyncadd.s32 $0xFFFFD800  }
0x114: {  	[spmem:s3] =	stream.indirect.scatter.add.f32 [tilespmem:s24], [sflag:$0x8], $0x80, s15, s23, $0xb8;
	[tilespmem:$0x1F080] =	vst v63  }
0x115: {  	_ =	swait.ge [sflag:s18], $0x2800  }
0x116: {  	s9 =	sld [smem:$0x7EE]  }
0x117: {  	[sflag:s18] =	ssyncset.done $0x0  }
0x118: {  	[sflag:s18] =	ssyncadd.s32 $0xFFFFD800  }
0x119: {  	[tilespmem:s24], [sflag:$0x4] =	stream.indirect.gather [hbm4b:s1+s23], $0x80, s9, s23, $0xb8;
	[tilespmem:$0x1F080] =	vst v63  }
0x11a: {  	_ =	swait.ge [sflag:s7], $0x2800  }
0x11b: {  	s9 =	sld [smem:$0x7F1]  }
0x11c: {  	[sflag:s7] =	ssyncset.done $0x0  }
0x11d: {  	[sflag:s7] =	ssyncadd.s32 $0xFFFFD800  }
0x11e: {  	[spmem:s3] =	stream.indirect.scatter.add.f32 [tilespmem:s26], [sflag:$0x8], $0x80, s9, s23, $0xb8;
	[tilespmem:$0x1F080] =	vst v63  }
0x11f: {  	_ =	swait.ge [sflag:s18], $0x2800  }
0x120: {  	s9 =	sld [smem:$0x7F4]  }
0x121: {  	[sflag:s18] =	ssyncset.done $0x0  }
0x122: {  	[sflag:s18] =	ssyncadd.s32 $0xFFFFD800  }
0x123: {  	[tilespmem:s26], [sflag:$0x5] =	stream.indirect.gather [hbm4b:s1+s23], $0x80, s9, s23, $0xb8;
	[tilespmem:$0x1F080] =	vst v63  }
0x124: {  	_ =	swait.ge [sflag:s11], $0x2800  }
0x125: {  	s9 =	sld [smem:$0x7F6]  }
0x126: {  	[sflag:s11] =	ssyncset.done $0x0  }
0x127: {  	[sflag:s11] =	ssyncadd.s32 $0xFFFFD800  }
0x128: {  	[spmem:s3] =	stream.indirect.scatter.add.f32 [tilespmem:s29], [sflag:$0x8], $0x80, s9, s23, $0xb8;
	[tilespmem:$0x1F080] =	vst v63  }
0x129: {  	_ =	swait.ge [sflag:s18], $0x2800  }
0x12a: {  	s9 =	sld [smem:$0x7F7]  }
0x12b: {  	[sflag:s18] =	ssyncset.done $0x0  }
0x12c: {  	[sflag:s18] =	ssyncadd.s32 $0xFFFFD800  }
0x12d: {  	[tilespmem:s29], [sflag:$0x6] =	stream.indirect.gather [hbm4b:s1+s23], $0x80, s9, s23, $0xb8;
	[tilespmem:$0x1F080] =	vst v63  }
0x12e: {  	_ =	swait.ge [sflag:s13], $0x2800  }
0x12f: {  	s9 =	sld [smem:$0x7F8]  }
0x130: {  	[sflag:s13] =	ssyncset.done $0x0  }
0x131: {  	[sflag:s13] =	ssyncadd.s32 $0xFFFFD800  }
0x132: {  	[spmem:s3] =	stream.indirect.scatter.add.f32 [tilespmem:s31], [sflag:$0x8], $0x80, s9, s23, $0xb8;
	[tilespmem:$0x1F080] =	vst v63  }
0x133: {  	_ =	swait.ge [sflag:s18], $0x2800  }
0x134: {  	s9 =	sld [smem:$0x7F9]  }
0x135: {  	[sflag:s18] =	ssyncset.done $0x0  }
0x136: {  	[sflag:s18] =	ssyncadd.s32 $0xFFFFD800  }
0x137: {  	[tilespmem:s31], [sflag:$0x7] =	stream.indirect.gather [hbm4b:s1+s23], $0x80, s9, s23, $0xb8;
	[tilespmem:$0x1F080] =	vst v63  }
0x138: {  	_ =	swait.ge [sflag:s16], $0x2800  }
0x139: {  	s9 =	sld [smem:$0x7FA]  }
0x13a: {  	[sflag:s16] =	ssyncset.done $0x0  }
0x13b: {  	[sflag:s16] =	ssyncadd.s32 $0xFFFFD800  }
0x13c: {  	[spmem:s3] =	stream.indirect.scatter.add.f32 [tilespmem:s24], [sflag:$0x8], $0x80, s9, s23, $0xb8;
	[tilespmem:$0x1F080] =	vst v63  }
0x13d: {  	_ =	swait.ge [sflag:s18], $0x2800  }
0x13e: {  	[sflag:s18] =	ssyncset.done $0x0  }
0x13f: {  	[sflag:s18] =	ssyncadd.s32 $0xFFFFD800  }
0x140: {  	[tilespmem:s24], [sflag:$0x4] =	stream.indirect.gather [hbm4b:s1+s23], $0x80, s4, s23, $0xb8;
	[tilespmem:$0x1F080] =	vst v63  }
0x141: {  	_ =	swait.ge [sflag:s7], $0x2800  }
0x142: {  	s9 =	sld [smem:$0x7FB]  }
0x143: {  	[sflag:s7] =	ssyncset.done $0x0  }
0x144: {  	[sflag:s7] =	ssyncadd.s32 $0xFFFFD800  }
0x145: {  	[spmem:s3] =	stream.indirect.scatter.add.f32 [tilespmem:s26], [sflag:$0x8], $0x80, s9, s23, $0xb8;
	[tilespmem:$0x1F080] =	vst v63  }
0x146: {  	_ =	swait.ge [sflag:s18], $0x2800  }
0x147: {  	[sflag:s18] =	ssyncset.done $0x0  }
0x148: {  	[sflag:s18] =	ssyncadd.s32 $0xFFFFD800  }
0x149: {  	[tilespmem:s26], [sflag:$0x5] =	stream.indirect.gather [hbm4b:s1+s23], $0x80, s21, s23, $0xb8;
	[tilespmem:$0x1F080] =	vst v63  }
0x14a: {  	_ =	swait.ge [sflag:s11], $0x2800  }
0x14b: {  	s21 =	sld [smem:$0x7FC]  }
0x14c: {  	[sflag:s11] =	ssyncset.done $0x0  }
0x14d: {  	[sflag:s11] =	ssyncadd.s32 $0xFFFFD800  }
0x14e: {  	[spmem:s3] =	stream.indirect.scatter.add.f32 [tilespmem:s29], [sflag:$0x8], $0x80, s21, s23, $0xb8;
	[tilespmem:$0x1F080] =	vst v63  }
0x14f: {  	_ =	swait.ge [sflag:s18], $0x2800  }
0x150: {  	[sflag:s18] =	ssyncset.done $0x0  }
0x151: {  	[sflag:s18] =	ssyncadd.s32 $0xFFFFD800  }
0x152: {  	[tilespmem:s29], [sflag:$0x6] =	stream.indirect.gather [hbm4b:s1+s23], $0x80, s30, s23, $0xb8;
	[tilespmem:$0x1F080] =	vst v63  }
0x153: {  	_ =	swait.ge [sflag:s13], $0x2800  }
0x154: {  	s30 =	sld [smem:$0x7FD]  }
0x155: {  	[sflag:s13] =	ssyncset.done $0x0  }
0x156: {  	[sflag:s13] =	ssyncadd.s32 $0xFFFFD800  }
0x157: {  	[spmem:s3] =	stream.indirect.scatter.add.f32 [tilespmem:s31], [sflag:$0x8], $0x80, s30, s23, $0xb8;
	[tilespmem:$0x1F080] =	vst v63  }
0x158: {  	s6 =	simm.s32 $0x200;
	_ =	swait.ge [sflag:s18], $0x2800  }
0x159: {  	s8 =	simm.s32 $0xC80;
	s9 =	simm.s32 $0x180;
	[sflag:s18] =	ssyncset.done $0x0  }
.LBB2_2:
0x15a: {  	[sflag:s18] =	ssyncadd.s32 $0xFFFFD800  }
0x15b: {  	[tilespmem:s31], [sflag:$0x7] =	stream.indirect.gather [hbm4b:s1+s23], $0x80, s20, s23, $0xb8;
	[tilespmem:$0x1F080] =	vst v63  }
0x15c: {  	_ =	swait.ge [sflag:s2], $0x400  }
0x15d: {  	[sflag:s2] =	ssyncset.done $0x0  }
0x15e: {  	[sflag:s2] =	ssyncadd.s32 $0xFFFFFC00  }
0x15f: {  	_ =	swait.ge [sflag:s2], $0x400  }
0x160: {  	s5 =	smov.u32 s9;
	s20 =	rddreg [dreg:$0x9];
	[sflag:s2] =	ssyncset.done $0x0  }
0x161: {  	s21 =	rddreg [dreg:$0x8];
	[sflag:s2] =	ssyncadd.s32 $0xFFFFFC00;
	s20 =	sadd.s32 s5, s20  }
0x162: {  	[tilespmem:s0], [sflag:$0x3] =	stream.linear.gather [hbm4b:s20+s4], $0x400, $0x38;
	[tilespmem:$0x1F080] =	vst v63  }
0x163: {  	s21 =	sadd.s32 s5, s21  }
0x164: {  	[tilespmem:s15], [sflag:$0x3] =	stream.linear.gather [hbm4b:s21+s4], $0x400, $0x38;
	[tilespmem:$0x1F080] =	vst v63  }
0x165: {  	_ =	swait.ge [sflag:s16], $0x2800  }
0x166: {  	[sflag:s16] =	ssyncset.done $0x0  }
0x167: {  	[sflag:s16] =	ssyncadd.s32 $0xFFFFD800  }
0x168: {  	[spmem:s3] =	stream.indirect.scatter.add.f32 [tilespmem:s24], [sflag:$0x8], $0x80, s19, s23, $0xb8;
	[tilespmem:$0x1F080] =	vst v63  }
0x169: {  	_ =	swait.ge [sflag:s18], $0x2800  }
0x16a: {  	[sflag:s18] =	ssyncset.done $0x0  }
0x16b: {  	[sflag:s18] =	ssyncadd.s32 $0xFFFFD800  }
0x16c: {  	[tilespmem:s24], [sflag:$0x4] =	stream.indirect.gather [hbm4b:s1+s23], $0x80, s6, s23, $0xb8;
	[tilespmem:$0x1F080] =	vst v63  }
0x16d: {  	_ =	swait.ge [sflag:s7], $0x2800  }
0x16e: {  	[sflag:s7] =	ssyncset.done $0x0  }
0x16f: {  	[sflag:s7] =	ssyncadd.s32 $0xFFFFD800  }
0x170: {  	[spmem:s3] =	stream.indirect.scatter.add.f32 [tilespmem:s26], [sflag:$0x8], $0x80, s8, s23, $0xb8;
	[tilespmem:$0x1F080] =	vst v63  }
0x171: {  	_ =	swait.ge [sflag:s18], $0x2800  }
0x172: {  	[sflag:s18] =	ssyncset.done $0x0  }
0x173: {  	s21 =	rddreg [dreg:$0xa];
	[sflag:s18] =	ssyncadd.s32 $0xFFFFD800  }
0x174: {  	[tilespmem:s26], [sflag:$0x5] =	stream.indirect.gather [hbm4b:s1+s23], $0x80, s21, s23, $0xb8;
	[tilespmem:$0x1F080] =	vst v63  }
0x175: {  	_ =	swait.ge [sflag:s11], $0x2800  }
0x176: {  	[sflag:s11] =	ssyncset.done $0x0  }
0x177: {  	[sflag:s11] =	ssyncadd.s32 $0xFFFFD800  }
0x178: {  	[spmem:s3] =	stream.indirect.scatter.add.f32 [tilespmem:s29], [sflag:$0x8], $0x80, s12, s23, $0xb8;
	[tilespmem:$0x1F080] =	vst v63  }
0x179: {  	_ =	swait.ge [sflag:s18], $0x2800  }
0x17a: {  	[sflag:s18] =	ssyncset.done $0x0  }
0x17b: {  	s21 =	rddreg [dreg:$0xb];
	[sflag:s18] =	ssyncadd.s32 $0xFFFFD800  }
0x17c: {  	[tilespmem:s29], [sflag:$0x6] =	stream.indirect.gather [hbm4b:s1+s23], $0x80, s21, s23, $0xb8;
	[tilespmem:$0x1F080] =	vst v63  }
0x17d: {  	_ =	swait.ge [sflag:s13], $0x2800  }
0x17e: {  	[sflag:s13] =	ssyncset.done $0x0  }
0x17f: {  	[sflag:s13] =	ssyncadd.s32 $0xFFFFD800  }
0x180: {  	[spmem:s3] =	stream.indirect.scatter.add.f32 [tilespmem:s31], [sflag:$0x8], $0x80, s14, s23, $0xb8;
	[tilespmem:$0x1F080] =	vst v63  }
0x181: {  	_ =	swait.ge [sflag:s18], $0x2800  }
0x182: {  	[sflag:s18] =	ssyncset.done $0x0  }
0x183: {  	s21 =	rddreg [dreg:$0xc];
	[sflag:s18] =	ssyncadd.s32 $0xFFFFD800  }
0x184: {  	[tilespmem:s31], [sflag:$0x7] =	stream.indirect.gather [hbm4b:s1+s23], $0x80, s21, s23, $0xb8;
	[tilespmem:$0x1F080] =	vst v63  }
0x185: {  	_ =	swait.ge [sflag:s16], $0x2800  }
0x186: {  	[sflag:s16] =	ssyncset.done $0x0  }
0x187: {  	[sflag:s16] =	ssyncadd.s32 $0xFFFFD800  }
0x188: {  	[spmem:s3] =	stream.indirect.scatter.add.f32 [tilespmem:s24], [sflag:$0x8], $0x80, s17, s23, $0xb8;
	[tilespmem:$0x1F080] =	vst v63  }
0x189: {  	_ =	swait.ge [sflag:s18], $0x2800  }
0x18a: {  	[sflag:s18] =	ssyncset.done $0x0  }
0x18b: {  	[sflag:s18] =	ssyncadd.s32 $0xFFFFD800  }
0x18c: {  	[tilespmem:s24], [sflag:$0x4] =	stream.indirect.gather [hbm4b:s1+s23], $0x80, s25, s23, $0xb8;
	[tilespmem:$0x1F080] =	vst v63  }
0x18d: {  	_ =	swait.ge [sflag:s7], $0x2800  }
0x18e: {  	[sflag:s7] =	ssyncset.done $0x0  }
0x18f: {  	s21 =	rddreg [dreg:$0xd];
	[sflag:s7] =	ssyncadd.s32 $0xFFFFD800  }
0x190: {  	[spmem:s3] =	stream.indirect.scatter.add.f32 [tilespmem:s26], [sflag:$0x8], $0x80, s21, s23, $0xb8;
	[tilespmem:$0x1F080] =	vst v63  }
0x191: {  	_ =	swait.ge [sflag:s18], $0x2800  }
0x192: {  	[sflag:s18] =	ssyncset.done $0x0  }
0x193: {  	s25 =	rddreg [dreg:$0xe];
	[sflag:s18] =	ssyncadd.s32 $0xFFFFD800  }
0x194: {  	[tilespmem:s26], [sflag:$0x5] =	stream.indirect.gather [hbm4b:s1+s23], $0x80, s25, s23, $0xb8;
	[tilespmem:$0x1F080] =	vst v63  }
0x195: {  	_ =	swait.ge [sflag:s11], $0x2800  }
0x196: {  	[sflag:s11] =	ssyncset.done $0x0  }
0x197: {  	s21 =	rddreg [dreg:$0xf];
	[sflag:s11] =	ssyncadd.s32 $0xFFFFD800  }
0x198: {  	[spmem:s3] =	stream.indirect.scatter.add.f32 [tilespmem:s29], [sflag:$0x8], $0x80, s21, s23, $0xb8;
	[tilespmem:$0x1F080] =	vst v63  }
0x199: {  	_ =	swait.ge [sflag:s18], $0x2800  }
0x19a: {  	[sflag:s18] =	ssyncset.done $0x0  }
0x19b: {  	s25 =	rddreg [dreg:$0x10];
	[sflag:s18] =	ssyncadd.s32 $0xFFFFD800  }
0x19c: {  	[tilespmem:s29], [sflag:$0x6] =	stream.indirect.gather [hbm4b:s1+s23], $0x80, s25, s23, $0xb8;
	[tilespmem:$0x1F080] =	vst v63  }
0x19d: {  	_ =	swait.ge [sflag:s13], $0x2800  }
0x19e: {  	[sflag:s13] =	ssyncset.done $0x0  }
0x19f: {  	s21 =	rddreg [dreg:$0x11];
	[sflag:s13] =	ssyncadd.s32 $0xFFFFD800  }
0x1a0: {  	[spmem:s3] =	stream.indirect.scatter.add.f32 [tilespmem:s31], [sflag:$0x8], $0x80, s21, s23, $0xb8;
	[tilespmem:$0x1F080] =	vst v63  }
0x1a1: {  	_ =	swait.ge [sflag:s18], $0x2800  }
0x1a2: {  	[sflag:s18] =	ssyncset.done $0x0  }
0x1a3: {  	s25 =	rddreg [dreg:$0x12];
	[sflag:s18] =	ssyncadd.s32 $0xFFFFD800  }
0x1a4: {  	[tilespmem:s31], [sflag:$0x7] =	stream.indirect.gather [hbm4b:s1+s23], $0x80, s25, s23, $0xb8;
	[tilespmem:$0x1F080] =	vst v63  }
0x1a5: {  	_ =	swait.ge [sflag:s10], $0x400  }
0x1a6: {  	[sflag:s10] =	ssyncset.done $0x0  }
0x1a7: {  	[sflag:s10] =	ssyncadd.s32 $0xFFFFFC00  }
0x1a8: {  	_ =	swait.ge [sflag:s10], $0x400  }
0x1a9: {  	s21 =	rddreg [dreg:$0x7];
	[sflag:s10] =	ssyncset.done $0x0  }
0x1aa: {  	s25 =	rddreg [dreg:$0x6];
	[sflag:s10] =	ssyncadd.s32 $0xFFFFFC00;
	s20 =	sadd.s32 s5, s21  }
0x1ab: {  	[tilespmem:s4], [sflag:$0x1] =	stream.linear.gather [hbm4b:s20+s4], $0x400, $0x38;
	[tilespmem:$0x1F080] =	vst v63  }
0x1ac: {  	s25 =	sadd.s32 s5, s25  }
0x1ad: {  	[tilespmem:s19], [sflag:$0x1] =	stream.linear.gather [hbm4b:s25+s4], $0x400, $0x38;
	[tilespmem:$0x1F080] =	vst v63  }
0x1ae: {  	_ =	swait.ge [sflag:s16], $0x2800  }
0x1af: {  	[sflag:s16] =	ssyncset.done $0x0  }
0x1b0: {  	[sflag:s16] =	ssyncadd.s32 $0xFFFFD800  }
0x1b1: {  	[spmem:s3] =	stream.indirect.scatter.add.f32 [tilespmem:s24], [sflag:$0x8], $0x80, s28, s23, $0xb8;
	[tilespmem:$0x1F080] =	vst v63  }
0x1b2: {  	_ =	swait.ge [sflag:s18], $0x2800  }
0x1b3: {  	[sflag:s18] =	ssyncset.done $0x0  }
0x1b4: {  	s21 =	rddreg [dreg:$0x13];
	[sflag:s18] =	ssyncadd.s32 $0xFFFFD800  }
0x1b5: {  	[tilespmem:s24], [sflag:$0x4] =	stream.indirect.gather [hbm4b:s1+s23], $0x80, s21, s23, $0xb8;
	[tilespmem:$0x1F080] =	vst v63  }
0x1b6: {  	_ =	swait.ge [sflag:s7], $0x2800  }
0x1b7: {  	[sflag:s7] =	ssyncset.done $0x0  }
0x1b8: {  	s25 =	rddreg [dreg:$0x14];
	[sflag:s7] =	ssyncadd.s32 $0xFFFFD800  }
0x1b9: {  	[spmem:s3] =	stream.indirect.scatter.add.f32 [tilespmem:s26], [sflag:$0x8], $0x80, s25, s23, $0xb8;
	[tilespmem:$0x1F080] =	vst v63  }
0x1ba: {  	_ =	swait.ge [sflag:s18], $0x2800  }
0x1bb: {  	[sflag:s18] =	ssyncset.done $0x0  }
0x1bc: {  	s21 =	rddreg [dreg:$0x15];
	[sflag:s18] =	ssyncadd.s32 $0xFFFFD800  }
0x1bd: {  	[tilespmem:s26], [sflag:$0x5] =	stream.indirect.gather [hbm4b:s1+s23], $0x80, s21, s23, $0xb8;
	[tilespmem:$0x1F080] =	vst v63  }
0x1be: {  	_ =	swait.ge [sflag:s11], $0x2800  }
0x1bf: {  	[sflag:s11] =	ssyncset.done $0x0  }
0x1c0: {  	s25 =	rddreg [dreg:$0x16];
	[sflag:s11] =	ssyncadd.s32 $0xFFFFD800  }
0x1c1: {  	[spmem:s3] =	stream.indirect.scatter.add.f32 [tilespmem:s29], [sflag:$0x8], $0x80, s25, s23, $0xb8;
	[tilespmem:$0x1F080] =	vst v63  }
0x1c2: {  	_ =	swait.ge [sflag:s18], $0x2800  }
0x1c3: {  	[sflag:s18] =	ssyncset.done $0x0  }
0x1c4: {  	s21 =	rddreg [dreg:$0x17];
	[sflag:s18] =	ssyncadd.s32 $0xFFFFD800  }
0x1c5: {  	[tilespmem:s29], [sflag:$0x6] =	stream.indirect.gather [hbm4b:s1+s23], $0x80, s21, s23, $0xb8;
	[tilespmem:$0x1F080] =	vst v63  }
0x1c6: {  	_ =	swait.ge [sflag:s13], $0x2800  }
0x1c7: {  	[sflag:s13] =	ssyncset.done $0x0  }
0x1c8: {  	s25 =	rddreg [dreg:$0x18];
	[sflag:s13] =	ssyncadd.s32 $0xFFFFD800  }
0x1c9: {  	[spmem:s3] =	stream.indirect.scatter.add.f32 [tilespmem:s31], [sflag:$0x8], $0x80, s25, s23, $0xb8;
	[tilespmem:$0x1F080] =	vst v63  }
0x1ca: {  	_ =	swait.ge [sflag:s18], $0x2800  }
0x1cb: {  	[sflag:s18] =	ssyncset.done $0x0  }
0x1cc: {  	s21 =	rddreg [dreg:$0x19];
	[sflag:s18] =	ssyncadd.s32 $0xFFFFD800  }
0x1cd: {  	[tilespmem:s31], [sflag:$0x7] =	stream.indirect.gather [hbm4b:s1+s23], $0x80, s21, s23, $0xb8;
	[tilespmem:$0x1F080] =	vst v63  }
0x1ce: {  	_ =	swait.ge [sflag:s16], $0x2800  }
0x1cf: {  	[sflag:s16] =	ssyncset.done $0x0  }
0x1d0: {  	s25 =	rddreg [dreg:$0x1a];
	[sflag:s16] =	ssyncadd.s32 $0xFFFFD800  }
0x1d1: {  	[spmem:s3] =	stream.indirect.scatter.add.f32 [tilespmem:s24], [sflag:$0x8], $0x80, s25, s23, $0xb8;
	[tilespmem:$0x1F080] =	vst v63  }
0x1d2: {  	_ =	swait.ge [sflag:s18], $0x2800  }
0x1d3: {  	[sflag:s18] =	ssyncset.done $0x0  }
0x1d4: {  	[sflag:s18] =	ssyncadd.s32 $0xFFFFD800  }
0x1d5: {  	[tilespmem:s24], [sflag:$0x4] =	stream.indirect.gather [hbm4b:s1+s23], $0x80, s0, s23, $0xb8;
	[tilespmem:$0x1F080] =	vst v63  }
0x1d6: {  	_ =	swait.ge [sflag:s7], $0x2800  }
0x1d7: {  	[sflag:s7] =	ssyncset.done $0x0  }
0x1d8: {  	s21 =	rddreg [dreg:$0x1b];
	[sflag:s7] =	ssyncadd.s32 $0xFFFFD800  }
0x1d9: {  	[spmem:s3] =	stream.indirect.scatter.add.f32 [tilespmem:s26], [sflag:$0x8], $0x80, s21, s23, $0xb8;
	[tilespmem:$0x1F080] =	vst v63  }
0x1da: {  	_ =	swait.ge [sflag:s18], $0x2800  }
0x1db: {  	[sflag:s18] =	ssyncset.done $0x0  }
0x1dc: {  	s25 =	rddreg [dreg:$0x1c];
	[sflag:s18] =	ssyncadd.s32 $0xFFFFD800  }
0x1dd: {  	[tilespmem:s26], [sflag:$0x5] =	stream.indirect.gather [hbm4b:s1+s23], $0x80, s25, s23, $0xb8;
	[tilespmem:$0x1F080] =	vst v63  }
0x1de: {  	_ =	swait.ge [sflag:s11], $0x2800  }
0x1df: {  	[sflag:s11] =	ssyncset.done $0x0  }
0x1e0: {  	s21 =	rddreg [dreg:$0x1d];
	[sflag:s11] =	ssyncadd.s32 $0xFFFFD800  }
0x1e1: {  	[spmem:s3] =	stream.indirect.scatter.add.f32 [tilespmem:s29], [sflag:$0x8], $0x80, s21, s23, $0xb8;
	[tilespmem:$0x1F080] =	vst v63  }
0x1e2: {  	_ =	swait.ge [sflag:s18], $0x2800  }
0x1e3: {  	[sflag:s18] =	ssyncset.done $0x0  }
0x1e4: {  	s25 =	rddreg [dreg:$0x1e];
	[sflag:s18] =	ssyncadd.s32 $0xFFFFD800  }
0x1e5: {  	[tilespmem:s29], [sflag:$0x6] =	stream.indirect.gather [hbm4b:s1+s23], $0x80, s25, s23, $0xb8;
	[tilespmem:$0x1F080] =	vst v63  }
0x1e6: {  	_ =	swait.ge [sflag:s13], $0x2800  }
0x1e7: {  	[sflag:s13] =	ssyncset.done $0x0  }
0x1e8: {  	s21 =	rddreg [dreg:$0x1f];
	[sflag:s13] =	ssyncadd.s32 $0xFFFFD800  }
0x1e9: {  	[spmem:s3] =	stream.indirect.scatter.add.f32 [tilespmem:s31], [sflag:$0x8], $0x80, s21, s23, $0xb8;
	[tilespmem:$0x1F080] =	vst v63  }
0x1ea: {  	_ =	swait.ge [sflag:s18], $0x2800  }
0x1eb: {  	s25 =	sld [smem:$0x7ED]  }
0x1ec: {  	[sflag:s18] =	ssyncset.done $0x0  }
0x1ed: {  	[sflag:s18] =	ssyncadd.s32 $0xFFFFD800  }
0x1ee: {  	[tilespmem:s31], [sflag:$0x7] =	stream.indirect.gather [hbm4b:s1+s23], $0x80, s25, s23, $0xb8;
	[tilespmem:$0x1F080] =	vst v63  }
0x1ef: {  	_ =	swait.ge [sflag:s22], $0x400  }
0x1f0: {  	[sflag:s22] =	ssyncset.done $0x0  }
0x1f1: {  	p4 =	seq.s32 s5, $0x600;
	[sflag:s22] =	ssyncadd.s32 $0xFFFFFC00  }
0x1f2: {  	s28 =	simm.s32 @!p4 $0x400;
	_ =	swait.ge [sflag:s22], $0x400  }
0x1f3: {  	s25 =	simm.s32 @!p4 $0x0;
	s20 =	rddreg [dreg:$0x5];
	[sflag:s22] =	ssyncset.done $0x0  }
0x1f4: {  	s21 =	rddreg [dreg:$0x4];
	[sflag:s22] =	ssyncadd.s32 $0xFFFFFC00;
	s20 =	sadd.s32 @!p4 s5, s20  }
0x1f5: {  	[tilespmem:s28], [sflag:$0x2] =	stream.linear.gather @!p4 [hbm4b:s20+s25], $0x400, $0x38;
	[tilespmem:$0x1F080] =	vst v63  }
0x1f6: {  	s30 =	simm.s32 @!p4 $0x1000;
	s5 =	sadd.s32 @!p4 s5, s21  }
0x1f7: {  	[tilespmem:s30], [sflag:$0x2] =	stream.linear.gather @!p4 [hbm4b:s5+s25], $0x400, $0x38;
	[tilespmem:$0x1F080] =	vst v63  }
0x1f8: {  	_ =	swait.ge [sflag:s16], $0x2800  }
0x1f9: {  	[sflag:s16] =	ssyncset.done $0x0  }
0x1fa: {  	[sflag:s16] =	ssyncadd.s32 $0xFFFFD800  }
0x1fb: {  	[spmem:s3] =	stream.indirect.scatter.add.f32 [tilespmem:s24], [sflag:$0x8], $0x80, s15, s23, $0xb8;
	[tilespmem:$0x1F080] =	vst v63  }
0x1fc: {  	_ =	swait.ge [sflag:s18], $0x2800  }
0x1fd: {  	s5 =	sld [smem:$0x7EE]  }
0x1fe: {  	[sflag:s18] =	ssyncset.done $0x0  }
0x1ff: {  	[sflag:s18] =	ssyncadd.s32 $0xFFFFD800  }
0x200: {  	[tilespmem:s24], [sflag:$0x4] =	stream.indirect.gather [hbm4b:s1+s23], $0x80, s5, s23, $0xb8;
	[tilespmem:$0x1F080] =	vst v63  }
0x201: {  	_ =	swait.ge [sflag:s7], $0x2800  }
0x202: {  	s5 =	sld [smem:$0x7F1]  }
0x203: {  	[sflag:s7] =	ssyncset.done $0x0  }
0x204: {  	[sflag:s7] =	ssyncadd.s32 $0xFFFFD800  }
0x205: {  	[spmem:s3] =	stream.indirect.scatter.add.f32 [tilespmem:s26], [sflag:$0x8], $0x80, s5, s23, $0xb8;
	[tilespmem:$0x1F080] =	vst v63  }
0x206: {  	_ =	swait.ge [sflag:s18], $0x2800  }
0x207: {  	s5 =	sld [smem:$0x7F4]  }
0x208: {  	[sflag:s18] =	ssyncset.done $0x0  }
0x209: {  	[sflag:s18] =	ssyncadd.s32 $0xFFFFD800  }
0x20a: {  	[tilespmem:s26], [sflag:$0x5] =	stream.indirect.gather [hbm4b:s1+s23], $0x80, s5, s23, $0xb8;
	[tilespmem:$0x1F080] =	vst v63  }
0x20b: {  	_ =	swait.ge [sflag:s11], $0x2800  }
0x20c: {  	s5 =	sld [smem:$0x7F6]  }
0x20d: {  	[sflag:s11] =	ssyncset.done $0x0  }
0x20e: {  	[sflag:s11] =	ssyncadd.s32 $0xFFFFD800  }
0x20f: {  	[spmem:s3] =	stream.indirect.scatter.add.f32 [tilespmem:s29], [sflag:$0x8], $0x80, s5, s23, $0xb8;
	[tilespmem:$0x1F080] =	vst v63  }
0x210: {  	_ =	swait.ge [sflag:s18], $0x2800  }
0x211: {  	s5 =	sld [smem:$0x7F7]  }
0x212: {  	[sflag:s18] =	ssyncset.done $0x0  }
0x213: {  	[sflag:s18] =	ssyncadd.s32 $0xFFFFD800  }
0x214: {  	[tilespmem:s29], [sflag:$0x6] =	stream.indirect.gather [hbm4b:s1+s23], $0x80, s5, s23, $0xb8;
	[tilespmem:$0x1F080] =	vst v63  }
0x215: {  	_ =	swait.ge [sflag:s13], $0x2800  }
0x216: {  	s5 =	sld [smem:$0x7F8]  }
0x217: {  	[sflag:s13] =	ssyncset.done $0x0  }
0x218: {  	[sflag:s13] =	ssyncadd.s32 $0xFFFFD800  }
0x219: {  	[spmem:s3] =	stream.indirect.scatter.add.f32 [tilespmem:s31], [sflag:$0x8], $0x80, s5, s23, $0xb8;
	[tilespmem:$0x1F080] =	vst v63  }
0x21a: {  	_ =	swait.ge [sflag:s18], $0x2800  }
0x21b: {  	s5 =	sld [smem:$0x7F9]  }
0x21c: {  	[sflag:s18] =	ssyncset.done $0x0  }
0x21d: {  	[sflag:s18] =	ssyncadd.s32 $0xFFFFD800  }
0x21e: {  	[tilespmem:s31], [sflag:$0x7] =	stream.indirect.gather [hbm4b:s1+s23], $0x80, s5, s23, $0xb8;
	[tilespmem:$0x1F080] =	vst v63  }
0x21f: {  	_ =	swait.ge [sflag:s16], $0x2800  }
0x220: {  	s5 =	sld [smem:$0x7FA]  }
0x221: {  	[sflag:s16] =	ssyncset.done $0x0  }
0x222: {  	[sflag:s16] =	ssyncadd.s32 $0xFFFFD800  }
0x223: {  	[spmem:s3] =	stream.indirect.scatter.add.f32 [tilespmem:s24], [sflag:$0x8], $0x80, s5, s23, $0xb8;
	[tilespmem:$0x1F080] =	vst v63  }
0x224: {  	_ =	swait.ge [sflag:s18], $0x2800  }
0x225: {  	[sflag:s18] =	ssyncset.done $0x0  }
0x226: {  	[sflag:s18] =	ssyncadd.s32 $0xFFFFD800  }
0x227: {  	[tilespmem:s24], [sflag:$0x4] =	stream.indirect.gather [hbm4b:s1+s23], $0x80, s4, s23, $0xb8;
	[tilespmem:$0x1F080] =	vst v63  }
0x228: {  	_ =	swait.ge [sflag:s7], $0x2800  }
0x229: {  	s5 =	sld [smem:$0x7FB]  }
0x22a: {  	[sflag:s7] =	ssyncset.done $0x0  }
0x22b: {  	[sflag:s7] =	ssyncadd.s32 $0xFFFFD800  }
0x22c: {  	[spmem:s3] =	stream.indirect.scatter.add.f32 [tilespmem:s26], [sflag:$0x8], $0x80, s5, s23, $0xb8;
	[tilespmem:$0x1F080] =	vst v63  }
0x22d: {  	_ =	swait.ge [sflag:s18], $0x2800  }
0x22e: {  	[sflag:s18] =	ssyncset.done $0x0  }
0x22f: {  	s21 =	simm.s32 $0x80;
	[sflag:s18] =	ssyncadd.s32 $0xFFFFD800  }
0x230: {  	[tilespmem:s26], [sflag:$0x5] =	stream.indirect.gather [hbm4b:s1+s23], $0x80, s21, s23, $0xb8;
	[tilespmem:$0x1F080] =	vst v63  }
0x231: {  	_ =	swait.ge [sflag:s11], $0x2800  }
0x232: {  	s5 =	sld [smem:$0x7FC]  }
0x233: {  	[sflag:s11] =	ssyncset.done $0x0  }
0x234: {  	[sflag:s11] =	ssyncadd.s32 $0xFFFFD800  }
0x235: {  	[spmem:s3] =	stream.indirect.scatter.add.f32 [tilespmem:s29], [sflag:$0x8], $0x80, s5, s23, $0xb8;
	[tilespmem:$0x1F080] =	vst v63  }
0x236: {  	_ =	swait.ge [sflag:s18], $0x2800  }
0x237: {  	[sflag:s18] =	ssyncset.done $0x0  }
0x238: {  	s30 =	simm.s32 $0x100;
	[sflag:s18] =	ssyncadd.s32 $0xFFFFD800  }
0x239: {  	[tilespmem:s29], [sflag:$0x6] =	stream.indirect.gather [hbm4b:s1+s23], $0x80, s30, s23, $0xb8;
	[tilespmem:$0x1F080] =	vst v63  }
0x23a: {  	s9 =	sadd.s32 $0x180, s9;
	_ =	swait.ge [sflag:s13], $0x2800  }
0x23b: {  	p3 =	sne.s32 s9, $0x780;
	s5 =	sld [smem:$0x7FD]  }
.Ltmp2:
0x23c: {  	[sflag:s13] =	ssyncset.done $0x0;
	(pc) =	sbr.rel @p3 .LBB2_2-.Ltmp2, $4  }
0x23d: {  	[sflag:s13] =	ssyncadd.s32 $0xFFFFD800  }
0x23e: {  	[spmem:s3] =	stream.indirect.scatter.add.f32 [tilespmem:s31], [sflag:$0x8], $0x80, s5, s23, $0xb8;
	[tilespmem:$0x1F080] =	vst v63  }
0x23f: {  	s20 =	simm.s32 $0x180;
	_ =	swait.ge [sflag:s18], $0x2800  }
0x240: {  	s28 =	simm.s32 $0x1000;
	s25 =	simm.s32 $0x400;
	[sflag:s18] =	ssyncset.done $0x0  }
0x241: {  	[sflag:s18] =	ssyncadd.s32 $0xFFFFD800  }
0x242: {  	[tilespmem:s31], [sflag:$0x7] =	stream.indirect.gather [hbm4b:s1+s23], $0x80, s20, s23, $0xb8;
	[tilespmem:$0x1F080] =	vst v63  }
0x243: {  	_ =	swait.ge [sflag:s16], $0x2800  }
0x244: {  	[sflag:s16] =	ssyncset.done $0x0  }
0x245: {  	[sflag:s16] =	ssyncadd.s32 $0xFFFFD800  }
0x246: {  	[spmem:s3] =	stream.indirect.scatter.add.f32 [tilespmem:s24], [sflag:$0x8], $0x80, s19, s23, $0xb8;
	[tilespmem:$0x1F080] =	vst v63  }
0x247: {  	_ =	swait.ge [sflag:s18], $0x2800  }
0x248: {  	[sflag:s18] =	ssyncset.done $0x0  }
0x249: {  	[sflag:s18] =	ssyncadd.s32 $0xFFFFD800  }
0x24a: {  	[tilespmem:s24], [sflag:$0x4] =	stream.indirect.gather [hbm4b:s1+s23], $0x80, s6, s23, $0xb8;
	[tilespmem:$0x1F080] =	vst v63  }
0x24b: {  	_ =	swait.ge [sflag:s7], $0x2800  }
0x24c: {  	[sflag:s7] =	ssyncset.done $0x0  }
0x24d: {  	[sflag:s7] =	ssyncadd.s32 $0xFFFFD800  }
0x24e: {  	[spmem:s3] =	stream.indirect.scatter.add.f32 [tilespmem:s26], [sflag:$0x8], $0x80, s8, s23, $0xb8;
	[tilespmem:$0x1F080] =	vst v63  }
0x24f: {  	_ =	swait.ge [sflag:s18], $0x2800  }
0x250: {  	[sflag:s18] =	ssyncset.done $0x0  }
0x251: {  	[sflag:s18] =	ssyncadd.s32 $0xFFFFD800  }
0x252: {  	_ =	swait.ge [sflag:s11], $0x2800  }
0x253: {  	[sflag:s11] =	ssyncset.done $0x0  }
0x254: {  	[sflag:s11] =	ssyncadd.s32 $0xFFFFD800  }
0x255: {  	[spmem:s3] =	stream.indirect.scatter.add.f32 [tilespmem:s29], [sflag:$0x8], $0x80, s12, s23, $0xb8;
	[tilespmem:$0x1F080] =	vst v63  }
0x256: {  	_ =	swait.ge [sflag:s18], $0x2800  }
0x257: {  	[sflag:s18] =	ssyncset.done $0x0  }
0x258: {  	[sflag:s18] =	ssyncadd.s32 $0xFFFFD800  }
0x259: {  	_ =	swait.ge [sflag:s13], $0x2800  }
0x25a: {  	[sflag:s13] =	ssyncset.done $0x0  }
0x25b: {  	[sflag:s13] =	ssyncadd.s32 $0xFFFFD800  }
0x25c: {  	[spmem:s3] =	stream.indirect.scatter.add.f32 [tilespmem:s31], [sflag:$0x8], $0x80, s14, s23, $0xb8;
	[tilespmem:$0x1F080] =	vst v63  }
0x25d: {  	_ =	swait.ge [sflag:s18], $0x2800  }
0x25e: {  	[sflag:s18] =	ssyncset.done $0x0  }
0x25f: {  	[sflag:s18] =	ssyncadd.s32 $0xFFFFD800  }
0x260: {  	_ =	swait.ge [sflag:s16], $0x2800  }
0x261: {  	[sflag:s16] =	ssyncset.done $0x0  }
0x262: {  	[sflag:s16] =	ssyncadd.s32 $0xFFFFD800  }
0x263: {  	[spmem:s3] =	stream.indirect.scatter.add.f32 [tilespmem:s24], [sflag:$0x8], $0x80, s17, s23, $0xb8;
	[tilespmem:$0x1F080] =	vst v63  }
.Ltmp3:
0x264: {  	_ =	swait.ge [sflag:s18], $0x2800;
	(pc) =	sbr.rel @!p0 .LBB2_4-.Ltmp3, $3  }
0x265: {  	[sflag:s18] =	ssyncset.done $0x0  }
0x266: {  	[sflag:s18] =	ssyncadd.s32 $0xFFFFD800  }
0x267: {  	[bflag:$0x0] =	sbarrier.arrive $0xFFFF;
	_ =	sdelay $0x1  }
0x268: {  	s20 =	sld [smem:$0x7E7]  }
0x269: {  	s5 =	sld [smem:$0x7F3]  }
0x26a: {  	s9 =	sld [smem:$0x7E2];
	_ =	sdelay $0x2  }
0x26b: {  	[hbm:s5], [sflag:s20] =	dma.local [spmem:s9], $0x2700  }
.Ltmp4:
0x26c: {  	_ = 	snop;
	(pc) =	sbr.rel @p1 .LBB2_7-.Ltmp4, $4  }
.Ltmp5:
0x26d: {  	_ = 	snop;
	(pc) =	sbr.rel @!p1 .LBB2_6-.Ltmp5, $4  }
0x26e: {  	_ =	swait.ge [sflag:s18], $0x2700  }
0x26f: {  	[sflag:s18] =	ssyncset.done $0x0;
	s5 =	sld [smem:$0x7F2]  }
0x270: {  	s20 =	sld [smem:$0x7E1];
	[sflag:s18] =	ssyncadd.s32 $0xFFFFD900  }
0x271: {  	_ = 	snop  }
.LBB2_4:
0x272: {  	s20 =	sld [smem:$0x7E7]  }
0x273: {  	s5 =	sld [smem:$0x7F0]  }
0x274: {  	s9 =	sld [smem:$0x7E2];
	_ =	sdelay $0x2  }
0x275: {  	[hbm:s5], [sflag:s20] =	dma.local [spmem:s9], $0x2700  }
.Ltmp6:
0x276: {  	_ = 	snop;
	(pc) =	sbr.rel @p2 .LBB2_6-.Ltmp6, $4  }
.Ltmp7:
0x277: {  	_ = 	snop;
	(pc) =	sbr.rel @!p2 .LBB2_7-.Ltmp7, $4  }
0x278: {  	_ =	swait.ge [sflag:s18], $0x2700  }
0x279: {  	[sflag:s18] =	ssyncset.done $0x0;
	s5 =	sld [smem:$0x7EF]  }
0x27a: {  	s20 =	sld [smem:$0x7E1];
	[sflag:s18] =	ssyncadd.s32 $0xFFFFD900  }
0x27b: {  	_ = 	snop  }
.LBB2_8:
0x27c: {  	_ =	sfence.sel $0x180000  }
0x27d: {  	[bflag:$0x0] =	sbarrier.arrive $0xFFFF  }
0x27e: {  	_ =	strace $0x9000004A  }
0x27f: {  	s0 =	stileid.u32;
	[bflag:$0x2] =	sbarrier.arrive $0xFFFF  }
0x280: {  	p0 =	sne.s32 s0, $0x0;
	s0 =	rddreg [dreg:$0x3]  }
0x281: {  	s0 =	sadd.s32 @!p0 $0x100000, s0  }
0x282: {  	[sflag:s0] =	ssyncadd.tile.s32 @!p0 $0x1;
	_ =	shalt  }
.Lfunc_end2:
_tile_overlayer_lowered:
.L_overlay_start_2:
0x283: {  	(tag) =	ssettag $0x2  }
0x284: {  	s0 =	rddreg [dreg:$0x0];
	s2 =	stileid.u32  }
0x285: {  	s1 =	rddreg [dreg:$0x1];
	p0 =	sne.s32 s2, $0x0  }
0x286: {  	s3 =	rddreg [dreg:$0x2];
	[bflag:$0x3] =	sbarrier.arrive $0xFFFF;
	s2 =	simm.s32 @!p0 $0x1C08  }
0x287: {  	[timem:s3], [sflag:s2] =	dma.local @!p0 [hbm:s0], s1  }
0x288: {  	s0 =	simm.s32 @!p0 $0x8  }
0x289: {  	_ =	swait.ge @!p0 [sflag:s0], s1  }
0x28a: {  	s1 =	ssub.s32 @!p0 $0x0, s1;
	[sflag:s0] =	ssyncset.done @!p0 $0x0  }
0x28b: {  	[sflag:s0] =	ssyncadd.s32 @!p0 s1  }
0x28c: {  	[bflag:$0x3] =	sbarrier.arrive $0xFFFF  }
0x28d: {  	_ =	shalt  }

// kernel: kernel.9.cloned.1.call-start
scs
__scs_entry_jumppad:
0x0: {  	(pc) =	sbr.rel $0x88, $3  }
0x1: {  	(tag) =	ssettag $0x0;
	lr =	simm.s32 $0x1  }
0x2: {  	[smem:$0x3F99] =	sst lr;
	_ =	strace $0xD0000000  }
0x3: {  	_ = 	snop  }
0x4: {  	_ = 	snop  }
0x5: {  	_ = 	snop  }
0x6: {  	_ = 	snop  }
0x7: {  	_ = 	snop  }
__scs_overlays_trampoline_lowered:
0x8: {  	[smem:$0x3FA8] =	sst s0  }
0x9: {  	[smem:$0x3FA9] =	sst s1  }
0xa: {  	[smem:$0x3FAA] =	sst s2  }
0xb: {  	[smem:$0x3FAB] =	sst s3  }
0xc: {  	[smem:$0x3FAC] =	sst s4  }
0xd: {  	[smem:$0x3FAD] =	sst s5  }
0xe: {  	[smem:$0x3FAE] =	sst s6  }
0xf: {  	[smem:$0x3FAF] =	sst s7  }
0x10: {  	[smem:$0x3FB0] =	sst s8  }
0x11: {  	[smem:$0x3FB1] =	sst s9;
	s0 =	simm.s32 @!p0 $0x0  }
0x12: {  	s1 =	sld [smem:$0x3F97];
	s0 =	simm.s32 @p0 $0x1  }
0x13: {  	[smem:$0x3FB2] =	sst s0;
	s0 =	simm.s32 @!p1 $0x0  }
0x14: {  	s2 =	sld [smem:$0x3F96];
	s0 =	simm.s32 @p1 $0x1  }
0x15: {  	[smem:$0x3FB3] =	sst s0;
	s0 =	simm.s32 @!p2 $0x0  }
0x16: {  	s3 =	sld [smem:$0x3FDB];
	s0 =	simm.s32 @p2 $0x1  }
0x17: {  	s4 =	simm.s32 $0x1BF5;
	[smem:$0x3FB5] =	sst s0  }
0x18: {  	s0 =	sld [smem:$0x3F98];
	_ =	swait.ge [sflag:s4], $0x0  }
0x19: {  	s7 =	sld [smem:$0x3F99]  }
0x1a: {  	s8 =	sadd.s32 $0xFFFFE003, lr  }
0x1b: {  	s9 =	sadd.s32 $0xFFFFFEF7, lr;
	s5 =	simm.s32 $0xFFFFFFFF;
	p2 =	slt.u32 s8, $0xFFFFF086  }
0x1c: {  	p1 =	slt.u32 s9, $0xF7A;
	s5 =	simm.s32 @!p2 $0x0  }
0x1d: {  	s5 =	simm.s32 @p1 $0x1;
	p0 =	seq.s32 s7, s2  }
0x1e: {  	s7 =	smul.u32 @!p0 $0xF7A, s2;
	p2 =	seq.s32 @!p0 s5, $0x0  }
0x1f: {  	s9 =	smul.u32 $0xF7A, s1;
	s8 =	simm.s32 @!p0 $0x1BF5;
	p2 =	por !p2, p0  }
0x20: {  	[sflag:s8] =	ssyncset.s32 @!p0 $0xFFFFF086;
	s6 =	sadd.s32 @!p0 s3, s7;
	s7 =	simm.s32 @!p0 $0x108  }
0x21: {  	s3 =	sadd.s32 s3, s9;
	s6 =	sadd.s32 @!p0 $0x88, s6;
	s7 =	simm.s32 @p2 $0x1082  }
0x22: {  	[simem:s7], [sflag:s8] =	dma.local @!p0 [hbm:s6], $0xF7A  }
0x23: {  	s9 =	sor.u32 $0xD0000000, s2;
	s6 =	simm.s32 $0x108;
	_ =	swait.ge @!p0 [sflag:s8], $0x0  }
0x24: {  	s3 =	sadd.s32 $0x88, s3;
	s6 =	simm.s32 @!p1 $0x1082;
	[sflag:s4] =	ssyncset.s32 $0xFFFFF086  }
0x25: {  	[simem:s6], [sflag:s4] =	dma.local [hbm:s3], $0xF7A  }
0x26: {  	[smem:$0x3F99] =	sst s1;
	(tag) =	ssettag s2;
	_ =	strace s9  }
0x27: {  	s1 =	sld [smem:$0x3FA9]  }
0x28: {  	s2 =	sld [smem:$0x3FAA]  }
0x29: {  	s4 =	sld [smem:$0x3FAC]  }
0x2a: {  	p0 =	seq.s32 s5, $0x0;
	s5 =	sld [smem:$0x3FAD]  }
0x2b: {  	s6 =	sld [smem:$0x3FAE]  }
0x2c: {  	s7 =	sld [smem:$0x3FAF]  }
0x2d: {  	s3 =	simm.s32 $0x108;
	s8 =	sld [smem:$0x3FB0]  }
0x2e: {  	s3 =	simm.s32 @!p0 $0x1082;
	s9 =	sld [smem:$0x3FB1]  }
0x2f: {  	lr =	sadd.s32 s0, s3;
	s0 =	sld [smem:$0x3FA8]  }
0x30: {  	s3 =	sld [smem:$0x3FAB]  }
0x31: {  	[smem:$0x3FB4] =	sst s10  }
0x32: {  	s10 =	sld [smem:$0x3FB2];
	_ =	sdelay $0x3  }
0x33: {  	p0 =	seq.s32 s10, $0x1;
	s10 =	sld [smem:$0x3FB4];
	_ =	sdelay $0x3  }
0x34: {  	[smem:$0x3FB4] =	sst s10  }
0x35: {  	s10 =	sld [smem:$0x3FB3];
	_ =	sdelay $0x3  }
0x36: {  	p1 =	seq.s32 s10, $0x1;
	s10 =	sld [smem:$0x3FB4];
	_ =	sdelay $0x3  }
0x37: {  	[smem:$0x3FB4] =	sst s10  }
0x38: {  	s10 =	sld [smem:$0x3FB5]  }
0x39: {  	_ = 	snop;
	(pc) =	sbr.ind lr, $3  }
0x3a: {  	_ = 	snop  }
0x3b: {  	_ = 	snop  }
0x3c: {  	p2 =	seq.s32 s10, $0x1;
	s10 =	sld [smem:$0x3FB4]  }
0x3d: {  	_ =	shalt  }
0x3e: {  	_ =	shalt  }
0x3f: {  	_ =	shalt  }
0x40: {  	_ =	shalt  }
0x41: {  	_ =	shalt  }
0x42: {  	_ =	shalt  }
0x43: {  	_ =	shalt  }
0x44: {  	_ =	shalt  }
0x45: {  	_ =	shalt  }
0x46: {  	_ =	shalt  }
0x47: {  	_ =	shalt  }
0x48: {  	_ =	shalt  }
0x49: {  	_ =	shalt  }
0x4a: {  	_ =	shalt  }
0x4b: {  	_ =	shalt  }
0x4c: {  	_ =	shalt  }
0x4d: {  	_ =	shalt  }
0x4e: {  	_ =	shalt  }
0x4f: {  	_ =	shalt  }
0x50: {  	_ =	shalt  }
0x51: {  	_ =	shalt  }
0x52: {  	_ =	shalt  }
0x53: {  	_ =	shalt  }
0x54: {  	_ =	shalt  }
0x55: {  	_ =	shalt  }
0x56: {  	_ =	shalt  }
0x57: {  	_ =	shalt  }
0x58: {  	_ =	shalt  }
0x59: {  	_ =	shalt  }
0x5a: {  	_ =	shalt  }
0x5b: {  	_ =	shalt  }
0x5c: {  	_ =	shalt  }
0x5d: {  	_ =	shalt  }
0x5e: {  	_ =	shalt  }
0x5f: {  	_ =	shalt  }
0x60: {  	_ =	shalt  }
0x61: {  	_ =	shalt  }
0x62: {  	_ =	shalt  }
0x63: {  	_ =	shalt  }
0x64: {  	_ =	shalt  }
0x65: {  	_ =	shalt  }
0x66: {  	_ =	shalt  }
0x67: {  	_ =	shalt  }
0x68: {  	_ =	shalt  }
0x69: {  	_ =	shalt  }
0x6a: {  	_ =	shalt  }
0x6b: {  	_ =	shalt  }
0x6c: {  	_ =	shalt  }
0x6d: {  	_ =	shalt  }
0x6e: {  	_ =	shalt  }
0x6f: {  	_ =	shalt  }
0x70: {  	_ =	shalt  }
0x71: {  	_ =	shalt  }
0x72: {  	_ =	shalt  }
0x73: {  	_ =	shalt  }
0x74: {  	_ =	shalt  }
0x75: {  	_ =	shalt  }
0x76: {  	_ =	shalt  }
0x77: {  	_ =	shalt  }
0x78: {  	_ =	shalt  }
0x79: {  	_ =	shalt  }
0x7a: {  	_ =	shalt  }
0x7b: {  	_ =	shalt  }
0x7c: {  	_ =	shalt  }
0x7d: {  	_ =	shalt  }
0x7e: {  	_ =	shalt  }
0x7f: {  	_ =	shalt  }
0x80: {  	_ =	shalt  }
0x81: {  	_ =	shalt  }
0x82: {  	_ =	shalt  }
0x83: {  	_ =	shalt  }
0x84: {  	_ =	shalt  }
0x85: {  	_ =	shalt  }
0x86: {  	_ =	shalt  }
0x87: {  	_ =	shalt  }
.Lfunc_end0:
.L_simem_size_0:
called_computation_lowered:
.L_overlay_start_0:
0x88: {  	s2 =	sld [smem:$0x3FD9]  }
0x89: {  	s3 =	sld [smem:$0x3FFE];
	_ =	sdelay $0x1  }
0x8a: {  	s1 =	srdreg.scid  }
0x8b: {  	s0 =	sand.u32 $0x1, s1  }
0x8c: {  	s17 =	sshll.u32 s0, $0xA;
	s2 =	sadd.s32 s3, s2  }
0x8d: {  	s2 =	sadd.s32 s2, s17  }
0x8e: {  	[smem:$0x3FC0] =	sst s2  }
0x8f: {  	_ = 	snop  }
0x90: {  	s2 =	sld [smem:$0x3FD0];
	(tm) =	ssettm $0x1  }
0x91: {  	s18 =	sld [smem:$0x3FFB];
	_ =	sdelay $0x3  }
0x92: {  	_ =	strace s18  }
0x93: {  	s3 =	sld [smem:$0x3FFC];
	_ =	sdelay $0x3  }
0x94: {  	_ =	strace s3  }
0x95: {  	s3 =	sld [smem:$0x3FFD];
	_ =	sdelay $0x3  }
0x96: {  	_ =	strace s3  }
0x97: {  	_ =	strace $0x8FFFFFFF  }
0x98: {  	s19 =	sld [smem:$0x3FDB];
	_ =	sdelay $0x1  }
0x99: {  	s4 =	simm.s32 $_scs_section_size  }
0x9a: {  	s5 =	simm.s32 $_size__tile_overlayer_lowered;
	s6 =	simm.s32 $_tile_overlayer_lowered  }
0x9b: {  	s22 =	simm.s32 $0x1BFF;
	s21 =	sshll.u32 s6, $0x1;
	s3 =	sadd.s32 s4, s19  }
0x9c: {  	s7 =	simm.s32 $0x0;
	s20 =	sshll.u32 s5, $0x1;
	s5 =	sadd.s32 s21, s3  }
0x9d: {  	[timem:s7], [sflag:s22] =	dma.local [hbm:s5], s20  }
0x9e: {  	_ =	swait.ge [sflag:s22], s20  }
0x9f: {  	s4 =	ssub.s32 $0x0, s20;
	[sflag:s22] =	ssyncset.done $0x0  }
0xa0: {  	[sflag:s22] =	ssyncadd.s32 s4;
	_ =	sdelay $0x1  }
0xa1: {  	s23 =	simm.s32 $0x1B8B  }
0xa2: {  	_ =	swait.ge [sflag:s23], $0x1  }
0xa3: {  	[sflag:s23] =	ssyncset.done $0x0  }
0xa4: {  	s25 =	simm.s32 $0x1B8E;
	s24 =	sld [smem:$0x3FFE];
	[sflag:s23] =	ssyncadd.s32 $0xFFFFFFFF  }
0xa5: {  	s26 =	simm.s32 $execute0_lowered;
	[smem:$0x3FD2] =	sst s25  }
0xa6: {  	s5 =	sshll.u32 s26, $0x1;
	_ =	strace $0x80000046;
	[dreg:$0x1] =	wrdreg $0xFFFFFFFF  }
0xa7: {  	s28 =	simm.s32 $_size_execute0_lowered;
	s3 =	sadd.s32 s3, s5;
	[dreg:$0x0] =	wrdreg $0x0  }
0xa8: {  	s5 =	sshll.u32 s28, $0x1;
	[dreg:$0x2] =	wrdreg s3  }
0xa9: {  	[dreg:$0x3] =	wrdreg s5  }
0xaa: {  	[dreg:$0x4] =	wrdreg $0xC0  }
0xab: {  	_ =	task [dreg:s7], $0x5FFFF  }
0xac: {  	[dreg:$0x1] =	wrdreg $0xFFFFFFFF  }
0xad: {  	[dreg:$0x0] =	wrdreg $0x60  }
0xae: {  	[dreg:$0x2] =	wrdreg s2  }
0xaf: {  	[dreg:$0x3] =	wrdreg s24  }
0xb0: {  	[dreg:$0x4] =	wrdreg $0xB8000  }
0xb1: {  	[dreg:$0x5] =	wrdreg $0x9  }
0xb2: {  	_ =	task.clear_ibuf [dreg:s7], $0x6FFFF;
	_ =	strace $0x90000046  }
0xb3: {  	s29 =	simm.s32 $0x9;
	_ =	strace $0x80000048  }
0xb4: {  	_ =	swait.ge [sflag:s29], $0x1  }
0xb5: {  	[sflag:s29] =	ssyncadd.s32 $0xFFFFFFFF  }
0xb6: {  	_ =	strace $0x90000048  }
0xb7: {  	_ =	sfence  }
0xb8: {  	s30 =	sld [smem:$0x0];
	_ =	sdelay $0x2  }
0xb9: {  	s31 =	sshll.u32 s1, $0xD;
	s1 =	sshrl.u32 s1, $0x2  }
0xba: {  	s3 =	sand.u32 $0x4000, s31;
	s1 =	sadd.s32 s1, s30  }
0xbb: {  	s0 =	sor.u32 s3, s0;
	s1 =	sshll.u32 s1, $0x11  }
0xbc: {  	s0 =	sor.u32 s1, s0  }
0xbd: {  	s0 =	sadd.s32 $0x8F2B, s0  }
0xbe: {  	[sflag:s0] =	ssyncadd.remote.s32 $0x1  }
0xbf: {  	_ =	sfence.sel $0xFFFF  }
0xc0: {  	[dreg:$0x0] =	wrdreg $0xFFFFFFFF;
	(pc) =	sbr.abs _section_cstart, $3  }
0xc1: {  	[dreg:$0x1] =	wrdreg $0xFFFFFFFF  }
0xc2: {  	_ =	task.clear_ibuf [dreg:s7], $0x2FFFF;
	_ =	strace $0x9FFFFFFF  }
0xc3: {  	(tm) =	ssettm $0x7FFFFFFF  }
tec
execute0_lowered:
.L_overlay_start_1:
0x0: {  	(tag) =	ssettag $0x1  }
0x1: {  	s1 =	rddreg [dreg:$0x0]  }
0x2: {  	s7 =	rddreg [dreg:$0x1]  }
0x3: {  	s3 =	rddreg [dreg:$0x2];
	s4 =	simm.s32 $0x0  }
0x4: {  	s12 =	simm.s32 $0x380;
	[smem:$0x7FF] =	sst s4  }
0x5: {  	s13 =	simm.s32 $0xE80;
	_ =	strace $0x80000047;
	[dreg:$0xc] =	wrdreg s12  }
0x6: {  	s15 =	sadd.s32 $0x22C00, s7;
	[dreg:$0xd] =	wrdreg s13  }
0x7: {  	s14 =	simm.s32 $0x480;
	[smem:$0x7E5] =	sst s15  }
0x8: {  	s16 =	simm.s32 $0xF00;
	[dreg:$0xe] =	wrdreg s14  }
0x9: {  	s0 =	srdreg.scid;
	s17 =	simm.s32 $0x500;
	[dreg:$0xf] =	wrdreg s16  }
0xa: {  	s11 =	stileid.u32;
	s18 =	simm.s32 $0xF80;
	[dreg:$0x10] =	wrdreg s17  }
0xb: {  	s28 =	simm.s32 $0x1000;
	[dreg:$0x11] =	wrdreg s18;
	s14 =	simm.s32 $0x700  }
0xc: {  	s0 =	sand.u32 $0x1, s0;
	s16 =	simm.s32 $0x1180;
	[dreg:$0x17] =	wrdreg s14  }
0xd: {  	s5 =	sshll.u32 s11, $0xE;
	s18 =	sadd.s32 $0x138000, s3;
	[dreg:$0x18] =	wrdreg s16  }
0xe: {  	s2 =	sshll.u32 s0, $0x12;
	s17 =	simm.s32 $0x780;
	[smem:$0x7E8] =	sst s18  }
0xf: {  	s12 =	sadd.s32 $0x25400, s7;
	s13 =	sadd.s32 $0x4C600, s7;
	[dreg:$0x19] =	wrdreg s17  }
0x10: {  	s6 =	sor.u32 s5, s2;
	s2 =	sadd.s32 $0x2C00, s7;
	[smem:$0x7EF] =	sst s12  }
0x11: {  	[smem:$0x7F2] =	sst s13;
	s17 =	simm.s32 $0x1500;
	s5 =	sor.u32 $0x1000, s6  }
0x12: {  	s10 =	sor.u32 $0xC00, s6;
	s22 =	sor.u32 $0x800, s6;
	[smem:$0x7F6] =	sst s17  }
0x13: {  	s8 =	sshrl.u32 s5, $0x3;
	s20 =	sshrl.u32 s10, $0x3;
	s10 =	simm.s32 $0x300  }
0x14: {  	s24 =	sshrl.u32 s22, $0x3;
	s22 =	simm.s32 $0x600;
	[dreg:$0xb] =	wrdreg s10  }
0x15: {  	s5 =	sadd.s32 $0x12C00, s7;
	s9 =	sadd.s32 s8, s2;
	[dreg:$0x13] =	wrdreg s22  }
0x16: {  	s30 =	simm.s32 $0x100;
	s8 =	sadd.s32 s8, s5;
	[dreg:$0x4] =	wrdreg s9  }
0x17: {  	s29 =	simm.s32 $0x6800;
	s21 =	sadd.s32 s20, s2;
	[dreg:$0x5] =	wrdreg s8  }
0x18: {  	s31 =	simm.s32 $0x9000;
	s23 =	sadd.s32 s20, s5;
	[dreg:$0x6] =	wrdreg s21  }
0x19: {  	p1 =	sne.s32 s11, $0xF;
	s25 =	sadd.s32 s24, s2;
	[dreg:$0x7] =	wrdreg s23  }
0x1a: {  	p2 =	seq.s32 s11, $0xF;
	s26 =	sadd.s32 s24, s5;
	[dreg:$0x8] =	wrdreg s25  }
0x1b: {  	s19 =	ssub.s32 $0x2, s0;
	s20 =	simm.s32 $0x580;
	[dreg:$0x9] =	wrdreg s26  }
0x1c: {  	s15 =	sshll.u32 s11, $0x6;
	s24 =	simm.s32 $0x1080;
	[dreg:$0x12] =	wrdreg s20  }
0x1d: {  	p0 =	seq.s32 s0, $0x1;
	s10 =	simm.s32 $0x1100;
	[dreg:$0x14] =	wrdreg s24  }
0x1e: {  	s0 =	simm.s32 $0x800;
	s22 =	simm.s32 $0x880;
	[dreg:$0x16] =	wrdreg s10  }
0x1f: {  	s6 =	sshrl.u32 s6, $0x3;
	s9 =	simm.s32 $0x280;
	[dreg:$0x1c] =	wrdreg s22  }
0x20: {  	s17 =	simm.s32 $0xE00;
	s25 =	simm.s32 $0x680;
	[dreg:$0xa] =	wrdreg s9  }
0x21: {  	s7 =	smul.u32 $0x2700, s11;
	s20 =	simm.s32 $0x1280;
	[dreg:$0x15] =	wrdreg s25  }
0x22: {  	s21 =	sshrl.u32 s19, $0x1;
	s24 =	simm.s32 $0x1300;
	[dreg:$0x1b] =	wrdreg s20  }
0x23: {  	s23 =	smul.u32 $0x4E000, s11;
	s14 =	sadd.s32 s12, s7;
	[dreg:$0x1d] =	wrdreg s24  }
0x24: {  	s10 =	simm.s32 $0x1480;
	s16 =	sadd.s32 s13, s7;
	[smem:$0x7F0] =	sst s14  }
0x25: {  	s22 =	simm.s32 $0x1600;
	s7 =	simm.s32 $0x5;
	[smem:$0x7F1] =	sst s10  }
0x26: {  	s11 =	simm.s32 $0x6;
	s12 =	simm.s32 $0xD00;
	[smem:$0x7F3] =	sst s16  }
0x27: {  	s8 =	ssub.s32 s19, s21;
	s19 =	simm.s32 $0x1200;
	[smem:$0x7FA] =	sst s22  }
0x28: {  	s13 =	simm.s32 $0x7;
	s21 =	sadd.s32 s5, s6;
	[dreg:$0x1a] =	wrdreg s19  }
0x29: {  	s25 =	simm.s32 $0x900;
	s20 =	simm.s32 $0x1580;
	[smem:$0x7E9] =	sst s21  }
0x2a: {  	s24 =	simm.s32 $0x1700;
	s22 =	simm.s32 $0x1;
	[dreg:$0x1e] =	wrdreg s25  }
0x2b: {  	s16 =	simm.s32 $0x4;
	s14 =	simm.s32 $0xD80;
	[smem:$0x7F8] =	sst s20  }
0x2c: {  	s26 =	sshrl.u32 s23, $0x2;
	s23 =	sadd.s32 s2, s6;
	[smem:$0x7FC] =	sst s24  }
0x2d: {  	s10 =	simm.s32 $0x3;
	s18 =	smax.u32 s8, $0x1;
	[smem:$0x7EA] =	sst s23  }
0x2e: {  	s6 =	sor.u32 $0x80, s6;
	s19 =	simm.s32 $0xB00;
	[smem:$0x7F5] =	sst s18  }
0x2f: {  	s21 =	simm.s32 $0xB80;
	s25 =	simm.s32 $0x400;
	[smem:$0x7F7] =	sst s19  }
0x30: {  	s24 =	simm.s32 $0x1800;
	s9 =	sadd.s32 s26, s3;
	[smem:$0x7F9] =	sst s21  }
0x31: {  	s8 =	simm.s32 $0xC80;
	s5 =	sadd.s32 s5, s6;
	[smem:$0x7E6] =	sst s9  }
0x32: {  	s20 =	simm.s32 $0x0;
	s2 =	sadd.s32 s2, s6;
	[smem:$0x7EB] =	sst s5  }
0x33: {  	s26 =	simm.s32 $0x1380;
	s6 =	simm.s32 $0x980;
	[smem:$0x7EC] =	sst s2  }
0x34: {  	s18 =	simm.s32 $0x8;
	s19 =	simm.s32 $0xC00;
	[dreg:$0x1f] =	wrdreg s26  }
0x35: {  	s23 =	simm.s32 $0x1680;
	s21 =	simm.s32 $0x80;
	[smem:$0x7ED] =	sst s6  }
.Ltmp0:
0x36: {  	s9 =	sor.u32 $0x1C08, s15;
	[smem:$0x7FB] =	sst s23;
	(pc) =	sbr.rel .LBB2_1-.Ltmp0, $4  }
0x37: {  	s15 =	simm.s32 $0xA80;
	s26 =	simm.s32 $0x1780;
	[smem:$0x7E7] =	sst s9  }
0x38: {  	s23 =	simm.s32 $0x50;
	s2 =	simm.s32 $0x2;
	[smem:$0x7F4] =	sst s15  }
0x39: {  	s6 =	simm.s32 $0x200;
	s9 =	simm.s32 $0xA00;
	[smem:$0x7FD] =	sst s26  }
0x3a: {  	s26 =	simm.s32 $0x4000;
	s15 =	simm.s32 $0x1400;
	[smem:$0x7EE] =	sst s9  }
.LBB2_6:
0x3b: {  	s5 =	sadd.s32 $0x27000, s5;
	s9 =	sld [smem:$0x7E8]  }
0x3c: {  	[smem:$0x7E0] =	sst s5  }
0x3d: {  	s5 =	sld [smem:$0x7E7]  }
0x3e: {  	s20 =	sld [smem:$0x7E0];
	_ =	sdelay $0x1  }
0x3f: {  	s9 =	sshrl.u32 s9, $0x3  }
0x40: {  	[hbm:s20], [sflag:s5] =	dma.local [spmem:s9], $0x100  }
0x41: {  	s20 =	sld [smem:$0x7E1];
	_ =	swait.ge [sflag:s18], $0x100  }
0x42: {  	[sflag:s18] =	ssyncset.done $0x0  }
0x43: {  	[sflag:s18] =	ssyncadd.s32 $0xFFFFFF00  }
.LBB2_7:
0x44: {  	s5 =	sld [smem:$0x7F5];
	_ =	sdelay $0x1  }
0x45: {  	s20 =	sadd.s32 $0x1, s20  }
0x46: {  	p3 =	sne.s32 s20, s5  }
.Ltmp1:
0x47: {  	_ = 	snop;
	(pc) =	sbr.rel @!p3 .LBB2_8-.Ltmp1, $1  }
0x48: {  	_ =	sdelay $0x3  }
.LBB2_1:
0x49: {  	[smem:$0x7E1] =	sst s20  }
0x4a: {  	s5 =	sld [smem:$0x7E6]  }
0x4b: {  	s9 =	sld [smem:$0x7E5]  }
0x4c: {  	s20 =	sld [smem:$0x7E7]  }
0x4d: {  	s5 =	sshrl.u32 s5, $0x3  }
0x4e: {  	[smem:$0x7E2] =	sst s5  }
0x4f: {  	[spmem:s5], [sflag:s20] =	dma.local [hbm:s9], $0x2700  }
0x50: {  	_ =	swait.ge [sflag:s18], $0x2700  }
0x51: {  	s5 =	sld [smem:$0x7E8];
	_ =	sdelay $0x1  }
0x52: {  	[sflag:s18] =	ssyncset.done $0x0  }
0x53: {  	[sflag:s18] =	ssyncadd.s32 $0xFFFFD900;
	s5 =	sshrl.u32 @!p1 s5, $0x3  }
0x54: {  	[spmem:s5], [sflag:s20] =	dma.local @!p1 [hbm:s9], $0x100  }
0x55: {  	s5 =	simm.s32 @!p1 $0x8  }
0x56: {  	_ =	swait.ge @!p1 [sflag:s5], $0x100  }
0x57: {  	[sflag:s5] =	ssyncset.done @!p1 $0x0  }
0x58: {  	[sflag:s5] =	ssyncadd.s32 @!p1 $0xFFFFFF00  }
0x59: {  	[bflag:$0x0] =	sbarrier.arrive $0xFFFF  }
0x5a: {  	s9 =	sld [smem:$0x7E9];
	_ =	sdelay $0x1  }
0x5b: {  	s20 =	sld [smem:$0x7EA]  }
0x5c: {  	[tilespmem:s4], [sflag:$0x1] =	stream.linear.gather [hbm4b:s9+s4], $0x400, $0x38;
	[tilespmem:$0x1F080] =	vst v63  }
0x5d: {  	s9 =	sld [smem:$0x7EB]  }
0x5e: {  	[tilespmem:s19], [sflag:$0x1] =	stream.linear.gather [hbm4b:s20+s4], $0x400, $0x38;
	[tilespmem:$0x1F080] =	vst v63  }
0x5f: {  	s20 =	sld [smem:$0x7EC]  }
0x60: {  	[tilespmem:s25], [sflag:$0x2] =	stream.linear.gather [hbm4b:s9+s4], $0x400, $0x38;
	[tilespmem:$0x1F080] =	vst v63  }
0x61: {  	_ = 	snop  }
0x62: {  	[tilespmem:s28], [sflag:$0x2] =	stream.linear.gather [hbm4b:s20+s4], $0x400, $0x38;
	[tilespmem:$0x1F080] =	vst v63  }
0x63: {  	_ =	swait.ge [sflag:s22], $0x400  }
0x64: {  	[sflag:s22] =	ssyncset.done $0x0  }
0x65: {  	[sflag:s22] =	ssyncadd.s32 $0xFFFFFC00  }
0x66: {  	_ =	swait.ge [sflag:s22], $0x400  }
0x67: {  	[sflag:s22] =	ssyncset.done $0x0  }
0x68: {  	[sflag:s22] =	ssyncadd.s32 $0xFFFFFC00  }
0x69: {  	[tilespmem:s24], [sflag:$0x4] =	stream.indirect.gather [hbm4b:s1+s23], $0x80, s4, s23, $0xb8;
	[tilespmem:$0x1F080] =	vst v63  }
0x6a: {  	_ = 	snop  }
0x6b: {  	[tilespmem:s26], [sflag:$0x5] =	stream.indirect.gather [hbm4b:s1+s23], $0x80, s21, s23, $0xb8;
	[tilespmem:$0x1F080] =	vst v63  }
0x6c: {  	_ = 	snop  }
0x6d: {  	[tilespmem:s29], [sflag:$0x6] =	stream.indirect.gather [hbm4b:s1+s23], $0x80, s30, s23, $0xb8;
	[tilespmem:$0x1F080] =	vst v63  }
0x6e: {  	s20 =	simm.s32 $0x180  }
0x6f: {  	[tilespmem:s31], [sflag:$0x7] =	stream.indirect.gather [hbm4b:s1+s23], $0x80, s20, s23, $0xb8;
	[tilespmem:$0x1F080] =	vst v63  }
0x70: {  	_ =	swait.ge [sflag:s2], $0x400  }
0x71: {  	[sflag:s2] =	ssyncset.done $0x0  }
0x72: {  	[sflag:s2] =	ssyncadd.s32 $0xFFFFFC00  }
0x73: {  	_ =	swait.ge [sflag:s2], $0x400  }
0x74: {  	s5 =	rddreg [dreg:$0x9];
	[sflag:s2] =	ssyncset.done $0x0  }
0x75: {  	s9 =	rddreg [dreg:$0x8];
	[sflag:s2] =	ssyncadd.s32 $0xFFFFFC00;
	s5 =	sadd.s32 $0x0, s5  }
0x76: {  	[tilespmem:s0], [sflag:$0x3] =	stream.linear.gather [hbm4b:s5+s4], $0x400, $0x38;
	[tilespmem:$0x1F080] =	vst v63  }
0x77: {  	s9 =	sadd.s32 $0x0, s9  }
0x78: {  	[tilespmem:s15], [sflag:$0x3] =	stream.linear.gather [hbm4b:s9+s4], $0x400, $0x38;
	[tilespmem:$0x1F080] =	vst v63  }
0x79: {  	_ =	swait.ge [sflag:s16], $0x2800  }
0x7a: {  	[sflag:s16] =	ssyncset.done $0x0  }
0x7b: {  	[sflag:s16] =	ssyncadd.s32 $0xFFFFD800  }
0x7c: {  	[spmem:s3] =	stream.indirect.scatter.add.f32 [tilespmem:s24], [sflag:$0x8], $0x80, s19, s23, $0xb8;
	[tilespmem:$0x1F080] =	vst v63  }
0x7d: {  	_ =	swait.ge [sflag:s18], $0x2800  }
0x7e: {  	[sflag:s18] =	ssyncset.done $0x0  }
0x7f: {  	[sflag:s18] =	ssyncadd.s32 $0xFFFFD800  }
0x80: {  	[tilespmem:s24], [sflag:$0x4] =	stream.indirect.gather [hbm4b:s1+s23], $0x80, s6, s23, $0xb8;
	[tilespmem:$0x1F080] =	vst v63  }
0x81: {  	_ =	swait.ge [sflag:s7], $0x2800  }
0x82: {  	[sflag:s7] =	ssyncset.done $0x0  }
0x83: {  	[sflag:s7] =	ssyncadd.s32 $0xFFFFD800  }
0x84: {  	[spmem:s3] =	stream.indirect.scatter.add.f32 [tilespmem:s26], [sflag:$0x8], $0x80, s8, s23, $0xb8;
	[tilespmem:$0x1F080] =	vst v63  }
0x85: {  	_ =	swait.ge [sflag:s18], $0x2800  }
0x86: {  	[sflag:s18] =	ssyncset.done $0x0  }
0x87: {  	s9 =	rddreg [dreg:$0xa];
	[sflag:s18] =	ssyncadd.s32 $0xFFFFD800  }
0x88: {  	[tilespmem:s26], [sflag:$0x5] =	stream.indirect.gather [hbm4b:s1+s23], $0x80, s9, s23, $0xb8;
	[tilespmem:$0x1F080] =	vst v63  }
0x89: {  	_ =	swait.ge [sflag:s11], $0x2800  }
0x8a: {  	[sflag:s11] =	ssyncset.done $0x0  }
0x8b: {  	[sflag:s11] =	ssyncadd.s32 $0xFFFFD800  }
0x8c: {  	[spmem:s3] =	stream.indirect.scatter.add.f32 [tilespmem:s29], [sflag:$0x8], $0x80, s12, s23, $0xb8;
	[tilespmem:$0x1F080] =	vst v63  }
0x8d: {  	_ =	swait.ge [sflag:s18], $0x2800  }
0x8e: {  	[sflag:s18] =	ssyncset.done $0x0  }
0x8f: {  	s6 =	rddreg [dreg:$0xb];
	[sflag:s18] =	ssyncadd.s32 $0xFFFFD800  }
0x90: {  	[tilespmem:s29], [sflag:$0x6] =	stream.indirect.gather [hbm4b:s1+s23], $0x80, s6, s23, $0xb8;
	[tilespmem:$0x1F080] =	vst v63  }
0x91: {  	_ =	swait.ge [sflag:s13], $0x2800  }
0x92: {  	[sflag:s13] =	ssyncset.done $0x0  }
0x93: {  	[sflag:s13] =	ssyncadd.s32 $0xFFFFD800  }
0x94: {  	[spmem:s3] =	stream.indirect.scatter.add.f32 [tilespmem:s31], [sflag:$0x8], $0x80, s14, s23, $0xb8;
	[tilespmem:$0x1F080] =	vst v63  }
0x95: {  	_ =	swait.ge [sflag:s18], $0x2800  }
0x96: {  	[sflag:s18] =	ssyncset.done $0x0  }
0x97: {  	s8 =	rddreg [dreg:$0xc];
	[sflag:s18] =	ssyncadd.s32 $0xFFFFD800  }
0x98: {  	[tilespmem:s31], [sflag:$0x7] =	stream.indirect.gather [hbm4b:s1+s23], $0x80, s8, s23, $0xb8;
	[tilespmem:$0x1F080] =	vst v63  }
0x99: {  	_ =	swait.ge [sflag:s16], $0x2800  }
0x9a: {  	[sflag:s16] =	ssyncset.done $0x0  }
0x9b: {  	[sflag:s16] =	ssyncadd.s32 $0xFFFFD800  }
0x9c: {  	[spmem:s3] =	stream.indirect.scatter.add.f32 [tilespmem:s24], [sflag:$0x8], $0x80, s17, s23, $0xb8;
	[tilespmem:$0x1F080] =	vst v63  }
0x9d: {  	_ =	swait.ge [sflag:s18], $0x2800  }
0x9e: {  	[sflag:s18] =	ssyncset.done $0x0  }
0x9f: {  	[sflag:s18] =	ssyncadd.s32 $0xFFFFD800  }
0xa0: {  	[tilespmem:s24], [sflag:$0x4] =	stream.indirect.gather [hbm4b:s1+s23], $0x80, s25, s23, $0xb8;
	[tilespmem:$0x1F080] =	vst v63  }
0xa1: {  	_ =	swait.ge [sflag:s7], $0x2800  }
0xa2: {  	[sflag:s7] =	ssyncset.done $0x0  }
0xa3: {  	s9 =	rddreg [dreg:$0xd];
	[sflag:s7] =	ssyncadd.s32 $0xFFFFD800  }
0xa4: {  	[spmem:s3] =	stream.indirect.scatter.add.f32 [tilespmem:s26], [sflag:$0x8], $0x80, s9, s23, $0xb8;
	[tilespmem:$0x1F080] =	vst v63  }
0xa5: {  	_ =	swait.ge [sflag:s18], $0x2800  }
0xa6: {  	[sflag:s18] =	ssyncset.done $0x0  }
0xa7: {  	s6 =	rddreg [dreg:$0xe];
	[sflag:s18] =	ssyncadd.s32 $0xFFFFD800  }
0xa8: {  	[tilespmem:s26], [sflag:$0x5] =	stream.indirect.gather [hbm4b:s1+s23], $0x80, s6, s23, $0xb8;
	[tilespmem:$0x1F080] =	vst v63  }
0xa9: {  	_ =	swait.ge [sflag:s11], $0x2800  }
0xaa: {  	[sflag:s11] =	ssyncset.done $0x0  }
0xab: {  	s8 =	rddreg [dreg:$0xf];
	[sflag:s11] =	ssyncadd.s32 $0xFFFFD800  }
0xac: {  	[spmem:s3] =	stream.indirect.scatter.add.f32 [tilespmem:s29], [sflag:$0x8], $0x80, s8, s23, $0xb8;
	[tilespmem:$0x1F080] =	vst v63  }
0xad: {  	_ =	swait.ge [sflag:s18], $0x2800  }
0xae: {  	[sflag:s18] =	ssyncset.done $0x0  }
0xaf: {  	s9 =	rddreg [dreg:$0x10];
	[sflag:s18] =	ssyncadd.s32 $0xFFFFD800  }
0xb0: {  	[tilespmem:s29], [sflag:$0x6] =	stream.indirect.gather [hbm4b:s1+s23], $0x80, s9, s23, $0xb8;
	[tilespmem:$0x1F080] =	vst v63  }
0xb1: {  	_ =	swait.ge [sflag:s13], $0x2800  }
0xb2: {  	[sflag:s13] =	ssyncset.done $0x0  }
0xb3: {  	s6 =	rddreg [dreg:$0x11];
	[sflag:s13] =	ssyncadd.s32 $0xFFFFD800  }
0xb4: {  	[spmem:s3] =	stream.indirect.scatter.add.f32 [tilespmem:s31], [sflag:$0x8], $0x80, s6, s23, $0xb8;
	[tilespmem:$0x1F080] =	vst v63  }
0xb5: {  	_ =	swait.ge [sflag:s18], $0x2800  }
0xb6: {  	[sflag:s18] =	ssyncset.done $0x0  }
0xb7: {  	s8 =	rddreg [dreg:$0x12];
	[sflag:s18] =	ssyncadd.s32 $0xFFFFD800  }
0xb8: {  	[tilespmem:s31], [sflag:$0x7] =	stream.indirect.gather [hbm4b:s1+s23], $0x80, s8, s23, $0xb8;
	[tilespmem:$0x1F080] =	vst v63  }
0xb9: {  	_ =	swait.ge [sflag:s10], $0x400  }
0xba: {  	[sflag:s10] =	ssyncset.done $0x0  }
0xbb: {  	[sflag:s10] =	ssyncadd.s32 $0xFFFFFC00  }
0xbc: {  	_ =	swait.ge [sflag:s10], $0x400  }
0xbd: {  	s9 =	rddreg [dreg:$0x7];
	[sflag:s10] =	ssyncset.done $0x0  }
0xbe: {  	s6 =	rddreg [dreg:$0x6];
	[sflag:s10] =	ssyncadd.s32 $0xFFFFFC00;
	s5 =	sadd.s32 $0x0, s9  }
0xbf: {  	[tilespmem:s4], [sflag:$0x1] =	stream.linear.gather [hbm4b:s5+s4], $0x400, $0x38;
	[tilespmem:$0x1F080] =	vst v63  }
0xc0: {  	s8 =	sadd.s32 $0x0, s6  }
0xc1: {  	[tilespmem:s19], [sflag:$0x1] =	stream.linear.gather [hbm4b:s8+s4], $0x400, $0x38;
	[tilespmem:$0x1F080] =	vst v63  }
0xc2: {  	_ =	swait.ge [sflag:s16], $0x2800  }
0xc3: {  	[sflag:s16] =	ssyncset.done $0x0  }
0xc4: {  	[sflag:s16] =	ssyncadd.s32 $0xFFFFD800  }
0xc5: {  	[spmem:s3] =	stream.indirect.scatter.add.f32 [tilespmem:s24], [sflag:$0x8], $0x80, s28, s23, $0xb8;
	[tilespmem:$0x1F080] =	vst v63  }
0xc6: {  	_ =	swait.ge [sflag:s18], $0x2800  }
0xc7: {  	[sflag:s18] =	ssyncset.done $0x0  }
0xc8: {  	s9 =	rddreg [dreg:$0x13];
	[sflag:s18] =	ssyncadd.s32 $0xFFFFD800  }
0xc9: {  	[tilespmem:s24], [sflag:$0x4] =	stream.indirect.gather [hbm4b:s1+s23], $0x80, s9, s23, $0xb8;
	[tilespmem:$0x1F080] =	vst v63  }
0xca: {  	_ =	swait.ge [sflag:s7], $0x2800  }
0xcb: {  	[sflag:s7] =	ssyncset.done $0x0  }
0xcc: {  	s6 =	rddreg [dreg:$0x14];
	[sflag:s7] =	ssyncadd.s32 $0xFFFFD800  }
0xcd: {  	[spmem:s3] =	stream.indirect.scatter.add.f32 [tilespmem:s26], [sflag:$0x8], $0x80, s6, s23, $0xb8;
	[tilespmem:$0x1F080] =	vst v63  }
0xce: {  	_ =	swait.ge [sflag:s18], $0x2800  }
0xcf: {  	[sflag:s18] =	ssyncset.done $0x0  }
0xd0: {  	s8 =	rddreg [dreg:$0x15];
	[sflag:s18] =	ssyncadd.s32 $0xFFFFD800  }
0xd1: {  	[tilespmem:s26], [sflag:$0x5] =	stream.indirect.gather [hbm4b:s1+s23], $0x80, s8, s23, $0xb8;
	[tilespmem:$0x1F080] =	vst v63  }
0xd2: {  	_ =	swait.ge [sflag:s11], $0x2800  }
0xd3: {  	[sflag:s11] =	ssyncset.done $0x0  }
0xd4: {  	s9 =	rddreg [dreg:$0x16];
	[sflag:s11] =	ssyncadd.s32 $0xFFFFD800  }
0xd5: {  	[spmem:s3] =	stream.indirect.scatter.add.f32 [tilespmem:s29], [sflag:$0x8], $0x80, s9, s23, $0xb8;
	[tilespmem:$0x1F080] =	vst v63  }
0xd6: {  	_ =	swait.ge [sflag:s18], $0x2800  }
0xd7: {  	[sflag:s18] =	ssyncset.done $0x0  }
0xd8: {  	s6 =	rddreg [dreg:$0x17];
	[sflag:s18] =	ssyncadd.s32 $0xFFFFD800  }
0xd9: {  	[tilespmem:s29], [sflag:$0x6] =	stream.indirect.gather [hbm4b:s1+s23], $0x80, s6, s23, $0xb8;
	[tilespmem:$0x1F080] =	vst v63  }
0xda: {  	_ =	swait.ge [sflag:s13], $0x2800  }
0xdb: {  	[sflag:s13] =	ssyncset.done $0x0  }
0xdc: {  	s8 =	rddreg [dreg:$0x18];
	[sflag:s13] =	ssyncadd.s32 $0xFFFFD800  }
0xdd: {  	[spmem:s3] =	stream.indirect.scatter.add.f32 [tilespmem:s31], [sflag:$0x8], $0x80, s8, s23, $0xb8;
	[tilespmem:$0x1F080] =	vst v63  }
0xde: {  	_ =	swait.ge [sflag:s18], $0x2800  }
0xdf: {  	[sflag:s18] =	ssyncset.done $0x0  }
0xe0: {  	s9 =	rddreg [dreg:$0x19];
	[sflag:s18] =	ssyncadd.s32 $0xFFFFD800  }
0xe1: {  	[tilespmem:s31], [sflag:$0x7] =	stream.indirect.gather [hbm4b:s1+s23], $0x80, s9, s23, $0xb8;
	[tilespmem:$0x1F080] =	vst v63  }
0xe2: {  	_ =	swait.ge [sflag:s16], $0x2800  }
0xe3: {  	[sflag:s16] =	ssyncset.done $0x0  }
0xe4: {  	s6 =	rddreg [dreg:$0x1a];
	[sflag:s16] =	ssyncadd.s32 $0xFFFFD800  }
0xe5: {  	[spmem:s3] =	stream.indirect.scatter.add.f32 [tilespmem:s24], [sflag:$0x8], $0x80, s6, s23, $0xb8;
	[tilespmem:$0x1F080] =	vst v63  }
0xe6: {  	_ =	swait.ge [sflag:s18], $0x2800  }
0xe7: {  	[sflag:s18] =	ssyncset.done $0x0  }
0xe8: {  	[sflag:s18] =	ssyncadd.s32 $0xFFFFD800  }
0xe9: {  	[tilespmem:s24], [sflag:$0x4] =	stream.indirect.gather [hbm4b:s1+s23], $0x80, s0, s23, $0xb8;
	[tilespmem:$0x1F080] =	vst v63  }
0xea: {  	_ =	swait.ge [sflag:s7], $0x2800  }
0xeb: {  	[sflag:s7] =	ssyncset.done $0x0  }
0xec: {  	s8 =	rddreg [dreg:$0x1b];
	[sflag:s7] =	ssyncadd.s32 $0xFFFFD800  }
0xed: {  	[spmem:s3] =	stream.indirect.scatter.add.f32 [tilespmem:s26], [sflag:$0x8], $0x80, s8, s23, $0xb8;
	[tilespmem:$0x1F080] =	vst v63  }
0xee: {  	_ =	swait.ge [sflag:s18], $0x2800  }
0xef: {  	[sflag:s18] =	ssyncset.done $0x0  }
0xf0: {  	s9 =	rddreg [dreg:$0x1c];
	[sflag:s18] =	ssyncadd.s32 $0xFFFFD800  }
0xf1: {  	[tilespmem:s26], [sflag:$0x5] =	stream.indirect.gather [hbm4b:s1+s23], $0x80, s9, s23, $0xb8;
	[tilespmem:$0x1F080] =	vst v63  }
0xf2: {  	_ =	swait.ge [sflag:s11], $0x2800  }
0xf3: {  	[sflag:s11] =	ssyncset.done $0x0  }
0xf4: {  	s6 =	rddreg [dreg:$0x1d];
	[sflag:s11] =	ssyncadd.s32 $0xFFFFD800  }
0xf5: {  	[spmem:s3] =	stream.indirect.scatter.add.f32 [tilespmem:s29], [sflag:$0x8], $0x80, s6, s23, $0xb8;
	[tilespmem:$0x1F080] =	vst v63  }
0xf6: {  	_ =	swait.ge [sflag:s18], $0x2800  }
0xf7: {  	[sflag:s18] =	ssyncset.done $0x0  }
0xf8: {  	s8 =	rddreg [dreg:$0x1e];
	[sflag:s18] =	ssyncadd.s32 $0xFFFFD800  }
0xf9: {  	[tilespmem:s29], [sflag:$0x6] =	stream.indirect.gather [hbm4b:s1+s23], $0x80, s8, s23, $0xb8;
	[tilespmem:$0x1F080] =	vst v63  }
0xfa: {  	_ =	swait.ge [sflag:s13], $0x2800  }
0xfb: {  	[sflag:s13] =	ssyncset.done $0x0  }
0xfc: {  	s9 =	rddreg [dreg:$0x1f];
	[sflag:s13] =	ssyncadd.s32 $0xFFFFD800  }
0xfd: {  	[spmem:s3] =	stream.indirect.scatter.add.f32 [tilespmem:s31], [sflag:$0x8], $0x80, s9, s23, $0xb8;
	[tilespmem:$0x1F080] =	vst v63  }
0xfe: {  	_ =	swait.ge [sflag:s18], $0x2800  }
0xff: {  	s6 =	sld [smem:$0x7ED]  }
0x100: {  	[sflag:s18] =	ssyncset.done $0x0  }
0x101: {  	[sflag:s18] =	ssyncadd.s32 $0xFFFFD800  }
0x102: {  	[tilespmem:s31], [sflag:$0x7] =	stream.indirect.gather [hbm4b:s1+s23], $0x80, s6, s23, $0xb8;
	[tilespmem:$0x1F080] =	vst v63  }
0x103: {  	_ =	swait.ge [sflag:s22], $0x400  }
0x104: {  	[sflag:s22] =	ssyncset.done $0x0  }
0x105: {  	[sflag:s22] =	ssyncadd.s32 $0xFFFFFC00  }
0x106: {  	_ =	swait.ge [sflag:s22], $0x400  }
0x107: {  	p3 =	por $0x0, $0x0;
	s5 =	rddreg [dreg:$0x5]  }
0x108: {  	s5 =	sadd.s32 @!p3 $0x0, s5  }
0x109: {  	[smem:$0x7E3] =	sst s5  }
0x10a: {  	s6 =	sld [smem:$0x7E3]  }
0x10b: {  	s9 =	simm.s32 @!p3 $0x400;
	[sflag:s22] =	ssyncset.done $0x0;
	s8 =	rddreg [dreg:$0x4]  }
0x10c: {  	[smem:$0x7E4] =	sst s8;
	[sflag:s22] =	ssyncadd.s32 $0xFFFFFC00;
	s5 =	simm.s32 @!p3 $0x0  }
0x10d: {  	[tilespmem:s9], [sflag:$0x2] =	stream.linear.gather @!p3 [hbm4b:s6+s5], $0x400, $0x38;
	[tilespmem:$0x1F080] =	vst v63  }
0x10e: {  	s9 =	sld [smem:$0x7E4];
	_ =	sdelay $0x2  }
0x10f: {  	s8 =	simm.s32 @!p3 $0x1000;
	s5 =	simm.s32 @!p3 $0x0;
	s9 =	sadd.s32 @!p3 $0x0, s9  }
0x110: {  	[tilespmem:s8], [sflag:$0x2] =	stream.linear.gather @!p3 [hbm4b:s9+s5], $0x400, $0x38;
	[tilespmem:$0x1F080] =	vst v63  }
0x111: {  	_ =	swait.ge [sflag:s16], $0x2800  }
0x112: {  	[sflag:s16] =	ssyncset.done $0x0  }
0x113: {  	[sflag:s16] =	ssyncadd.s32 $0xFFFFD800  }
0x114: {  	[spmem:s3] =	stream.indirect.scatter.add.f32 [tilespmem:s24], [sflag:$0x8], $0x80, s15, s23, $0xb8;
	[tilespmem:$0x1F080] =	vst v63  }
0x115: {  	_ =	swait.ge [sflag:s18], $0x2800  }
0x116: {  	s9 =	sld [smem:$0x7EE]  }
0x117: {  	[sflag:s18] =	ssyncset.done $0x0  }
0x118: {  	[sflag:s18] =	ssyncadd.s32 $0xFFFFD800  }
0x119: {  	[tilespmem:s24], [sflag:$0x4] =	stream.indirect.gather [hbm4b:s1+s23], $0x80, s9, s23, $0xb8;
	[tilespmem:$0x1F080] =	vst v63  }
0x11a: {  	_ =	swait.ge [sflag:s7], $0x2800  }
0x11b: {  	s9 =	sld [smem:$0x7F1]  }
0x11c: {  	[sflag:s7] =	ssyncset.done $0x0  }
0x11d: {  	[sflag:s7] =	ssyncadd.s32 $0xFFFFD800  }
0x11e: {  	[spmem:s3] =	stream.indirect.scatter.add.f32 [tilespmem:s26], [sflag:$0x8], $0x80, s9, s23, $0xb8;
	[tilespmem:$0x1F080] =	vst v63  }
0x11f: {  	_ =	swait.ge [sflag:s18], $0x2800  }
0x120: {  	s9 =	sld [smem:$0x7F4]  }
0x121: {  	[sflag:s18] =	ssyncset.done $0x0  }
0x122: {  	[sflag:s18] =	ssyncadd.s32 $0xFFFFD800  }
0x123: {  	[tilespmem:s26], [sflag:$0x5] =	stream.indirect.gather [hbm4b:s1+s23], $0x80, s9, s23, $0xb8;
	[tilespmem:$0x1F080] =	vst v63  }
0x124: {  	_ =	swait.ge [sflag:s11], $0x2800  }
0x125: {  	s9 =	sld [smem:$0x7F6]  }
0x126: {  	[sflag:s11] =	ssyncset.done $0x0  }
0x127: {  	[sflag:s11] =	ssyncadd.s32 $0xFFFFD800  }
0x128: {  	[spmem:s3] =	stream.indirect.scatter.add.f32 [tilespmem:s29], [sflag:$0x8], $0x80, s9, s23, $0xb8;
	[tilespmem:$0x1F080] =	vst v63  }
0x129: {  	_ =	swait.ge [sflag:s18], $0x2800  }
0x12a: {  	s9 =	sld [smem:$0x7F7]  }
0x12b: {  	[sflag:s18] =	ssyncset.done $0x0  }
0x12c: {  	[sflag:s18] =	ssyncadd.s32 $0xFFFFD800  }
0x12d: {  	[tilespmem:s29], [sflag:$0x6] =	stream.indirect.gather [hbm4b:s1+s23], $0x80, s9, s23, $0xb8;
	[tilespmem:$0x1F080] =	vst v63  }
0x12e: {  	_ =	swait.ge [sflag:s13], $0x2800  }
0x12f: {  	s9 =	sld [smem:$0x7F8]  }
0x130: {  	[sflag:s13] =	ssyncset.done $0x0  }
0x131: {  	[sflag:s13] =	ssyncadd.s32 $0xFFFFD800  }
0x132: {  	[spmem:s3] =	stream.indirect.scatter.add.f32 [tilespmem:s31], [sflag:$0x8], $0x80, s9, s23, $0xb8;
	[tilespmem:$0x1F080] =	vst v63  }
0x133: {  	_ =	swait.ge [sflag:s18], $0x2800  }
0x134: {  	s9 =	sld [smem:$0x7F9]  }
0x135: {  	[sflag:s18] =	ssyncset.done $0x0  }
0x136: {  	[sflag:s18] =	ssyncadd.s32 $0xFFFFD800  }
0x137: {  	[tilespmem:s31], [sflag:$0x7] =	stream.indirect.gather [hbm4b:s1+s23], $0x80, s9, s23, $0xb8;
	[tilespmem:$0x1F080] =	vst v63  }
0x138: {  	_ =	swait.ge [sflag:s16], $0x2800  }
0x139: {  	s9 =	sld [smem:$0x7FA]  }
0x13a: {  	[sflag:s16] =	ssyncset.done $0x0  }
0x13b: {  	[sflag:s16] =	ssyncadd.s32 $0xFFFFD800  }
0x13c: {  	[spmem:s3] =	stream.indirect.scatter.add.f32 [tilespmem:s24], [sflag:$0x8], $0x80, s9, s23, $0xb8;
	[tilespmem:$0x1F080] =	vst v63  }
0x13d: {  	_ =	swait.ge [sflag:s18], $0x2800  }
0x13e: {  	[sflag:s18] =	ssyncset.done $0x0  }
0x13f: {  	[sflag:s18] =	ssyncadd.s32 $0xFFFFD800  }
0x140: {  	[tilespmem:s24], [sflag:$0x4] =	stream.indirect.gather [hbm4b:s1+s23], $0x80, s4, s23, $0xb8;
	[tilespmem:$0x1F080] =	vst v63  }
0x141: {  	_ =	swait.ge [sflag:s7], $0x2800  }
0x142: {  	s9 =	sld [smem:$0x7FB]  }
0x143: {  	[sflag:s7] =	ssyncset.done $0x0  }
0x144: {  	[sflag:s7] =	ssyncadd.s32 $0xFFFFD800  }
0x145: {  	[spmem:s3] =	stream.indirect.scatter.add.f32 [tilespmem:s26], [sflag:$0x8], $0x80, s9, s23, $0xb8;
	[tilespmem:$0x1F080] =	vst v63  }
0x146: {  	_ =	swait.ge [sflag:s18], $0x2800  }
0x147: {  	[sflag:s18] =	ssyncset.done $0x0  }
0x148: {  	[sflag:s18] =	ssyncadd.s32 $0xFFFFD800  }
0x149: {  	[tilespmem:s26], [sflag:$0x5] =	stream.indirect.gather [hbm4b:s1+s23], $0x80, s21, s23, $0xb8;
	[tilespmem:$0x1F080] =	vst v63  }
0x14a: {  	_ =	swait.ge [sflag:s11], $0x2800  }
0x14b: {  	s21 =	sld [smem:$0x7FC]  }
0x14c: {  	[sflag:s11] =	ssyncset.done $0x0  }
0x14d: {  	[sflag:s11] =	ssyncadd.s32 $0xFFFFD800  }
0x14e: {  	[spmem:s3] =	stream.indirect.scatter.add.f32 [tilespmem:s29], [sflag:$0x8], $0x80, s21, s23, $0xb8;
	[tilespmem:$0x1F080] =	vst v63  }
0x14f: {  	_ =	swait.ge [sflag:s18], $0x2800  }
0x150: {  	[sflag:s18] =	ssyncset.done $0x0  }
0x151: {  	[sflag:s18] =	ssyncadd.s32 $0xFFFFD800  }
0x152: {  	[tilespmem:s29], [sflag:$0x6] =	stream.indirect.gather [hbm4b:s1+s23], $0x80, s30, s23, $0xb8;
	[tilespmem:$0x1F080] =	vst v63  }
0x153: {  	_ =	swait.ge [sflag:s13], $0x2800  }
0x154: {  	s30 =	sld [smem:$0x7FD]  }
0x155: {  	[sflag:s13] =	ssyncset.done $0x0  }
0x156: {  	[sflag:s13] =	ssyncadd.s32 $0xFFFFD800  }
0x157: {  	[spmem:s3] =	stream.indirect.scatter.add.f32 [tilespmem:s31], [sflag:$0x8], $0x80, s30, s23, $0xb8;
	[tilespmem:$0x1F080] =	vst v63  }
0x158: {  	s6 =	simm.s32 $0x200;
	_ =	swait.ge [sflag:s18], $0x2800  }
0x159: {  	s8 =	simm.s32 $0xC80;
	s9 =	simm.s32 $0x180;
	[sflag:s18] =	ssyncset.done $0x0  }
.LBB2_2:
0x15a: {  	[sflag:s18] =	ssyncadd.s32 $0xFFFFD800  }
0x15b: {  	[tilespmem:s31], [sflag:$0x7] =	stream.indirect.gather [hbm4b:s1+s23], $0x80, s20, s23, $0xb8;
	[tilespmem:$0x1F080] =	vst v63  }
0x15c: {  	_ =	swait.ge [sflag:s2], $0x400  }
0x15d: {  	[sflag:s2] =	ssyncset.done $0x0  }
0x15e: {  	[sflag:s2] =	ssyncadd.s32 $0xFFFFFC00  }
0x15f: {  	_ =	swait.ge [sflag:s2], $0x400  }
0x160: {  	s5 =	smov.u32 s9;
	s20 =	rddreg [dreg:$0x9];
	[sflag:s2] =	ssyncset.done $0x0  }
0x161: {  	s21 =	rddreg [dreg:$0x8];
	[sflag:s2] =	ssyncadd.s32 $0xFFFFFC00;
	s20 =	sadd.s32 s5, s20  }
0x162: {  	[tilespmem:s0], [sflag:$0x3] =	stream.linear.gather [hbm4b:s20+s4], $0x400, $0x38;
	[tilespmem:$0x1F080] =	vst v63  }
0x163: {  	s21 =	sadd.s32 s5, s21  }
0x164: {  	[tilespmem:s15], [sflag:$0x3] =	stream.linear.gather [hbm4b:s21+s4], $0x400, $0x38;
	[tilespmem:$0x1F080] =	vst v63  }
0x165: {  	_ =	swait.ge [sflag:s16], $0x2800  }
0x166: {  	[sflag:s16] =	ssyncset.done $0x0  }
0x167: {  	[sflag:s16] =	ssyncadd.s32 $0xFFFFD800  }
0x168: {  	[spmem:s3] =	stream.indirect.scatter.add.f32 [tilespmem:s24], [sflag:$0x8], $0x80, s19, s23, $0xb8;
	[tilespmem:$0x1F080] =	vst v63  }
0x169: {  	_ =	swait.ge [sflag:s18], $0x2800  }
0x16a: {  	[sflag:s18] =	ssyncset.done $0x0  }
0x16b: {  	[sflag:s18] =	ssyncadd.s32 $0xFFFFD800  }
0x16c: {  	[tilespmem:s24], [sflag:$0x4] =	stream.indirect.gather [hbm4b:s1+s23], $0x80, s6, s23, $0xb8;
	[tilespmem:$0x1F080] =	vst v63  }
0x16d: {  	_ =	swait.ge [sflag:s7], $0x2800  }
0x16e: {  	[sflag:s7] =	ssyncset.done $0x0  }
0x16f: {  	[sflag:s7] =	ssyncadd.s32 $0xFFFFD800  }
0x170: {  	[spmem:s3] =	stream.indirect.scatter.add.f32 [tilespmem:s26], [sflag:$0x8], $0x80, s8, s23, $0xb8;
	[tilespmem:$0x1F080] =	vst v63  }
0x171: {  	_ =	swait.ge [sflag:s18], $0x2800  }
0x172: {  	[sflag:s18] =	ssyncset.done $0x0  }
0x173: {  	s21 =	rddreg [dreg:$0xa];
	[sflag:s18] =	ssyncadd.s32 $0xFFFFD800  }
0x174: {  	[tilespmem:s26], [sflag:$0x5] =	stream.indirect.gather [hbm4b:s1+s23], $0x80, s21, s23, $0xb8;
	[tilespmem:$0x1F080] =	vst v63  }
0x175: {  	_ =	swait.ge [sflag:s11], $0x2800  }
0x176: {  	[sflag:s11] =	ssyncset.done $0x0  }
0x177: {  	[sflag:s11] =	ssyncadd.s32 $0xFFFFD800  }
0x178: {  	[spmem:s3] =	stream.indirect.scatter.add.f32 [tilespmem:s29], [sflag:$0x8], $0x80, s12, s23, $0xb8;
	[tilespmem:$0x1F080] =	vst v63  }
0x179: {  	_ =	swait.ge [sflag:s18], $0x2800  }
0x17a: {  	[sflag:s18] =	ssyncset.done $0x0  }
0x17b: {  	s21 =	rddreg [dreg:$0xb];
	[sflag:s18] =	ssyncadd.s32 $0xFFFFD800  }
0x17c: {  	[tilespmem:s29], [sflag:$0x6] =	stream.indirect.gather [hbm4b:s1+s23], $0x80, s21, s23, $0xb8;
	[tilespmem:$0x1F080] =	vst v63  }
0x17d: {  	_ =	swait.ge [sflag:s13], $0x2800  }
0x17e: {  	[sflag:s13] =	ssyncset.done $0x0  }
0x17f: {  	[sflag:s13] =	ssyncadd.s32 $0xFFFFD800  }
0x180: {  	[spmem:s3] =	stream.indirect.scatter.add.f32 [tilespmem:s31], [sflag:$0x8], $0x80, s14, s23, $0xb8;
	[tilespmem:$0x1F080] =	vst v63  }
0x181: {  	_ =	swait.ge [sflag:s18], $0x2800  }
0x182: {  	[sflag:s18] =	ssyncset.done $0x0  }
0x183: {  	s21 =	rddreg [dreg:$0xc];
	[sflag:s18] =	ssyncadd.s32 $0xFFFFD800  }
0x184: {  	[tilespmem:s31], [sflag:$0x7] =	stream.indirect.gather [hbm4b:s1+s23], $0x80, s21, s23, $0xb8;
	[tilespmem:$0x1F080] =	vst v63  }
0x185: {  	_ =	swait.ge [sflag:s16], $0x2800  }
0x186: {  	[sflag:s16] =	ssyncset.done $0x0  }
0x187: {  	[sflag:s16] =	ssyncadd.s32 $0xFFFFD800  }
0x188: {  	[spmem:s3] =	stream.indirect.scatter.add.f32 [tilespmem:s24], [sflag:$0x8], $0x80, s17, s23, $0xb8;
	[tilespmem:$0x1F080] =	vst v63  }
0x189: {  	_ =	swait.ge [sflag:s18], $0x2800  }
0x18a: {  	[sflag:s18] =	ssyncset.done $0x0  }
0x18b: {  	[sflag:s18] =	ssyncadd.s32 $0xFFFFD800  }
0x18c: {  	[tilespmem:s24], [sflag:$0x4] =	stream.indirect.gather [hbm4b:s1+s23], $0x80, s25, s23, $0xb8;
	[tilespmem:$0x1F080] =	vst v63  }
0x18d: {  	_ =	swait.ge [sflag:s7], $0x2800  }
0x18e: {  	[sflag:s7] =	ssyncset.done $0x0  }
0x18f: {  	s21 =	rddreg [dreg:$0xd];
	[sflag:s7] =	ssyncadd.s32 $0xFFFFD800  }
0x190: {  	[spmem:s3] =	stream.indirect.scatter.add.f32 [tilespmem:s26], [sflag:$0x8], $0x80, s21, s23, $0xb8;
	[tilespmem:$0x1F080] =	vst v63  }
0x191: {  	_ =	swait.ge [sflag:s18], $0x2800  }
0x192: {  	[sflag:s18] =	ssyncset.done $0x0  }
0x193: {  	s25 =	rddreg [dreg:$0xe];
	[sflag:s18] =	ssyncadd.s32 $0xFFFFD800  }
0x194: {  	[tilespmem:s26], [sflag:$0x5] =	stream.indirect.gather [hbm4b:s1+s23], $0x80, s25, s23, $0xb8;
	[tilespmem:$0x1F080] =	vst v63  }
0x195: {  	_ =	swait.ge [sflag:s11], $0x2800  }
0x196: {  	[sflag:s11] =	ssyncset.done $0x0  }
0x197: {  	s21 =	rddreg [dreg:$0xf];
	[sflag:s11] =	ssyncadd.s32 $0xFFFFD800  }
0x198: {  	[spmem:s3] =	stream.indirect.scatter.add.f32 [tilespmem:s29], [sflag:$0x8], $0x80, s21, s23, $0xb8;
	[tilespmem:$0x1F080] =	vst v63  }
0x199: {  	_ =	swait.ge [sflag:s18], $0x2800  }
0x19a: {  	[sflag:s18] =	ssyncset.done $0x0  }
0x19b: {  	s25 =	rddreg [dreg:$0x10];
	[sflag:s18] =	ssyncadd.s32 $0xFFFFD800  }
0x19c: {  	[tilespmem:s29], [sflag:$0x6] =	stream.indirect.gather [hbm4b:s1+s23], $0x80, s25, s23, $0xb8;
	[tilespmem:$0x1F080] =	vst v63  }
0x19d: {  	_ =	swait.ge [sflag:s13], $0x2800  }
0x19e: {  	[sflag:s13] =	ssyncset.done $0x0  }
0x19f: {  	s21 =	rddreg [dreg:$0x11];
	[sflag:s13] =	ssyncadd.s32 $0xFFFFD800  }
0x1a0: {  	[spmem:s3] =	stream.indirect.scatter.add.f32 [tilespmem:s31], [sflag:$0x8], $0x80, s21, s23, $0xb8;
	[tilespmem:$0x1F080] =	vst v63  }
0x1a1: {  	_ =	swait.ge [sflag:s18], $0x2800  }
0x1a2: {  	[sflag:s18] =	ssyncset.done $0x0  }
0x1a3: {  	s25 =	rddreg [dreg:$0x12];
	[sflag:s18] =	ssyncadd.s32 $0xFFFFD800  }
0x1a4: {  	[tilespmem:s31], [sflag:$0x7] =	stream.indirect.gather [hbm4b:s1+s23], $0x80, s25, s23, $0xb8;
	[tilespmem:$0x1F080] =	vst v63  }
0x1a5: {  	_ =	swait.ge [sflag:s10], $0x400  }
0x1a6: {  	[sflag:s10] =	ssyncset.done $0x0  }
0x1a7: {  	[sflag:s10] =	ssyncadd.s32 $0xFFFFFC00  }
0x1a8: {  	_ =	swait.ge [sflag:s10], $0x400  }
0x1a9: {  	s21 =	rddreg [dreg:$0x7];
	[sflag:s10] =	ssyncset.done $0x0  }
0x1aa: {  	s25 =	rddreg [dreg:$0x6];
	[sflag:s10] =	ssyncadd.s32 $0xFFFFFC00;
	s20 =	sadd.s32 s5, s21  }
0x1ab: {  	[tilespmem:s4], [sflag:$0x1] =	stream.linear.gather [hbm4b:s20+s4], $0x400, $0x38;
	[tilespmem:$0x1F080] =	vst v63  }
0x1ac: {  	s25 =	sadd.s32 s5, s25  }
0x1ad: {  	[tilespmem:s19], [sflag:$0x1] =	stream.linear.gather [hbm4b:s25+s4], $0x400, $0x38;
	[tilespmem:$0x1F080] =	vst v63  }
0x1ae: {  	_ =	swait.ge [sflag:s16], $0x2800  }
0x1af: {  	[sflag:s16] =	ssyncset.done $0x0  }
0x1b0: {  	[sflag:s16] =	ssyncadd.s32 $0xFFFFD800  }
0x1b1: {  	[spmem:s3] =	stream.indirect.scatter.add.f32 [tilespmem:s24], [sflag:$0x8], $0x80, s28, s23, $0xb8;
	[tilespmem:$0x1F080] =	vst v63  }
0x1b2: {  	_ =	swait.ge [sflag:s18], $0x2800  }
0x1b3: {  	[sflag:s18] =	ssyncset.done $0x0  }
0x1b4: {  	s21 =	rddreg [dreg:$0x13];
	[sflag:s18] =	ssyncadd.s32 $0xFFFFD800  }
0x1b5: {  	[tilespmem:s24], [sflag:$0x4] =	stream.indirect.gather [hbm4b:s1+s23], $0x80, s21, s23, $0xb8;
	[tilespmem:$0x1F080] =	vst v63  }
0x1b6: {  	_ =	swait.ge [sflag:s7], $0x2800  }
0x1b7: {  	[sflag:s7] =	ssyncset.done $0x0  }
0x1b8: {  	s25 =	rddreg [dreg:$0x14];
	[sflag:s7] =	ssyncadd.s32 $0xFFFFD800  }
0x1b9: {  	[spmem:s3] =	stream.indirect.scatter.add.f32 [tilespmem:s26], [sflag:$0x8], $0x80, s25, s23, $0xb8;
	[tilespmem:$0x1F080] =	vst v63  }
0x1ba: {  	_ =	swait.ge [sflag:s18], $0x2800  }
0x1bb: {  	[sflag:s18] =	ssyncset.done $0x0  }
0x1bc: {  	s21 =	rddreg [dreg:$0x15];
	[sflag:s18] =	ssyncadd.s32 $0xFFFFD800  }
0x1bd: {  	[tilespmem:s26], [sflag:$0x5] =	stream.indirect.gather [hbm4b:s1+s23], $0x80, s21, s23, $0xb8;
	[tilespmem:$0x1F080] =	vst v63  }
0x1be: {  	_ =	swait.ge [sflag:s11], $0x2800  }
0x1bf: {  	[sflag:s11] =	ssyncset.done $0x0  }
0x1c0: {  	s25 =	rddreg [dreg:$0x16];
	[sflag:s11] =	ssyncadd.s32 $0xFFFFD800  }
0x1c1: {  	[spmem:s3] =	stream.indirect.scatter.add.f32 [tilespmem:s29], [sflag:$0x8], $0x80, s25, s23, $0xb8;
	[tilespmem:$0x1F080] =	vst v63  }
0x1c2: {  	_ =	swait.ge [sflag:s18], $0x2800  }
0x1c3: {  	[sflag:s18] =	ssyncset.done $0x0  }
0x1c4: {  	s21 =	rddreg [dreg:$0x17];
	[sflag:s18] =	ssyncadd.s32 $0xFFFFD800  }
0x1c5: {  	[tilespmem:s29], [sflag:$0x6] =	stream.indirect.gather [hbm4b:s1+s23], $0x80, s21, s23, $0xb8;
	[tilespmem:$0x1F080] =	vst v63  }
0x1c6: {  	_ =	swait.ge [sflag:s13], $0x2800  }
0x1c7: {  	[sflag:s13] =	ssyncset.done $0x0  }
0x1c8: {  	s25 =	rddreg [dreg:$0x18];
	[sflag:s13] =	ssyncadd.s32 $0xFFFFD800  }
0x1c9: {  	[spmem:s3] =	stream.indirect.scatter.add.f32 [tilespmem:s31], [sflag:$0x8], $0x80, s25, s23, $0xb8;
	[tilespmem:$0x1F080] =	vst v63  }
0x1ca: {  	_ =	swait.ge [sflag:s18], $0x2800  }
0x1cb: {  	[sflag:s18] =	ssyncset.done $0x0  }
0x1cc: {  	s21 =	rddreg [dreg:$0x19];
	[sflag:s18] =	ssyncadd.s32 $0xFFFFD800  }
0x1cd: {  	[tilespmem:s31], [sflag:$0x7] =	stream.indirect.gather [hbm4b:s1+s23], $0x80, s21, s23, $0xb8;
	[tilespmem:$0x1F080] =	vst v63  }
0x1ce: {  	_ =	swait.ge [sflag:s16], $0x2800  }
0x1cf: {  	[sflag:s16] =	ssyncset.done $0x0  }
0x1d0: {  	s25 =	rddreg [dreg:$0x1a];
	[sflag:s16] =	ssyncadd.s32 $0xFFFFD800  }
0x1d1: {  	[spmem:s3] =	stream.indirect.scatter.add.f32 [tilespmem:s24], [sflag:$0x8], $0x80, s25, s23, $0xb8;
	[tilespmem:$0x1F080] =	vst v63  }
0x1d2: {  	_ =	swait.ge [sflag:s18], $0x2800  }
0x1d3: {  	[sflag:s18] =	ssyncset.done $0x0  }
0x1d4: {  	[sflag:s18] =	ssyncadd.s32 $0xFFFFD800  }
0x1d5: {  	[tilespmem:s24], [sflag:$0x4] =	stream.indirect.gather [hbm4b:s1+s23], $0x80, s0, s23, $0xb8;
	[tilespmem:$0x1F080] =	vst v63  }
0x1d6: {  	_ =	swait.ge [sflag:s7], $0x2800  }
0x1d7: {  	[sflag:s7] =	ssyncset.done $0x0  }
0x1d8: {  	s21 =	rddreg [dreg:$0x1b];
	[sflag:s7] =	ssyncadd.s32 $0xFFFFD800  }
0x1d9: {  	[spmem:s3] =	stream.indirect.scatter.add.f32 [tilespmem:s26], [sflag:$0x8], $0x80, s21, s23, $0xb8;
	[tilespmem:$0x1F080] =	vst v63  }
0x1da: {  	_ =	swait.ge [sflag:s18], $0x2800  }
0x1db: {  	[sflag:s18] =	ssyncset.done $0x0  }
0x1dc: {  	s25 =	rddreg [dreg:$0x1c];
	[sflag:s18] =	ssyncadd.s32 $0xFFFFD800  }
0x1dd: {  	[tilespmem:s26], [sflag:$0x5] =	stream.indirect.gather [hbm4b:s1+s23], $0x80, s25, s23, $0xb8;
	[tilespmem:$0x1F080] =	vst v63  }
0x1de: {  	_ =	swait.ge [sflag:s11], $0x2800  }
0x1df: {  	[sflag:s11] =	ssyncset.done $0x0  }
0x1e0: {  	s21 =	rddreg [dreg:$0x1d];
	[sflag:s11] =	ssyncadd.s32 $0xFFFFD800  }
0x1e1: {  	[spmem:s3] =	stream.indirect.scatter.add.f32 [tilespmem:s29], [sflag:$0x8], $0x80, s21, s23, $0xb8;
	[tilespmem:$0x1F080] =	vst v63  }
0x1e2: {  	_ =	swait.ge [sflag:s18], $0x2800  }
0x1e3: {  	[sflag:s18] =	ssyncset.done $0x0  }
0x1e4: {  	s25 =	rddreg [dreg:$0x1e];
	[sflag:s18] =	ssyncadd.s32 $0xFFFFD800  }
0x1e5: {  	[tilespmem:s29], [sflag:$0x6] =	stream.indirect.gather [hbm4b:s1+s23], $0x80, s25, s23, $0xb8;
	[tilespmem:$0x1F080] =	vst v63  }
0x1e6: {  	_ =	swait.ge [sflag:s13], $0x2800  }
0x1e7: {  	[sflag:s13] =	ssyncset.done $0x0  }
0x1e8: {  	s21 =	rddreg [dreg:$0x1f];
	[sflag:s13] =	ssyncadd.s32 $0xFFFFD800  }
0x1e9: {  	[spmem:s3] =	stream.indirect.scatter.add.f32 [tilespmem:s31], [sflag:$0x8], $0x80, s21, s23, $0xb8;
	[tilespmem:$0x1F080] =	vst v63  }
0x1ea: {  	_ =	swait.ge [sflag:s18], $0x2800  }
0x1eb: {  	s25 =	sld [smem:$0x7ED]  }
0x1ec: {  	[sflag:s18] =	ssyncset.done $0x0  }
0x1ed: {  	[sflag:s18] =	ssyncadd.s32 $0xFFFFD800  }
0x1ee: {  	[tilespmem:s31], [sflag:$0x7] =	stream.indirect.gather [hbm4b:s1+s23], $0x80, s25, s23, $0xb8;
	[tilespmem:$0x1F080] =	vst v63  }
0x1ef: {  	_ =	swait.ge [sflag:s22], $0x400  }
0x1f0: {  	[sflag:s22] =	ssyncset.done $0x0  }
0x1f1: {  	p4 =	seq.s32 s5, $0x600;
	[sflag:s22] =	ssyncadd.s32 $0xFFFFFC00  }
0x1f2: {  	s28 =	simm.s32 @!p4 $0x400;
	_ =	swait.ge [sflag:s22], $0x400  }
0x1f3: {  	s25 =	simm.s32 @!p4 $0x0;
	s20 =	rddreg [dreg:$0x5];
	[sflag:s22] =	ssyncset.done $0x0  }
0x1f4: {  	s21 =	rddreg [dreg:$0x4];
	[sflag:s22] =	ssyncadd.s32 $0xFFFFFC00;
	s20 =	sadd.s32 @!p4 s5, s20  }
0x1f5: {  	[tilespmem:s28], [sflag:$0x2] =	stream.linear.gather @!p4 [hbm4b:s20+s25], $0x400, $0x38;
	[tilespmem:$0x1F080] =	vst v63  }
0x1f6: {  	s30 =	simm.s32 @!p4 $0x1000;
	s5 =	sadd.s32 @!p4 s5, s21  }
0x1f7: {  	[tilespmem:s30], [sflag:$0x2] =	stream.linear.gather @!p4 [hbm4b:s5+s25], $0x400, $0x38;
	[tilespmem:$0x1F080] =	vst v63  }
0x1f8: {  	_ =	swait.ge [sflag:s16], $0x2800  }
0x1f9: {  	[sflag:s16] =	ssyncset.done $0x0  }
0x1fa: {  	[sflag:s16] =	ssyncadd.s32 $0xFFFFD800  }
0x1fb: {  	[spmem:s3] =	stream.indirect.scatter.add.f32 [tilespmem:s24], [sflag:$0x8], $0x80, s15, s23, $0xb8;
	[tilespmem:$0x1F080] =	vst v63  }
0x1fc: {  	_ =	swait.ge [sflag:s18], $0x2800  }
0x1fd: {  	s5 =	sld [smem:$0x7EE]  }
0x1fe: {  	[sflag:s18] =	ssyncset.done $0x0  }
0x1ff: {  	[sflag:s18] =	ssyncadd.s32 $0xFFFFD800  }
0x200: {  	[tilespmem:s24], [sflag:$0x4] =	stream.indirect.gather [hbm4b:s1+s23], $0x80, s5, s23, $0xb8;
	[tilespmem:$0x1F080] =	vst v63  }
0x201: {  	_ =	swait.ge [sflag:s7], $0x2800  }
0x202: {  	s5 =	sld [smem:$0x7F1]  }
0x203: {  	[sflag:s7] =	ssyncset.done $0x0  }
0x204: {  	[sflag:s7] =	ssyncadd.s32 $0xFFFFD800  }
0x205: {  	[spmem:s3] =	stream.indirect.scatter.add.f32 [tilespmem:s26], [sflag:$0x8], $0x80, s5, s23, $0xb8;
	[tilespmem:$0x1F080] =	vst v63  }
0x206: {  	_ =	swait.ge [sflag:s18], $0x2800  }
0x207: {  	s5 =	sld [smem:$0x7F4]  }
0x208: {  	[sflag:s18] =	ssyncset.done $0x0  }
0x209: {  	[sflag:s18] =	ssyncadd.s32 $0xFFFFD800  }
0x20a: {  	[tilespmem:s26], [sflag:$0x5] =	stream.indirect.gather [hbm4b:s1+s23], $0x80, s5, s23, $0xb8;
	[tilespmem:$0x1F080] =	vst v63  }
0x20b: {  	_ =	swait.ge [sflag:s11], $0x2800  }
0x20c: {  	s5 =	sld [smem:$0x7F6]  }
0x20d: {  	[sflag:s11] =	ssyncset.done $0x0  }
0x20e: {  	[sflag:s11] =	ssyncadd.s32 $0xFFFFD800  }
0x20f: {  	[spmem:s3] =	stream.indirect.scatter.add.f32 [tilespmem:s29], [sflag:$0x8], $0x80, s5, s23, $0xb8;
	[tilespmem:$0x1F080] =	vst v63  }
0x210: {  	_ =	swait.ge [sflag:s18], $0x2800  }
0x211: {  	s5 =	sld [smem:$0x7F7]  }
0x212: {  	[sflag:s18] =	ssyncset.done $0x0  }
0x213: {  	[sflag:s18] =	ssyncadd.s32 $0xFFFFD800  }
0x214: {  	[tilespmem:s29], [sflag:$0x6] =	stream.indirect.gather [hbm4b:s1+s23], $0x80, s5, s23, $0xb8;
	[tilespmem:$0x1F080] =	vst v63  }
0x215: {  	_ =	swait.ge [sflag:s13], $0x2800  }
0x216: {  	s5 =	sld [smem:$0x7F8]  }
0x217: {  	[sflag:s13] =	ssyncset.done $0x0  }
0x218: {  	[sflag:s13] =	ssyncadd.s32 $0xFFFFD800  }
0x219: {  	[spmem:s3] =	stream.indirect.scatter.add.f32 [tilespmem:s31], [sflag:$0x8], $0x80, s5, s23, $0xb8;
	[tilespmem:$0x1F080] =	vst v63  }
0x21a: {  	_ =	swait.ge [sflag:s18], $0x2800  }
0x21b: {  	s5 =	sld [smem:$0x7F9]  }
0x21c: {  	[sflag:s18] =	ssyncset.done $0x0  }
0x21d: {  	[sflag:s18] =	ssyncadd.s32 $0xFFFFD800  }
0x21e: {  	[tilespmem:s31], [sflag:$0x7] =	stream.indirect.gather [hbm4b:s1+s23], $0x80, s5, s23, $0xb8;
	[tilespmem:$0x1F080] =	vst v63  }
0x21f: {  	_ =	swait.ge [sflag:s16], $0x2800  }
0x220: {  	s5 =	sld [smem:$0x7FA]  }
0x221: {  	[sflag:s16] =	ssyncset.done $0x0  }
0x222: {  	[sflag:s16] =	ssyncadd.s32 $0xFFFFD800  }
0x223: {  	[spmem:s3] =	stream.indirect.scatter.add.f32 [tilespmem:s24], [sflag:$0x8], $0x80, s5, s23, $0xb8;
	[tilespmem:$0x1F080] =	vst v63  }
0x224: {  	_ =	swait.ge [sflag:s18], $0x2800  }
0x225: {  	[sflag:s18] =	ssyncset.done $0x0  }
0x226: {  	[sflag:s18] =	ssyncadd.s32 $0xFFFFD800  }
0x227: {  	[tilespmem:s24], [sflag:$0x4] =	stream.indirect.gather [hbm4b:s1+s23], $0x80, s4, s23, $0xb8;
	[tilespmem:$0x1F080] =	vst v63  }
0x228: {  	_ =	swait.ge [sflag:s7], $0x2800  }
0x229: {  	s5 =	sld [smem:$0x7FB]  }
0x22a: {  	[sflag:s7] =	ssyncset.done $0x0  }
0x22b: {  	[sflag:s7] =	ssyncadd.s32 $0xFFFFD800  }
0x22c: {  	[spmem:s3] =	stream.indirect.scatter.add.f32 [tilespmem:s26], [sflag:$0x8], $0x80, s5, s23, $0xb8;
	[tilespmem:$0x1F080] =	vst v63  }
0x22d: {  	_ =	swait.ge [sflag:s18], $0x2800  }
0x22e: {  	[sflag:s18] =	ssyncset.done $0x0  }
0x22f: {  	s21 =	simm.s32 $0x80;
	[sflag:s18] =	ssyncadd.s32 $0xFFFFD800  }
0x230: {  	[tilespmem:s26], [sflag:$0x5] =	stream.indirect.gather [hbm4b:s1+s23], $0x80, s21, s23, $0xb8;
	[tilespmem:$0x1F080] =	vst v63  }
0x231: {  	_ =	swait.ge [sflag:s11], $0x2800  }
0x232: {  	s5 =	sld [smem:$0x7FC]  }
0x233: {  	[sflag:s11] =	ssyncset.done $0x0  }
0x234: {  	[sflag:s11] =	ssyncadd.s32 $0xFFFFD800  }
0x235: {  	[spmem:s3] =	stream.indirect.scatter.add.f32 [tilespmem:s29], [sflag:$0x8], $0x80, s5, s23, $0xb8;
	[tilespmem:$0x1F080] =	vst v63  }
0x236: {  	_ =	swait.ge [sflag:s18], $0x2800  }
0x237: {  	[sflag:s18] =	ssyncset.done $0x0  }
0x238: {  	s30 =	simm.s32 $0x100;
	[sflag:s18] =	ssyncadd.s32 $0xFFFFD800  }
0x239: {  	[tilespmem:s29], [sflag:$0x6] =	stream.indirect.gather [hbm4b:s1+s23], $0x80, s30, s23, $0xb8;
	[tilespmem:$0x1F080] =	vst v63  }
0x23a: {  	s9 =	sadd.s32 $0x180, s9;
	_ =	swait.ge [sflag:s13], $0x2800  }
0x23b: {  	p3 =	sne.s32 s9, $0x780;
	s5 =	sld [smem:$0x7FD]  }
.Ltmp2:
0x23c: {  	[sflag:s13] =	ssyncset.done $0x0;
	(pc) =	sbr.rel @p3 .LBB2_2-.Ltmp2, $4  }
0x23d: {  	[sflag:s13] =	ssyncadd.s32 $0xFFFFD800  }
0x23e: {  	[spmem:s3] =	stream.indirect.scatter.add.f32 [tilespmem:s31], [sflag:$0x8], $0x80, s5, s23, $0xb8;
	[tilespmem:$0x1F080] =	vst v63  }
0x23f: {  	s20 =	simm.s32 $0x180;
	_ =	swait.ge [sflag:s18], $0x2800  }
0x240: {  	s28 =	simm.s32 $0x1000;
	s25 =	simm.s32 $0x400;
	[sflag:s18] =	ssyncset.done $0x0  }
0x241: {  	[sflag:s18] =	ssyncadd.s32 $0xFFFFD800  }
0x242: {  	[tilespmem:s31], [sflag:$0x7] =	stream.indirect.gather [hbm4b:s1+s23], $0x80, s20, s23, $0xb8;
	[tilespmem:$0x1F080] =	vst v63  }
0x243: {  	_ =	swait.ge [sflag:s16], $0x2800  }
0x244: {  	[sflag:s16] =	ssyncset.done $0x0  }
0x245: {  	[sflag:s16] =	ssyncadd.s32 $0xFFFFD800  }
0x246: {  	[spmem:s3] =	stream.indirect.scatter.add.f32 [tilespmem:s24], [sflag:$0x8], $0x80, s19, s23, $0xb8;
	[tilespmem:$0x1F080] =	vst v63  }
0x247: {  	_ =	swait.ge [sflag:s18], $0x2800  }
0x248: {  	[sflag:s18] =	ssyncset.done $0x0  }
0x249: {  	[sflag:s18] =	ssyncadd.s32 $0xFFFFD800  }
0x24a: {  	[tilespmem:s24], [sflag:$0x4] =	stream.indirect.gather [hbm4b:s1+s23], $0x80, s6, s23, $0xb8;
	[tilespmem:$0x1F080] =	vst v63  }
0x24b: {  	_ =	swait.ge [sflag:s7], $0x2800  }
0x24c: {  	[sflag:s7] =	ssyncset.done $0x0  }
0x24d: {  	[sflag:s7] =	ssyncadd.s32 $0xFFFFD800  }
0x24e: {  	[spmem:s3] =	stream.indirect.scatter.add.f32 [tilespmem:s26], [sflag:$0x8], $0x80, s8, s23, $0xb8;
	[tilespmem:$0x1F080] =	vst v63  }
0x24f: {  	_ =	swait.ge [sflag:s18], $0x2800  }
0x250: {  	[sflag:s18] =	ssyncset.done $0x0  }
0x251: {  	[sflag:s18] =	ssyncadd.s32 $0xFFFFD800  }
0x252: {  	_ =	swait.ge [sflag:s11], $0x2800  }
0x253: {  	[sflag:s11] =	ssyncset.done $0x0  }
0x254: {  	[sflag:s11] =	ssyncadd.s32 $0xFFFFD800  }
0x255: {  	[spmem:s3] =	stream.indirect.scatter.add.f32 [tilespmem:s29], [sflag:$0x8], $0x80, s12, s23, $0xb8;
	[tilespmem:$0x1F080] =	vst v63  }
0x256: {  	_ =	swait.ge [sflag:s18], $0x2800  }
0x257: {  	[sflag:s18] =	ssyncset.done $0x0  }
0x258: {  	[sflag:s18] =	ssyncadd.s32 $0xFFFFD800  }
0x259: {  	_ =	swait.ge [sflag:s13], $0x2800  }
0x25a: {  	[sflag:s13] =	ssyncset.done $0x0  }
0x25b: {  	[sflag:s13] =	ssyncadd.s32 $0xFFFFD800  }
0x25c: {  	[spmem:s3] =	stream.indirect.scatter.add.f32 [tilespmem:s31], [sflag:$0x8], $0x80, s14, s23, $0xb8;
	[tilespmem:$0x1F080] =	vst v63  }
0x25d: {  	_ =	swait.ge [sflag:s18], $0x2800  }
0x25e: {  	[sflag:s18] =	ssyncset.done $0x0  }
0x25f: {  	[sflag:s18] =	ssyncadd.s32 $0xFFFFD800  }
0x260: {  	_ =	swait.ge [sflag:s16], $0x2800  }
0x261: {  	[sflag:s16] =	ssyncset.done $0x0  }
0x262: {  	[sflag:s16] =	ssyncadd.s32 $0xFFFFD800  }
0x263: {  	[spmem:s3] =	stream.indirect.scatter.add.f32 [tilespmem:s24], [sflag:$0x8], $0x80, s17, s23, $0xb8;
	[tilespmem:$0x1F080] =	vst v63  }
.Ltmp3:
0x264: {  	_ =	swait.ge [sflag:s18], $0x2800;
	(pc) =	sbr.rel @!p0 .LBB2_4-.Ltmp3, $3  }
0x265: {  	[sflag:s18] =	ssyncset.done $0x0  }
0x266: {  	[sflag:s18] =	ssyncadd.s32 $0xFFFFD800  }
0x267: {  	[bflag:$0x0] =	sbarrier.arrive $0xFFFF;
	_ =	sdelay $0x1  }
0x268: {  	s20 =	sld [smem:$0x7E7]  }
0x269: {  	s5 =	sld [smem:$0x7F3]  }
0x26a: {  	s9 =	sld [smem:$0x7E2];
	_ =	sdelay $0x2  }
0x26b: {  	[hbm:s5], [sflag:s20] =	dma.local [spmem:s9], $0x2700  }
.Ltmp4:
0x26c: {  	_ = 	snop;
	(pc) =	sbr.rel @p1 .LBB2_7-.Ltmp4, $4  }
.Ltmp5:
0x26d: {  	_ = 	snop;
	(pc) =	sbr.rel @!p1 .LBB2_6-.Ltmp5, $4  }
0x26e: {  	_ =	swait.ge [sflag:s18], $0x2700  }
0x26f: {  	[sflag:s18] =	ssyncset.done $0x0;
	s5 =	sld [smem:$0x7F2]  }
0x270: {  	s20 =	sld [smem:$0x7E1];
	[sflag:s18] =	ssyncadd.s32 $0xFFFFD900  }
0x271: {  	_ = 	snop  }
.LBB2_4:
0x272: {  	s20 =	sld [smem:$0x7E7]  }
0x273: {  	s5 =	sld [smem:$0x7F0]  }
0x274: {  	s9 =	sld [smem:$0x7E2];
	_ =	sdelay $0x2  }
0x275: {  	[hbm:s5], [sflag:s20] =	dma.local [spmem:s9], $0x2700  }
.Ltmp6:
0x276: {  	_ = 	snop;
	(pc) =	sbr.rel @p2 .LBB2_6-.Ltmp6, $4  }
.Ltmp7:
0x277: {  	_ = 	snop;
	(pc) =	sbr.rel @!p2 .LBB2_7-.Ltmp7, $4  }
0x278: {  	_ =	swait.ge [sflag:s18], $0x2700  }
0x279: {  	[sflag:s18] =	ssyncset.done $0x0;
	s5 =	sld [smem:$0x7EF]  }
0x27a: {  	s20 =	sld [smem:$0x7E1];
	[sflag:s18] =	ssyncadd.s32 $0xFFFFD900  }
0x27b: {  	_ = 	snop  }
.LBB2_8:
0x27c: {  	_ =	sfence.sel $0x180000  }
0x27d: {  	[bflag:$0x0] =	sbarrier.arrive $0xFFFF  }
0x27e: {  	_ =	strace $0x90000047  }
0x27f: {  	s0 =	stileid.u32;
	[bflag:$0x2] =	sbarrier.arrive $0xFFFF  }
0x280: {  	p0 =	sne.s32 s0, $0x0;
	s0 =	rddreg [dreg:$0x3]  }
0x281: {  	s0 =	sadd.s32 @!p0 $0x100000, s0  }
0x282: {  	[sflag:s0] =	ssyncadd.tile.s32 @!p0 $0x1;
	_ =	shalt  }
.Lfunc_end2:
_tile_overlayer_lowered:
.L_overlay_start_2:
0x283: {  	(tag) =	ssettag $0x2  }
0x284: {  	s0 =	rddreg [dreg:$0x0];
	s2 =	stileid.u32  }
0x285: {  	s1 =	rddreg [dreg:$0x1];
	p0 =	sne.s32 s2, $0x0  }
0x286: {  	s3 =	rddreg [dreg:$0x2];
	[bflag:$0x3] =	sbarrier.arrive $0xFFFF;
	s2 =	simm.s32 @!p0 $0x1C08  }
0x287: {  	[timem:s3], [sflag:s2] =	dma.local @!p0 [hbm:s0], s1  }
0x288: {  	s0 =	simm.s32 @!p0 $0x8  }
0x289: {  	_ =	swait.ge @!p0 [sflag:s0], s1  }
0x28a: {  	s1 =	ssub.s32 @!p0 $0x0, s1;
	[sflag:s0] =	ssyncset.done @!p0 $0x0  }
0x28b: {  	[sflag:s0] =	ssyncadd.s32 @!p0 s1  }
0x28c: {  	[bflag:$0x3] =	sbarrier.arrive $0xFFFF  }
0x28d: {  	_ =	shalt  }

</sc_bundles>
